<compile_context>
chip_gen: v7x
topology: tpu7x:2x2x1
jax: 0.10.2.dev20260603
libtpu: 0.0.44.dev20260713+nightly
codegen_flags: <defaults>
</compile_context>

<pallas_src>
import functools

import jax
import jax.numpy as jnp
from jax import lax
from jax.experimental import pallas as pl
from jax.experimental.pallas import tpu as pltpu
from jax.experimental.pallas import tpu_sc as plsc

NODE = 20
N_INST = 256
NPTS = N_INST * NODE
C_REAL = 36
CPAD = 64
H = W = 256
NW = 32
PPW = NPTS // NW
ROWS_PW = 4 * PPW
IDX_CH = 128
N_CH = ROWS_PW // IDX_CH
TILE = 640
INV128 = 1.0 / 128.0
TBLK = 8192



def _table_body(feat_ref, out_ref):
    ident = (lax.broadcasted_iota(jnp.int32, (C_REAL, CPAD), 0)
             == lax.broadcasted_iota(jnp.int32, (C_REAL, CPAD), 1)
             ).astype(jnp.bfloat16)
    for yy in range(8):
        x2 = feat_ref[0, :, yy, :].astype(jnp.bfloat16)
        out_ref[pl.ds(yy * W, W), :] = lax.dot_general(
            x2, ident, (((0,), (0,)), ((), ())),
            preferred_element_type=jnp.float32).astype(jnp.bfloat16)


_table_call = pl.pallas_call(
    _table_body,
    grid=(4, H // 8),
    in_specs=[pl.BlockSpec((1, C_REAL, 8, W), lambda b, yb: (b, 0, yb, 0))],
    out_specs=pl.BlockSpec((8 * W, CPAD), lambda b, yb: (b * (H // 8) + yb, 0)),
    out_shape=jax.ShapeDtypeStruct((4 * H * W, CPAD), jnp.bfloat16),
)



def _sc_body(px_hbm, py_hbm, table_hbm, out_hbm, px_v, py_v, idx_v, rows_v, sem):
    cid = lax.axis_index("c")
    sid = lax.axis_index("s")
    wid = sid * 2 + cid
    base = pl.multiple_of(wid * PPW, PPW)
    pltpu.sync_copy(px_hbm.at[pl.ds(base, PPW)], px_v)
    pltpu.sync_copy(py_hbm.at[pl.ds(base, PPW)], py_v)
    rowbase = (wid // 8) * (H * W)
    for g in range(PPW // 16):
        pxg = px_v[pl.ds(g * 16, 16)]
        pyg = py_v[pl.ds(g * 16, 16)]
        x = (pxg * INV128 - 1.0 + 1.0) * 127.5
        y = (pyg * INV128 - 1.0 + 1.0) * 127.5
        x0 = jnp.clip(x.astype(jnp.int32), 0, W - 1)
        y0 = jnp.clip(y.astype(jnp.int32), 0, H - 1)
        x1 = jnp.minimum(x0 + 1, W - 1)
        y1 = jnp.minimum(y0 + 1, H - 1)
        r0 = rowbase + y0 * W
        r1 = rowbase + y1 * W
        for k, r in enumerate((r0 + x0, r0 + x1, r1 + x0, r1 + x1)):
            off = k * PPW + g * 16
            idx_v[off // IDX_CH, pl.ds(off % IDX_CH, 16)] = r
    handles = [
        pltpu.async_copy(table_hbm.at[idx_v.at[j]],
                         rows_v.at[pl.ds(j * IDX_CH, IDX_CH)], sem)
        for j in range(N_CH)
    ]
    for h in handles:
        h.wait()
    for k in range(4):
        pltpu.sync_copy(rows_v.at[pl.ds(k * PPW, PPW)],
                        out_hbm.at[k, pl.ds(base, PPW)])


@functools.cache
def _sc_gather_call():
    return pl.kernel(
        _sc_body,
        mesh=plsc.VectorSubcoreMesh(core_axis_name="c", subcore_axis_name="s"),
        compiler_params=pltpu.CompilerParams(use_tc_tiling_on_sc=False),
        out_type=jax.ShapeDtypeStruct((4, NPTS, CPAD), jnp.bfloat16),
        scratch_types=[
            pltpu.VMEM((PPW,), jnp.float32),
            pltpu.VMEM((PPW,), jnp.float32),
            pltpu.VMEM((N_CH, IDX_CH), jnp.int32),
            pltpu.VMEM((ROWS_PW, CPAD), jnp.bfloat16),
            pltpu.SemaphoreType.DMA,
        ],
    )



def _ring_sum(xx, node):
    n = xx.shape[0]
    acc = None
    for k in (1, 2):
        a = jnp.concatenate([xx[n - k:], xx[:n - k]], axis=0)
        b = jnp.concatenate([xx[NODE - k:], xx[:NODE - k]], axis=0)
        t = jnp.where(node < k, b, a)
        acc = t if acc is None else acc + t
        c = jnp.concatenate([xx[k:], xx[:k]], axis=0)
        d = jnp.concatenate([xx[n - (NODE - k):], xx[:n - (NODE - k)]], axis=0)
        acc = acc + jnp.where(node >= NODE - k, d, c)
    return acc * 0.2


def _tc_body(rows_ref, px_ref, py_ref,
             w1a, w1b, b1, w2a, w2b, b2, w3a, w3b, b3, w4a, w4b, b4,
             p1, q1, p2, q2, p3, q3, out_ref, pxo_ref, pyo_ref, nf_scr):
    px = px_ref[...][:, None]
    py = py_ref[...][:, None]
    x = (px * INV128 - 1.0 + 1.0) * 127.5
    y = (py * INV128 - 1.0 + 1.0) * 127.5
    wx1 = x - jnp.floor(x)
    wx0 = 1.0 - wx1
    wy1 = y - jnp.floor(y)
    wy0 = 1.0 - wy1
    nf_scr[...] = (rows_ref[0].astype(jnp.float32) * (wx0 * wy0)
                   + rows_ref[1].astype(jnp.float32) * (wx1 * wy0)
                   + rows_ref[2].astype(jnp.float32) * (wx0 * wy1)
                   + rows_ref[3].astype(jnp.float32) * (wx1 * wy1))

    nf = nf_scr[...]
    s1 = jnp.sum(nf, axis=0, keepdims=True)
    s2 = jnp.sum(nf * nf, axis=0, keepdims=True)
    mean = s1 * (1.0 / NPTS)
    var = s2 * (1.0 / NPTS) - mean * mean
    inv = lax.rsqrt(var + 1e-5)

    node = lax.broadcasted_iota(jnp.int32, (TILE, 1), 0) % NODE

    def tile_fn(t, carry):
        r0 = pl.multiple_of(t * TILE, TILE)
        xx = ((nf_scr[pl.ds(r0, TILE), :] - mean) * inv).astype(jnp.bfloat16)
        for wa, wb, bias in ((w1a, w1b, b1), (w2a, w2b, b2),
                             (w3a, w3b, b3), (w4a, w4b, b4)):
            ring = _ring_sum(xx, node)
            xx = jnp.maximum(
                jnp.dot(xx, wa[...], preferred_element_type=jnp.float32)
                + jnp.dot(ring, wb[...], preferred_element_type=jnp.float32)
                + bias[...], 0.0).astype(jnp.bfloat16)
        h = jnp.maximum(
            jnp.dot(xx, p1[...], preferred_element_type=jnp.float32)
            + q1[...], 0.0).astype(jnp.bfloat16)
        h = jnp.maximum(
            jnp.dot(h, p2[...], preferred_element_type=jnp.float32)
            + q2[...], 0.0).astype(jnp.bfloat16)
        off = jnp.dot(h, p3[...], preferred_element_type=jnp.float32) + q3[...]
        pts = jnp.concatenate(
            [px_ref[pl.ds(r0, TILE)][:, None], py_ref[pl.ds(r0, TILE)][:, None]],
            axis=1)
        newp = jnp.clip(pts + jnp.clip(off, -16.0, 16.0), 0.0, float(W - 1))
        out_ref[pl.ds(r0 // NODE, TILE // NODE)] = newp.reshape(
            TILE // NODE, NODE, 2)
        pxo_ref[pl.ds(r0, TILE)] = newp[:, 0]
        pyo_ref[pl.ds(r0, TILE)] = newp[:, 1]
        return carry

    lax.fori_loop(0, NPTS // TILE, tile_fn, 0)


_tc_call = pl.pallas_call(
    _tc_body,
    out_shape=(jax.ShapeDtypeStruct((N_INST, NODE, 2), jnp.float32),
               jax.ShapeDtypeStruct((NPTS,), jnp.float32),
               jax.ShapeDtypeStruct((NPTS,), jnp.float32)),
    scratch_shapes=[pltpu.VMEM((NPTS, CPAD), jnp.float32)],
)


def _split_ring(w, c_in):
    cp = max(CPAD, c_in)
    wtop, wbot = w[:c_in], w[c_in:]
    wa = jnp.zeros((cp, w.shape[1]), jnp.float32).at[:c_in].set(
        wtop + 0.2 * wbot)
    wb = jnp.zeros((cp, w.shape[1]), jnp.float32).at[:c_in].set(0.2 * wbot)
    return wa, wb


def _prep_weights(p):
    (w1, b1), (w2, b2), (w3, b3), (w4, b4) = p["gconvs"]
    w1a, w1b = _split_ring(w1, C_REAL)
    w2a, w2b = _split_ring(w2, 256)
    w3a, w3b = _split_ring(w3, 1024)
    w4a, w4b = _split_ring(w4, 512)
    (p1, q1), (p2, q2), (p3, q3) = p["pred"]
    p1p = jnp.zeros((128, 128), jnp.float32).at[:, :64].set(p1)
    q1p = jnp.zeros((128,), jnp.float32).at[:64].set(q1)
    p2p = jnp.zeros((128, 128), jnp.float32).at[:64, :4].set(p2)
    q2p = jnp.zeros((128,), jnp.float32).at[:4].set(q2)
    p3p = jnp.zeros((128, 2), jnp.float32).at[:4].set(p3)
    bf = lambda a: a.astype(jnp.bfloat16)
    return (bf(w1a), bf(w1b), b1[None], bf(w2a), bf(w2b), b2[None],
            bf(w3a), bf(w3b), b3[None], bf(w4a), bf(w4b), b4[None],
            bf(p1p), q1p[None], bf(p2p), q2p[None], bf(p3p), q3[None])


def kernel(embed_feature, ignore_tags, proposal_points, params):
    del ignore_tags
    feat = jnp.transpose(embed_feature, (0, 2, 3, 1)).astype(jnp.bfloat16)
    table = jnp.pad(feat, ((0, 0), (0, 0), (0, 0), (0, CPAD - C_REAL))
                    ).reshape(4 * H * W, CPAD)

    init = proposal_points.reshape(-1, NODE, 2)
    flat = init.reshape(NPTS, 2)
    px, py = flat[:, 0], flat[:, 1]
    outs = [init]
    for it in range(len(params)):
        rows = _sc_gather_call()(px, py, table)
        polys3, px, py = _tc_call(rows, px, py, *_prep_weights(params[it]))
        outs.append(polys3)
    return tuple(outs)

# --- scband reference (transcript-rebuilt; emitter-appended) ---
"""Pipeline reference for scband-evolution-14508399526498 (READ-ONLY COPY).

The authoritative reference and input builder live on the scoring server;
editing this copy changes nothing except your own understanding.
"""

import jax, jax.numpy as jnp
import numpy as np

NODE_NUM = 20
ADJ_NUM = 4
ITER = 3
CLIP_DIS = 16.0
SCALE = 1

def build_adj(n_adj=ADJ_NUM, n_nodes=NODE_NUM):
    a = np.zeros((n_nodes, n_nodes), dtype=np.float64)
    for i in range(n_nodes):
        for j in range(-n_adj // 2, n_adj // 2 + 1):
            if j != 0:
                a[i][(i + j) % n_nodes] = 1.0
                a[(i + j) % n_nodes][i] = 1.0
    a = a + np.eye(n_nodes)
    d = a.sum(axis=0)
    d_inv = np.power(d, -0.5)
    d_inv[np.isinf(d_inv)] = 0.0
    D = np.diag(d_inv)
    G = a.dot(D).transpose().dot(D)
    return jnp.asarray(G, dtype=jnp.float32)

def init_params(key):
    gdims = [(36, 256), (256, 1024), (1024, 512), (512, 128)]
    pdims = [(128, 64), (64, 4), (4, 2)]
    params = []
    for it in range(ITER):
        gconvs = []
        for (di, do) in gdims:
            key, k1 = jax.random.split(key)
            w = jax.random.normal(k1, (di * 2, do), dtype=jnp.float32) * 0.02
            gconvs.append((w, jnp.zeros((do,), jnp.float32)))
        pred = []
        for (di, do) in pdims:
            key, k1 = jax.random.split(key)
            w = jax.random.normal(k1, (di, do), dtype=jnp.float32) * 0.02
            pred.append((w, jnp.zeros((do,), jnp.float32)))
        params.append({'gconvs': tuple(gconvs), 'pred': tuple(pred)})
    return tuple(params)

def grid_sample_one(feat, grid):
    # feat: [C,H,W]; grid: [Np,P,2] normalized to [-1,1]; bilinear, align_corners=True, zeros padding
    C, H, W = feat.shape
    x = (grid[..., 0] + 1.0) * (W - 1) / 2.0
    y = (grid[..., 1] + 1.0) * (H - 1) / 2.0
    x0 = jnp.floor(x); y0 = jnp.floor(y)
    x1 = x0 + 1.0; y1 = y0 + 1.0
    wx1 = x - x0; wx0 = 1.0 - wx1
    wy1 = y - y0; wy0 = 1.0 - wy1
    flat = feat.reshape(C, H * W)
    def gather(xi, yi):
        valid = ((xi >= 0) & (xi <= W - 1) & (yi >= 0) & (yi <= H - 1)).astype(feat.dtype)
        xc = jnp.clip(xi, 0, W - 1).astype(jnp.int32)
        yc = jnp.clip(yi, 0, H - 1).astype(jnp.int32)
        idx = (yc * W + xc).reshape(-1)
        vals = jnp.take(flat, idx, axis=1).reshape(C, xi.shape[0], xi.shape[1])
        return vals * valid[None]
    out = (gather(x0, y0) * (wx0 * wy0)[None]
         + gather(x1, y0) * (wx1 * wy0)[None]
         + gather(x0, y1) * (wx0 * wy1)[None]
         + gather(x1, y1) * (wx1 * wy1)[None])
    return jnp.transpose(out, (1, 0, 2))  # [Np,C,P]

def gcn_apply(x, A, p):
    # x: [Np, C, P]; BatchNorm1d(affine=False, training) over (batch, node) dims
    mean = x.mean(axis=(0, 2), keepdims=True)
    var = x.var(axis=(0, 2), keepdims=True)
    x = (x - mean) / jnp.sqrt(var + 1e-5)
    x = jnp.transpose(x, (0, 2, 1))  # [Np,P,C]
    Ab = jnp.broadcast_to(A[None], (x.shape[0],) + A.shape)
    for (w, b) in p['gconvs']:
        agg = jnp.einsum('bij,bjd->bid', Ab, x)  # MeanAggregator: bmm(A, feats)
        cat = jnp.concatenate([x, agg], axis=2)
        x = jax.nn.relu(jnp.einsum('bnd,df->bnf', cat, w) + b)
    h = jnp.transpose(x, (0, 2, 1))  # [Np,128,P]
    (w1, b1), (w2, b2), (w3, b3) = p['pred']
    h = jax.nn.relu(jnp.einsum('bcn,cf->bfn', h, w1) + b1[None, :, None])
    h = jax.nn.relu(jnp.einsum('bcn,cf->bfn', h, w2) + b2[None, :, None])
    h = jnp.einsum('bcn,cf->bfn', h, w3) + b3[None, :, None]
    return h  # [Np,2,P]

def _forward(embed_feature, ignore_tags, proposal_points, params):
    B, C, H, W = embed_feature.shape
    h_img, w_img = H * SCALE, W * SCALE
    n_inst = proposal_points.shape[1]
    P = proposal_points.shape[2]
    # get_boundary_proposal (switch='gt'): ignore_tags are all > 0, so every instance is selected
    init_polys = proposal_points.reshape(B * n_inst, P, 2)
    inds0 = jnp.repeat(jnp.arange(B), n_inst)
    A = build_adj()
    polys = init_polys
    py_preds = [init_polys]
    for it in range(ITER):
        gx = polys[..., 0] / (w_img / 2.0) - 1.0
        gy = polys[..., 1] / (h_img / 2.0) - 1.0
        grid = jnp.stack([gx, gy], axis=-1)
        node_feats = jnp.zeros((polys.shape[0], C, P), dtype=embed_feature.dtype)
        for b in range(B):
            samp = grid_sample_one(embed_feature[b], grid)
            mask = (inds0 == b)[:, None, None]
            node_feats = jnp.where(mask, samp, node_feats)
        offs = gcn_apply(node_feats, A, params[it])
        offs = jnp.transpose(offs, (0, 2, 1))  # [Np,P,2]
        polys = polys + jnp.clip(offs, -CLIP_DIS, CLIP_DIS)
        polys = jnp.clip(polys, 0.0, w_img - 1.0)  # is_training=True branch
        py_preds.append(polys)
    return tuple(py_preds)

def setup_inputs(seed: int = 0):
    key = jax.random.key(seed)
    k1, k2, k3 = jax.random.split(key, 3)
    embed_feature = jax.random.normal(k1, (4, 36, 256, 256), dtype=jnp.float32)
    ignore_tags = jnp.ones((4, 64), dtype=jnp.int32)
    proposal_points = jax.random.uniform(k2, (4, 64, 20, 2), jnp.float32, 20.0, 235.0)
    params = init_params(k3)
    return {"embed_feature": embed_feature, "ignore_tags": ignore_tags, "proposal_points": proposal_points, "params": params}

def reference(embed_feature, ignore_tags, proposal_points, params):
    return _forward(embed_feature, ignore_tags, proposal_points, params)

if __name__ == "__main__":
    import jax
    _d = setup_inputs()
    print(jax.jit(kernel)(*tuple(_d.values())))

</pallas_src>

<mosaic_0001>
#map = affine_map<(d0, d1) -> (0)>
#map1 = affine_map<(d0, d1) -> (0, 0)>
#map2 = affine_map<(d0, d1) -> (0, 0, 0)>
module attributes {stable_mosaic.version = 14 : i64} {
  func.func @_sc_body(%arg0: i32, %arg1: i32, %arg2: memref<5120xf32, #tpu.memory_space<hbm>>, %arg3: memref<5120xf32, #tpu.memory_space<hbm>>, %arg4: memref<262144x64xbf16, #tpu.memory_space<hbm>>, %arg5: memref<4x5120x64xbf16, #tpu.memory_space<hbm>>, %arg6: memref<160xf32, #tpu.memory_space<vmem>>, %arg7: memref<160xf32, #tpu.memory_space<vmem>>, %arg8: memref<5x128xi32, #tpu.memory_space<vmem>>, %arg9: memref<640x64xbf16, #tpu.memory_space<vmem>>, %arg10: memref<!tpu.dma_semaphore, #tpu.memory_space<semaphore_mem>>) attributes {dimension_semantics = [#tpu.dimension_semantics<core_parallel>, #tpu.dimension_semantics<subcore_parallel>], iteration_bounds = array<i64: 2, 16>, scalar_prefetch = 0 : i64, scratch_operands = 5 : i64, tpu.core_type = #tpu.core_type<sc_vector_subcore>, window_params = [{transform_indices = #map}, {transform_indices = #map}, {transform_indices = #map1}, {transform_indices = #map2}]} {
    %mul3A = arith.constant 2 : i32
    %mul3A_0 = arith.muli %arg1, %mul3A : i32
    %add3A = arith.addi %mul3A_0, %arg0 : i32
    %mul3A_1 = arith.constant 160 : i32
    %mul3A_2 = arith.muli %add3A, %mul3A_1 : i32
    %multiple_of3A = tpu.assume_multiple %mul3A_2, 160 : i32
    "tpu.region"() ({
      %run_scoped3A_1057 = tpu.sem_alloc : memref<!tpu.dma_semaphore, #tpu.memory_space<semaphore_mem>>
      %dma_start3A_1058 = tpu.memref_slice %arg2[%multiple_of3A] : memref<5120xf32, #tpu.memory_space<hbm>> -> memref<160xf32, #tpu.memory_space<hbm>>
      %dma_start3A_1059 = tpu.memref_slice %arg2[%multiple_of3A] : memref<5120xf32, #tpu.memory_space<hbm>> -> memref<160xf32, #tpu.memory_space<hbm>>
      tpu.enqueue_dma source(%dma_start3A_1059 : memref<160xf32, #tpu.memory_space<hbm>>) target(%arg6 : memref<160xf32, #tpu.memory_space<vmem>>) target_semaphore(%run_scoped3A_1057 : memref<!tpu.dma_semaphore, #tpu.memory_space<semaphore_mem>>)
      %dma_wait3A_1060 = tpu.memref_slice %arg2[%multiple_of3A] : memref<5120xf32, #tpu.memory_space<hbm>> -> memref<160xf32, #tpu.memory_space<hbm>>
      %dma_wait3A_1061 = tpu.memref_slice %arg2[%multiple_of3A] : memref<5120xf32, #tpu.memory_space<hbm>> -> memref<160xf32, #tpu.memory_space<hbm>>
      tpu.wait_dma2 semaphore(%run_scoped3A_1057 : memref<!tpu.dma_semaphore, #tpu.memory_space<semaphore_mem>>) src(%dma_wait3A_1061 : memref<160xf32, #tpu.memory_space<hbm>>) dst(%arg6 : memref<160xf32, #tpu.memory_space<vmem>>)
      tpu.yield
    }) : () -> ()
    "tpu.region"() ({
      %run_scoped3A_1057 = tpu.sem_alloc : memref<!tpu.dma_semaphore, #tpu.memory_space<semaphore_mem>>
      %dma_start3A_1058 = tpu.memref_slice %arg3[%multiple_of3A] : memref<5120xf32, #tpu.memory_space<hbm>> -> memref<160xf32, #tpu.memory_space<hbm>>
      %dma_start3A_1059 = tpu.memref_slice %arg3[%multiple_of3A] : memref<5120xf32, #tpu.memory_space<hbm>> -> memref<160xf32, #tpu.memory_space<hbm>>
      tpu.enqueue_dma source(%dma_start3A_1059 : memref<160xf32, #tpu.memory_space<hbm>>) target(%arg7 : memref<160xf32, #tpu.memory_space<vmem>>) target_semaphore(%run_scoped3A_1057 : memref<!tpu.dma_semaphore, #tpu.memory_space<semaphore_mem>>)
      %dma_wait3A_1060 = tpu.memref_slice %arg3[%multiple_of3A] : memref<5120xf32, #tpu.memory_space<hbm>> -> memref<160xf32, #tpu.memory_space<hbm>>
      %dma_wait3A_1061 = tpu.memref_slice %arg3[%multiple_of3A] : memref<5120xf32, #tpu.memory_space<hbm>> -> memref<160xf32, #tpu.memory_space<hbm>>
      tpu.wait_dma2 semaphore(%run_scoped3A_1057 : memref<!tpu.dma_semaphore, #tpu.memory_space<semaphore_mem>>) src(%dma_wait3A_1061 : memref<160xf32, #tpu.memory_space<hbm>>) dst(%arg7 : memref<160xf32, #tpu.memory_space<vmem>>)
      tpu.yield
    }) : () -> ()
    %jit3A = arith.constant 8 : i32
    %div3A = arith.divsi %add3A, %jit3A : i32
    %sign3A = arith.constant 0 : i32
    %sign3A_3 = arith.cmpi sgt, %add3A, %sign3A : i32
    %sign3A_4 = arith.extui %sign3A_3 : i1 to i32
    %sign3A_5 = arith.constant 0 : i32
    %sign3A_6 = arith.cmpi slt, %add3A, %sign3A_5 : i32
    %sign3A_7 = arith.extui %sign3A_6 : i1 to i32
    %sign3A_8 = arith.subi %sign3A_4, %sign3A_7 : i32
    %sign3A_9 = arith.constant 0 : i32
    %sign3A_10 = arith.cmpi sgt, %jit3A, %sign3A_9 : i32
    %sign3A_11 = arith.extui %sign3A_10 : i1 to i32
    %sign3A_12 = arith.constant 0 : i32
    %sign3A_13 = arith.cmpi slt, %jit3A, %sign3A_12 : i32
    %sign3A_14 = arith.extui %sign3A_13 : i1 to i32
    %sign3A_15 = arith.subi %sign3A_11, %sign3A_14 : i32
    %ne3A = arith.cmpi ne, %sign3A_8, %sign3A_15 : i32
    %rem3A = arith.remsi %add3A, %jit3A : i32
    %ne3A_16 = arith.constant 0 : i32
    %ne3A_17 = arith.cmpi ne, %rem3A, %ne3A_16 : i32
    %and3A = arith.andi %ne3A, %ne3A_17 : i1
    %sub3A = arith.constant 1 : i32
    %sub3A_18 = arith.subi %div3A, %sub3A : i32
    %select_n3A = arith.select %and3A, %sub3A_18, %div3A : i32
    %mul3A_19 = arith.constant 65536 : i32
    %mul3A_20 = arith.muli %select_n3A, %mul3A_19 : i32
    %get3A = arith.constant 0 : index
    %get3A_21 = tpu.vector_load %arg6[%get3A] {strides = array<i32>} : memref<160xf32, #tpu.memory_space<vmem>>, vector<16xf32>,
    %get3A_22 = vector.shape_cast %get3A_21 : vector<16xf32> to vector<16xf32>
    %get3A_23 = arith.constant 0 : index
    %get3A_24 = tpu.vector_load %arg7[%get3A_23] {strides = array<i32>} : memref<160xf32, #tpu.memory_space<vmem>>, vector<16xf32>,
    %get3A_25 = vector.shape_cast %get3A_24 : vector<16xf32> to vector<16xf32>
    %mul3A_26 = arith.constant 7.812500e-03 : f32
    %mul3A_27 = vector.broadcast %mul3A_26 : f32 to vector<16xf32>
    %mul3A_28 = arith.mulf %get3A_22, %mul3A_27 : vector<16xf32>
    %sub3A_29 = arith.constant 1.000000e+00 : f32
    %sub3A_30 = vector.broadcast %sub3A_29 : f32 to vector<16xf32>
    %sub3A_31 = arith.subf %mul3A_28, %sub3A_30 : vector<16xf32>
    %add3A_32 = arith.constant 1.000000e+00 : f32
    %add3A_33 = vector.broadcast %add3A_32 : f32 to vector<16xf32>
    %add3A_34 = arith.addf %sub3A_31, %add3A_33 : vector<16xf32>
    %mul3A_35 = arith.constant 1.275000e+02 : f32
    %mul3A_36 = vector.broadcast %mul3A_35 : f32 to vector<16xf32>
    %mul3A_37 = arith.mulf %add3A_34, %mul3A_36 : vector<16xf32>
    %mul3A_38 = arith.constant 7.812500e-03 : f32
    %mul3A_39 = vector.broadcast %mul3A_38 : f32 to vector<16xf32>
    %mul3A_40 = arith.mulf %get3A_25, %mul3A_39 : vector<16xf32>
    %sub3A_41 = arith.constant 1.000000e+00 : f32
    %sub3A_42 = vector.broadcast %sub3A_41 : f32 to vector<16xf32>
    %sub3A_43 = arith.subf %mul3A_40, %sub3A_42 : vector<16xf32>
    %add3A_44 = arith.constant 1.000000e+00 : f32
    %add3A_45 = vector.broadcast %add3A_44 : f32 to vector<16xf32>
    %add3A_46 = arith.addf %sub3A_43, %add3A_45 : vector<16xf32>
    %mul3A_47 = arith.constant 1.275000e+02 : f32
    %mul3A_48 = vector.broadcast %mul3A_47 : f32 to vector<16xf32>
    %mul3A_49 = arith.mulf %add3A_46, %mul3A_48 : vector<16xf32>
    %convert_element_type3A = arith.fptosi %mul3A_37 : vector<16xf32> to vector<16xi32>
    %jit3A_50 = arith.constant 0 : i32
    %jit3A_51 = arith.constant 255 : i32
    %max3A = vector.broadcast %jit3A_50 : i32 to vector<16xi32>
    %max3A_52 = arith.maxsi %max3A, %convert_element_type3A : vector<16xi32>
    %min3A = vector.broadcast %jit3A_51 : i32 to vector<16xi32>
    %min3A_53 = arith.minsi %min3A, %max3A_52 : vector<16xi32>
    %convert_element_type3A_54 = arith.fptosi %mul3A_49 : vector<16xf32> to vector<16xi32>
    %jit3A_55 = arith.constant 0 : i32
    %jit3A_56 = arith.constant 255 : i32
    %max3A_57 = vector.broadcast %jit3A_55 : i32 to vector<16xi32>
    %max3A_58 = arith.maxsi %max3A_57, %convert_element_type3A_54 : vector<16xi32>
    %min3A_59 = vector.broadcast %jit3A_56 : i32 to vector<16xi32>
    %min3A_60 = arith.minsi %min3A_59, %max3A_58 : vector<16xi32>
    %add3A_61 = arith.constant 1 : i32
    %add3A_62 = vector.broadcast %add3A_61 : i32 to vector<16xi32>
    %add3A_63 = arith.addi %min3A_53, %add3A_62 : vector<16xi32>
    %min3A_64 = arith.constant 255 : i32
    %min3A_65 = vector.broadcast %min3A_64 : i32 to vector<16xi32>
    %min3A_66 = arith.minsi %add3A_63, %min3A_65 : vector<16xi32>
    %add3A_67 = arith.constant 1 : i32
    %add3A_68 = vector.broadcast %add3A_67 : i32 to vector<16xi32>
    %add3A_69 = arith.addi %min3A_60, %add3A_68 : vector<16xi32>
    %min3A_70 = arith.constant 255 : i32
    %min3A_71 = vector.broadcast %min3A_70 : i32 to vector<16xi32>
    %min3A_72 = arith.minsi %add3A_69, %min3A_71 : vector<16xi32>
    %mul3A_73 = arith.constant 256 : i32
    %mul3A_74 = vector.broadcast %mul3A_73 : i32 to vector<16xi32>
    %mul3A_75 = arith.muli %min3A_60, %mul3A_74 : vector<16xi32>
    %add3A_76 = vector.broadcast %mul3A_20 : i32 to vector<16xi32>
    %add3A_77 = arith.addi %add3A_76, %mul3A_75 : vector<16xi32>
    %mul3A_78 = arith.constant 256 : i32
    %mul3A_79 = vector.broadcast %mul3A_78 : i32 to vector<16xi32>
    %mul3A_80 = arith.muli %min3A_72, %mul3A_79 : vector<16xi32>
    %add3A_81 = vector.broadcast %mul3A_20 : i32 to vector<16xi32>
    %add3A_82 = arith.addi %add3A_81, %mul3A_80 : vector<16xi32>
    %add3A_83 = arith.addi %add3A_77, %min3A_53 : vector<16xi32>
    %add3A_84 = arith.addi %add3A_77, %min3A_66 : vector<16xi32>
    %add3A_85 = arith.addi %add3A_82, %min3A_53 : vector<16xi32>
    %add3A_86 = arith.addi %add3A_82, %min3A_66 : vector<16xi32>
    %swap3A = arith.constant 0 : i32
    %swap3A_87 = arith.index_cast %swap3A : i32 to index
    %swap3A_88 = arith.constant 0 : index
    %swap3A_89 = tpu.vector_load %arg8[%swap3A_87, %swap3A_88] {strides = array<i32>} : memref<5x128xi32, #tpu.memory_space<vmem>>, vector<1x16xi32>,
    %swap3A_90 = vector.shape_cast %swap3A_89 : vector<1x16xi32> to vector<16xi32>
    %swap3A_91 = vector.shape_cast %add3A_83 : vector<16xi32> to vector<1x16xi32>
    tpu.vector_store %arg8[%swap3A_87, %swap3A_88], %swap3A_91 {strides = array<i32>} : memref<5x128xi32, #tpu.memory_space<vmem>>, vector<1x16xi32>,
    %swap3A_92 = arith.constant 1 : i32
    %swap3A_93 = arith.index_cast %swap3A_92 : i32 to index
    %swap3A_94 = arith.constant 32 : index
    %swap3A_95 = tpu.vector_load %arg8[%swap3A_93, %swap3A_94] {strides = array<i32>} : memref<5x128xi32, #tpu.memory_space<vmem>>, vector<1x16xi32>,
    %swap3A_96 = vector.shape_cast %swap3A_95 : vector<1x16xi32> to vector<16xi32>
    %swap3A_97 = vector.shape_cast %add3A_84 : vector<16xi32> to vector<1x16xi32>
    tpu.vector_store %arg8[%swap3A_93, %swap3A_94], %swap3A_97 {strides = array<i32>} : memref<5x128xi32, #tpu.memory_space<vmem>>, vector<1x16xi32>,
    %swap3A_98 = arith.constant 2 : i32
    %swap3A_99 = arith.index_cast %swap3A_98 : i32 to index
    %swap3A_100 = arith.constant 64 : index
    %swap3A_101 = tpu.vector_load %arg8[%swap3A_99, %swap3A_100] {strides = array<i32>} : memref<5x128xi32, #tpu.memory_space<vmem>>, vector<1x16xi32>,
    %swap3A_102 = vector.shape_cast %swap3A_101 : vector<1x16xi32> to vector<16xi32>
    %swap3A_103 = vector.shape_cast %add3A_85 : vector<16xi32> to vector<1x16xi32>
    tpu.vector_store %arg8[%swap3A_99, %swap3A_100], %swap3A_103 {strides = array<i32>} : memref<5x128xi32, #tpu.memory_space<vmem>>, vector<1x16xi32>,
    %swap3A_104 = arith.constant 3 : i32
    %swap3A_105 = arith.index_cast %swap3A_104 : i32 to index
    %swap3A_106 = arith.constant 96 : index
    %swap3A_107 = tpu.vector_load %arg8[%swap3A_105, %swap3A_106] {strides = array<i32>} : memref<5x128xi32, #tpu.memory_space<vmem>>, vector<1x16xi32>,
    %swap3A_108 = vector.shape_cast %swap3A_107 : vector<1x16xi32> to vector<16xi32>
    %swap3A_109 = vector.shape_cast %add3A_86 : vector<16xi32> to vector<1x16xi32>
    tpu.vector_store %arg8[%swap3A_105, %swap3A_106], %swap3A_109 {strides = array<i32>} : memref<5x128xi32, #tpu.memory_space<vmem>>, vector<1x16xi32>,
    %get3A_110 = arith.constant 16 : index
    %get3A_111 = tpu.vector_load %arg6[%get3A_110] {strides = array<i32>} : memref<160xf32, #tpu.memory_space<vmem>>, vector<16xf32>,
    %get3A_112 = vector.shape_cast %get3A_111 : vector<16xf32> to vector<16xf32>
    %get3A_113 = arith.constant 16 : index
    %get3A_114 = tpu.vector_load %arg7[%get3A_113] {strides = array<i32>} : memref<160xf32, #tpu.memory_space<vmem>>, vector<16xf32>,
    %get3A_115 = vector.shape_cast %get3A_114 : vector<16xf32> to vector<16xf32>
    %mul3A_116 = arith.constant 7.812500e-03 : f32
    %mul3A_117 = vector.broadcast %mul3A_116 : f32 to vector<16xf32>
    %mul3A_118 = arith.mulf %get3A_112, %mul3A_117 : vector<16xf32>
    %sub3A_119 = arith.constant 1.000000e+00 : f32
    %sub3A_120 = vector.broadcast %sub3A_119 : f32 to vector<16xf32>
    %sub3A_121 = arith.subf %mul3A_118, %sub3A_120 : vector<16xf32>
    %add3A_122 = arith.constant 1.000000e+00 : f32
    %add3A_123 = vector.broadcast %add3A_122 : f32 to vector<16xf32>
    %add3A_124 = arith.addf %sub3A_121, %add3A_123 : vector<16xf32>
    %mul3A_125 = arith.constant 1.275000e+02 : f32
    %mul3A_126 = vector.broadcast %mul3A_125 : f32 to vector<16xf32>
    %mul3A_127 = arith.mulf %add3A_124, %mul3A_126 : vector<16xf32>
    %mul3A_128 = arith.constant 7.812500e-03 : f32
    %mul3A_129 = vector.broadcast %mul3A_128 : f32 to vector<16xf32>
    %mul3A_130 = arith.mulf %get3A_115, %mul3A_129 : vector<16xf32>
    %sub3A_131 = arith.constant 1.000000e+00 : f32
    %sub3A_132 = vector.broadcast %sub3A_131 : f32 to vector<16xf32>
    %sub3A_133 = arith.subf %mul3A_130, %sub3A_132 : vector<16xf32>
    %add3A_134 = arith.constant 1.000000e+00 : f32
    %add3A_135 = vector.broadcast %add3A_134 : f32 to vector<16xf32>
    %add3A_136 = arith.addf %sub3A_133, %add3A_135 : vector<16xf32>
    %mul3A_137 = arith.constant 1.275000e+02 : f32
    %mul3A_138 = vector.broadcast %mul3A_137 : f32 to vector<16xf32>
    %mul3A_139 = arith.mulf %add3A_136, %mul3A_138 : vector<16xf32>
    %convert_element_type3A_140 = arith.fptosi %mul3A_127 : vector<16xf32> to vector<16xi32>
    %jit3A_141 = arith.constant 0 : i32
    %jit3A_142 = arith.constant 255 : i32
    %max3A_143 = vector.broadcast %jit3A_141 : i32 to vector<16xi32>
    %max3A_144 = arith.maxsi %max3A_143, %convert_element_type3A_140 : vector<16xi32>
    %min3A_145 = vector.broadcast %jit3A_142 : i32 to vector<16xi32>
    %min3A_146 = arith.minsi %min3A_145, %max3A_144 : vector<16xi32>
    %convert_element_type3A_147 = arith.fptosi %mul3A_139 : vector<16xf32> to vector<16xi32>
    %jit3A_148 = arith.constant 0 : i32
    %jit3A_149 = arith.constant 255 : i32
    %max3A_150 = vector.broadcast %jit3A_148 : i32 to vector<16xi32>
    %max3A_151 = arith.maxsi %max3A_150, %convert_element_type3A_147 : vector<16xi32>
    %min3A_152 = vector.broadcast %jit3A_149 : i32 to vector<16xi32>
    %min3A_153 = arith.minsi %min3A_152, %max3A_151 : vector<16xi32>
    %add3A_154 = arith.constant 1 : i32
    %add3A_155 = vector.broadcast %add3A_154 : i32 to vector<16xi32>
    %add3A_156 = arith.addi %min3A_146, %add3A_155 : vector<16xi32>
    %min3A_157 = arith.constant 255 : i32
    %min3A_158 = vector.broadcast %min3A_157 : i32 to vector<16xi32>
    %min3A_159 = arith.minsi %add3A_156, %min3A_158 : vector<16xi32>
    %add3A_160 = arith.constant 1 : i32
    %add3A_161 = vector.broadcast %add3A_160 : i32 to vector<16xi32>
    %add3A_162 = arith.addi %min3A_153, %add3A_161 : vector<16xi32>
    %min3A_163 = arith.constant 255 : i32
    %min3A_164 = vector.broadcast %min3A_163 : i32 to vector<16xi32>
    %min3A_165 = arith.minsi %add3A_162, %min3A_164 : vector<16xi32>
    %mul3A_166 = arith.constant 256 : i32
    %mul3A_167 = vector.broadcast %mul3A_166 : i32 to vector<16xi32>
    %mul3A_168 = arith.muli %min3A_153, %mul3A_167 : vector<16xi32>
    %add3A_169 = vector.broadcast %mul3A_20 : i32 to vector<16xi32>
    %add3A_170 = arith.addi %add3A_169, %mul3A_168 : vector<16xi32>
    %mul3A_171 = arith.constant 256 : i32
    %mul3A_172 = vector.broadcast %mul3A_171 : i32 to vector<16xi32>
    %mul3A_173 = arith.muli %min3A_165, %mul3A_172 : vector<16xi32>
    %add3A_174 = vector.broadcast %mul3A_20 : i32 to vector<16xi32>
    %add3A_175 = arith.addi %add3A_174, %mul3A_173 : vector<16xi32>
    %add3A_176 = arith.addi %add3A_170, %min3A_146 : vector<16xi32>
    %add3A_177 = arith.addi %add3A_170, %min3A_159 : vector<16xi32>
    %add3A_178 = arith.addi %add3A_175, %min3A_146 : vector<16xi32>
    %add3A_179 = arith.addi %add3A_175, %min3A_159 : vector<16xi32>
    %swap3A_180 = arith.constant 0 : i32
    %swap3A_181 = arith.index_cast %swap3A_180 : i32 to index
    %swap3A_182 = arith.constant 16 : index
    %swap3A_183 = tpu.vector_load %arg8[%swap3A_181, %swap3A_182] {strides = array<i32>} : memref<5x128xi32, #tpu.memory_space<vmem>>, vector<1x16xi32>,
    %swap3A_184 = vector.shape_cast %swap3A_183 : vector<1x16xi32> to vector<16xi32>
    %swap3A_185 = vector.shape_cast %add3A_176 : vector<16xi32> to vector<1x16xi32>
    tpu.vector_store %arg8[%swap3A_181, %swap3A_182], %swap3A_185 {strides = array<i32>} : memref<5x128xi32, #tpu.memory_space<vmem>>, vector<1x16xi32>,
    %swap3A_186 = arith.constant 1 : i32
    %swap3A_187 = arith.index_cast %swap3A_186 : i32 to index
    %swap3A_188 = arith.constant 48 : index
    %swap3A_189 = tpu.vector_load %arg8[%swap3A_187, %swap3A_188] {strides = array<i32>} : memref<5x128xi32, #tpu.memory_space<vmem>>, vector<1x16xi32>,
    %swap3A_190 = vector.shape_cast %swap3A_189 : vector<1x16xi32> to vector<16xi32>
    %swap3A_191 = vector.shape_cast %add3A_177 : vector<16xi32> to vector<1x16xi32>
    tpu.vector_store %arg8[%swap3A_187, %swap3A_188], %swap3A_191 {strides = array<i32>} : memref<5x128xi32, #tpu.memory_space<vmem>>, vector<1x16xi32>,
    %swap3A_192 = arith.constant 2 : i32
    %swap3A_193 = arith.index_cast %swap3A_192 : i32 to index
    %swap3A_194 = arith.constant 80 : index
    %swap3A_195 = tpu.vector_load %arg8[%swap3A_193, %swap3A_194] {strides = array<i32>} : memref<5x128xi32, #tpu.memory_space<vmem>>, vector<1x16xi32>,
    %swap3A_196 = vector.shape_cast %swap3A_195 : vector<1x16xi32> to vector<16xi32>
    %swap3A_197 = vector.shape_cast %add3A_178 : vector<16xi32> to vector<1x16xi32>
    tpu.vector_store %arg8[%swap3A_193, %swap3A_194], %swap3A_197 {strides = array<i32>} : memref<5x128xi32, #tpu.memory_space<vmem>>, vector<1x16xi32>,
    %swap3A_198 = arith.constant 3 : i32
    %swap3A_199 = arith.index_cast %swap3A_198 : i32 to index
    %swap3A_200 = arith.constant 112 : index
    %swap3A_201 = tpu.vector_load %arg8[%swap3A_199, %swap3A_200] {strides = array<i32>} : memref<5x128xi32, #tpu.memory_space<vmem>>, vector<1x16xi32>,
    %swap3A_202 = vector.shape_cast %swap3A_201 : vector<1x16xi32> to vector<16xi32>
    %swap3A_203 = vector.shape_cast %add3A_179 : vector<16xi32> to vector<1x16xi32>
    tpu.vector_store %arg8[%swap3A_199, %swap3A_200], %swap3A_203 {strides = array<i32>} : memref<5x128xi32, #tpu.memory_space<vmem>>, vector<1x16xi32>,
    %get3A_204 = arith.constant 32 : index
    %get3A_205 = tpu.vector_load %arg6[%get3A_204] {strides = array<i32>} : memref<160xf32, #tpu.memory_space<vmem>>, vector<16xf32>,
    %get3A_206 = vector.shape_cast %get3A_205 : vector<16xf32> to vector<16xf32>
    %get3A_207 = arith.constant 32 : index
    %get3A_208 = tpu.vector_load %arg7[%get3A_207] {strides = array<i32>} : memref<160xf32, #tpu.memory_space<vmem>>, vector<16xf32>,
    %get3A_209 = vector.shape_cast %get3A_208 : vector<16xf32> to vector<16xf32>
    %mul3A_210 = arith.constant 7.812500e-03 : f32
    %mul3A_211 = vector.broadcast %mul3A_210 : f32 to vector<16xf32>
    %mul3A_212 = arith.mulf %get3A_206, %mul3A_211 : vector<16xf32>
    %sub3A_213 = arith.constant 1.000000e+00 : f32
    %sub3A_214 = vector.broadcast %sub3A_213 : f32 to vector<16xf32>
    %sub3A_215 = arith.subf %mul3A_212, %sub3A_214 : vector<16xf32>
    %add3A_216 = arith.constant 1.000000e+00 : f32
    %add3A_217 = vector.broadcast %add3A_216 : f32 to vector<16xf32>
    %add3A_218 = arith.addf %sub3A_215, %add3A_217 : vector<16xf32>
    %mul3A_219 = arith.constant 1.275000e+02 : f32
    %mul3A_220 = vector.broadcast %mul3A_219 : f32 to vector<16xf32>
    %mul3A_221 = arith.mulf %add3A_218, %mul3A_220 : vector<16xf32>
    %mul3A_222 = arith.constant 7.812500e-03 : f32
    %mul3A_223 = vector.broadcast %mul3A_222 : f32 to vector<16xf32>
    %mul3A_224 = arith.mulf %get3A_209, %mul3A_223 : vector<16xf32>
    %sub3A_225 = arith.constant 1.000000e+00 : f32
    %sub3A_226 = vector.broadcast %sub3A_225 : f32 to vector<16xf32>
    %sub3A_227 = arith.subf %mul3A_224, %sub3A_226 : vector<16xf32>
    %add3A_228 = arith.constant 1.000000e+00 : f32
    %add3A_229 = vector.broadcast %add3A_228 : f32 to vector<16xf32>
    %add3A_230 = arith.addf %sub3A_227, %add3A_229 : vector<16xf32>
    %mul3A_231 = arith.constant 1.275000e+02 : f32
    %mul3A_232 = vector.broadcast %mul3A_231 : f32 to vector<16xf32>
    %mul3A_233 = arith.mulf %add3A_230, %mul3A_232 : vector<16xf32>
    %convert_element_type3A_234 = arith.fptosi %mul3A_221 : vector<16xf32> to vector<16xi32>
    %jit3A_235 = arith.constant 0 : i32
    %jit3A_236 = arith.constant 255 : i32
    %max3A_237 = vector.broadcast %jit3A_235 : i32 to vector<16xi32>
    %max3A_238 = arith.maxsi %max3A_237, %convert_element_type3A_234 : vector<16xi32>
    %min3A_239 = vector.broadcast %jit3A_236 : i32 to vector<16xi32>
    %min3A_240 = arith.minsi %min3A_239, %max3A_238 : vector<16xi32>
    %convert_element_type3A_241 = arith.fptosi %mul3A_233 : vector<16xf32> to vector<16xi32>
    %jit3A_242 = arith.constant 0 : i32
    %jit3A_243 = arith.constant 255 : i32
    %max3A_244 = vector.broadcast %jit3A_242 : i32 to vector<16xi32>
    %max3A_245 = arith.maxsi %max3A_244, %convert_element_type3A_241 : vector<16xi32>
    %min3A_246 = vector.broadcast %jit3A_243 : i32 to vector<16xi32>
    %min3A_247 = arith.minsi %min3A_246, %max3A_245 : vector<16xi32>
    %add3A_248 = arith.constant 1 : i32
    %add3A_249 = vector.broadcast %add3A_248 : i32 to vector<16xi32>
    %add3A_250 = arith.addi %min3A_240, %add3A_249 : vector<16xi32>
    %min3A_251 = arith.constant 255 : i32
    %min3A_252 = vector.broadcast %min3A_251 : i32 to vector<16xi32>
    %min3A_253 = arith.minsi %add3A_250, %min3A_252 : vector<16xi32>
    %add3A_254 = arith.constant 1 : i32
    %add3A_255 = vector.broadcast %add3A_254 : i32 to vector<16xi32>
    %add3A_256 = arith.addi %min3A_247, %add3A_255 : vector<16xi32>
    %min3A_257 = arith.constant 255 : i32
    %min3A_258 = vector.broadcast %min3A_257 : i32 to vector<16xi32>
    %min3A_259 = arith.minsi %add3A_256, %min3A_258 : vector<16xi32>
    %mul3A_260 = arith.constant 256 : i32
    %mul3A_261 = vector.broadcast %mul3A_260 : i32 to vector<16xi32>
    %mul3A_262 = arith.muli %min3A_247, %mul3A_261 : vector<16xi32>
    %add3A_263 = vector.broadcast %mul3A_20 : i32 to vector<16xi32>
    %add3A_264 = arith.addi %add3A_263, %mul3A_262 : vector<16xi32>
    %mul3A_265 = arith.constant 256 : i32
    %mul3A_266 = vector.broadcast %mul3A_265 : i32 to vector<16xi32>
    %mul3A_267 = arith.muli %min3A_259, %mul3A_266 : vector<16xi32>
    %add3A_268 = vector.broadcast %mul3A_20 : i32 to vector<16xi32>
    %add3A_269 = arith.addi %add3A_268, %mul3A_267 : vector<16xi32>
    %add3A_270 = arith.addi %add3A_264, %min3A_240 : vector<16xi32>
    %add3A_271 = arith.addi %add3A_264, %min3A_253 : vector<16xi32>
    %add3A_272 = arith.addi %add3A_269, %min3A_240 : vector<16xi32>
    %add3A_273 = arith.addi %add3A_269, %min3A_253 : vector<16xi32>
    %swap3A_274 = arith.constant 0 : i32
    %swap3A_275 = arith.index_cast %swap3A_274 : i32 to index
    %swap3A_276 = arith.constant 32 : index
    %swap3A_277 = tpu.vector_load %arg8[%swap3A_275, %swap3A_276] {strides = array<i32>} : memref<5x128xi32, #tpu.memory_space<vmem>>, vector<1x16xi32>,
    %swap3A_278 = vector.shape_cast %swap3A_277 : vector<1x16xi32> to vector<16xi32>
    %swap3A_279 = vector.shape_cast %add3A_270 : vector<16xi32> to vector<1x16xi32>
    tpu.vector_store %arg8[%swap3A_275, %swap3A_276], %swap3A_279 {strides = array<i32>} : memref<5x128xi32, #tpu.memory_space<vmem>>, vector<1x16xi32>,
    %swap3A_280 = arith.constant 1 : i32
    %swap3A_281 = arith.index_cast %swap3A_280 : i32 to index
    %swap3A_282 = arith.constant 64 : index
    %swap3A_283 = tpu.vector_load %arg8[%swap3A_281, %swap3A_282] {strides = array<i32>} : memref<5x128xi32, #tpu.memory_space<vmem>>, vector<1x16xi32>,
    %swap3A_284 = vector.shape_cast %swap3A_283 : vector<1x16xi32> to vector<16xi32>
    %swap3A_285 = vector.shape_cast %add3A_271 : vector<16xi32> to vector<1x16xi32>
    tpu.vector_store %arg8[%swap3A_281, %swap3A_282], %swap3A_285 {strides = array<i32>} : memref<5x128xi32, #tpu.memory_space<vmem>>, vector<1x16xi32>,
    %swap3A_286 = arith.constant 2 : i32
    %swap3A_287 = arith.index_cast %swap3A_286 : i32 to index
    %swap3A_288 = arith.constant 96 : index
    %swap3A_289 = tpu.vector_load %arg8[%swap3A_287, %swap3A_288] {strides = array<i32>} : memref<5x128xi32, #tpu.memory_space<vmem>>, vector<1x16xi32>,
    %swap3A_290 = vector.shape_cast %swap3A_289 : vector<1x16xi32> to vector<16xi32>
    %swap3A_291 = vector.shape_cast %add3A_272 : vector<16xi32> to vector<1x16xi32>
    tpu.vector_store %arg8[%swap3A_287, %swap3A_288], %swap3A_291 {strides = array<i32>} : memref<5x128xi32, #tpu.memory_space<vmem>>, vector<1x16xi32>,
    %swap3A_292 = arith.constant 4 : i32
    %swap3A_293 = arith.index_cast %swap3A_292 : i32 to index
    %swap3A_294 = arith.constant 0 : index
    %swap3A_295 = tpu.vector_load %arg8[%swap3A_293, %swap3A_294] {strides = array<i32>} : memref<5x128xi32, #tpu.memory_space<vmem>>, vector<1x16xi32>,
    %swap3A_296 = vector.shape_cast %swap3A_295 : vector<1x16xi32> to vector<16xi32>
    %swap3A_297 = vector.shape_cast %add3A_273 : vector<16xi32> to vector<1x16xi32>
    tpu.vector_store %arg8[%swap3A_293, %swap3A_294], %swap3A_297 {strides = array<i32>} : memref<5x128xi32, #tpu.memory_space<vmem>>, vector<1x16xi32>,
    %get3A_298 = arith.constant 48 : index
    %get3A_299 = tpu.vector_load %arg6[%get3A_298] {strides = array<i32>} : memref<160xf32, #tpu.memory_space<vmem>>, vector<16xf32>,
    %get3A_300 = vector.shape_cast %get3A_299 : vector<16xf32> to vector<16xf32>
    %get3A_301 = arith.constant 48 : index
    %get3A_302 = tpu.vector_load %arg7[%get3A_301] {strides = array<i32>} : memref<160xf32, #tpu.memory_space<vmem>>, vector<16xf32>,
    %get3A_303 = vector.shape_cast %get3A_302 : vector<16xf32> to vector<16xf32>
    %mul3A_304 = arith.constant 7.812500e-03 : f32
    %mul3A_305 = vector.broadcast %mul3A_304 : f32 to vector<16xf32>
    %mul3A_306 = arith.mulf %get3A_300, %mul3A_305 : vector<16xf32>
    %sub3A_307 = arith.constant 1.000000e+00 : f32
    %sub3A_308 = vector.broadcast %sub3A_307 : f32 to vector<16xf32>
    %sub3A_309 = arith.subf %mul3A_306, %sub3A_308 : vector<16xf32>
    %add3A_310 = arith.constant 1.000000e+00 : f32
    %add3A_311 = vector.broadcast %add3A_310 : f32 to vector<16xf32>
    %add3A_312 = arith.addf %sub3A_309, %add3A_311 : vector<16xf32>
    %mul3A_313 = arith.constant 1.275000e+02 : f32
    %mul3A_314 = vector.broadcast %mul3A_313 : f32 to vector<16xf32>
    %mul3A_315 = arith.mulf %add3A_312, %mul3A_314 : vector<16xf32>
    %mul3A_316 = arith.constant 7.812500e-03 : f32
    %mul3A_317 = vector.broadcast %mul3A_316 : f32 to vector<16xf32>
    %mul3A_318 = arith.mulf %get3A_303, %mul3A_317 : vector<16xf32>
    %sub3A_319 = arith.constant 1.000000e+00 : f32
    %sub3A_320 = vector.broadcast %sub3A_319 : f32 to vector<16xf32>
    %sub3A_321 = arith.subf %mul3A_318, %sub3A_320 : vector<16xf32>
    %add3A_322 = arith.constant 1.000000e+00 : f32
    %add3A_323 = vector.broadcast %add3A_322 : f32 to vector<16xf32>
    %add3A_324 = arith.addf %sub3A_321, %add3A_323 : vector<16xf32>
    %mul3A_325 = arith.constant 1.275000e+02 : f32
    %mul3A_326 = vector.broadcast %mul3A_325 : f32 to vector<16xf32>
    %mul3A_327 = arith.mulf %add3A_324, %mul3A_326 : vector<16xf32>
    %convert_element_type3A_328 = arith.fptosi %mul3A_315 : vector<16xf32> to vector<16xi32>
    %jit3A_329 = arith.constant 0 : i32
    %jit3A_330 = arith.constant 255 : i32
    %max3A_331 = vector.broadcast %jit3A_329 : i32 to vector<16xi32>
    %max3A_332 = arith.maxsi %max3A_331, %convert_element_type3A_328 : vector<16xi32>
    %min3A_333 = vector.broadcast %jit3A_330 : i32 to vector<16xi32>
    %min3A_334 = arith.minsi %min3A_333, %max3A_332 : vector<16xi32>
    %convert_element_type3A_335 = arith.fptosi %mul3A_327 : vector<16xf32> to vector<16xi32>
    %jit3A_336 = arith.constant 0 : i32
    %jit3A_337 = arith.constant 255 : i32
    %max3A_338 = vector.broadcast %jit3A_336 : i32 to vector<16xi32>
    %max3A_339 = arith.maxsi %max3A_338, %convert_element_type3A_335 : vector<16xi32>
    %min3A_340 = vector.broadcast %jit3A_337 : i32 to vector<16xi32>
    %min3A_341 = arith.minsi %min3A_340, %max3A_339 : vector<16xi32>
    %add3A_342 = arith.constant 1 : i32
    %add3A_343 = vector.broadcast %add3A_342 : i32 to vector<16xi32>
    %add3A_344 = arith.addi %min3A_334, %add3A_343 : vector<16xi32>
    %min3A_345 = arith.constant 255 : i32
    %min3A_346 = vector.broadcast %min3A_345 : i32 to vector<16xi32>
    %min3A_347 = arith.minsi %add3A_344, %min3A_346 : vector<16xi32>
    %add3A_348 = arith.constant 1 : i32
    %add3A_349 = vector.broadcast %add3A_348 : i32 to vector<16xi32>
    %add3A_350 = arith.addi %min3A_341, %add3A_349 : vector<16xi32>
    %min3A_351 = arith.constant 255 : i32
    %min3A_352 = vector.broadcast %min3A_351 : i32 to vector<16xi32>
    %min3A_353 = arith.minsi %add3A_350, %min3A_352 : vector<16xi32>
    %mul3A_354 = arith.constant 256 : i32
    %mul3A_355 = vector.broadcast %mul3A_354 : i32 to vector<16xi32>
    %mul3A_356 = arith.muli %min3A_341, %mul3A_355 : vector<16xi32>
    %add3A_357 = vector.broadcast %mul3A_20 : i32 to vector<16xi32>
    %add3A_358 = arith.addi %add3A_357, %mul3A_356 : vector<16xi32>
    %mul3A_359 = arith.constant 256 : i32
    %mul3A_360 = vector.broadcast %mul3A_359 : i32 to vector<16xi32>
    %mul3A_361 = arith.muli %min3A_353, %mul3A_360 : vector<16xi32>
    %add3A_362 = vector.broadcast %mul3A_20 : i32 to vector<16xi32>
    %add3A_363 = arith.addi %add3A_362, %mul3A_361 : vector<16xi32>
    %add3A_364 = arith.addi %add3A_358, %min3A_334 : vector<16xi32>
    %add3A_365 = arith.addi %add3A_358, %min3A_347 : vector<16xi32>
    %add3A_366 = arith.addi %add3A_363, %min3A_334 : vector<16xi32>
    %add3A_367 = arith.addi %add3A_363, %min3A_347 : vector<16xi32>
    %swap3A_368 = arith.constant 0 : i32
    %swap3A_369 = arith.index_cast %swap3A_368 : i32 to index
    %swap3A_370 = arith.constant 48 : index
    %swap3A_371 = tpu.vector_load %arg8[%swap3A_369, %swap3A_370] {strides = array<i32>} : memref<5x128xi32, #tpu.memory_space<vmem>>, vector<1x16xi32>,
    %swap3A_372 = vector.shape_cast %swap3A_371 : vector<1x16xi32> to vector<16xi32>
    %swap3A_373 = vector.shape_cast %add3A_364 : vector<16xi32> to vector<1x16xi32>
    tpu.vector_store %arg8[%swap3A_369, %swap3A_370], %swap3A_373 {strides = array<i32>} : memref<5x128xi32, #tpu.memory_space<vmem>>, vector<1x16xi32>,
    %swap3A_374 = arith.constant 1 : i32
    %swap3A_375 = arith.index_cast %swap3A_374 : i32 to index
    %swap3A_376 = arith.constant 80 : index
    %swap3A_377 = tpu.vector_load %arg8[%swap3A_375, %swap3A_376] {strides = array<i32>} : memref<5x128xi32, #tpu.memory_space<vmem>>, vector<1x16xi32>,
    %swap3A_378 = vector.shape_cast %swap3A_377 : vector<1x16xi32> to vector<16xi32>
    %swap3A_379 = vector.shape_cast %add3A_365 : vector<16xi32> to vector<1x16xi32>
    tpu.vector_store %arg8[%swap3A_375, %swap3A_376], %swap3A_379 {strides = array<i32>} : memref<5x128xi32, #tpu.memory_space<vmem>>, vector<1x16xi32>,
    %swap3A_380 = arith.constant 2 : i32
    %swap3A_381 = arith.index_cast %swap3A_380 : i32 to index
    %swap3A_382 = arith.constant 112 : index
    %swap3A_383 = tpu.vector_load %arg8[%swap3A_381, %swap3A_382] {strides = array<i32>} : memref<5x128xi32, #tpu.memory_space<vmem>>, vector<1x16xi32>,
    %swap3A_384 = vector.shape_cast %swap3A_383 : vector<1x16xi32> to vector<16xi32>
    %swap3A_385 = vector.shape_cast %add3A_366 : vector<16xi32> to vector<1x16xi32>
    tpu.vector_store %arg8[%swap3A_381, %swap3A_382], %swap3A_385 {strides = array<i32>} : memref<5x128xi32, #tpu.memory_space<vmem>>, vector<1x16xi32>,
    %swap3A_386 = arith.constant 4 : i32
    %swap3A_387 = arith.index_cast %swap3A_386 : i32 to index
    %swap3A_388 = arith.constant 16 : index
    %swap3A_389 = tpu.vector_load %arg8[%swap3A_387, %swap3A_388] {strides = array<i32>} : memref<5x128xi32, #tpu.memory_space<vmem>>, vector<1x16xi32>,
    %swap3A_390 = vector.shape_cast %swap3A_389 : vector<1x16xi32> to vector<16xi32>
    %swap3A_391 = vector.shape_cast %add3A_367 : vector<16xi32> to vector<1x16xi32>
    tpu.vector_store %arg8[%swap3A_387, %swap3A_388], %swap3A_391 {strides = array<i32>} : memref<5x128xi32, #tpu.memory_space<vmem>>, vector<1x16xi32>,
    %get3A_392 = arith.constant 64 : index
    %get3A_393 = tpu.vector_load %arg6[%get3A_392] {strides = array<i32>} : memref<160xf32, #tpu.memory_space<vmem>>, vector<16xf32>,
    %get3A_394 = vector.shape_cast %get3A_393 : vector<16xf32> to vector<16xf32>
    %get3A_395 = arith.constant 64 : index
    %get3A_396 = tpu.vector_load %arg7[%get3A_395] {strides = array<i32>} : memref<160xf32, #tpu.memory_space<vmem>>, vector<16xf32>,
    %get3A_397 = vector.shape_cast %get3A_396 : vector<16xf32> to vector<16xf32>
    %mul3A_398 = arith.constant 7.812500e-03 : f32
    %mul3A_399 = vector.broadcast %mul3A_398 : f32 to vector<16xf32>
    %mul3A_400 = arith.mulf %get3A_394, %mul3A_399 : vector<16xf32>
    %sub3A_401 = arith.constant 1.000000e+00 : f32
    %sub3A_402 = vector.broadcast %sub3A_401 : f32 to vector<16xf32>
    %sub3A_403 = arith.subf %mul3A_400, %sub3A_402 : vector<16xf32>
    %add3A_404 = arith.constant 1.000000e+00 : f32
    %add3A_405 = vector.broadcast %add3A_404 : f32 to vector<16xf32>
    %add3A_406 = arith.addf %sub3A_403, %add3A_405 : vector<16xf32>
    %mul3A_407 = arith.constant 1.275000e+02 : f32
    %mul3A_408 = vector.broadcast %mul3A_407 : f32 to vector<16xf32>
    %mul3A_409 = arith.mulf %add3A_406, %mul3A_408 : vector<16xf32>
    %mul3A_410 = arith.constant 7.812500e-03 : f32
    %mul3A_411 = vector.broadcast %mul3A_410 : f32 to vector<16xf32>
    %mul3A_412 = arith.mulf %get3A_397, %mul3A_411 : vector<16xf32>
    %sub3A_413 = arith.constant 1.000000e+00 : f32
    %sub3A_414 = vector.broadcast %sub3A_413 : f32 to vector<16xf32>
    %sub3A_415 = arith.subf %mul3A_412, %sub3A_414 : vector<16xf32>
    %add3A_416 = arith.constant 1.000000e+00 : f32
    %add3A_417 = vector.broadcast %add3A_416 : f32 to vector<16xf32>
    %add3A_418 = arith.addf %sub3A_415, %add3A_417 : vector<16xf32>
    %mul3A_419 = arith.constant 1.275000e+02 : f32
    %mul3A_420 = vector.broadcast %mul3A_419 : f32 to vector<16xf32>
    %mul3A_421 = arith.mulf %add3A_418, %mul3A_420 : vector<16xf32>
    %convert_element_type3A_422 = arith.fptosi %mul3A_409 : vector<16xf32> to vector<16xi32>
    %jit3A_423 = arith.constant 0 : i32
    %jit3A_424 = arith.constant 255 : i32
    %max3A_425 = vector.broadcast %jit3A_423 : i32 to vector<16xi32>
    %max3A_426 = arith.maxsi %max3A_425, %convert_element_type3A_422 : vector<16xi32>
    %min3A_427 = vector.broadcast %jit3A_424 : i32 to vector<16xi32>
    %min3A_428 = arith.minsi %min3A_427, %max3A_426 : vector<16xi32>
    %convert_element_type3A_429 = arith.fptosi %mul3A_421 : vector<16xf32> to vector<16xi32>
    %jit3A_430 = arith.constant 0 : i32
    %jit3A_431 = arith.constant 255 : i32
    %max3A_432 = vector.broadcast %jit3A_430 : i32 to vector<16xi32>
    %max3A_433 = arith.maxsi %max3A_432, %convert_element_type3A_429 : vector<16xi32>
    %min3A_434 = vector.broadcast %jit3A_431 : i32 to vector<16xi32>
    %min3A_435 = arith.minsi %min3A_434, %max3A_433 : vector<16xi32>
    %add3A_436 = arith.constant 1 : i32
    %add3A_437 = vector.broadcast %add3A_436 : i32 to vector<16xi32>
    %add3A_438 = arith.addi %min3A_428, %add3A_437 : vector<16xi32>
    %min3A_439 = arith.constant 255 : i32
    %min3A_440 = vector.broadcast %min3A_439 : i32 to vector<16xi32>
    %min3A_441 = arith.minsi %add3A_438, %min3A_440 : vector<16xi32>
    %add3A_442 = arith.constant 1 : i32
    %add3A_443 = vector.broadcast %add3A_442 : i32 to vector<16xi32>
    %add3A_444 = arith.addi %min3A_435, %add3A_443 : vector<16xi32>
    %min3A_445 = arith.constant 255 : i32
    %min3A_446 = vector.broadcast %min3A_445 : i32 to vector<16xi32>
    %min3A_447 = arith.minsi %add3A_444, %min3A_446 : vector<16xi32>
    %mul3A_448 = arith.constant 256 : i32
    %mul3A_449 = vector.broadcast %mul3A_448 : i32 to vector<16xi32>
    %mul3A_450 = arith.muli %min3A_435, %mul3A_449 : vector<16xi32>
    %add3A_451 = vector.broadcast %mul3A_20 : i32 to vector<16xi32>
    %add3A_452 = arith.addi %add3A_451, %mul3A_450 : vector<16xi32>
    %mul3A_453 = arith.constant 256 : i32
    %mul3A_454 = vector.broadcast %mul3A_453 : i32 to vector<16xi32>
    %mul3A_455 = arith.muli %min3A_447, %mul3A_454 : vector<16xi32>
    %add3A_456 = vector.broadcast %mul3A_20 : i32 to vector<16xi32>
    %add3A_457 = arith.addi %add3A_456, %mul3A_455 : vector<16xi32>
    %add3A_458 = arith.addi %add3A_452, %min3A_428 : vector<16xi32>
    %add3A_459 = arith.addi %add3A_452, %min3A_441 : vector<16xi32>
    %add3A_460 = arith.addi %add3A_457, %min3A_428 : vector<16xi32>
    %add3A_461 = arith.addi %add3A_457, %min3A_441 : vector<16xi32>
    %swap3A_462 = arith.constant 0 : i32
    %swap3A_463 = arith.index_cast %swap3A_462 : i32 to index
    %swap3A_464 = arith.constant 64 : index
    %swap3A_465 = tpu.vector_load %arg8[%swap3A_463, %swap3A_464] {strides = array<i32>} : memref<5x128xi32, #tpu.memory_space<vmem>>, vector<1x16xi32>,
    %swap3A_466 = vector.shape_cast %swap3A_465 : vector<1x16xi32> to vector<16xi32>
    %swap3A_467 = vector.shape_cast %add3A_458 : vector<16xi32> to vector<1x16xi32>
    tpu.vector_store %arg8[%swap3A_463, %swap3A_464], %swap3A_467 {strides = array<i32>} : memref<5x128xi32, #tpu.memory_space<vmem>>, vector<1x16xi32>,
    %swap3A_468 = arith.constant 1 : i32
    %swap3A_469 = arith.index_cast %swap3A_468 : i32 to index
    %swap3A_470 = arith.constant 96 : index
    %swap3A_471 = tpu.vector_load %arg8[%swap3A_469, %swap3A_470] {strides = array<i32>} : memref<5x128xi32, #tpu.memory_space<vmem>>, vector<1x16xi32>,
    %swap3A_472 = vector.shape_cast %swap3A_471 : vector<1x16xi32> to vector<16xi32>
    %swap3A_473 = vector.shape_cast %add3A_459 : vector<16xi32> to vector<1x16xi32>
    tpu.vector_store %arg8[%swap3A_469, %swap3A_470], %swap3A_473 {strides = array<i32>} : memref<5x128xi32, #tpu.memory_space<vmem>>, vector<1x16xi32>,
    %swap3A_474 = arith.constant 3 : i32
    %swap3A_475 = arith.index_cast %swap3A_474 : i32 to index
    %swap3A_476 = arith.constant 0 : index
    %swap3A_477 = tpu.vector_load %arg8[%swap3A_475, %swap3A_476] {strides = array<i32>} : memref<5x128xi32, #tpu.memory_space<vmem>>, vector<1x16xi32>,
    %swap3A_478 = vector.shape_cast %swap3A_477 : vector<1x16xi32> to vector<16xi32>
    %swap3A_479 = vector.shape_cast %add3A_460 : vector<16xi32> to vector<1x16xi32>
    tpu.vector_store %arg8[%swap3A_475, %swap3A_476], %swap3A_479 {strides = array<i32>} : memref<5x128xi32, #tpu.memory_space<vmem>>, vector<1x16xi32>,
    %swap3A_480 = arith.constant 4 : i32
    %swap3A_481 = arith.index_cast %swap3A_480 : i32 to index
    %swap3A_482 = arith.constant 32 : index
    %swap3A_483 = tpu.vector_load %arg8[%swap3A_481, %swap3A_482] {strides = array<i32>} : memref<5x128xi32, #tpu.memory_space<vmem>>, vector<1x16xi32>,
    %swap3A_484 = vector.shape_cast %swap3A_483 : vector<1x16xi32> to vector<16xi32>
    %swap3A_485 = vector.shape_cast %add3A_461 : vector<16xi32> to vector<1x16xi32>
    tpu.vector_store %arg8[%swap3A_481, %swap3A_482], %swap3A_485 {strides = array<i32>} : memref<5x128xi32, #tpu.memory_space<vmem>>, vector<1x16xi32>,
    %get3A_486 = arith.constant 80 : index
    %get3A_487 = tpu.vector_load %arg6[%get3A_486] {strides = array<i32>} : memref<160xf32, #tpu.memory_space<vmem>>, vector<16xf32>,
    %get3A_488 = vector.shape_cast %get3A_487 : vector<16xf32> to vector<16xf32>
    %get3A_489 = arith.constant 80 : index
    %get3A_490 = tpu.vector_load %arg7[%get3A_489] {strides = array<i32>} : memref<160xf32, #tpu.memory_space<vmem>>, vector<16xf32>,
    %get3A_491 = vector.shape_cast %get3A_490 : vector<16xf32> to vector<16xf32>
    %mul3A_492 = arith.constant 7.812500e-03 : f32
    %mul3A_493 = vector.broadcast %mul3A_492 : f32 to vector<16xf32>
    %mul3A_494 = arith.mulf %get3A_488, %mul3A_493 : vector<16xf32>
    %sub3A_495 = arith.constant 1.000000e+00 : f32
    %sub3A_496 = vector.broadcast %sub3A_495 : f32 to vector<16xf32>
    %sub3A_497 = arith.subf %mul3A_494, %sub3A_496 : vector<16xf32>
    %add3A_498 = arith.constant 1.000000e+00 : f32
    %add3A_499 = vector.broadcast %add3A_498 : f32 to vector<16xf32>
    %add3A_500 = arith.addf %sub3A_497, %add3A_499 : vector<16xf32>
    %mul3A_501 = arith.constant 1.275000e+02 : f32
    %mul3A_502 = vector.broadcast %mul3A_501 : f32 to vector<16xf32>
    %mul3A_503 = arith.mulf %add3A_500, %mul3A_502 : vector<16xf32>
    %mul3A_504 = arith.constant 7.812500e-03 : f32
    %mul3A_505 = vector.broadcast %mul3A_504 : f32 to vector<16xf32>
    %mul3A_506 = arith.mulf %get3A_491, %mul3A_505 : vector<16xf32>
    %sub3A_507 = arith.constant 1.000000e+00 : f32
    %sub3A_508 = vector.broadcast %sub3A_507 : f32 to vector<16xf32>
    %sub3A_509 = arith.subf %mul3A_506, %sub3A_508 : vector<16xf32>
    %add3A_510 = arith.constant 1.000000e+00 : f32
    %add3A_511 = vector.broadcast %add3A_510 : f32 to vector<16xf32>
    %add3A_512 = arith.addf %sub3A_509, %add3A_511 : vector<16xf32>
    %mul3A_513 = arith.constant 1.275000e+02 : f32
    %mul3A_514 = vector.broadcast %mul3A_513 : f32 to vector<16xf32>
    %mul3A_515 = arith.mulf %add3A_512, %mul3A_514 : vector<16xf32>
    %convert_element_type3A_516 = arith.fptosi %mul3A_503 : vector<16xf32> to vector<16xi32>
    %jit3A_517 = arith.constant 0 : i32
    %jit3A_518 = arith.constant 255 : i32
    %max3A_519 = vector.broadcast %jit3A_517 : i32 to vector<16xi32>
    %max3A_520 = arith.maxsi %max3A_519, %convert_element_type3A_516 : vector<16xi32>
    %min3A_521 = vector.broadcast %jit3A_518 : i32 to vector<16xi32>
    %min3A_522 = arith.minsi %min3A_521, %max3A_520 : vector<16xi32>
    %convert_element_type3A_523 = arith.fptosi %mul3A_515 : vector<16xf32> to vector<16xi32>
    %jit3A_524 = arith.constant 0 : i32
    %jit3A_525 = arith.constant 255 : i32
    %max3A_526 = vector.broadcast %jit3A_524 : i32 to vector<16xi32>
    %max3A_527 = arith.maxsi %max3A_526, %convert_element_type3A_523 : vector<16xi32>
    %min3A_528 = vector.broadcast %jit3A_525 : i32 to vector<16xi32>
    %min3A_529 = arith.minsi %min3A_528, %max3A_527 : vector<16xi32>
    %add3A_530 = arith.constant 1 : i32
    %add3A_531 = vector.broadcast %add3A_530 : i32 to vector<16xi32>
    %add3A_532 = arith.addi %min3A_522, %add3A_531 : vector<16xi32>
    %min3A_533 = arith.constant 255 : i32
    %min3A_534 = vector.broadcast %min3A_533 : i32 to vector<16xi32>
    %min3A_535 = arith.minsi %add3A_532, %min3A_534 : vector<16xi32>
    %add3A_536 = arith.constant 1 : i32
    %add3A_537 = vector.broadcast %add3A_536 : i32 to vector<16xi32>
    %add3A_538 = arith.addi %min3A_529, %add3A_537 : vector<16xi32>
    %min3A_539 = arith.constant 255 : i32
    %min3A_540 = vector.broadcast %min3A_539 : i32 to vector<16xi32>
    %min3A_541 = arith.minsi %add3A_538, %min3A_540 : vector<16xi32>
    %mul3A_542 = arith.constant 256 : i32
    %mul3A_543 = vector.broadcast %mul3A_542 : i32 to vector<16xi32>
    %mul3A_544 = arith.muli %min3A_529, %mul3A_543 : vector<16xi32>
    %add3A_545 = vector.broadcast %mul3A_20 : i32 to vector<16xi32>
    %add3A_546 = arith.addi %add3A_545, %mul3A_544 : vector<16xi32>
    %mul3A_547 = arith.constant 256 : i32
    %mul3A_548 = vector.broadcast %mul3A_547 : i32 to vector<16xi32>
    %mul3A_549 = arith.muli %min3A_541, %mul3A_548 : vector<16xi32>
    %add3A_550 = vector.broadcast %mul3A_20 : i32 to vector<16xi32>
    %add3A_551 = arith.addi %add3A_550, %mul3A_549 : vector<16xi32>
    %add3A_552 = arith.addi %add3A_546, %min3A_522 : vector<16xi32>
    %add3A_553 = arith.addi %add3A_546, %min3A_535 : vector<16xi32>
    %add3A_554 = arith.addi %add3A_551, %min3A_522 : vector<16xi32>
    %add3A_555 = arith.addi %add3A_551, %min3A_535 : vector<16xi32>
    %swap3A_556 = arith.constant 0 : i32
    %swap3A_557 = arith.index_cast %swap3A_556 : i32 to index
    %swap3A_558 = arith.constant 80 : index
    %swap3A_559 = tpu.vector_load %arg8[%swap3A_557, %swap3A_558] {strides = array<i32>} : memref<5x128xi32, #tpu.memory_space<vmem>>, vector<1x16xi32>,
    %swap3A_560 = vector.shape_cast %swap3A_559 : vector<1x16xi32> to vector<16xi32>
    %swap3A_561 = vector.shape_cast %add3A_552 : vector<16xi32> to vector<1x16xi32>
    tpu.vector_store %arg8[%swap3A_557, %swap3A_558], %swap3A_561 {strides = array<i32>} : memref<5x128xi32, #tpu.memory_space<vmem>>, vector<1x16xi32>,
    %swap3A_562 = arith.constant 1 : i32
    %swap3A_563 = arith.index_cast %swap3A_562 : i32 to index
    %swap3A_564 = arith.constant 112 : index
    %swap3A_565 = tpu.vector_load %arg8[%swap3A_563, %swap3A_564] {strides = array<i32>} : memref<5x128xi32, #tpu.memory_space<vmem>>, vector<1x16xi32>,
    %swap3A_566 = vector.shape_cast %swap3A_565 : vector<1x16xi32> to vector<16xi32>
    %swap3A_567 = vector.shape_cast %add3A_553 : vector<16xi32> to vector<1x16xi32>
    tpu.vector_store %arg8[%swap3A_563, %swap3A_564], %swap3A_567 {strides = array<i32>} : memref<5x128xi32, #tpu.memory_space<vmem>>, vector<1x16xi32>,
    %swap3A_568 = arith.constant 3 : i32
    %swap3A_569 = arith.index_cast %swap3A_568 : i32 to index
    %swap3A_570 = arith.constant 16 : index
    %swap3A_571 = tpu.vector_load %arg8[%swap3A_569, %swap3A_570] {strides = array<i32>} : memref<5x128xi32, #tpu.memory_space<vmem>>, vector<1x16xi32>,
    %swap3A_572 = vector.shape_cast %swap3A_571 : vector<1x16xi32> to vector<16xi32>
    %swap3A_573 = vector.shape_cast %add3A_554 : vector<16xi32> to vector<1x16xi32>
    tpu.vector_store %arg8[%swap3A_569, %swap3A_570], %swap3A_573 {strides = array<i32>} : memref<5x128xi32, #tpu.memory_space<vmem>>, vector<1x16xi32>,
    %swap3A_574 = arith.constant 4 : i32
    %swap3A_575 = arith.index_cast %swap3A_574 : i32 to index
    %swap3A_576 = arith.constant 48 : index
    %swap3A_577 = tpu.vector_load %arg8[%swap3A_575, %swap3A_576] {strides = array<i32>} : memref<5x128xi32, #tpu.memory_space<vmem>>, vector<1x16xi32>,
    %swap3A_578 = vector.shape_cast %swap3A_577 : vector<1x16xi32> to vector<16xi32>
    %swap3A_579 = vector.shape_cast %add3A_555 : vector<16xi32> to vector<1x16xi32>
    tpu.vector_store %arg8[%swap3A_575, %swap3A_576], %swap3A_579 {strides = array<i32>} : memref<5x128xi32, #tpu.memory_space<vmem>>, vector<1x16xi32>,
    %get3A_580 = arith.constant 96 : index
    %get3A_581 = tpu.vector_load %arg6[%get3A_580] {strides = array<i32>} : memref<160xf32, #tpu.memory_space<vmem>>, vector<16xf32>,
    %get3A_582 = vector.shape_cast %get3A_581 : vector<16xf32> to vector<16xf32>
    %get3A_583 = arith.constant 96 : index
    %get3A_584 = tpu.vector_load %arg7[%get3A_583] {strides = array<i32>} : memref<160xf32, #tpu.memory_space<vmem>>, vector<16xf32>,
    %get3A_585 = vector.shape_cast %get3A_584 : vector<16xf32> to vector<16xf32>
    %mul3A_586 = arith.constant 7.812500e-03 : f32
    %mul3A_587 = vector.broadcast %mul3A_586 : f32 to vector<16xf32>
    %mul3A_588 = arith.mulf %get3A_582, %mul3A_587 : vector<16xf32>
    %sub3A_589 = arith.constant 1.000000e+00 : f32
    %sub3A_590 = vector.broadcast %sub3A_589 : f32 to vector<16xf32>
    %sub3A_591 = arith.subf %mul3A_588, %sub3A_590 : vector<16xf32>
    %add3A_592 = arith.constant 1.000000e+00 : f32
    %add3A_593 = vector.broadcast %add3A_592 : f32 to vector<16xf32>
    %add3A_594 = arith.addf %sub3A_591, %add3A_593 : vector<16xf32>
    %mul3A_595 = arith.constant 1.275000e+02 : f32
    %mul3A_596 = vector.broadcast %mul3A_595 : f32 to vector<16xf32>
    %mul3A_597 = arith.mulf %add3A_594, %mul3A_596 : vector<16xf32>
    %mul3A_598 = arith.constant 7.812500e-03 : f32
    %mul3A_599 = vector.broadcast %mul3A_598 : f32 to vector<16xf32>
    %mul3A_600 = arith.mulf %get3A_585, %mul3A_599 : vector<16xf32>
    %sub3A_601 = arith.constant 1.000000e+00 : f32
    %sub3A_602 = vector.broadcast %sub3A_601 : f32 to vector<16xf32>
    %sub3A_603 = arith.subf %mul3A_600, %sub3A_602 : vector<16xf32>
    %add3A_604 = arith.constant 1.000000e+00 : f32
    %add3A_605 = vector.broadcast %add3A_604 : f32 to vector<16xf32>
    %add3A_606 = arith.addf %sub3A_603, %add3A_605 : vector<16xf32>
    %mul3A_607 = arith.constant 1.275000e+02 : f32
    %mul3A_608 = vector.broadcast %mul3A_607 : f32 to vector<16xf32>
    %mul3A_609 = arith.mulf %add3A_606, %mul3A_608 : vector<16xf32>
    %convert_element_type3A_610 = arith.fptosi %mul3A_597 : vector<16xf32> to vector<16xi32>
    %jit3A_611 = arith.constant 0 : i32
    %jit3A_612 = arith.constant 255 : i32
    %max3A_613 = vector.broadcast %jit3A_611 : i32 to vector<16xi32>
    %max3A_614 = arith.maxsi %max3A_613, %convert_element_type3A_610 : vector<16xi32>
    %min3A_615 = vector.broadcast %jit3A_612 : i32 to vector<16xi32>
    %min3A_616 = arith.minsi %min3A_615, %max3A_614 : vector<16xi32>
    %convert_element_type3A_617 = arith.fptosi %mul3A_609 : vector<16xf32> to vector<16xi32>
    %jit3A_618 = arith.constant 0 : i32
    %jit3A_619 = arith.constant 255 : i32
    %max3A_620 = vector.broadcast %jit3A_618 : i32 to vector<16xi32>
    %max3A_621 = arith.maxsi %max3A_620, %convert_element_type3A_617 : vector<16xi32>
    %min3A_622 = vector.broadcast %jit3A_619 : i32 to vector<16xi32>
    %min3A_623 = arith.minsi %min3A_622, %max3A_621 : vector<16xi32>
    %add3A_624 = arith.constant 1 : i32
    %add3A_625 = vector.broadcast %add3A_624 : i32 to vector<16xi32>
    %add3A_626 = arith.addi %min3A_616, %add3A_625 : vector<16xi32>
    %min3A_627 = arith.constant 255 : i32
    %min3A_628 = vector.broadcast %min3A_627 : i32 to vector<16xi32>
    %min3A_629 = arith.minsi %add3A_626, %min3A_628 : vector<16xi32>
    %add3A_630 = arith.constant 1 : i32
    %add3A_631 = vector.broadcast %add3A_630 : i32 to vector<16xi32>
    %add3A_632 = arith.addi %min3A_623, %add3A_631 : vector<16xi32>
    %min3A_633 = arith.constant 255 : i32
    %min3A_634 = vector.broadcast %min3A_633 : i32 to vector<16xi32>
    %min3A_635 = arith.minsi %add3A_632, %min3A_634 : vector<16xi32>
    %mul3A_636 = arith.constant 256 : i32
    %mul3A_637 = vector.broadcast %mul3A_636 : i32 to vector<16xi32>
    %mul3A_638 = arith.muli %min3A_623, %mul3A_637 : vector<16xi32>
    %add3A_639 = vector.broadcast %mul3A_20 : i32 to vector<16xi32>
    %add3A_640 = arith.addi %add3A_639, %mul3A_638 : vector<16xi32>
    %mul3A_641 = arith.constant 256 : i32
    %mul3A_642 = vector.broadcast %mul3A_641 : i32 to vector<16xi32>
    %mul3A_643 = arith.muli %min3A_635, %mul3A_642 : vector<16xi32>
    %add3A_644 = vector.broadcast %mul3A_20 : i32 to vector<16xi32>
    %add3A_645 = arith.addi %add3A_644, %mul3A_643 : vector<16xi32>
    %add3A_646 = arith.addi %add3A_640, %min3A_616 : vector<16xi32>
    %add3A_647 = arith.addi %add3A_640, %min3A_629 : vector<16xi32>
    %add3A_648 = arith.addi %add3A_645, %min3A_616 : vector<16xi32>
    %add3A_649 = arith.addi %add3A_645, %min3A_629 : vector<16xi32>
    %swap3A_650 = arith.constant 0 : i32
    %swap3A_651 = arith.index_cast %swap3A_650 : i32 to index
    %swap3A_652 = arith.constant 96 : index
    %swap3A_653 = tpu.vector_load %arg8[%swap3A_651, %swap3A_652] {strides = array<i32>} : memref<5x128xi32, #tpu.memory_space<vmem>>, vector<1x16xi32>,
    %swap3A_654 = vector.shape_cast %swap3A_653 : vector<1x16xi32> to vector<16xi32>
    %swap3A_655 = vector.shape_cast %add3A_646 : vector<16xi32> to vector<1x16xi32>
    tpu.vector_store %arg8[%swap3A_651, %swap3A_652], %swap3A_655 {strides = array<i32>} : memref<5x128xi32, #tpu.memory_space<vmem>>, vector<1x16xi32>,
    %swap3A_656 = arith.constant 2 : i32
    %swap3A_657 = arith.index_cast %swap3A_656 : i32 to index
    %swap3A_658 = arith.constant 0 : index
    %swap3A_659 = tpu.vector_load %arg8[%swap3A_657, %swap3A_658] {strides = array<i32>} : memref<5x128xi32, #tpu.memory_space<vmem>>, vector<1x16xi32>,
    %swap3A_660 = vector.shape_cast %swap3A_659 : vector<1x16xi32> to vector<16xi32>
    %swap3A_661 = vector.shape_cast %add3A_647 : vector<16xi32> to vector<1x16xi32>
    tpu.vector_store %arg8[%swap3A_657, %swap3A_658], %swap3A_661 {strides = array<i32>} : memref<5x128xi32, #tpu.memory_space<vmem>>, vector<1x16xi32>,
    %swap3A_662 = arith.constant 3 : i32
    %swap3A_663 = arith.index_cast %swap3A_662 : i32 to index
    %swap3A_664 = arith.constant 32 : index
    %swap3A_665 = tpu.vector_load %arg8[%swap3A_663, %swap3A_664] {strides = array<i32>} : memref<5x128xi32, #tpu.memory_space<vmem>>, vector<1x16xi32>,
    %swap3A_666 = vector.shape_cast %swap3A_665 : vector<1x16xi32> to vector<16xi32>
    %swap3A_667 = vector.shape_cast %add3A_648 : vector<16xi32> to vector<1x16xi32>
    tpu.vector_store %arg8[%swap3A_663, %swap3A_664], %swap3A_667 {strides = array<i32>} : memref<5x128xi32, #tpu.memory_space<vmem>>, vector<1x16xi32>,
    %swap3A_668 = arith.constant 4 : i32
    %swap3A_669 = arith.index_cast %swap3A_668 : i32 to index
    %swap3A_670 = arith.constant 64 : index
    %swap3A_671 = tpu.vector_load %arg8[%swap3A_669, %swap3A_670] {strides = array<i32>} : memref<5x128xi32, #tpu.memory_space<vmem>>, vector<1x16xi32>,
    %swap3A_672 = vector.shape_cast %swap3A_671 : vector<1x16xi32> to vector<16xi32>
    %swap3A_673 = vector.shape_cast %add3A_649 : vector<16xi32> to vector<1x16xi32>
    tpu.vector_store %arg8[%swap3A_669, %swap3A_670], %swap3A_673 {strides = array<i32>} : memref<5x128xi32, #tpu.memory_space<vmem>>, vector<1x16xi32>,
    %get3A_674 = arith.constant 112 : index
    %get3A_675 = tpu.vector_load %arg6[%get3A_674] {strides = array<i32>} : memref<160xf32, #tpu.memory_space<vmem>>, vector<16xf32>,
    %get3A_676 = vector.shape_cast %get3A_675 : vector<16xf32> to vector<16xf32>
    %get3A_677 = arith.constant 112 : index
    %get3A_678 = tpu.vector_load %arg7[%get3A_677] {strides = array<i32>} : memref<160xf32, #tpu.memory_space<vmem>>, vector<16xf32>,
    %get3A_679 = vector.shape_cast %get3A_678 : vector<16xf32> to vector<16xf32>
    %mul3A_680 = arith.constant 7.812500e-03 : f32
    %mul3A_681 = vector.broadcast %mul3A_680 : f32 to vector<16xf32>
    %mul3A_682 = arith.mulf %get3A_676, %mul3A_681 : vector<16xf32>
    %sub3A_683 = arith.constant 1.000000e+00 : f32
    %sub3A_684 = vector.broadcast %sub3A_683 : f32 to vector<16xf32>
    %sub3A_685 = arith.subf %mul3A_682, %sub3A_684 : vector<16xf32>
    %add3A_686 = arith.constant 1.000000e+00 : f32
    %add3A_687 = vector.broadcast %add3A_686 : f32 to vector<16xf32>
    %add3A_688 = arith.addf %sub3A_685, %add3A_687 : vector<16xf32>
    %mul3A_689 = arith.constant 1.275000e+02 : f32
    %mul3A_690 = vector.broadcast %mul3A_689 : f32 to vector<16xf32>
    %mul3A_691 = arith.mulf %add3A_688, %mul3A_690 : vector<16xf32>
    %mul3A_692 = arith.constant 7.812500e-03 : f32
    %mul3A_693 = vector.broadcast %mul3A_692 : f32 to vector<16xf32>
    %mul3A_694 = arith.mulf %get3A_679, %mul3A_693 : vector<16xf32>
    %sub3A_695 = arith.constant 1.000000e+00 : f32
    %sub3A_696 = vector.broadcast %sub3A_695 : f32 to vector<16xf32>
    %sub3A_697 = arith.subf %mul3A_694, %sub3A_696 : vector<16xf32>
    %add3A_698 = arith.constant 1.000000e+00 : f32
    %add3A_699 = vector.broadcast %add3A_698 : f32 to vector<16xf32>
    %add3A_700 = arith.addf %sub3A_697, %add3A_699 : vector<16xf32>
    %mul3A_701 = arith.constant 1.275000e+02 : f32
    %mul3A_702 = vector.broadcast %mul3A_701 : f32 to vector<16xf32>
    %mul3A_703 = arith.mulf %add3A_700, %mul3A_702 : vector<16xf32>
    %convert_element_type3A_704 = arith.fptosi %mul3A_691 : vector<16xf32> to vector<16xi32>
    %jit3A_705 = arith.constant 0 : i32
    %jit3A_706 = arith.constant 255 : i32
    %max3A_707 = vector.broadcast %jit3A_705 : i32 to vector<16xi32>
    %max3A_708 = arith.maxsi %max3A_707, %convert_element_type3A_704 : vector<16xi32>
    %min3A_709 = vector.broadcast %jit3A_706 : i32 to vector<16xi32>
    %min3A_710 = arith.minsi %min3A_709, %max3A_708 : vector<16xi32>
    %convert_element_type3A_711 = arith.fptosi %mul3A_703 : vector<16xf32> to vector<16xi32>
    %jit3A_712 = arith.constant 0 : i32
    %jit3A_713 = arith.constant 255 : i32
    %max3A_714 = vector.broadcast %jit3A_712 : i32 to vector<16xi32>
    %max3A_715 = arith.maxsi %max3A_714, %convert_element_type3A_711 : vector<16xi32>
    %min3A_716 = vector.broadcast %jit3A_713 : i32 to vector<16xi32>
    %min3A_717 = arith.minsi %min3A_716, %max3A_715 : vector<16xi32>
    %add3A_718 = arith.constant 1 : i32
    %add3A_719 = vector.broadcast %add3A_718 : i32 to vector<16xi32>
    %add3A_720 = arith.addi %min3A_710, %add3A_719 : vector<16xi32>
    %min3A_721 = arith.constant 255 : i32
    %min3A_722 = vector.broadcast %min3A_721 : i32 to vector<16xi32>
    %min3A_723 = arith.minsi %add3A_720, %min3A_722 : vector<16xi32>
    %add3A_724 = arith.constant 1 : i32
    %add3A_725 = vector.broadcast %add3A_724 : i32 to vector<16xi32>
    %add3A_726 = arith.addi %min3A_717, %add3A_725 : vector<16xi32>
    %min3A_727 = arith.constant 255 : i32
    %min3A_728 = vector.broadcast %min3A_727 : i32 to vector<16xi32>
    %min3A_729 = arith.minsi %add3A_726, %min3A_728 : vector<16xi32>
    %mul3A_730 = arith.constant 256 : i32
    %mul3A_731 = vector.broadcast %mul3A_730 : i32 to vector<16xi32>
    %mul3A_732 = arith.muli %min3A_717, %mul3A_731 : vector<16xi32>
    %add3A_733 = vector.broadcast %mul3A_20 : i32 to vector<16xi32>
    %add3A_734 = arith.addi %add3A_733, %mul3A_732 : vector<16xi32>
    %mul3A_735 = arith.constant 256 : i32
    %mul3A_736 = vector.broadcast %mul3A_735 : i32 to vector<16xi32>
    %mul3A_737 = arith.muli %min3A_729, %mul3A_736 : vector<16xi32>
    %add3A_738 = vector.broadcast %mul3A_20 : i32 to vector<16xi32>
    %add3A_739 = arith.addi %add3A_738, %mul3A_737 : vector<16xi32>
    %add3A_740 = arith.addi %add3A_734, %min3A_710 : vector<16xi32>
    %add3A_741 = arith.addi %add3A_734, %min3A_723 : vector<16xi32>
    %add3A_742 = arith.addi %add3A_739, %min3A_710 : vector<16xi32>
    %add3A_743 = arith.addi %add3A_739, %min3A_723 : vector<16xi32>
    %swap3A_744 = arith.constant 0 : i32
    %swap3A_745 = arith.index_cast %swap3A_744 : i32 to index
    %swap3A_746 = arith.constant 112 : index
    %swap3A_747 = tpu.vector_load %arg8[%swap3A_745, %swap3A_746] {strides = array<i32>} : memref<5x128xi32, #tpu.memory_space<vmem>>, vector<1x16xi32>,
    %swap3A_748 = vector.shape_cast %swap3A_747 : vector<1x16xi32> to vector<16xi32>
    %swap3A_749 = vector.shape_cast %add3A_740 : vector<16xi32> to vector<1x16xi32>
    tpu.vector_store %arg8[%swap3A_745, %swap3A_746], %swap3A_749 {strides = array<i32>} : memref<5x128xi32, #tpu.memory_space<vmem>>, vector<1x16xi32>,
    %swap3A_750 = arith.constant 2 : i32
    %swap3A_751 = arith.index_cast %swap3A_750 : i32 to index
    %swap3A_752 = arith.constant 16 : index
    %swap3A_753 = tpu.vector_load %arg8[%swap3A_751, %swap3A_752] {strides = array<i32>} : memref<5x128xi32, #tpu.memory_space<vmem>>, vector<1x16xi32>,
    %swap3A_754 = vector.shape_cast %swap3A_753 : vector<1x16xi32> to vector<16xi32>
    %swap3A_755 = vector.shape_cast %add3A_741 : vector<16xi32> to vector<1x16xi32>
    tpu.vector_store %arg8[%swap3A_751, %swap3A_752], %swap3A_755 {strides = array<i32>} : memref<5x128xi32, #tpu.memory_space<vmem>>, vector<1x16xi32>,
    %swap3A_756 = arith.constant 3 : i32
    %swap3A_757 = arith.index_cast %swap3A_756 : i32 to index
    %swap3A_758 = arith.constant 48 : index
    %swap3A_759 = tpu.vector_load %arg8[%swap3A_757, %swap3A_758] {strides = array<i32>} : memref<5x128xi32, #tpu.memory_space<vmem>>, vector<1x16xi32>,
    %swap3A_760 = vector.shape_cast %swap3A_759 : vector<1x16xi32> to vector<16xi32>
    %swap3A_761 = vector.shape_cast %add3A_742 : vector<16xi32> to vector<1x16xi32>
    tpu.vector_store %arg8[%swap3A_757, %swap3A_758], %swap3A_761 {strides = array<i32>} : memref<5x128xi32, #tpu.memory_space<vmem>>, vector<1x16xi32>,
    %swap3A_762 = arith.constant 4 : i32
    %swap3A_763 = arith.index_cast %swap3A_762 : i32 to index
    %swap3A_764 = arith.constant 80 : index
    %swap3A_765 = tpu.vector_load %arg8[%swap3A_763, %swap3A_764] {strides = array<i32>} : memref<5x128xi32, #tpu.memory_space<vmem>>, vector<1x16xi32>,
    %swap3A_766 = vector.shape_cast %swap3A_765 : vector<1x16xi32> to vector<16xi32>
    %swap3A_767 = vector.shape_cast %add3A_743 : vector<16xi32> to vector<1x16xi32>
    tpu.vector_store %arg8[%swap3A_763, %swap3A_764], %swap3A_767 {strides = array<i32>} : memref<5x128xi32, #tpu.memory_space<vmem>>, vector<1x16xi32>,
    %get3A_768 = arith.constant 128 : index
    %get3A_769 = tpu.vector_load %arg6[%get3A_768] {strides = array<i32>} : memref<160xf32, #tpu.memory_space<vmem>>, vector<16xf32>,
    %get3A_770 = vector.shape_cast %get3A_769 : vector<16xf32> to vector<16xf32>
    %get3A_771 = arith.constant 128 : index
    %get3A_772 = tpu.vector_load %arg7[%get3A_771] {strides = array<i32>} : memref<160xf32, #tpu.memory_space<vmem>>, vector<16xf32>,
    %get3A_773 = vector.shape_cast %get3A_772 : vector<16xf32> to vector<16xf32>
    %mul3A_774 = arith.constant 7.812500e-03 : f32
    %mul3A_775 = vector.broadcast %mul3A_774 : f32 to vector<16xf32>
    %mul3A_776 = arith.mulf %get3A_770, %mul3A_775 : vector<16xf32>
    %sub3A_777 = arith.constant 1.000000e+00 : f32
    %sub3A_778 = vector.broadcast %sub3A_777 : f32 to vector<16xf32>
    %sub3A_779 = arith.subf %mul3A_776, %sub3A_778 : vector<16xf32>
    %add3A_780 = arith.constant 1.000000e+00 : f32
    %add3A_781 = vector.broadcast %add3A_780 : f32 to vector<16xf32>
    %add3A_782 = arith.addf %sub3A_779, %add3A_781 : vector<16xf32>
    %mul3A_783 = arith.constant 1.275000e+02 : f32
    %mul3A_784 = vector.broadcast %mul3A_783 : f32 to vector<16xf32>
    %mul3A_785 = arith.mulf %add3A_782, %mul3A_784 : vector<16xf32>
    %mul3A_786 = arith.constant 7.812500e-03 : f32
    %mul3A_787 = vector.broadcast %mul3A_786 : f32 to vector<16xf32>
    %mul3A_788 = arith.mulf %get3A_773, %mul3A_787 : vector<16xf32>
    %sub3A_789 = arith.constant 1.000000e+00 : f32
    %sub3A_790 = vector.broadcast %sub3A_789 : f32 to vector<16xf32>
    %sub3A_791 = arith.subf %mul3A_788, %sub3A_790 : vector<16xf32>
    %add3A_792 = arith.constant 1.000000e+00 : f32
    %add3A_793 = vector.broadcast %add3A_792 : f32 to vector<16xf32>
    %add3A_794 = arith.addf %sub3A_791, %add3A_793 : vector<16xf32>
    %mul3A_795 = arith.constant 1.275000e+02 : f32
    %mul3A_796 = vector.broadcast %mul3A_795 : f32 to vector<16xf32>
    %mul3A_797 = arith.mulf %add3A_794, %mul3A_796 : vector<16xf32>
    %convert_element_type3A_798 = arith.fptosi %mul3A_785 : vector<16xf32> to vector<16xi32>
    %jit3A_799 = arith.constant 0 : i32
    %jit3A_800 = arith.constant 255 : i32
    %max3A_801 = vector.broadcast %jit3A_799 : i32 to vector<16xi32>
    %max3A_802 = arith.maxsi %max3A_801, %convert_element_type3A_798 : vector<16xi32>
    %min3A_803 = vector.broadcast %jit3A_800 : i32 to vector<16xi32>
    %min3A_804 = arith.minsi %min3A_803, %max3A_802 : vector<16xi32>
    %convert_element_type3A_805 = arith.fptosi %mul3A_797 : vector<16xf32> to vector<16xi32>
    %jit3A_806 = arith.constant 0 : i32
    %jit3A_807 = arith.constant 255 : i32
    %max3A_808 = vector.broadcast %jit3A_806 : i32 to vector<16xi32>
    %max3A_809 = arith.maxsi %max3A_808, %convert_element_type3A_805 : vector<16xi32>
    %min3A_810 = vector.broadcast %jit3A_807 : i32 to vector<16xi32>
    %min3A_811 = arith.minsi %min3A_810, %max3A_809 : vector<16xi32>
    %add3A_812 = arith.constant 1 : i32
    %add3A_813 = vector.broadcast %add3A_812 : i32 to vector<16xi32>
    %add3A_814 = arith.addi %min3A_804, %add3A_813 : vector<16xi32>
    %min3A_815 = arith.constant 255 : i32
    %min3A_816 = vector.broadcast %min3A_815 : i32 to vector<16xi32>
    %min3A_817 = arith.minsi %add3A_814, %min3A_816 : vector<16xi32>
    %add3A_818 = arith.constant 1 : i32
    %add3A_819 = vector.broadcast %add3A_818 : i32 to vector<16xi32>
    %add3A_820 = arith.addi %min3A_811, %add3A_819 : vector<16xi32>
    %min3A_821 = arith.constant 255 : i32
    %min3A_822 = vector.broadcast %min3A_821 : i32 to vector<16xi32>
    %min3A_823 = arith.minsi %add3A_820, %min3A_822 : vector<16xi32>
    %mul3A_824 = arith.constant 256 : i32
    %mul3A_825 = vector.broadcast %mul3A_824 : i32 to vector<16xi32>
    %mul3A_826 = arith.muli %min3A_811, %mul3A_825 : vector<16xi32>
    %add3A_827 = vector.broadcast %mul3A_20 : i32 to vector<16xi32>
    %add3A_828 = arith.addi %add3A_827, %mul3A_826 : vector<16xi32>
    %mul3A_829 = arith.constant 256 : i32
    %mul3A_830 = vector.broadcast %mul3A_829 : i32 to vector<16xi32>
    %mul3A_831 = arith.muli %min3A_823, %mul3A_830 : vector<16xi32>
    %add3A_832 = vector.broadcast %mul3A_20 : i32 to vector<16xi32>
    %add3A_833 = arith.addi %add3A_832, %mul3A_831 : vector<16xi32>
    %add3A_834 = arith.addi %add3A_828, %min3A_804 : vector<16xi32>
    %add3A_835 = arith.addi %add3A_828, %min3A_817 : vector<16xi32>
    %add3A_836 = arith.addi %add3A_833, %min3A_804 : vector<16xi32>
    %add3A_837 = arith.addi %add3A_833, %min3A_817 : vector<16xi32>
    %swap3A_838 = arith.constant 1 : i32
    %swap3A_839 = arith.index_cast %swap3A_838 : i32 to index
    %swap3A_840 = arith.constant 0 : index
    %swap3A_841 = tpu.vector_load %arg8[%swap3A_839, %swap3A_840] {strides = array<i32>} : memref<5x128xi32, #tpu.memory_space<vmem>>, vector<1x16xi32>,
    %swap3A_842 = vector.shape_cast %swap3A_841 : vector<1x16xi32> to vector<16xi32>
    %swap3A_843 = vector.shape_cast %add3A_834 : vector<16xi32> to vector<1x16xi32>
    tpu.vector_store %arg8[%swap3A_839, %swap3A_840], %swap3A_843 {strides = array<i32>} : memref<5x128xi32, #tpu.memory_space<vmem>>, vector<1x16xi32>,
    %swap3A_844 = arith.constant 2 : i32
    %swap3A_845 = arith.index_cast %swap3A_844 : i32 to index
    %swap3A_846 = arith.constant 32 : index
    %swap3A_847 = tpu.vector_load %arg8[%swap3A_845, %swap3A_846] {strides = array<i32>} : memref<5x128xi32, #tpu.memory_space<vmem>>, vector<1x16xi32>,
    %swap3A_848 = vector.shape_cast %swap3A_847 : vector<1x16xi32> to vector<16xi32>
    %swap3A_849 = vector.shape_cast %add3A_835 : vector<16xi32> to vector<1x16xi32>
    tpu.vector_store %arg8[%swap3A_845, %swap3A_846], %swap3A_849 {strides = array<i32>} : memref<5x128xi32, #tpu.memory_space<vmem>>, vector<1x16xi32>,
    %swap3A_850 = arith.constant 3 : i32
    %swap3A_851 = arith.index_cast %swap3A_850 : i32 to index
    %swap3A_852 = arith.constant 64 : index
    %swap3A_853 = tpu.vector_load %arg8[%swap3A_851, %swap3A_852] {strides = array<i32>} : memref<5x128xi32, #tpu.memory_space<vmem>>, vector<1x16xi32>,
    %swap3A_854 = vector.shape_cast %swap3A_853 : vector<1x16xi32> to vector<16xi32>
    %swap3A_855 = vector.shape_cast %add3A_836 : vector<16xi32> to vector<1x16xi32>
    tpu.vector_store %arg8[%swap3A_851, %swap3A_852], %swap3A_855 {strides = array<i32>} : memref<5x128xi32, #tpu.memory_space<vmem>>, vector<1x16xi32>,
    %swap3A_856 = arith.constant 4 : i32
    %swap3A_857 = arith.index_cast %swap3A_856 : i32 to index
    %swap3A_858 = arith.constant 96 : index
    %swap3A_859 = tpu.vector_load %arg8[%swap3A_857, %swap3A_858] {strides = array<i32>} : memref<5x128xi32, #tpu.memory_space<vmem>>, vector<1x16xi32>,
    %swap3A_860 = vector.shape_cast %swap3A_859 : vector<1x16xi32> to vector<16xi32>
    %swap3A_861 = vector.shape_cast %add3A_837 : vector<16xi32> to vector<1x16xi32>
    tpu.vector_store %arg8[%swap3A_857, %swap3A_858], %swap3A_861 {strides = array<i32>} : memref<5x128xi32, #tpu.memory_space<vmem>>, vector<1x16xi32>,
    %get3A_862 = arith.constant 144 : index
    %get3A_863 = tpu.vector_load %arg6[%get3A_862] {strides = array<i32>} : memref<160xf32, #tpu.memory_space<vmem>>, vector<16xf32>,
    %get3A_864 = vector.shape_cast %get3A_863 : vector<16xf32> to vector<16xf32>
    %get3A_865 = arith.constant 144 : index
    %get3A_866 = tpu.vector_load %arg7[%get3A_865] {strides = array<i32>} : memref<160xf32, #tpu.memory_space<vmem>>, vector<16xf32>,
    %get3A_867 = vector.shape_cast %get3A_866 : vector<16xf32> to vector<16xf32>
    %mul3A_868 = arith.constant 7.812500e-03 : f32
    %mul3A_869 = vector.broadcast %mul3A_868 : f32 to vector<16xf32>
    %mul3A_870 = arith.mulf %get3A_864, %mul3A_869 : vector<16xf32>
    %sub3A_871 = arith.constant 1.000000e+00 : f32
    %sub3A_872 = vector.broadcast %sub3A_871 : f32 to vector<16xf32>
    %sub3A_873 = arith.subf %mul3A_870, %sub3A_872 : vector<16xf32>
    %add3A_874 = arith.constant 1.000000e+00 : f32
    %add3A_875 = vector.broadcast %add3A_874 : f32 to vector<16xf32>
    %add3A_876 = arith.addf %sub3A_873, %add3A_875 : vector<16xf32>
    %mul3A_877 = arith.constant 1.275000e+02 : f32
    %mul3A_878 = vector.broadcast %mul3A_877 : f32 to vector<16xf32>
    %mul3A_879 = arith.mulf %add3A_876, %mul3A_878 : vector<16xf32>
    %mul3A_880 = arith.constant 7.812500e-03 : f32
    %mul3A_881 = vector.broadcast %mul3A_880 : f32 to vector<16xf32>
    %mul3A_882 = arith.mulf %get3A_867, %mul3A_881 : vector<16xf32>
    %sub3A_883 = arith.constant 1.000000e+00 : f32
    %sub3A_884 = vector.broadcast %sub3A_883 : f32 to vector<16xf32>
    %sub3A_885 = arith.subf %mul3A_882, %sub3A_884 : vector<16xf32>
    %add3A_886 = arith.constant 1.000000e+00 : f32
    %add3A_887 = vector.broadcast %add3A_886 : f32 to vector<16xf32>
    %add3A_888 = arith.addf %sub3A_885, %add3A_887 : vector<16xf32>
    %mul3A_889 = arith.constant 1.275000e+02 : f32
    %mul3A_890 = vector.broadcast %mul3A_889 : f32 to vector<16xf32>
    %mul3A_891 = arith.mulf %add3A_888, %mul3A_890 : vector<16xf32>
    %convert_element_type3A_892 = arith.fptosi %mul3A_879 : vector<16xf32> to vector<16xi32>
    %jit3A_893 = arith.constant 0 : i32
    %jit3A_894 = arith.constant 255 : i32
    %max3A_895 = vector.broadcast %jit3A_893 : i32 to vector<16xi32>
    %max3A_896 = arith.maxsi %max3A_895, %convert_element_type3A_892 : vector<16xi32>
    %min3A_897 = vector.broadcast %jit3A_894 : i32 to vector<16xi32>
    %min3A_898 = arith.minsi %min3A_897, %max3A_896 : vector<16xi32>
    %convert_element_type3A_899 = arith.fptosi %mul3A_891 : vector<16xf32> to vector<16xi32>
    %jit3A_900 = arith.constant 0 : i32
    %jit3A_901 = arith.constant 255 : i32
    %max3A_902 = vector.broadcast %jit3A_900 : i32 to vector<16xi32>
    %max3A_903 = arith.maxsi %max3A_902, %convert_element_type3A_899 : vector<16xi32>
    %min3A_904 = vector.broadcast %jit3A_901 : i32 to vector<16xi32>
    %min3A_905 = arith.minsi %min3A_904, %max3A_903 : vector<16xi32>
    %add3A_906 = arith.constant 1 : i32
    %add3A_907 = vector.broadcast %add3A_906 : i32 to vector<16xi32>
    %add3A_908 = arith.addi %min3A_898, %add3A_907 : vector<16xi32>
    %min3A_909 = arith.constant 255 : i32
    %min3A_910 = vector.broadcast %min3A_909 : i32 to vector<16xi32>
    %min3A_911 = arith.minsi %add3A_908, %min3A_910 : vector<16xi32>
    %add3A_912 = arith.constant 1 : i32
    %add3A_913 = vector.broadcast %add3A_912 : i32 to vector<16xi32>
    %add3A_914 = arith.addi %min3A_905, %add3A_913 : vector<16xi32>
    %min3A_915 = arith.constant 255 : i32
    %min3A_916 = vector.broadcast %min3A_915 : i32 to vector<16xi32>
    %min3A_917 = arith.minsi %add3A_914, %min3A_916 : vector<16xi32>
    %mul3A_918 = arith.constant 256 : i32
    %mul3A_919 = vector.broadcast %mul3A_918 : i32 to vector<16xi32>
    %mul3A_920 = arith.muli %min3A_905, %mul3A_919 : vector<16xi32>
    %add3A_921 = vector.broadcast %mul3A_20 : i32 to vector<16xi32>
    %add3A_922 = arith.addi %add3A_921, %mul3A_920 : vector<16xi32>
    %mul3A_923 = arith.constant 256 : i32
    %mul3A_924 = vector.broadcast %mul3A_923 : i32 to vector<16xi32>
    %mul3A_925 = arith.muli %min3A_917, %mul3A_924 : vector<16xi32>
    %add3A_926 = vector.broadcast %mul3A_20 : i32 to vector<16xi32>
    %add3A_927 = arith.addi %add3A_926, %mul3A_925 : vector<16xi32>
    %add3A_928 = arith.addi %add3A_922, %min3A_898 : vector<16xi32>
    %add3A_929 = arith.addi %add3A_922, %min3A_911 : vector<16xi32>
    %add3A_930 = arith.addi %add3A_927, %min3A_898 : vector<16xi32>
    %add3A_931 = arith.addi %add3A_927, %min3A_911 : vector<16xi32>
    %swap3A_932 = arith.constant 1 : i32
    %swap3A_933 = arith.index_cast %swap3A_932 : i32 to index
    %swap3A_934 = arith.constant 16 : index
    %swap3A_935 = tpu.vector_load %arg8[%swap3A_933, %swap3A_934] {strides = array<i32>} : memref<5x128xi32, #tpu.memory_space<vmem>>, vector<1x16xi32>,
    %swap3A_936 = vector.shape_cast %swap3A_935 : vector<1x16xi32> to vector<16xi32>
    %swap3A_937 = vector.shape_cast %add3A_928 : vector<16xi32> to vector<1x16xi32>
    tpu.vector_store %arg8[%swap3A_933, %swap3A_934], %swap3A_937 {strides = array<i32>} : memref<5x128xi32, #tpu.memory_space<vmem>>, vector<1x16xi32>,
    %swap3A_938 = arith.constant 2 : i32
    %swap3A_939 = arith.index_cast %swap3A_938 : i32 to index
    %swap3A_940 = arith.constant 48 : index
    %swap3A_941 = tpu.vector_load %arg8[%swap3A_939, %swap3A_940] {strides = array<i32>} : memref<5x128xi32, #tpu.memory_space<vmem>>, vector<1x16xi32>,
    %swap3A_942 = vector.shape_cast %swap3A_941 : vector<1x16xi32> to vector<16xi32>
    %swap3A_943 = vector.shape_cast %add3A_929 : vector<16xi32> to vector<1x16xi32>
    tpu.vector_store %arg8[%swap3A_939, %swap3A_940], %swap3A_943 {strides = array<i32>} : memref<5x128xi32, #tpu.memory_space<vmem>>, vector<1x16xi32>,
    %swap3A_944 = arith.constant 3 : i32
    %swap3A_945 = arith.index_cast %swap3A_944 : i32 to index
    %swap3A_946 = arith.constant 80 : index
    %swap3A_947 = tpu.vector_load %arg8[%swap3A_945, %swap3A_946] {strides = array<i32>} : memref<5x128xi32, #tpu.memory_space<vmem>>, vector<1x16xi32>,
    %swap3A_948 = vector.shape_cast %swap3A_947 : vector<1x16xi32> to vector<16xi32>
    %swap3A_949 = vector.shape_cast %add3A_930 : vector<16xi32> to vector<1x16xi32>
    tpu.vector_store %arg8[%swap3A_945, %swap3A_946], %swap3A_949 {strides = array<i32>} : memref<5x128xi32, #tpu.memory_space<vmem>>, vector<1x16xi32>,
    %swap3A_950 = arith.constant 4 : i32
    %swap3A_951 = arith.index_cast %swap3A_950 : i32 to index
    %swap3A_952 = arith.constant 112 : index
    %swap3A_953 = tpu.vector_load %arg8[%swap3A_951, %swap3A_952] {strides = array<i32>} : memref<5x128xi32, #tpu.memory_space<vmem>>, vector<1x16xi32>,
    %swap3A_954 = vector.shape_cast %swap3A_953 : vector<1x16xi32> to vector<16xi32>
    %swap3A_955 = vector.shape_cast %add3A_931 : vector<16xi32> to vector<1x16xi32>
    tpu.vector_store %arg8[%swap3A_951, %swap3A_952], %swap3A_955 {strides = array<i32>} : memref<5x128xi32, #tpu.memory_space<vmem>>, vector<1x16xi32>,
    %dma_start3A = arith.constant 0 : i32
    %dma_start3A_956 = arith.constant 0 : i32
    %dma_start3A_957 = arith.constant 0 : i32
    %dma_start3A_958 = tpu.memref_slice %arg9[%dma_start3A_956, %dma_start3A_957] : memref<640x64xbf16, #tpu.memory_space<vmem>> -> memref<128x64xbf16, #tpu.memory_space<vmem>>
    %dma_start3A_959 = arith.constant 0 : i32
    %dma_start3A_960 = tpu.memref_slice %arg8[%dma_start3A, %dma_start3A_959] : memref<5x128xi32, #tpu.memory_space<vmem>> -> memref<1x128xi32, #tpu.memory_space<vmem>>
    %dma_start3A_961 = tpu.memref_squeeze %dma_start3A_960 : memref<1x128xi32, #tpu.memory_space<vmem>> -> memref<128xi32, #tpu.memory_space<vmem>>
    %dma_start3A_962 = arith.constant 0 : i32
    %dma_start3A_963 = arith.constant 0 : i32
    %dma_start3A_964 = tpu.memref_slice %arg4[%dma_start3A_962, %dma_start3A_963] : memref<262144x64xbf16, #tpu.memory_space<hbm>> -> memref<262144x64xbf16, #tpu.memory_space<hbm>>
    tpu.enqueue_indirect_dma source(%dma_start3A_964 : memref<262144x64xbf16, #tpu.memory_space<hbm>>) target(%dma_start3A_958 : memref<128x64xbf16, #tpu.memory_space<vmem>>) offsets(%dma_start3A_961 : memref<128xi32, #tpu.memory_space<vmem>>) semaphore(%arg10 : memref<!tpu.dma_semaphore, #tpu.memory_space<semaphore_mem>>)
    %dma_start3A_965 = arith.constant 1 : i32
    %dma_start3A_966 = arith.constant 128 : i32
    %dma_start3A_967 = arith.constant 0 : i32
    %dma_start3A_968 = tpu.memref_slice %arg9[%dma_start3A_966, %dma_start3A_967] : memref<640x64xbf16, #tpu.memory_space<vmem>> -> memref<128x64xbf16, #tpu.memory_space<vmem>>
    %dma_start3A_969 = arith.constant 0 : i32
    %dma_start3A_970 = tpu.memref_slice %arg8[%dma_start3A_965, %dma_start3A_969] : memref<5x128xi32, #tpu.memory_space<vmem>> -> memref<1x128xi32, #tpu.memory_space<vmem>>
    %dma_start3A_971 = tpu.memref_squeeze %dma_start3A_970 : memref<1x128xi32, #tpu.memory_space<vmem>> -> memref<128xi32, #tpu.memory_space<vmem>>
    %dma_start3A_972 = arith.constant 0 : i32
    %dma_start3A_973 = arith.constant 0 : i32
    %dma_start3A_974 = tpu.memref_slice %arg4[%dma_start3A_972, %dma_start3A_973] : memref<262144x64xbf16, #tpu.memory_space<hbm>> -> memref<262144x64xbf16, #tpu.memory_space<hbm>>
    tpu.enqueue_indirect_dma source(%dma_start3A_974 : memref<262144x64xbf16, #tpu.memory_space<hbm>>) target(%dma_start3A_968 : memref<128x64xbf16, #tpu.memory_space<vmem>>) offsets(%dma_start3A_971 : memref<128xi32, #tpu.memory_space<vmem>>) semaphore(%arg10 : memref<!tpu.dma_semaphore, #tpu.memory_space<semaphore_mem>>)
    %dma_start3A_975 = arith.constant 2 : i32
    %dma_start3A_976 = arith.constant 256 : i32
    %dma_start3A_977 = arith.constant 0 : i32
    %dma_start3A_978 = tpu.memref_slice %arg9[%dma_start3A_976, %dma_start3A_977] : memref<640x64xbf16, #tpu.memory_space<vmem>> -> memref<128x64xbf16, #tpu.memory_space<vmem>>
    %dma_start3A_979 = arith.constant 0 : i32
    %dma_start3A_980 = tpu.memref_slice %arg8[%dma_start3A_975, %dma_start3A_979] : memref<5x128xi32, #tpu.memory_space<vmem>> -> memref<1x128xi32, #tpu.memory_space<vmem>>
    %dma_start3A_981 = tpu.memref_squeeze %dma_start3A_980 : memref<1x128xi32, #tpu.memory_space<vmem>> -> memref<128xi32, #tpu.memory_space<vmem>>
    %dma_start3A_982 = arith.constant 0 : i32
    %dma_start3A_983 = arith.constant 0 : i32
    %dma_start3A_984 = tpu.memref_slice %arg4[%dma_start3A_982, %dma_start3A_983] : memref<262144x64xbf16, #tpu.memory_space<hbm>> -> memref<262144x64xbf16, #tpu.memory_space<hbm>>
    tpu.enqueue_indirect_dma source(%dma_start3A_984 : memref<262144x64xbf16, #tpu.memory_space<hbm>>) target(%dma_start3A_978 : memref<128x64xbf16, #tpu.memory_space<vmem>>) offsets(%dma_start3A_981 : memref<128xi32, #tpu.memory_space<vmem>>) semaphore(%arg10 : memref<!tpu.dma_semaphore, #tpu.memory_space<semaphore_mem>>)
    %dma_start3A_985 = arith.constant 3 : i32
    %dma_start3A_986 = arith.constant 384 : i32
    %dma_start3A_987 = arith.constant 0 : i32
    %dma_start3A_988 = tpu.memref_slice %arg9[%dma_start3A_986, %dma_start3A_987] : memref<640x64xbf16, #tpu.memory_space<vmem>> -> memref<128x64xbf16, #tpu.memory_space<vmem>>
    %dma_start3A_989 = arith.constant 0 : i32
    %dma_start3A_990 = tpu.memref_slice %arg8[%dma_start3A_985, %dma_start3A_989] : memref<5x128xi32, #tpu.memory_space<vmem>> -> memref<1x128xi32, #tpu.memory_space<vmem>>
    %dma_start3A_991 = tpu.memref_squeeze %dma_start3A_990 : memref<1x128xi32, #tpu.memory_space<vmem>> -> memref<128xi32, #tpu.memory_space<vmem>>
    %dma_start3A_992 = arith.constant 0 : i32
    %dma_start3A_993 = arith.constant 0 : i32
    %dma_start3A_994 = tpu.memref_slice %arg4[%dma_start3A_992, %dma_start3A_993] : memref<262144x64xbf16, #tpu.memory_space<hbm>> -> memref<262144x64xbf16, #tpu.memory_space<hbm>>
    tpu.enqueue_indirect_dma source(%dma_start3A_994 : memref<262144x64xbf16, #tpu.memory_space<hbm>>) target(%dma_start3A_988 : memref<128x64xbf16, #tpu.memory_space<vmem>>) offsets(%dma_start3A_991 : memref<128xi32, #tpu.memory_space<vmem>>) semaphore(%arg10 : memref<!tpu.dma_semaphore, #tpu.memory_space<semaphore_mem>>)
    %dma_start3A_995 = arith.constant 4 : i32
    %dma_start3A_996 = arith.constant 512 : i32
    %dma_start3A_997 = arith.constant 0 : i32
    %dma_start3A_998 = tpu.memref_slice %arg9[%dma_start3A_996, %dma_start3A_997] : memref<640x64xbf16, #tpu.memory_space<vmem>> -> memref<128x64xbf16, #tpu.memory_space<vmem>>
    %dma_start3A_999 = arith.constant 0 : i32
    %dma_start3A_1000 = tpu.memref_slice %arg8[%dma_start3A_995, %dma_start3A_999] : memref<5x128xi32, #tpu.memory_space<vmem>> -> memref<1x128xi32, #tpu.memory_space<vmem>>
    %dma_start3A_1001 = tpu.memref_squeeze %dma_start3A_1000 : memref<1x128xi32, #tpu.memory_space<vmem>> -> memref<128xi32, #tpu.memory_space<vmem>>
    %dma_start3A_1002 = arith.constant 0 : i32
    %dma_start3A_1003 = arith.constant 0 : i32
    %dma_start3A_1004 = tpu.memref_slice %arg4[%dma_start3A_1002, %dma_start3A_1003] : memref<262144x64xbf16, #tpu.memory_space<hbm>> -> memref<262144x64xbf16, #tpu.memory_space<hbm>>
    tpu.enqueue_indirect_dma source(%dma_start3A_1004 : memref<262144x64xbf16, #tpu.memory_space<hbm>>) target(%dma_start3A_998 : memref<128x64xbf16, #tpu.memory_space<vmem>>) offsets(%dma_start3A_1001 : memref<128xi32, #tpu.memory_space<vmem>>) semaphore(%arg10 : memref<!tpu.dma_semaphore, #tpu.memory_space<semaphore_mem>>)
    %dma_wait3A = arith.constant 0 : i32
    %dma_wait3A_1005 = arith.constant 0 : i32
    %dma_wait3A_1006 = arith.constant 0 : i32
    %dma_wait3A_1007 = tpu.memref_slice %arg9[%dma_wait3A_1005, %dma_wait3A_1006] : memref<640x64xbf16, #tpu.memory_space<vmem>> -> memref<128x64xbf16, #tpu.memory_space<vmem>>
    %dma_wait3A_1008 = arith.constant 0 : i32
    %dma_wait3A_1009 = tpu.memref_slice %arg8[%dma_wait3A, %dma_wait3A_1008] : memref<5x128xi32, #tpu.memory_space<vmem>> -> memref<1x128xi32, #tpu.memory_space<vmem>>
    %dma_wait3A_1010 = tpu.memref_squeeze %dma_wait3A_1009 : memref<1x128xi32, #tpu.memory_space<vmem>> -> memref<128xi32, #tpu.memory_space<vmem>>
    %dma_wait3A_1011 = arith.constant 0 : i32
    %dma_wait3A_1012 = arith.constant 0 : i32
    %dma_wait3A_1013 = tpu.memref_slice %arg4[%dma_wait3A_1011, %dma_wait3A_1012] : memref<262144x64xbf16, #tpu.memory_space<hbm>> -> memref<262144x64xbf16, #tpu.memory_space<hbm>>
    tpu.wait_indirect_dma semaphore(%arg10 : memref<!tpu.dma_semaphore, #tpu.memory_space<semaphore_mem>>) src(%dma_wait3A_1013 : memref<262144x64xbf16, #tpu.memory_space<hbm>>) dst(%dma_wait3A_1007 : memref<128x64xbf16, #tpu.memory_space<vmem>>)
    %dma_wait3A_1014 = arith.constant 1 : i32
    %dma_wait3A_1015 = arith.constant 128 : i32
    %dma_wait3A_1016 = arith.constant 0 : i32
    %dma_wait3A_1017 = tpu.memref_slice %arg9[%dma_wait3A_1015, %dma_wait3A_1016] : memref<640x64xbf16, #tpu.memory_space<vmem>> -> memref<128x64xbf16, #tpu.memory_space<vmem>>
    %dma_wait3A_1018 = arith.constant 0 : i32
    %dma_wait3A_1019 = tpu.memref_slice %arg8[%dma_wait3A_1014, %dma_wait3A_1018] : memref<5x128xi32, #tpu.memory_space<vmem>> -> memref<1x128xi32, #tpu.memory_space<vmem>>
    %dma_wait3A_1020 = tpu.memref_squeeze %dma_wait3A_1019 : memref<1x128xi32, #tpu.memory_space<vmem>> -> memref<128xi32, #tpu.memory_space<vmem>>
    %dma_wait3A_1021 = arith.constant 0 : i32
    %dma_wait3A_1022 = arith.constant 0 : i32
    %dma_wait3A_1023 = tpu.memref_slice %arg4[%dma_wait3A_1021, %dma_wait3A_1022] : memref<262144x64xbf16, #tpu.memory_space<hbm>> -> memref<262144x64xbf16, #tpu.memory_space<hbm>>
    tpu.wait_indirect_dma semaphore(%arg10 : memref<!tpu.dma_semaphore, #tpu.memory_space<semaphore_mem>>) src(%dma_wait3A_1023 : memref<262144x64xbf16, #tpu.memory_space<hbm>>) dst(%dma_wait3A_1017 : memref<128x64xbf16, #tpu.memory_space<vmem>>)
    %dma_wait3A_1024 = arith.constant 2 : i32
    %dma_wait3A_1025 = arith.constant 256 : i32
    %dma_wait3A_1026 = arith.constant 0 : i32
    %dma_wait3A_1027 = tpu.memref_slice %arg9[%dma_wait3A_1025, %dma_wait3A_1026] : memref<640x64xbf16, #tpu.memory_space<vmem>> -> memref<128x64xbf16, #tpu.memory_space<vmem>>
    %dma_wait3A_1028 = arith.constant 0 : i32
    %dma_wait3A_1029 = tpu.memref_slice %arg8[%dma_wait3A_1024, %dma_wait3A_1028] : memref<5x128xi32, #tpu.memory_space<vmem>> -> memref<1x128xi32, #tpu.memory_space<vmem>>
    %dma_wait3A_1030 = tpu.memref_squeeze %dma_wait3A_1029 : memref<1x128xi32, #tpu.memory_space<vmem>> -> memref<128xi32, #tpu.memory_space<vmem>>
    %dma_wait3A_1031 = arith.constant 0 : i32
    %dma_wait3A_1032 = arith.constant 0 : i32
    %dma_wait3A_1033 = tpu.memref_slice %arg4[%dma_wait3A_1031, %dma_wait3A_1032] : memref<262144x64xbf16, #tpu.memory_space<hbm>> -> memref<262144x64xbf16, #tpu.memory_space<hbm>>
    tpu.wait_indirect_dma semaphore(%arg10 : memref<!tpu.dma_semaphore, #tpu.memory_space<semaphore_mem>>) src(%dma_wait3A_1033 : memref<262144x64xbf16, #tpu.memory_space<hbm>>) dst(%dma_wait3A_1027 : memref<128x64xbf16, #tpu.memory_space<vmem>>)
    %dma_wait3A_1034 = arith.constant 3 : i32
    %dma_wait3A_1035 = arith.constant 384 : i32
    %dma_wait3A_1036 = arith.constant 0 : i32
    %dma_wait3A_1037 = tpu.memref_slice %arg9[%dma_wait3A_1035, %dma_wait3A_1036] : memref<640x64xbf16, #tpu.memory_space<vmem>> -> memref<128x64xbf16, #tpu.memory_space<vmem>>
    %dma_wait3A_1038 = arith.constant 0 : i32
    %dma_wait3A_1039 = tpu.memref_slice %arg8[%dma_wait3A_1034, %dma_wait3A_1038] : memref<5x128xi32, #tpu.memory_space<vmem>> -> memref<1x128xi32, #tpu.memory_space<vmem>>
    %dma_wait3A_1040 = tpu.memref_squeeze %dma_wait3A_1039 : memref<1x128xi32, #tpu.memory_space<vmem>> -> memref<128xi32, #tpu.memory_space<vmem>>
    %dma_wait3A_1041 = arith.constant 0 : i32
    %dma_wait3A_1042 = arith.constant 0 : i32
    %dma_wait3A_1043 = tpu.memref_slice %arg4[%dma_wait3A_1041, %dma_wait3A_1042] : memref<262144x64xbf16, #tpu.memory_space<hbm>> -> memref<262144x64xbf16, #tpu.memory_space<hbm>>
    tpu.wait_indirect_dma semaphore(%arg10 : memref<!tpu.dma_semaphore, #tpu.memory_space<semaphore_mem>>) src(%dma_wait3A_1043 : memref<262144x64xbf16, #tpu.memory_space<hbm>>) dst(%dma_wait3A_1037 : memref<128x64xbf16, #tpu.memory_space<vmem>>)
    %dma_wait3A_1044 = arith.constant 4 : i32
    %dma_wait3A_1045 = arith.constant 512 : i32
    %dma_wait3A_1046 = arith.constant 0 : i32
    %dma_wait3A_1047 = tpu.memref_slice %arg9[%dma_wait3A_1045, %dma_wait3A_1046] : memref<640x64xbf16, #tpu.memory_space<vmem>> -> memref<128x64xbf16, #tpu.memory_space<vmem>>
    %dma_wait3A_1048 = arith.constant 0 : i32
    %dma_wait3A_1049 = tpu.memref_slice %arg8[%dma_wait3A_1044, %dma_wait3A_1048] : memref<5x128xi32, #tpu.memory_space<vmem>> -> memref<1x128xi32, #tpu.memory_space<vmem>>
    %dma_wait3A_1050 = tpu.memref_squeeze %dma_wait3A_1049 : memref<1x128xi32, #tpu.memory_space<vmem>> -> memref<128xi32, #tpu.memory_space<vmem>>
    %dma_wait3A_1051 = arith.constant 0 : i32
    %dma_wait3A_1052 = arith.constant 0 : i32
    %dma_wait3A_1053 = tpu.memref_slice %arg4[%dma_wait3A_1051, %dma_wait3A_1052] : memref<262144x64xbf16, #tpu.memory_space<hbm>> -> memref<262144x64xbf16, #tpu.memory_space<hbm>>
    tpu.wait_indirect_dma semaphore(%arg10 : memref<!tpu.dma_semaphore, #tpu.memory_space<semaphore_mem>>) src(%dma_wait3A_1053 : memref<262144x64xbf16, #tpu.memory_space<hbm>>) dst(%dma_wait3A_1047 : memref<128x64xbf16, #tpu.memory_space<vmem>>)
    %run_scoped3A = arith.constant 0 : i32
    "tpu.region"() ({
      %run_scoped3A_1057 = tpu.sem_alloc : memref<!tpu.dma_semaphore, #tpu.memory_space<semaphore_mem>>
      %dma_start3A_1058 = arith.constant 0 : i32
      %dma_start3A_1059 = arith.constant 0 : i32
      %dma_start3A_1060 = tpu.memref_slice %arg9[%dma_start3A_1058, %dma_start3A_1059] : memref<640x64xbf16, #tpu.memory_space<vmem>> -> memref<160x64xbf16, #tpu.memory_space<vmem>>
      %dma_start3A_1061 = arith.constant 0 : i32
      %dma_start3A_1062 = tpu.memref_slice %arg5[%run_scoped3A, %multiple_of3A, %dma_start3A_1061] : memref<4x5120x64xbf16, #tpu.memory_space<hbm>> -> memref<1x160x64xbf16, #tpu.memory_space<hbm>>
      %dma_start3A_1063 = tpu.memref_squeeze %dma_start3A_1062 : memref<1x160x64xbf16, #tpu.memory_space<hbm>> -> memref<160x64xbf16, #tpu.memory_space<hbm>>
      %dma_start3A_1064 = arith.constant 0 : i32
      %dma_start3A_1065 = tpu.memref_slice %arg5[%run_scoped3A, %multiple_of3A, %dma_start3A_1064] : memref<4x5120x64xbf16, #tpu.memory_space<hbm>> -> memref<1x160x64xbf16, #tpu.memory_space<hbm>>
      %dma_start3A_1066 = tpu.memref_squeeze %dma_start3A_1065 : memref<1x160x64xbf16, #tpu.memory_space<hbm>> -> memref<160x64xbf16, #tpu.memory_space<hbm>>
      %dma_start3A_1067 = arith.constant 0 : i32
      %dma_start3A_1068 = arith.constant 0 : i32
      %dma_start3A_1069 = tpu.memref_slice %arg9[%dma_start3A_1067, %dma_start3A_1068] : memref<640x64xbf16, #tpu.memory_space<vmem>> -> memref<160x64xbf16, #tpu.memory_space<vmem>>
      tpu.enqueue_dma source(%dma_start3A_1069 : memref<160x64xbf16, #tpu.memory_space<vmem>>) target(%dma_start3A_1066 : memref<160x64xbf16, #tpu.memory_space<hbm>>) target_semaphore(%run_scoped3A_1057 : memref<!tpu.dma_semaphore, #tpu.memory_space<semaphore_mem>>)
      %dma_wait3A_1070 = arith.constant 0 : i32
      %dma_wait3A_1071 = arith.constant 0 : i32
      %dma_wait3A_1072 = tpu.memref_slice %arg9[%dma_wait3A_1070, %dma_wait3A_1071] : memref<640x64xbf16, #tpu.memory_space<vmem>> -> memref<160x64xbf16, #tpu.memory_space<vmem>>
      %dma_wait3A_1073 = arith.constant 0 : i32
      %dma_wait3A_1074 = tpu.memref_slice %arg5[%run_scoped3A, %multiple_of3A, %dma_wait3A_1073] : memref<4x5120x64xbf16, #tpu.memory_space<hbm>> -> memref<1x160x64xbf16, #tpu.memory_space<hbm>>
      %dma_wait3A_1075 = tpu.memref_squeeze %dma_wait3A_1074 : memref<1x160x64xbf16, #tpu.memory_space<hbm>> -> memref<160x64xbf16, #tpu.memory_space<hbm>>
      %dma_wait3A_1076 = arith.constant 0 : i32
      %dma_wait3A_1077 = tpu.memref_slice %arg5[%run_scoped3A, %multiple_of3A, %dma_wait3A_1076] : memref<4x5120x64xbf16, #tpu.memory_space<hbm>> -> memref<1x160x64xbf16, #tpu.memory_space<hbm>>
      %dma_wait3A_1078 = tpu.memref_squeeze %dma_wait3A_1077 : memref<1x160x64xbf16, #tpu.memory_space<hbm>> -> memref<160x64xbf16, #tpu.memory_space<hbm>>
      %dma_wait3A_1079 = arith.constant 0 : i32
      %dma_wait3A_1080 = arith.constant 0 : i32
      %dma_wait3A_1081 = tpu.memref_slice %arg9[%dma_wait3A_1079, %dma_wait3A_1080] : memref<640x64xbf16, #tpu.memory_space<vmem>> -> memref<160x64xbf16, #tpu.memory_space<vmem>>
      tpu.wait_dma2 semaphore(%run_scoped3A_1057 : memref<!tpu.dma_semaphore, #tpu.memory_space<semaphore_mem>>) src(%dma_wait3A_1081 : memref<160x64xbf16, #tpu.memory_space<vmem>>) dst(%dma_wait3A_1078 : memref<160x64xbf16, #tpu.memory_space<hbm>>)
      tpu.yield
    }) : () -> ()
    %run_scoped3A_1054 = arith.constant 1 : i32
    "tpu.region"() ({
      %run_scoped3A_1057 = tpu.sem_alloc : memref<!tpu.dma_semaphore, #tpu.memory_space<semaphore_mem>>
      %dma_start3A_1058 = arith.constant 160 : i32
      %dma_start3A_1059 = arith.constant 0 : i32
      %dma_start3A_1060 = tpu.memref_slice %arg9[%dma_start3A_1058, %dma_start3A_1059] : memref<640x64xbf16, #tpu.memory_space<vmem>> -> memref<160x64xbf16, #tpu.memory_space<vmem>>
      %dma_start3A_1061 = arith.constant 0 : i32
      %dma_start3A_1062 = tpu.memref_slice %arg5[%run_scoped3A_1054, %multiple_of3A, %dma_start3A_1061] : memref<4x5120x64xbf16, #tpu.memory_space<hbm>> -> memref<1x160x64xbf16, #tpu.memory_space<hbm>>
      %dma_start3A_1063 = tpu.memref_squeeze %dma_start3A_1062 : memref<1x160x64xbf16, #tpu.memory_space<hbm>> -> memref<160x64xbf16, #tpu.memory_space<hbm>>
      %dma_start3A_1064 = arith.constant 0 : i32
      %dma_start3A_1065 = tpu.memref_slice %arg5[%run_scoped3A_1054, %multiple_of3A, %dma_start3A_1064] : memref<4x5120x64xbf16, #tpu.memory_space<hbm>> -> memref<1x160x64xbf16, #tpu.memory_space<hbm>>
      %dma_start3A_1066 = tpu.memref_squeeze %dma_start3A_1065 : memref<1x160x64xbf16, #tpu.memory_space<hbm>> -> memref<160x64xbf16, #tpu.memory_space<hbm>>
      %dma_start3A_1067 = arith.constant 160 : i32
      %dma_start3A_1068 = arith.constant 0 : i32
      %dma_start3A_1069 = tpu.memref_slice %arg9[%dma_start3A_1067, %dma_start3A_1068] : memref<640x64xbf16, #tpu.memory_space<vmem>> -> memref<160x64xbf16, #tpu.memory_space<vmem>>
      tpu.enqueue_dma source(%dma_start3A_1069 : memref<160x64xbf16, #tpu.memory_space<vmem>>) target(%dma_start3A_1066 : memref<160x64xbf16, #tpu.memory_space<hbm>>) target_semaphore(%run_scoped3A_1057 : memref<!tpu.dma_semaphore, #tpu.memory_space<semaphore_mem>>)
      %dma_wait3A_1070 = arith.constant 160 : i32
      %dma_wait3A_1071 = arith.constant 0 : i32
      %dma_wait3A_1072 = tpu.memref_slice %arg9[%dma_wait3A_1070, %dma_wait3A_1071] : memref<640x64xbf16, #tpu.memory_space<vmem>> -> memref<160x64xbf16, #tpu.memory_space<vmem>>
      %dma_wait3A_1073 = arith.constant 0 : i32
      %dma_wait3A_1074 = tpu.memref_slice %arg5[%run_scoped3A_1054, %multiple_of3A, %dma_wait3A_1073] : memref<4x5120x64xbf16, #tpu.memory_space<hbm>> -> memref<1x160x64xbf16, #tpu.memory_space<hbm>>
      %dma_wait3A_1075 = tpu.memref_squeeze %dma_wait3A_1074 : memref<1x160x64xbf16, #tpu.memory_space<hbm>> -> memref<160x64xbf16, #tpu.memory_space<hbm>>
      %dma_wait3A_1076 = arith.constant 0 : i32
      %dma_wait3A_1077 = tpu.memref_slice %arg5[%run_scoped3A_1054, %multiple_of3A, %dma_wait3A_1076] : memref<4x5120x64xbf16, #tpu.memory_space<hbm>> -> memref<1x160x64xbf16, #tpu.memory_space<hbm>>
      %dma_wait3A_1078 = tpu.memref_squeeze %dma_wait3A_1077 : memref<1x160x64xbf16, #tpu.memory_space<hbm>> -> memref<160x64xbf16, #tpu.memory_space<hbm>>
      %dma_wait3A_1079 = arith.constant 160 : i32
      %dma_wait3A_1080 = arith.constant 0 : i32
      %dma_wait3A_1081 = tpu.memref_slice %arg9[%dma_wait3A_1079, %dma_wait3A_1080] : memref<640x64xbf16, #tpu.memory_space<vmem>> -> memref<160x64xbf16, #tpu.memory_space<vmem>>
      tpu.wait_dma2 semaphore(%run_scoped3A_1057 : memref<!tpu.dma_semaphore, #tpu.memory_space<semaphore_mem>>) src(%dma_wait3A_1081 : memref<160x64xbf16, #tpu.memory_space<vmem>>) dst(%dma_wait3A_1078 : memref<160x64xbf16, #tpu.memory_space<hbm>>)
      tpu.yield
    }) : () -> ()
    %run_scoped3A_1055 = arith.constant 2 : i32
    "tpu.region"() ({
      %run_scoped3A_1057 = tpu.sem_alloc : memref<!tpu.dma_semaphore, #tpu.memory_space<semaphore_mem>>
      %dma_start3A_1058 = arith.constant 320 : i32
      %dma_start3A_1059 = arith.constant 0 : i32
      %dma_start3A_1060 = tpu.memref_slice %arg9[%dma_start3A_1058, %dma_start3A_1059] : memref<640x64xbf16, #tpu.memory_space<vmem>> -> memref<160x64xbf16, #tpu.memory_space<vmem>>
      %dma_start3A_1061 = arith.constant 0 : i32
      %dma_start3A_1062 = tpu.memref_slice %arg5[%run_scoped3A_1055, %multiple_of3A, %dma_start3A_1061] : memref<4x5120x64xbf16, #tpu.memory_space<hbm>> -> memref<1x160x64xbf16, #tpu.memory_space<hbm>>
      %dma_start3A_1063 = tpu.memref_squeeze %dma_start3A_1062 : memref<1x160x64xbf16, #tpu.memory_space<hbm>> -> memref<160x64xbf16, #tpu.memory_space<hbm>>
      %dma_start3A_1064 = arith.constant 0 : i32
      %dma_start3A_1065 = tpu.memref_slice %arg5[%run_scoped3A_1055, %multiple_of3A, %dma_start3A_1064] : memref<4x5120x64xbf16, #tpu.memory_space<hbm>> -> memref<1x160x64xbf16, #tpu.memory_space<hbm>>
      %dma_start3A_1066 = tpu.memref_squeeze %dma_start3A_1065 : memref<1x160x64xbf16, #tpu.memory_space<hbm>> -> memref<160x64xbf16, #tpu.memory_space<hbm>>
      %dma_start3A_1067 = arith.constant 320 : i32
      %dma_start3A_1068 = arith.constant 0 : i32
      %dma_start3A_1069 = tpu.memref_slice %arg9[%dma_start3A_1067, %dma_start3A_1068] : memref<640x64xbf16, #tpu.memory_space<vmem>> -> memref<160x64xbf16, #tpu.memory_space<vmem>>
      tpu.enqueue_dma source(%dma_start3A_1069 : memref<160x64xbf16, #tpu.memory_space<vmem>>) target(%dma_start3A_1066 : memref<160x64xbf16, #tpu.memory_space<hbm>>) target_semaphore(%run_scoped3A_1057 : memref<!tpu.dma_semaphore, #tpu.memory_space<semaphore_mem>>)
      %dma_wait3A_1070 = arith.constant 320 : i32
      %dma_wait3A_1071 = arith.constant 0 : i32
      %dma_wait3A_1072 = tpu.memref_slice %arg9[%dma_wait3A_1070, %dma_wait3A_1071] : memref<640x64xbf16, #tpu.memory_space<vmem>> -> memref<160x64xbf16, #tpu.memory_space<vmem>>
      %dma_wait3A_1073 = arith.constant 0 : i32
      %dma_wait3A_1074 = tpu.memref_slice %arg5[%run_scoped3A_1055, %multiple_of3A, %dma_wait3A_1073] : memref<4x5120x64xbf16, #tpu.memory_space<hbm>> -> memref<1x160x64xbf16, #tpu.memory_space<hbm>>
      %dma_wait3A_1075 = tpu.memref_squeeze %dma_wait3A_1074 : memref<1x160x64xbf16, #tpu.memory_space<hbm>> -> memref<160x64xbf16, #tpu.memory_space<hbm>>
      %dma_wait3A_1076 = arith.constant 0 : i32
      %dma_wait3A_1077 = tpu.memref_slice %arg5[%run_scoped3A_1055, %multiple_of3A, %dma_wait3A_1076] : memref<4x5120x64xbf16, #tpu.memory_space<hbm>> -> memref<1x160x64xbf16, #tpu.memory_space<hbm>>
      %dma_wait3A_1078 = tpu.memref_squeeze %dma_wait3A_1077 : memref<1x160x64xbf16, #tpu.memory_space<hbm>> -> memref<160x64xbf16, #tpu.memory_space<hbm>>
      %dma_wait3A_1079 = arith.constant 320 : i32
      %dma_wait3A_1080 = arith.constant 0 : i32
      %dma_wait3A_1081 = tpu.memref_slice %arg9[%dma_wait3A_1079, %dma_wait3A_1080] : memref<640x64xbf16, #tpu.memory_space<vmem>> -> memref<160x64xbf16, #tpu.memory_space<vmem>>
      tpu.wait_dma2 semaphore(%run_scoped3A_1057 : memref<!tpu.dma_semaphore, #tpu.memory_space<semaphore_mem>>) src(%dma_wait3A_1081 : memref<160x64xbf16, #tpu.memory_space<vmem>>) dst(%dma_wait3A_1078 : memref<160x64xbf16, #tpu.memory_space<hbm>>)
      tpu.yield
    }) : () -> ()
    %run_scoped3A_1056 = arith.constant 3 : i32
    "tpu.region"() ({
      %run_scoped3A_1057 = tpu.sem_alloc : memref<!tpu.dma_semaphore, #tpu.memory_space<semaphore_mem>>
      %dma_start3A_1058 = arith.constant 480 : i32
      %dma_start3A_1059 = arith.constant 0 : i32
      %dma_start3A_1060 = tpu.memref_slice %arg9[%dma_start3A_1058, %dma_start3A_1059] : memref<640x64xbf16, #tpu.memory_space<vmem>> -> memref<160x64xbf16, #tpu.memory_space<vmem>>
      %dma_start3A_1061 = arith.constant 0 : i32
      %dma_start3A_1062 = tpu.memref_slice %arg5[%run_scoped3A_1056, %multiple_of3A, %dma_start3A_1061] : memref<4x5120x64xbf16, #tpu.memory_space<hbm>> -> memref<1x160x64xbf16, #tpu.memory_space<hbm>>
      %dma_start3A_1063 = tpu.memref_squeeze %dma_start3A_1062 : memref<1x160x64xbf16, #tpu.memory_space<hbm>> -> memref<160x64xbf16, #tpu.memory_space<hbm>>
      %dma_start3A_1064 = arith.constant 0 : i32
      %dma_start3A_1065 = tpu.memref_slice %arg5[%run_scoped3A_1056, %multiple_of3A, %dma_start3A_1064] : memref<4x5120x64xbf16, #tpu.memory_space<hbm>> -> memref<1x160x64xbf16, #tpu.memory_space<hbm>>
      %dma_start3A_1066 = tpu.memref_squeeze %dma_start3A_1065 : memref<1x160x64xbf16, #tpu.memory_space<hbm>> -> memref<160x64xbf16, #tpu.memory_space<hbm>>
      %dma_start3A_1067 = arith.constant 480 : i32
      %dma_start3A_1068 = arith.constant 0 : i32
      %dma_start3A_1069 = tpu.memref_slice %arg9[%dma_start3A_1067, %dma_start3A_1068] : memref<640x64xbf16, #tpu.memory_space<vmem>> -> memref<160x64xbf16, #tpu.memory_space<vmem>>
      tpu.enqueue_dma source(%dma_start3A_1069 : memref<160x64xbf16, #tpu.memory_space<vmem>>) target(%dma_start3A_1066 : memref<160x64xbf16, #tpu.memory_space<hbm>>) target_semaphore(%run_scoped3A_1057 : memref<!tpu.dma_semaphore, #tpu.memory_space<semaphore_mem>>)
      %dma_wait3A_1070 = arith.constant 480 : i32
      %dma_wait3A_1071 = arith.constant 0 : i32
      %dma_wait3A_1072 = tpu.memref_slice %arg9[%dma_wait3A_1070, %dma_wait3A_1071] : memref<640x64xbf16, #tpu.memory_space<vmem>> -> memref<160x64xbf16, #tpu.memory_space<vmem>>
      %dma_wait3A_1073 = arith.constant 0 : i32
      %dma_wait3A_1074 = tpu.memref_slice %arg5[%run_scoped3A_1056, %multiple_of3A, %dma_wait3A_1073] : memref<4x5120x64xbf16, #tpu.memory_space<hbm>> -> memref<1x160x64xbf16, #tpu.memory_space<hbm>>
      %dma_wait3A_1075 = tpu.memref_squeeze %dma_wait3A_1074 : memref<1x160x64xbf16, #tpu.memory_space<hbm>> -> memref<160x64xbf16, #tpu.memory_space<hbm>>
      %dma_wait3A_1076 = arith.constant 0 : i32
      %dma_wait3A_1077 = tpu.memref_slice %arg5[%run_scoped3A_1056, %multiple_of3A, %dma_wait3A_1076] : memref<4x5120x64xbf16, #tpu.memory_space<hbm>> -> memref<1x160x64xbf16, #tpu.memory_space<hbm>>
      %dma_wait3A_1078 = tpu.memref_squeeze %dma_wait3A_1077 : memref<1x160x64xbf16, #tpu.memory_space<hbm>> -> memref<160x64xbf16, #tpu.memory_space<hbm>>
      %dma_wait3A_1079 = arith.constant 480 : i32
      %dma_wait3A_1080 = arith.constant 0 : i32
      %dma_wait3A_1081 = tpu.memref_slice %arg9[%dma_wait3A_1079, %dma_wait3A_1080] : memref<640x64xbf16, #tpu.memory_space<vmem>> -> memref<160x64xbf16, #tpu.memory_space<vmem>>
      tpu.wait_dma2 semaphore(%run_scoped3A_1057 : memref<!tpu.dma_semaphore, #tpu.memory_space<semaphore_mem>>) src(%dma_wait3A_1081 : memref<160x64xbf16, #tpu.memory_space<vmem>>) dst(%dma_wait3A_1078 : memref<160x64xbf16, #tpu.memory_space<hbm>>)
      tpu.yield
    }) : () -> ()
    return
  }
}

#map = affine_map<(d0, d1) -> (0)>
#map1 = affine_map<(d0, d1) -> (0, 0)>
#map2 = affine_map<(d0, d1) -> (0, 0, 0)>
module attributes {stable_mosaic.version = 14 : i64} {
  func.func @_sc_body(%arg0: i32, %arg1: i32, %arg2: memref<5120xf32, #tpu.memory_space<hbm>>, %arg3: memref<5120xf32, #tpu.memory_space<hbm>>, %arg4: memref<262144x64xbf16, #tpu.memory_space<hbm>>, %arg5: memref<4x5120x64xbf16, #tpu.memory_space<hbm>>, %arg6: memref<160xf32, #tpu.memory_space<vmem>>, %arg7: memref<160xf32, #tpu.memory_space<vmem>>, %arg8: memref<5x128xi32, #tpu.memory_space<vmem>>, %arg9: memref<640x64xbf16, #tpu.memory_space<vmem>>, %arg10: memref<!tpu.dma_semaphore, #tpu.memory_space<semaphore_mem>>) attributes {dimension_semantics = [#tpu.dimension_semantics<core_parallel>, #tpu.dimension_semantics<subcore_parallel>], iteration_bounds = array<i64: 2, 16>, scalar_prefetch = 0 : i64, scratch_operands = 5 : i64, tpu.core_type = #tpu.core_type<sc_vector_subcore>, window_params = [{transform_indices = #map}, {transform_indices = #map}, {transform_indices = #map1}, {transform_indices = #map2}]} {
    %mul3A = arith.constant 2 : i32
    %mul3A_0 = arith.muli %arg1, %mul3A : i32
    %add3A = arith.addi %mul3A_0, %arg0 : i32
    %mul3A_1 = arith.constant 160 : i32
    %mul3A_2 = arith.muli %add3A, %mul3A_1 : i32
    %multiple_of3A = tpu.assume_multiple %mul3A_2, 160 : i32
    "tpu.region"() ({
      %run_scoped3A_1057 = tpu.sem_alloc : memref<!tpu.dma_semaphore, #tpu.memory_space<semaphore_mem>>
      %dma_start3A_1058 = tpu.memref_slice %arg2[%multiple_of3A] : memref<5120xf32, #tpu.memory_space<hbm>> -> memref<160xf32, #tpu.memory_space<hbm>>
      %dma_start3A_1059 = tpu.memref_slice %arg2[%multiple_of3A] : memref<5120xf32, #tpu.memory_space<hbm>> -> memref<160xf32, #tpu.memory_space<hbm>>
      tpu.enqueue_dma source(%dma_start3A_1059 : memref<160xf32, #tpu.memory_space<hbm>>) target(%arg6 : memref<160xf32, #tpu.memory_space<vmem>>) target_semaphore(%run_scoped3A_1057 : memref<!tpu.dma_semaphore, #tpu.memory_space<semaphore_mem>>)
      %dma_wait3A_1060 = tpu.memref_slice %arg2[%multiple_of3A] : memref<5120xf32, #tpu.memory_space<hbm>> -> memref<160xf32, #tpu.memory_space<hbm>>
      %dma_wait3A_1061 = tpu.memref_slice %arg2[%multiple_of3A] : memref<5120xf32, #tpu.memory_space<hbm>> -> memref<160xf32, #tpu.memory_space<hbm>>
      tpu.wait_dma2 semaphore(%run_scoped3A_1057 : memref<!tpu.dma_semaphore, #tpu.memory_space<semaphore_mem>>) src(%dma_wait3A_1061 : memref<160xf32, #tpu.memory_space<hbm>>) dst(%arg6 : memref<160xf32, #tpu.memory_space<vmem>>)
      tpu.yield
    }) : () -> ()
    "tpu.region"() ({
      %run_scoped3A_1057 = tpu.sem_alloc : memref<!tpu.dma_semaphore, #tpu.memory_space<semaphore_mem>>
      %dma_start3A_1058 = tpu.memref_slice %arg3[%multiple_of3A] : memref<5120xf32, #tpu.memory_space<hbm>> -> memref<160xf32, #tpu.memory_space<hbm>>
      %dma_start3A_1059 = tpu.memref_slice %arg3[%multiple_of3A] : memref<5120xf32, #tpu.memory_space<hbm>> -> memref<160xf32, #tpu.memory_space<hbm>>
      tpu.enqueue_dma source(%dma_start3A_1059 : memref<160xf32, #tpu.memory_space<hbm>>) target(%arg7 : memref<160xf32, #tpu.memory_space<vmem>>) target_semaphore(%run_scoped3A_1057 : memref<!tpu.dma_semaphore, #tpu.memory_space<semaphore_mem>>)
      %dma_wait3A_1060 = tpu.memref_slice %arg3[%multiple_of3A] : memref<5120xf32, #tpu.memory_space<hbm>> -> memref<160xf32, #tpu.memory_space<hbm>>
      %dma_wait3A_1061 = tpu.memref_slice %arg3[%multiple_of3A] : memref<5120xf32, #tpu.memory_space<hbm>> -> memref<160xf32, #tpu.memory_space<hbm>>
      tpu.wait_dma2 semaphore(%run_scoped3A_1057 : memref<!tpu.dma_semaphore, #tpu.memory_space<semaphore_mem>>) src(%dma_wait3A_1061 : memref<160xf32, #tpu.memory_space<hbm>>) dst(%arg7 : memref<160xf32, #tpu.memory_space<vmem>>)
      tpu.yield
    }) : () -> ()
    %jit3A = arith.constant 8 : i32
    %div3A = arith.divsi %add3A, %jit3A : i32
    %sign3A = arith.constant 0 : i32
    %sign3A_3 = arith.cmpi sgt, %add3A, %sign3A : i32
    %sign3A_4 = arith.extui %sign3A_3 : i1 to i32
    %sign3A_5 = arith.constant 0 : i32
    %sign3A_6 = arith.cmpi slt, %add3A, %sign3A_5 : i32
    %sign3A_7 = arith.extui %sign3A_6 : i1 to i32
    %sign3A_8 = arith.subi %sign3A_4, %sign3A_7 : i32
    %sign3A_9 = arith.constant 0 : i32
    %sign3A_10 = arith.cmpi sgt, %jit3A, %sign3A_9 : i32
    %sign3A_11 = arith.extui %sign3A_10 : i1 to i32
    %sign3A_12 = arith.constant 0 : i32
    %sign3A_13 = arith.cmpi slt, %jit3A, %sign3A_12 : i32
    %sign3A_14 = arith.extui %sign3A_13 : i1 to i32
    %sign3A_15 = arith.subi %sign3A_11, %sign3A_14 : i32
    %ne3A = arith.cmpi ne, %sign3A_8, %sign3A_15 : i32
    %rem3A = arith.remsi %add3A, %jit3A : i32
    %ne3A_16 = arith.constant 0 : i32
    %ne3A_17 = arith.cmpi ne, %rem3A, %ne3A_16 : i32
    %and3A = arith.andi %ne3A, %ne3A_17 : i1
    %sub3A = arith.constant 1 : i32
    %sub3A_18 = arith.subi %div3A, %sub3A : i32
    %select_n3A = arith.select %and3A, %sub3A_18, %div3A : i32
    %mul3A_19 = arith.constant 65536 : i32
    %mul3A_20 = arith.muli %select_n3A, %mul3A_19 : i32
    %get3A = arith.constant 0 : index
    %get3A_21 = tpu.vector_load %arg6[%get3A] {strides = array<i32>} : memref<160xf32, #tpu.memory_space<vmem>>, vector<16xf32>,
    %get3A_22 = vector.shape_cast %get3A_21 : vector<16xf32> to vector<16xf32>
    %get3A_23 = arith.constant 0 : index
    %get3A_24 = tpu.vector_load %arg7[%get3A_23] {strides = array<i32>} : memref<160xf32, #tpu.memory_space<vmem>>, vector<16xf32>,
    %get3A_25 = vector.shape_cast %get3A_24 : vector<16xf32> to vector<16xf32>
    %mul3A_26 = arith.constant 7.812500e-03 : f32
    %mul3A_27 = vector.broadcast %mul3A_26 : f32 to vector<16xf32>
    %mul3A_28 = arith.mulf %get3A_22, %mul3A_27 : vector<16xf32>
    %sub3A_29 = arith.constant 1.000000e+00 : f32
    %sub3A_30 = vector.broadcast %sub3A_29 : f32 to vector<16xf32>
    %sub3A_31 = arith.subf %mul3A_28, %sub3A_30 : vector<16xf32>
    %add3A_32 = arith.constant 1.000000e+00 : f32
    %add3A_33 = vector.broadcast %add3A_32 : f32 to vector<16xf32>
    %add3A_34 = arith.addf %sub3A_31, %add3A_33 : vector<16xf32>
    %mul3A_35 = arith.constant 1.275000e+02 : f32
    %mul3A_36 = vector.broadcast %mul3A_35 : f32 to vector<16xf32>
    %mul3A_37 = arith.mulf %add3A_34, %mul3A_36 : vector<16xf32>
    %mul3A_38 = arith.constant 7.812500e-03 : f32
    %mul3A_39 = vector.broadcast %mul3A_38 : f32 to vector<16xf32>
    %mul3A_40 = arith.mulf %get3A_25, %mul3A_39 : vector<16xf32>
    %sub3A_41 = arith.constant 1.000000e+00 : f32
    %sub3A_42 = vector.broadcast %sub3A_41 : f32 to vector<16xf32>
    %sub3A_43 = arith.subf %mul3A_40, %sub3A_42 : vector<16xf32>
    %add3A_44 = arith.constant 1.000000e+00 : f32
    %add3A_45 = vector.broadcast %add3A_44 : f32 to vector<16xf32>
    %add3A_46 = arith.addf %sub3A_43, %add3A_45 : vector<16xf32>
    %mul3A_47 = arith.constant 1.275000e+02 : f32
    %mul3A_48 = vector.broadcast %mul3A_47 : f32 to vector<16xf32>
    %mul3A_49 = arith.mulf %add3A_46, %mul3A_48 : vector<16xf32>
    %convert_element_type3A = arith.fptosi %mul3A_37 : vector<16xf32> to vector<16xi32>
    %jit3A_50 = arith.constant 0 : i32
    %jit3A_51 = arith.constant 255 : i32
    %max3A = vector.broadcast %jit3A_50 : i32 to vector<16xi32>
    %max3A_52 = arith.maxsi %max3A, %convert_element_type3A : vector<16xi32>
    %min3A = vector.broadcast %jit3A_51 : i32 to vector<16xi32>
    %min3A_53 = arith.minsi %min3A, %max3A_52 : vector<16xi32>
    %convert_element_type3A_54 = arith.fptosi %mul3A_49 : vector<16xf32> to vector<16xi32>
    %jit3A_55 = arith.constant 0 : i32
    %jit3A_56 = arith.constant 255 : i32
    %max3A_57 = vector.broadcast %jit3A_55 : i32 to vector<16xi32>
    %max3A_58 = arith.maxsi %max3A_57, %convert_element_type3A_54 : vector<16xi32>
    %min3A_59 = vector.broadcast %jit3A_56 : i32 to vector<16xi32>
    %min3A_60 = arith.minsi %min3A_59, %max3A_58 : vector<16xi32>
    %add3A_61 = arith.constant 1 : i32
    %add3A_62 = vector.broadcast %add3A_61 : i32 to vector<16xi32>
    %add3A_63 = arith.addi %min3A_53, %add3A_62 : vector<16xi32>
    %min3A_64 = arith.constant 255 : i32
    %min3A_65 = vector.broadcast %min3A_64 : i32 to vector<16xi32>
    %min3A_66 = arith.minsi %add3A_63, %min3A_65 : vector<16xi32>
    %add3A_67 = arith.constant 1 : i32
    %add3A_68 = vector.broadcast %add3A_67 : i32 to vector<16xi32>
    %add3A_69 = arith.addi %min3A_60, %add3A_68 : vector<16xi32>
    %min3A_70 = arith.constant 255 : i32
    %min3A_71 = vector.broadcast %min3A_70 : i32 to vector<16xi32>
    %min3A_72 = arith.minsi %add3A_69, %min3A_71 : vector<16xi32>
    %mul3A_73 = arith.constant 256 : i32
    %mul3A_74 = vector.broadcast %mul3A_73 : i32 to vector<16xi32>
    %mul3A_75 = arith.muli %min3A_60, %mul3A_74 : vector<16xi32>
    %add3A_76 = vector.broadcast %mul3A_20 : i32 to vector<16xi32>
    %add3A_77 = arith.addi %add3A_76, %mul3A_75 : vector<16xi32>
    %mul3A_78 = arith.constant 256 : i32
    %mul3A_79 = vector.broadcast %mul3A_78 : i32 to vector<16xi32>
    %mul3A_80 = arith.muli %min3A_72, %mul3A_79 : vector<16xi32>
    %add3A_81 = vector.broadcast %mul3A_20 : i32 to vector<16xi32>
    %add3A_82 = arith.addi %add3A_81, %mul3A_80 : vector<16xi32>
    %add3A_83 = arith.addi %add3A_77, %min3A_53 : vector<16xi32>
    %add3A_84 = arith.addi %add3A_77, %min3A_66 : vector<16xi32>
    %add3A_85 = arith.addi %add3A_82, %min3A_53 : vector<16xi32>
    %add3A_86 = arith.addi %add3A_82, %min3A_66 : vector<16xi32>
    %swap3A = arith.constant 0 : i32
    %swap3A_87 = arith.index_cast %swap3A : i32 to index
    %swap3A_88 = arith.constant 0 : index
    %swap3A_89 = tpu.vector_load %arg8[%swap3A_87, %swap3A_88] {strides = array<i32>} : memref<5x128xi32, #tpu.memory_space<vmem>>, vector<1x16xi32>,
    %swap3A_90 = vector.shape_cast %swap3A_89 : vector<1x16xi32> to vector<16xi32>
    %swap3A_91 = vector.shape_cast %add3A_83 : vector<16xi32> to vector<1x16xi32>
    tpu.vector_store %arg8[%swap3A_87, %swap3A_88], %swap3A_91 {strides = array<i32>} : memref<5x128xi32, #tpu.memory_space<vmem>>, vector<1x16xi32>,
    %swap3A_92 = arith.constant 1 : i32
    %swap3A_93 = arith.index_cast %swap3A_92 : i32 to index
    %swap3A_94 = arith.constant 32 : index
    %swap3A_95 = tpu.vector_load %arg8[%swap3A_93, %swap3A_94] {strides = array<i32>} : memref<5x128xi32, #tpu.memory_space<vmem>>, vector<1x16xi32>,
    %swap3A_96 = vector.shape_cast %swap3A_95 : vector<1x16xi32> to vector<16xi32>
    %swap3A_97 = vector.shape_cast %add3A_84 : vector<16xi32> to vector<1x16xi32>
    tpu.vector_store %arg8[%swap3A_93, %swap3A_94], %swap3A_97 {strides = array<i32>} : memref<5x128xi32, #tpu.memory_space<vmem>>, vector<1x16xi32>,
    %swap3A_98 = arith.constant 2 : i32
    %swap3A_99 = arith.index_cast %swap3A_98 : i32 to index
    %swap3A_100 = arith.constant 64 : index
    %swap3A_101 = tpu.vector_load %arg8[%swap3A_99, %swap3A_100] {strides = array<i32>} : memref<5x128xi32, #tpu.memory_space<vmem>>, vector<1x16xi32>,
    %swap3A_102 = vector.shape_cast %swap3A_101 : vector<1x16xi32> to vector<16xi32>
    %swap3A_103 = vector.shape_cast %add3A_85 : vector<16xi32> to vector<1x16xi32>
    tpu.vector_store %arg8[%swap3A_99, %swap3A_100], %swap3A_103 {strides = array<i32>} : memref<5x128xi32, #tpu.memory_space<vmem>>, vector<1x16xi32>,
    %swap3A_104 = arith.constant 3 : i32
    %swap3A_105 = arith.index_cast %swap3A_104 : i32 to index
    %swap3A_106 = arith.constant 96 : index
    %swap3A_107 = tpu.vector_load %arg8[%swap3A_105, %swap3A_106] {strides = array<i32>} : memref<5x128xi32, #tpu.memory_space<vmem>>, vector<1x16xi32>,
    %swap3A_108 = vector.shape_cast %swap3A_107 : vector<1x16xi32> to vector<16xi32>
    %swap3A_109 = vector.shape_cast %add3A_86 : vector<16xi32> to vector<1x16xi32>
    tpu.vector_store %arg8[%swap3A_105, %swap3A_106], %swap3A_109 {strides = array<i32>} : memref<5x128xi32, #tpu.memory_space<vmem>>, vector<1x16xi32>,
    %get3A_110 = arith.constant 16 : index
    %get3A_111 = tpu.vector_load %arg6[%get3A_110] {strides = array<i32>} : memref<160xf32, #tpu.memory_space<vmem>>, vector<16xf32>,
    %get3A_112 = vector.shape_cast %get3A_111 : vector<16xf32> to vector<16xf32>
    %get3A_113 = arith.constant 16 : index
    %get3A_114 = tpu.vector_load %arg7[%get3A_113] {strides = array<i32>} : memref<160xf32, #tpu.memory_space<vmem>>, vector<16xf32>,
    %get3A_115 = vector.shape_cast %get3A_114 : vector<16xf32> to vector<16xf32>
    %mul3A_116 = arith.constant 7.812500e-03 : f32
    %mul3A_117 = vector.broadcast %mul3A_116 : f32 to vector<16xf32>
    %mul3A_118 = arith.mulf %get3A_112, %mul3A_117 : vector<16xf32>
    %sub3A_119 = arith.constant 1.000000e+00 : f32
    %sub3A_120 = vector.broadcast %sub3A_119 : f32 to vector<16xf32>
    %sub3A_121 = arith.subf %mul3A_118, %sub3A_120 : vector<16xf32>
    %add3A_122 = arith.constant 1.000000e+00 : f32
    %add3A_123 = vector.broadcast %add3A_122 : f32 to vector<16xf32>
    %add3A_124 = arith.addf %sub3A_121, %add3A_123 : vector<16xf32>
    %mul3A_125 = arith.constant 1.275000e+02 : f32
    %mul3A_126 = vector.broadcast %mul3A_125 : f32 to vector<16xf32>
    %mul3A_127 = arith.mulf %add3A_124, %mul3A_126 : vector<16xf32>
    %mul3A_128 = arith.constant 7.812500e-03 : f32
    %mul3A_129 = vector.broadcast %mul3A_128 : f32 to vector<16xf32>
    %mul3A_130 = arith.mulf %get3A_115, %mul3A_129 : vector<16xf32>
    %sub3A_131 = arith.constant 1.000000e+00 : f32
    %sub3A_132 = vector.broadcast %sub3A_131 : f32 to vector<16xf32>
    %sub3A_133 = arith.subf %mul3A_130, %sub3A_132 : vector<16xf32>
    %add3A_134 = arith.constant 1.000000e+00 : f32
    %add3A_135 = vector.broadcast %add3A_134 : f32 to vector<16xf32>
    %add3A_136 = arith.addf %sub3A_133, %add3A_135 : vector<16xf32>
    %mul3A_137 = arith.constant 1.275000e+02 : f32
    %mul3A_138 = vector.broadcast %mul3A_137 : f32 to vector<16xf32>
    %mul3A_139 = arith.mulf %add3A_136, %mul3A_138 : vector<16xf32>
    %convert_element_type3A_140 = arith.fptosi %mul3A_127 : vector<16xf32> to vector<16xi32>
    %jit3A_141 = arith.constant 0 : i32
    %jit3A_142 = arith.constant 255 : i32
    %max3A_143 = vector.broadcast %jit3A_141 : i32 to vector<16xi32>
    %max3A_144 = arith.maxsi %max3A_143, %convert_element_type3A_140 : vector<16xi32>
    %min3A_145 = vector.broadcast %jit3A_142 : i32 to vector<16xi32>
    %min3A_146 = arith.minsi %min3A_145, %max3A_144 : vector<16xi32>
    %convert_element_type3A_147 = arith.fptosi %mul3A_139 : vector<16xf32> to vector<16xi32>
    %jit3A_148 = arith.constant 0 : i32
    %jit3A_149 = arith.constant 255 : i32
    %max3A_150 = vector.broadcast %jit3A_148 : i32 to vector<16xi32>
    %max3A_151 = arith.maxsi %max3A_150, %convert_element_type3A_147 : vector<16xi32>
    %min3A_152 = vector.broadcast %jit3A_149 : i32 to vector<16xi32>
    %min3A_153 = arith.minsi %min3A_152, %max3A_151 : vector<16xi32>
    %add3A_154 = arith.constant 1 : i32
    %add3A_155 = vector.broadcast %add3A_154 : i32 to vector<16xi32>
    %add3A_156 = arith.addi %min3A_146, %add3A_155 : vector<16xi32>
    %min3A_157 = arith.constant 255 : i32
    %min3A_158 = vector.broadcast %min3A_157 : i32 to vector<16xi32>
    %min3A_159 = arith.minsi %add3A_156, %min3A_158 : vector<16xi32>
    %add3A_160 = arith.constant 1 : i32
    %add3A_161 = vector.broadcast %add3A_160 : i32 to vector<16xi32>
    %add3A_162 = arith.addi %min3A_153, %add3A_161 : vector<16xi32>
    %min3A_163 = arith.constant 255 : i32
    %min3A_164 = vector.broadcast %min3A_163 : i32 to vector<16xi32>
    %min3A_165 = arith.minsi %add3A_162, %min3A_164 : vector<16xi32>
    %mul3A_166 = arith.constant 256 : i32
    %mul3A_167 = vector.broadcast %mul3A_166 : i32 to vector<16xi32>
    %mul3A_168 = arith.muli %min3A_153, %mul3A_167 : vector<16xi32>
    %add3A_169 = vector.broadcast %mul3A_20 : i32 to vector<16xi32>
    %add3A_170 = arith.addi %add3A_169, %mul3A_168 : vector<16xi32>
    %mul3A_171 = arith.constant 256 : i32
    %mul3A_172 = vector.broadcast %mul3A_171 : i32 to vector<16xi32>
    %mul3A_173 = arith.muli %min3A_165, %mul3A_172 : vector<16xi32>
    %add3A_174 = vector.broadcast %mul3A_20 : i32 to vector<16xi32>
    %add3A_175 = arith.addi %add3A_174, %mul3A_173 : vector<16xi32>
    %add3A_176 = arith.addi %add3A_170, %min3A_146 : vector<16xi32>
    %add3A_177 = arith.addi %add3A_170, %min3A_159 : vector<16xi32>
    %add3A_178 = arith.addi %add3A_175, %min3A_146 : vector<16xi32>
    %add3A_179 = arith.addi %add3A_175, %min3A_159 : vector<16xi32>
    %swap3A_180 = arith.constant 0 : i32
    %swap3A_181 = arith.index_cast %swap3A_180 : i32 to index
    %swap3A_182 = arith.constant 16 : index
    %swap3A_183 = tpu.vector_load %arg8[%swap3A_181, %swap3A_182] {strides = array<i32>} : memref<5x128xi32, #tpu.memory_space<vmem>>, vector<1x16xi32>,
    %swap3A_184 = vector.shape_cast %swap3A_183 : vector<1x16xi32> to vector<16xi32>
    %swap3A_185 = vector.shape_cast %add3A_176 : vector<16xi32> to vector<1x16xi32>
    tpu.vector_store %arg8[%swap3A_181, %swap3A_182], %swap3A_185 {strides = array<i32>} : memref<5x128xi32, #tpu.memory_space<vmem>>, vector<1x16xi32>,
    %swap3A_186 = arith.constant 1 : i32
    %swap3A_187 = arith.index_cast %swap3A_186 : i32 to index
    %swap3A_188 = arith.constant 48 : index
    %swap3A_189 = tpu.vector_load %arg8[%swap3A_187, %swap3A_188] {strides = array<i32>} : memref<5x128xi32, #tpu.memory_space<vmem>>, vector<1x16xi32>,
    %swap3A_190 = vector.shape_cast %swap3A_189 : vector<1x16xi32> to vector<16xi32>
    %swap3A_191 = vector.shape_cast %add3A_177 : vector<16xi32> to vector<1x16xi32>
    tpu.vector_store %arg8[%swap3A_187, %swap3A_188], %swap3A_191 {strides = array<i32>} : memref<5x128xi32, #tpu.memory_space<vmem>>, vector<1x16xi32>,
    %swap3A_192 = arith.constant 2 : i32
    %swap3A_193 = arith.index_cast %swap3A_192 : i32 to index
    %swap3A_194 = arith.constant 80 : index
    %swap3A_195 = tpu.vector_load %arg8[%swap3A_193, %swap3A_194] {strides = array<i32>} : memref<5x128xi32, #tpu.memory_space<vmem>>, vector<1x16xi32>,
    %swap3A_196 = vector.shape_cast %swap3A_195 : vector<1x16xi32> to vector<16xi32>
    %swap3A_197 = vector.shape_cast %add3A_178 : vector<16xi32> to vector<1x16xi32>
    tpu.vector_store %arg8[%swap3A_193, %swap3A_194], %swap3A_197 {strides = array<i32>} : memref<5x128xi32, #tpu.memory_space<vmem>>, vector<1x16xi32>,
    %swap3A_198 = arith.constant 3 : i32
    %swap3A_199 = arith.index_cast %swap3A_198 : i32 to index
    %swap3A_200 = arith.constant 112 : index
    %swap3A_201 = tpu.vector_load %arg8[%swap3A_199, %swap3A_200] {strides = array<i32>} : memref<5x128xi32, #tpu.memory_space<vmem>>, vector<1x16xi32>,
    %swap3A_202 = vector.shape_cast %swap3A_201 : vector<1x16xi32> to vector<16xi32>
    %swap3A_203 = vector.shape_cast %add3A_179 : vector<16xi32> to vector<1x16xi32>
    tpu.vector_store %arg8[%swap3A_199, %swap3A_200], %swap3A_203 {strides = array<i32>} : memref<5x128xi32, #tpu.memory_space<vmem>>, vector<1x16xi32>,
    %get3A_204 = arith.constant 32 : index
    %get3A_205 = tpu.vector_load %arg6[%get3A_204] {strides = array<i32>} : memref<160xf32, #tpu.memory_space<vmem>>, vector<16xf32>,
    %get3A_206 = vector.shape_cast %get3A_205 : vector<16xf32> to vector<16xf32>
    %get3A_207 = arith.constant 32 : index
    %get3A_208 = tpu.vector_load %arg7[%get3A_207] {strides = array<i32>} : memref<160xf32, #tpu.memory_space<vmem>>, vector<16xf32>,
    %get3A_209 = vector.shape_cast %get3A_208 : vector<16xf32> to vector<16xf32>
    %mul3A_210 = arith.constant 7.812500e-03 : f32
    %mul3A_211 = vector.broadcast %mul3A_210 : f32 to vector<16xf32>
    %mul3A_212 = arith.mulf %get3A_206, %mul3A_211 : vector<16xf32>
    %sub3A_213 = arith.constant 1.000000e+00 : f32
    %sub3A_214 = vector.broadcast %sub3A_213 : f32 to vector<16xf32>
    %sub3A_215 = arith.subf %mul3A_212, %sub3A_214 : vector<16xf32>
    %add3A_216 = arith.constant 1.000000e+00 : f32
    %add3A_217 = vector.broadcast %add3A_216 : f32 to vector<16xf32>
    %add3A_218 = arith.addf %sub3A_215, %add3A_217 : vector<16xf32>
    %mul3A_219 = arith.constant 1.275000e+02 : f32
    %mul3A_220 = vector.broadcast %mul3A_219 : f32 to vector<16xf32>
    %mul3A_221 = arith.mulf %add3A_218, %mul3A_220 : vector<16xf32>
    %mul3A_222 = arith.constant 7.812500e-03 : f32
    %mul3A_223 = vector.broadcast %mul3A_222 : f32 to vector<16xf32>
    %mul3A_224 = arith.mulf %get3A_209, %mul3A_223 : vector<16xf32>
    %sub3A_225 = arith.constant 1.000000e+00 : f32
    %sub3A_226 = vector.broadcast %sub3A_225 : f32 to vector<16xf32>
    %sub3A_227 = arith.subf %mul3A_224, %sub3A_226 : vector<16xf32>
    %add3A_228 = arith.constant 1.000000e+00 : f32
    %add3A_229 = vector.broadcast %add3A_228 : f32 to vector<16xf32>
    %add3A_230 = arith.addf %sub3A_227, %add3A_229 : vector<16xf32>
    %mul3A_231 = arith.constant 1.275000e+02 : f32
    %mul3A_232 = vector.broadcast %mul3A_231 : f32 to vector<16xf32>
    %mul3A_233 = arith.mulf %add3A_230, %mul3A_232 : vector<16xf32>
    %convert_element_type3A_234 = arith.fptosi %mul3A_221 : vector<16xf32> to vector<16xi32>
    %jit3A_235 = arith.constant 0 : i32
    %jit3A_236 = arith.constant 255 : i32
    %max3A_237 = vector.broadcast %jit3A_235 : i32 to vector<16xi32>
    %max3A_238 = arith.maxsi %max3A_237, %convert_element_type3A_234 : vector<16xi32>
    %min3A_239 = vector.broadcast %jit3A_236 : i32 to vector<16xi32>
    %min3A_240 = arith.minsi %min3A_239, %max3A_238 : vector<16xi32>
    %convert_element_type3A_241 = arith.fptosi %mul3A_233 : vector<16xf32> to vector<16xi32>
    %jit3A_242 = arith.constant 0 : i32
    %jit3A_243 = arith.constant 255 : i32
    %max3A_244 = vector.broadcast %jit3A_242 : i32 to vector<16xi32>
    %max3A_245 = arith.maxsi %max3A_244, %convert_element_type3A_241 : vector<16xi32>
    %min3A_246 = vector.broadcast %jit3A_243 : i32 to vector<16xi32>
    %min3A_247 = arith.minsi %min3A_246, %max3A_245 : vector<16xi32>
    %add3A_248 = arith.constant 1 : i32
    %add3A_249 = vector.broadcast %add3A_248 : i32 to vector<16xi32>
    %add3A_250 = arith.addi %min3A_240, %add3A_249 : vector<16xi32>
    %min3A_251 = arith.constant 255 : i32
    %min3A_252 = vector.broadcast %min3A_251 : i32 to vector<16xi32>
    %min3A_253 = arith.minsi %add3A_250, %min3A_252 : vector<16xi32>
    %add3A_254 = arith.constant 1 : i32
    %add3A_255 = vector.broadcast %add3A_254 : i32 to vector<16xi32>
    %add3A_256 = arith.addi %min3A_247, %add3A_255 : vector<16xi32>
    %min3A_257 = arith.constant 255 : i32
    %min3A_258 = vector.broadcast %min3A_257 : i32 to vector<16xi32>
    %min3A_259 = arith.minsi %add3A_256, %min3A_258 : vector<16xi32>
    %mul3A_260 = arith.constant 256 : i32
    %mul3A_261 = vector.broadcast %mul3A_260 : i32 to vector<16xi32>
    %mul3A_262 = arith.muli %min3A_247, %mul3A_261 : vector<16xi32>
    %add3A_263 = vector.broadcast %mul3A_20 : i32 to vector<16xi32>
    %add3A_264 = arith.addi %add3A_263, %mul3A_262 : vector<16xi32>
    %mul3A_265 = arith.constant 256 : i32
    %mul3A_266 = vector.broadcast %mul3A_265 : i32 to vector<16xi32>
    %mul3A_267 = arith.muli %min3A_259, %mul3A_266 : vector<16xi32>
    %add3A_268 = vector.broadcast %mul3A_20 : i32 to vector<16xi32>
    %add3A_269 = arith.addi %add3A_268, %mul3A_267 : vector<16xi32>
    %add3A_270 = arith.addi %add3A_264, %min3A_240 : vector<16xi32>
    %add3A_271 = arith.addi %add3A_264, %min3A_253 : vector<16xi32>
    %add3A_272 = arith.addi %add3A_269, %min3A_240 : vector<16xi32>
    %add3A_273 = arith.addi %add3A_269, %min3A_253 : vector<16xi32>
    %swap3A_274 = arith.constant 0 : i32
    %swap3A_275 = arith.index_cast %swap3A_274 : i32 to index
    %swap3A_276 = arith.constant 32 : index
    %swap3A_277 = tpu.vector_load %arg8[%swap3A_275, %swap3A_276] {strides = array<i32>} : memref<5x128xi32, #tpu.memory_space<vmem>>, vector<1x16xi32>,
    %swap3A_278 = vector.shape_cast %swap3A_277 : vector<1x16xi32> to vector<16xi32>
    %swap3A_279 = vector.shape_cast %add3A_270 : vector<16xi32> to vector<1x16xi32>
    tpu.vector_store %arg8[%swap3A_275, %swap3A_276], %swap3A_279 {strides = array<i32>} : memref<5x128xi32, #tpu.memory_space<vmem>>, vector<1x16xi32>,
    %swap3A_280 = arith.constant 1 : i32
    %swap3A_281 = arith.index_cast %swap3A_280 : i32 to index
    %swap3A_282 = arith.constant 64 : index
    %swap3A_283 = tpu.vector_load %arg8[%swap3A_281, %swap3A_282] {strides = array<i32>} : memref<5x128xi32, #tpu.memory_space<vmem>>, vector<1x16xi32>,
    %swap3A_284 = vector.shape_cast %swap3A_283 : vector<1x16xi32> to vector<16xi32>
    %swap3A_285 = vector.shape_cast %add3A_271 : vector<16xi32> to vector<1x16xi32>
    tpu.vector_store %arg8[%swap3A_281, %swap3A_282], %swap3A_285 {strides = array<i32>} : memref<5x128xi32, #tpu.memory_space<vmem>>, vector<1x16xi32>,
    %swap3A_286 = arith.constant 2 : i32
    %swap3A_287 = arith.index_cast %swap3A_286 : i32 to index
    %swap3A_288 = arith.constant 96 : index
    %swap3A_289 = tpu.vector_load %arg8[%swap3A_287, %swap3A_288] {strides = array<i32>} : memref<5x128xi32, #tpu.memory_space<vmem>>, vector<1x16xi32>,
    %swap3A_290 = vector.shape_cast %swap3A_289 : vector<1x16xi32> to vector<16xi32>
    %swap3A_291 = vector.shape_cast %add3A_272 : vector<16xi32> to vector<1x16xi32>
    tpu.vector_store %arg8[%swap3A_287, %swap3A_288], %swap3A_291 {strides = array<i32>} : memref<5x128xi32, #tpu.memory_space<vmem>>, vector<1x16xi32>,
    %swap3A_292 = arith.constant 4 : i32
    %swap3A_293 = arith.index_cast %swap3A_292 : i32 to index
    %swap3A_294 = arith.constant 0 : index
    %swap3A_295 = tpu.vector_load %arg8[%swap3A_293, %swap3A_294] {strides = array<i32>} : memref<5x128xi32, #tpu.memory_space<vmem>>, vector<1x16xi32>,
    %swap3A_296 = vector.shape_cast %swap3A_295 : vector<1x16xi32> to vector<16xi32>
    %swap3A_297 = vector.shape_cast %add3A_273 : vector<16xi32> to vector<1x16xi32>
    tpu.vector_store %arg8[%swap3A_293, %swap3A_294], %swap3A_297 {strides = array<i32>} : memref<5x128xi32, #tpu.memory_space<vmem>>, vector<1x16xi32>,
    %get3A_298 = arith.constant 48 : index
    %get3A_299 = tpu.vector_load %arg6[%get3A_298] {strides = array<i32>} : memref<160xf32, #tpu.memory_space<vmem>>, vector<16xf32>,
    %get3A_300 = vector.shape_cast %get3A_299 : vector<16xf32> to vector<16xf32>
    %get3A_301 = arith.constant 48 : index
    %get3A_302 = tpu.vector_load %arg7[%get3A_301] {strides = array<i32>} : memref<160xf32, #tpu.memory_space<vmem>>, vector<16xf32>,
    %get3A_303 = vector.shape_cast %get3A_302 : vector<16xf32> to vector<16xf32>
    %mul3A_304 = arith.constant 7.812500e-03 : f32
    %mul3A_305 = vector.broadcast %mul3A_304 : f32 to vector<16xf32>
    %mul3A_306 = arith.mulf %get3A_300, %mul3A_305 : vector<16xf32>
    %sub3A_307 = arith.constant 1.000000e+00 : f32
    %sub3A_308 = vector.broadcast %sub3A_307 : f32 to vector<16xf32>
    %sub3A_309 = arith.subf %mul3A_306, %sub3A_308 : vector<16xf32>
    %add3A_310 = arith.constant 1.000000e+00 : f32
    %add3A_311 = vector.broadcast %add3A_310 : f32 to vector<16xf32>
    %add3A_312 = arith.addf %sub3A_309, %add3A_311 : vector<16xf32>
    %mul3A_313 = arith.constant 1.275000e+02 : f32
    %mul3A_314 = vector.broadcast %mul3A_313 : f32 to vector<16xf32>
    %mul3A_315 = arith.mulf %add3A_312, %mul3A_314 : vector<16xf32>
    %mul3A_316 = arith.constant 7.812500e-03 : f32
    %mul3A_317 = vector.broadcast %mul3A_316 : f32 to vector<16xf32>
    %mul3A_318 = arith.mulf %get3A_303, %mul3A_317 : vector<16xf32>
    %sub3A_319 = arith.constant 1.000000e+00 : f32
    %sub3A_320 = vector.broadcast %sub3A_319 : f32 to vector<16xf32>
    %sub3A_321 = arith.subf %mul3A_318, %sub3A_320 : vector<16xf32>
    %add3A_322 = arith.constant 1.000000e+00 : f32
    %add3A_323 = vector.broadcast %add3A_322 : f32 to vector<16xf32>
    %add3A_324 = arith.addf %sub3A_321, %add3A_323 : vector<16xf32>
    %mul3A_325 = arith.constant 1.275000e+02 : f32
    %mul3A_326 = vector.broadcast %mul3A_325 : f32 to vector<16xf32>
    %mul3A_327 = arith.mulf %add3A_324, %mul3A_326 : vector<16xf32>
    %convert_element_type3A_328 = arith.fptosi %mul3A_315 : vector<16xf32> to vector<16xi32>
    %jit3A_329 = arith.constant 0 : i32
    %jit3A_330 = arith.constant 255 : i32
    %max3A_331 = vector.broadcast %jit3A_329 : i32 to vector<16xi32>
    %max3A_332 = arith.maxsi %max3A_331, %convert_element_type3A_328 : vector<16xi32>
    %min3A_333 = vector.broadcast %jit3A_330 : i32 to vector<16xi32>
    %min3A_334 = arith.minsi %min3A_333, %max3A_332 : vector<16xi32>
    %convert_element_type3A_335 = arith.fptosi %mul3A_327 : vector<16xf32> to vector<16xi32>
    %jit3A_336 = arith.constant 0 : i32
    %jit3A_337 = arith.constant 255 : i32
    %max3A_338 = vector.broadcast %jit3A_336 : i32 to vector<16xi32>
    %max3A_339 = arith.maxsi %max3A_338, %convert_element_type3A_335 : vector<16xi32>
    %min3A_340 = vector.broadcast %jit3A_337 : i32 to vector<16xi32>
    %min3A_341 = arith.minsi %min3A_340, %max3A_339 : vector<16xi32>
    %add3A_342 = arith.constant 1 : i32
    %add3A_343 = vector.broadcast %add3A_342 : i32 to vector<16xi32>
    %add3A_344 = arith.addi %min3A_334, %add3A_343 : vector<16xi32>
    %min3A_345 = arith.constant 255 : i32
    %min3A_346 = vector.broadcast %min3A_345 : i32 to vector<16xi32>
    %min3A_347 = arith.minsi %add3A_344, %min3A_346 : vector<16xi32>
    %add3A_348 = arith.constant 1 : i32
    %add3A_349 = vector.broadcast %add3A_348 : i32 to vector<16xi32>
    %add3A_350 = arith.addi %min3A_341, %add3A_349 : vector<16xi32>
    %min3A_351 = arith.constant 255 : i32
    %min3A_352 = vector.broadcast %min3A_351 : i32 to vector<16xi32>
    %min3A_353 = arith.minsi %add3A_350, %min3A_352 : vector<16xi32>
    %mul3A_354 = arith.constant 256 : i32
    %mul3A_355 = vector.broadcast %mul3A_354 : i32 to vector<16xi32>
    %mul3A_356 = arith.muli %min3A_341, %mul3A_355 : vector<16xi32>
    %add3A_357 = vector.broadcast %mul3A_20 : i32 to vector<16xi32>
    %add3A_358 = arith.addi %add3A_357, %mul3A_356 : vector<16xi32>
    %mul3A_359 = arith.constant 256 : i32
    %mul3A_360 = vector.broadcast %mul3A_359 : i32 to vector<16xi32>
    %mul3A_361 = arith.muli %min3A_353, %mul3A_360 : vector<16xi32>
    %add3A_362 = vector.broadcast %mul3A_20 : i32 to vector<16xi32>
    %add3A_363 = arith.addi %add3A_362, %mul3A_361 : vector<16xi32>
    %add3A_364 = arith.addi %add3A_358, %min3A_334 : vector<16xi32>
    %add3A_365 = arith.addi %add3A_358, %min3A_347 : vector<16xi32>
    %add3A_366 = arith.addi %add3A_363, %min3A_334 : vector<16xi32>
    %add3A_367 = arith.addi %add3A_363, %min3A_347 : vector<16xi32>
    %swap3A_368 = arith.constant 0 : i32
    %swap3A_369 = arith.index_cast %swap3A_368 : i32 to index
    %swap3A_370 = arith.constant 48 : index
    %swap3A_371 = tpu.vector_load %arg8[%swap3A_369, %swap3A_370] {strides = array<i32>} : memref<5x128xi32, #tpu.memory_space<vmem>>, vector<1x16xi32>,
    %swap3A_372 = vector.shape_cast %swap3A_371 : vector<1x16xi32> to vector<16xi32>
    %swap3A_373 = vector.shape_cast %add3A_364 : vector<16xi32> to vector<1x16xi32>
    tpu.vector_store %arg8[%swap3A_369, %swap3A_370], %swap3A_373 {strides = array<i32>} : memref<5x128xi32, #tpu.memory_space<vmem>>, vector<1x16xi32>,
    %swap3A_374 = arith.constant 1 : i32
    %swap3A_375 = arith.index_cast %swap3A_374 : i32 to index
    %swap3A_376 = arith.constant 80 : index
    %swap3A_377 = tpu.vector_load %arg8[%swap3A_375, %swap3A_376] {strides = array<i32>} : memref<5x128xi32, #tpu.memory_space<vmem>>, vector<1x16xi32>,
    %swap3A_378 = vector.shape_cast %swap3A_377 : vector<1x16xi32> to vector<16xi32>
    %swap3A_379 = vector.shape_cast %add3A_365 : vector<16xi32> to vector<1x16xi32>
    tpu.vector_store %arg8[%swap3A_375, %swap3A_376], %swap3A_379 {strides = array<i32>} : memref<5x128xi32, #tpu.memory_space<vmem>>, vector<1x16xi32>,
    %swap3A_380 = arith.constant 2 : i32
    %swap3A_381 = arith.index_cast %swap3A_380 : i32 to index
    %swap3A_382 = arith.constant 112 : index
    %swap3A_383 = tpu.vector_load %arg8[%swap3A_381, %swap3A_382] {strides = array<i32>} : memref<5x128xi32, #tpu.memory_space<vmem>>, vector<1x16xi32>,
    %swap3A_384 = vector.shape_cast %swap3A_383 : vector<1x16xi32> to vector<16xi32>
    %swap3A_385 = vector.shape_cast %add3A_366 : vector<16xi32> to vector<1x16xi32>
    tpu.vector_store %arg8[%swap3A_381, %swap3A_382], %swap3A_385 {strides = array<i32>} : memref<5x128xi32, #tpu.memory_space<vmem>>, vector<1x16xi32>,
    %swap3A_386 = arith.constant 4 : i32
    %swap3A_387 = arith.index_cast %swap3A_386 : i32 to index
    %swap3A_388 = arith.constant 16 : index
    %swap3A_389 = tpu.vector_load %arg8[%swap3A_387, %swap3A_388] {strides = array<i32>} : memref<5x128xi32, #tpu.memory_space<vmem>>, vector<1x16xi32>,
    %swap3A_390 = vector.shape_cast %swap3A_389 : vector<1x16xi32> to vector<16xi32>
    %swap3A_391 = vector.shape_cast %add3A_367 : vector<16xi32> to vector<1x16xi32>
    tpu.vector_store %arg8[%swap3A_387, %swap3A_388], %swap3A_391 {strides = array<i32>} : memref<5x128xi32, #tpu.memory_space<vmem>>, vector<1x16xi32>,
    %get3A_392 = arith.constant 64 : index
    %get3A_393 = tpu.vector_load %arg6[%get3A_392] {strides = array<i32>} : memref<160xf32, #tpu.memory_space<vmem>>, vector<16xf32>,
    %get3A_394 = vector.shape_cast %get3A_393 : vector<16xf32> to vector<16xf32>
    %get3A_395 = arith.constant 64 : index
    %get3A_396 = tpu.vector_load %arg7[%get3A_395] {strides = array<i32>} : memref<160xf32, #tpu.memory_space<vmem>>, vector<16xf32>,
    %get3A_397 = vector.shape_cast %get3A_396 : vector<16xf32> to vector<16xf32>
    %mul3A_398 = arith.constant 7.812500e-03 : f32
    %mul3A_399 = vector.broadcast %mul3A_398 : f32 to vector<16xf32>
    %mul3A_400 = arith.mulf %get3A_394, %mul3A_399 : vector<16xf32>
    %sub3A_401 = arith.constant 1.000000e+00 : f32
    %sub3A_402 = vector.broadcast %sub3A_401 : f32 to vector<16xf32>
    %sub3A_403 = arith.subf %mul3A_400, %sub3A_402 : vector<16xf32>
    %add3A_404 = arith.constant 1.000000e+00 : f32
    %add3A_405 = vector.broadcast %add3A_404 : f32 to vector<16xf32>
    %add3A_406 = arith.addf %sub3A_403, %add3A_405 : vector<16xf32>
    %mul3A_407 = arith.constant 1.275000e+02 : f32
    %mul3A_408 = vector.broadcast %mul3A_407 : f32 to vector<16xf32>
    %mul3A_409 = arith.mulf %add3A_406, %mul3A_408 : vector<16xf32>
    %mul3A_410 = arith.constant 7.812500e-03 : f32
    %mul3A_411 = vector.broadcast %mul3A_410 : f32 to vector<16xf32>
    %mul3A_412 = arith.mulf %get3A_397, %mul3A_411 : vector<16xf32>
    %sub3A_413 = arith.constant 1.000000e+00 : f32
    %sub3A_414 = vector.broadcast %sub3A_413 : f32 to vector<16xf32>
    %sub3A_415 = arith.subf %mul3A_412, %sub3A_414 : vector<16xf32>
    %add3A_416 = arith.constant 1.000000e+00 : f32
    %add3A_417 = vector.broadcast %add3A_416 : f32 to vector<16xf32>
    %add3A_418 = arith.addf %sub3A_415, %add3A_417 : vector<16xf32>
    %mul3A_419 = arith.constant 1.275000e+02 : f32
    %mul3A_420 = vector.broadcast %mul3A_419 : f32 to vector<16xf32>
    %mul3A_421 = arith.mulf %add3A_418, %mul3A_420 : vector<16xf32>
    %convert_element_type3A_422 = arith.fptosi %mul3A_409 : vector<16xf32> to vector<16xi32>
    %jit3A_423 = arith.constant 0 : i32
    %jit3A_424 = arith.constant 255 : i32
    %max3A_425 = vector.broadcast %jit3A_423 : i32 to vector<16xi32>
    %max3A_426 = arith.maxsi %max3A_425, %convert_element_type3A_422 : vector<16xi32>
    %min3A_427 = vector.broadcast %jit3A_424 : i32 to vector<16xi32>
    %min3A_428 = arith.minsi %min3A_427, %max3A_426 : vector<16xi32>
    %convert_element_type3A_429 = arith.fptosi %mul3A_421 : vector<16xf32> to vector<16xi32>
    %jit3A_430 = arith.constant 0 : i32
    %jit3A_431 = arith.constant 255 : i32
    %max3A_432 = vector.broadcast %jit3A_430 : i32 to vector<16xi32>
    %max3A_433 = arith.maxsi %max3A_432, %convert_element_type3A_429 : vector<16xi32>
    %min3A_434 = vector.broadcast %jit3A_431 : i32 to vector<16xi32>
    %min3A_435 = arith.minsi %min3A_434, %max3A_433 : vector<16xi32>
    %add3A_436 = arith.constant 1 : i32
    %add3A_437 = vector.broadcast %add3A_436 : i32 to vector<16xi32>
    %add3A_438 = arith.addi %min3A_428, %add3A_437 : vector<16xi32>
    %min3A_439 = arith.constant 255 : i32
    %min3A_440 = vector.broadcast %min3A_439 : i32 to vector<16xi32>
    %min3A_441 = arith.minsi %add3A_438, %min3A_440 : vector<16xi32>
    %add3A_442 = arith.constant 1 : i32
    %add3A_443 = vector.broadcast %add3A_442 : i32 to vector<16xi32>
    %add3A_444 = arith.addi %min3A_435, %add3A_443 : vector<16xi32>
    %min3A_445 = arith.constant 255 : i32
    %min3A_446 = vector.broadcast %min3A_445 : i32 to vector<16xi32>
    %min3A_447 = arith.minsi %add3A_444, %min3A_446 : vector<16xi32>
    %mul3A_448 = arith.constant 256 : i32
    %mul3A_449 = vector.broadcast %mul3A_448 : i32 to vector<16xi32>
    %mul3A_450 = arith.muli %min3A_435, %mul3A_449 : vector<16xi32>
    %add3A_451 = vector.broadcast %mul3A_20 : i32 to vector<16xi32>
    %add3A_452 = arith.addi %add3A_451, %mul3A_450 : vector<16xi32>
    %mul3A_453 = arith.constant 256 : i32
    %mul3A_454 = vector.broadcast %mul3A_453 : i32 to vector<16xi32>
    %mul3A_455 = arith.muli %min3A_447, %mul3A_454 : vector<16xi32>
    %add3A_456 = vector.broadcast %mul3A_20 : i32 to vector<16xi32>
    %add3A_457 = arith.addi %add3A_456, %mul3A_455 : vector<16xi32>
    %add3A_458 = arith.addi %add3A_452, %min3A_428 : vector<16xi32>
    %add3A_459 = arith.addi %add3A_452, %min3A_441 : vector<16xi32>
    %add3A_460 = arith.addi %add3A_457, %min3A_428 : vector<16xi32>
    %add3A_461 = arith.addi %add3A_457, %min3A_441 : vector<16xi32>
    %swap3A_462 = arith.constant 0 : i32
    %swap3A_463 = arith.index_cast %swap3A_462 : i32 to index
    %swap3A_464 = arith.constant 64 : index
    %swap3A_465 = tpu.vector_load %arg8[%swap3A_463, %swap3A_464] {strides = array<i32>} : memref<5x128xi32, #tpu.memory_space<vmem>>, vector<1x16xi32>,
    %swap3A_466 = vector.shape_cast %swap3A_465 : vector<1x16xi32> to vector<16xi32>
    %swap3A_467 = vector.shape_cast %add3A_458 : vector<16xi32> to vector<1x16xi32>
    tpu.vector_store %arg8[%swap3A_463, %swap3A_464], %swap3A_467 {strides = array<i32>} : memref<5x128xi32, #tpu.memory_space<vmem>>, vector<1x16xi32>,
    %swap3A_468 = arith.constant 1 : i32
    %swap3A_469 = arith.index_cast %swap3A_468 : i32 to index
    %swap3A_470 = arith.constant 96 : index
    %swap3A_471 = tpu.vector_load %arg8[%swap3A_469, %swap3A_470] {strides = array<i32>} : memref<5x128xi32, #tpu.memory_space<vmem>>, vector<1x16xi32>,
    %swap3A_472 = vector.shape_cast %swap3A_471 : vector<1x16xi32> to vector<16xi32>
    %swap3A_473 = vector.shape_cast %add3A_459 : vector<16xi32> to vector<1x16xi32>
    tpu.vector_store %arg8[%swap3A_469, %swap3A_470], %swap3A_473 {strides = array<i32>} : memref<5x128xi32, #tpu.memory_space<vmem>>, vector<1x16xi32>,
    %swap3A_474 = arith.constant 3 : i32
    %swap3A_475 = arith.index_cast %swap3A_474 : i32 to index
    %swap3A_476 = arith.constant 0 : index
    %swap3A_477 = tpu.vector_load %arg8[%swap3A_475, %swap3A_476] {strides = array<i32>} : memref<5x128xi32, #tpu.memory_space<vmem>>, vector<1x16xi32>,
    %swap3A_478 = vector.shape_cast %swap3A_477 : vector<1x16xi32> to vector<16xi32>
    %swap3A_479 = vector.shape_cast %add3A_460 : vector<16xi32> to vector<1x16xi32>
    tpu.vector_store %arg8[%swap3A_475, %swap3A_476], %swap3A_479 {strides = array<i32>} : memref<5x128xi32, #tpu.memory_space<vmem>>, vector<1x16xi32>,
    %swap3A_480 = arith.constant 4 : i32
    %swap3A_481 = arith.index_cast %swap3A_480 : i32 to index
    %swap3A_482 = arith.constant 32 : index
    %swap3A_483 = tpu.vector_load %arg8[%swap3A_481, %swap3A_482] {strides = array<i32>} : memref<5x128xi32, #tpu.memory_space<vmem>>, vector<1x16xi32>,
    %swap3A_484 = vector.shape_cast %swap3A_483 : vector<1x16xi32> to vector<16xi32>
    %swap3A_485 = vector.shape_cast %add3A_461 : vector<16xi32> to vector<1x16xi32>
    tpu.vector_store %arg8[%swap3A_481, %swap3A_482], %swap3A_485 {strides = array<i32>} : memref<5x128xi32, #tpu.memory_space<vmem>>, vector<1x16xi32>,
    %get3A_486 = arith.constant 80 : index
    %get3A_487 = tpu.vector_load %arg6[%get3A_486] {strides = array<i32>} : memref<160xf32, #tpu.memory_space<vmem>>, vector<16xf32>,
    %get3A_488 = vector.shape_cast %get3A_487 : vector<16xf32> to vector<16xf32>
    %get3A_489 = arith.constant 80 : index
    %get3A_490 = tpu.vector_load %arg7[%get3A_489] {strides = array<i32>} : memref<160xf32, #tpu.memory_space<vmem>>, vector<16xf32>,
    %get3A_491 = vector.shape_cast %get3A_490 : vector<16xf32> to vector<16xf32>
    %mul3A_492 = arith.constant 7.812500e-03 : f32
    %mul3A_493 = vector.broadcast %mul3A_492 : f32 to vector<16xf32>
    %mul3A_494 = arith.mulf %get3A_488, %mul3A_493 : vector<16xf32>
    %sub3A_495 = arith.constant 1.000000e+00 : f32
    %sub3A_496 = vector.broadcast %sub3A_495 : f32 to vector<16xf32>
    %sub3A_497 = arith.subf %mul3A_494, %sub3A_496 : vector<16xf32>
    %add3A_498 = arith.constant 1.000000e+00 : f32
    %add3A_499 = vector.broadcast %add3A_498 : f32 to vector<16xf32>
    %add3A_500 = arith.addf %sub3A_497, %add3A_499 : vector<16xf32>
    %mul3A_501 = arith.constant 1.275000e+02 : f32
    %mul3A_502 = vector.broadcast %mul3A_501 : f32 to vector<16xf32>
    %mul3A_503 = arith.mulf %add3A_500, %mul3A_502 : vector<16xf32>
    %mul3A_504 = arith.constant 7.812500e-03 : f32
    %mul3A_505 = vector.broadcast %mul3A_504 : f32 to vector<16xf32>
    %mul3A_506 = arith.mulf %get3A_491, %mul3A_505 : vector<16xf32>
    %sub3A_507 = arith.constant 1.000000e+00 : f32
    %sub3A_508 = vector.broadcast %sub3A_507 : f32 to vector<16xf32>
    %sub3A_509 = arith.subf %mul3A_506, %sub3A_508 : vector<16xf32>
    %add3A_510 = arith.constant 1.000000e+00 : f32
    %add3A_511 = vector.broadcast %add3A_510 : f32 to vector<16xf32>
    %add3A_512 = arith.addf %sub3A_509, %add3A_511 : vector<16xf32>
    %mul3A_513 = arith.constant 1.275000e+02 : f32
    %mul3A_514 = vector.broadcast %mul3A_513 : f32 to vector<16xf32>
    %mul3A_515 = arith.mulf %add3A_512, %mul3A_514 : vector<16xf32>
    %convert_element_type3A_516 = arith.fptosi %mul3A_503 : vector<16xf32> to vector<16xi32>
    %jit3A_517 = arith.constant 0 : i32
    %jit3A_518 = arith.constant 255 : i32
    %max3A_519 = vector.broadcast %jit3A_517 : i32 to vector<16xi32>
    %max3A_520 = arith.maxsi %max3A_519, %convert_element_type3A_516 : vector<16xi32>
    %min3A_521 = vector.broadcast %jit3A_518 : i32 to vector<16xi32>
    %min3A_522 = arith.minsi %min3A_521, %max3A_520 : vector<16xi32>
    %convert_element_type3A_523 = arith.fptosi %mul3A_515 : vector<16xf32> to vector<16xi32>
    %jit3A_524 = arith.constant 0 : i32
    %jit3A_525 = arith.constant 255 : i32
    %max3A_526 = vector.broadcast %jit3A_524 : i32 to vector<16xi32>
    %max3A_527 = arith.maxsi %max3A_526, %convert_element_type3A_523 : vector<16xi32>
    %min3A_528 = vector.broadcast %jit3A_525 : i32 to vector<16xi32>
    %min3A_529 = arith.minsi %min3A_528, %max3A_527 : vector<16xi32>
    %add3A_530 = arith.constant 1 : i32
    %add3A_531 = vector.broadcast %add3A_530 : i32 to vector<16xi32>
    %add3A_532 = arith.addi %min3A_522, %add3A_531 : vector<16xi32>
    %min3A_533 = arith.constant 255 : i32
    %min3A_534 = vector.broadcast %min3A_533 : i32 to vector<16xi32>
    %min3A_535 = arith.minsi %add3A_532, %min3A_534 : vector<16xi32>
    %add3A_536 = arith.constant 1 : i32
    %add3A_537 = vector.broadcast %add3A_536 : i32 to vector<16xi32>
    %add3A_538 = arith.addi %min3A_529, %add3A_537 : vector<16xi32>
    %min3A_539 = arith.constant 255 : i32
    %min3A_540 = vector.broadcast %min3A_539 : i32 to vector<16xi32>
    %min3A_541 = arith.minsi %add3A_538, %min3A_540 : vector<16xi32>
    %mul3A_542 = arith.constant 256 : i32
    %mul3A_543 = vector.broadcast %mul3A_542 : i32 to vector<16xi32>
    %mul3A_544 = arith.muli %min3A_529, %mul3A_543 : vector<16xi32>
    %add3A_545 = vector.broadcast %mul3A_20 : i32 to vector<16xi32>
    %add3A_546 = arith.addi %add3A_545, %mul3A_544 : vector<16xi32>
    %mul3A_547 = arith.constant 256 : i32
    %mul3A_548 = vector.broadcast %mul3A_547 : i32 to vector<16xi32>
    %mul3A_549 = arith.muli %min3A_541, %mul3A_548 : vector<16xi32>
    %add3A_550 = vector.broadcast %mul3A_20 : i32 to vector<16xi32>
    %add3A_551 = arith.addi %add3A_550, %mul3A_549 : vector<16xi32>
    %add3A_552 = arith.addi %add3A_546, %min3A_522 : vector<16xi32>
    %add3A_553 = arith.addi %add3A_546, %min3A_535 : vector<16xi32>
    %add3A_554 = arith.addi %add3A_551, %min3A_522 : vector<16xi32>
    %add3A_555 = arith.addi %add3A_551, %min3A_535 : vector<16xi32>
    %swap3A_556 = arith.constant 0 : i32
    %swap3A_557 = arith.index_cast %swap3A_556 : i32 to index
    %swap3A_558 = arith.constant 80 : index
    %swap3A_559 = tpu.vector_load %arg8[%swap3A_557, %swap3A_558] {strides = array<i32>} : memref<5x128xi32, #tpu.memory_space<vmem>>, vector<1x16xi32>,
    %swap3A_560 = vector.shape_cast %swap3A_559 : vector<1x16xi32> to vector<16xi32>
    %swap3A_561 = vector.shape_cast %add3A_552 : vector<16xi32> to vector<1x16xi32>
    tpu.vector_store %arg8[%swap3A_557, %swap3A_558], %swap3A_561 {strides = array<i32>} : memref<5x128xi32, #tpu.memory_space<vmem>>, vector<1x16xi32>,
    %swap3A_562 = arith.constant 1 : i32
    %swap3A_563 = arith.index_cast %swap3A_562 : i32 to index
    %swap3A_564 = arith.constant 112 : index
    %swap3A_565 = tpu.vector_load %arg8[%swap3A_563, %swap3A_564] {strides = array<i32>} : memref<5x128xi32, #tpu.memory_space<vmem>>, vector<1x16xi32>,
    %swap3A_566 = vector.shape_cast %swap3A_565 : vector<1x16xi32> to vector<16xi32>
    %swap3A_567 = vector.shape_cast %add3A_553 : vector<16xi32> to vector<1x16xi32>
    tpu.vector_store %arg8[%swap3A_563, %swap3A_564], %swap3A_567 {strides = array<i32>} : memref<5x128xi32, #tpu.memory_space<vmem>>, vector<1x16xi32>,
    %swap3A_568 = arith.constant 3 : i32
    %swap3A_569 = arith.index_cast %swap3A_568 : i32 to index
    %swap3A_570 = arith.constant 16 : index
    %swap3A_571 = tpu.vector_load %arg8[%swap3A_569, %swap3A_570] {strides = array<i32>} : memref<5x128xi32, #tpu.memory_space<vmem>>, vector<1x16xi32>,
    %swap3A_572 = vector.shape_cast %swap3A_571 : vector<1x16xi32> to vector<16xi32>
    %swap3A_573 = vector.shape_cast %add3A_554 : vector<16xi32> to vector<1x16xi32>
    tpu.vector_store %arg8[%swap3A_569, %swap3A_570], %swap3A_573 {strides = array<i32>} : memref<5x128xi32, #tpu.memory_space<vmem>>, vector<1x16xi32>,
    %swap3A_574 = arith.constant 4 : i32
    %swap3A_575 = arith.index_cast %swap3A_574 : i32 to index
    %swap3A_576 = arith.constant 48 : index
    %swap3A_577 = tpu.vector_load %arg8[%swap3A_575, %swap3A_576] {strides = array<i32>} : memref<5x128xi32, #tpu.memory_space<vmem>>, vector<1x16xi32>,
    %swap3A_578 = vector.shape_cast %swap3A_577 : vector<1x16xi32> to vector<16xi32>
    %swap3A_579 = vector.shape_cast %add3A_555 : vector<16xi32> to vector<1x16xi32>
    tpu.vector_store %arg8[%swap3A_575, %swap3A_576], %swap3A_579 {strides = array<i32>} : memref<5x128xi32, #tpu.memory_space<vmem>>, vector<1x16xi32>,
    %get3A_580 = arith.constant 96 : index
    %get3A_581 = tpu.vector_load %arg6[%get3A_580] {strides = array<i32>} : memref<160xf32, #tpu.memory_space<vmem>>, vector<16xf32>,
    %get3A_582 = vector.shape_cast %get3A_581 : vector<16xf32> to vector<16xf32>
    %get3A_583 = arith.constant 96 : index
    %get3A_584 = tpu.vector_load %arg7[%get3A_583] {strides = array<i32>} : memref<160xf32, #tpu.memory_space<vmem>>, vector<16xf32>,
    %get3A_585 = vector.shape_cast %get3A_584 : vector<16xf32> to vector<16xf32>
    %mul3A_586 = arith.constant 7.812500e-03 : f32
    %mul3A_587 = vector.broadcast %mul3A_586 : f32 to vector<16xf32>
    %mul3A_588 = arith.mulf %get3A_582, %mul3A_587 : vector<16xf32>
    %sub3A_589 = arith.constant 1.000000e+00 : f32
    %sub3A_590 = vector.broadcast %sub3A_589 : f32 to vector<16xf32>
    %sub3A_591 = arith.subf %mul3A_588, %sub3A_590 : vector<16xf32>
    %add3A_592 = arith.constant 1.000000e+00 : f32
    %add3A_593 = vector.broadcast %add3A_592 : f32 to vector<16xf32>
    %add3A_594 = arith.addf %sub3A_591, %add3A_593 : vector<16xf32>
    %mul3A_595 = arith.constant 1.275000e+02 : f32
    %mul3A_596 = vector.broadcast %mul3A_595 : f32 to vector<16xf32>
    %mul3A_597 = arith.mulf %add3A_594, %mul3A_596 : vector<16xf32>
    %mul3A_598 = arith.constant 7.812500e-03 : f32
    %mul3A_599 = vector.broadcast %mul3A_598 : f32 to vector<16xf32>
    %mul3A_600 = arith.mulf %get3A_585, %mul3A_599 : vector<16xf32>
    %sub3A_601 = arith.constant 1.000000e+00 : f32
    %sub3A_602 = vector.broadcast %sub3A_601 : f32 to vector<16xf32>
    %sub3A_603 = arith.subf %mul3A_600, %sub3A_602 : vector<16xf32>
    %add3A_604 = arith.constant 1.000000e+00 : f32
    %add3A_605 = vector.broadcast %add3A_604 : f32 to vector<16xf32>
    %add3A_606 = arith.addf %sub3A_603, %add3A_605 : vector<16xf32>
    %mul3A_607 = arith.constant 1.275000e+02 : f32
    %mul3A_608 = vector.broadcast %mul3A_607 : f32 to vector<16xf32>
    %mul3A_609 = arith.mulf %add3A_606, %mul3A_608 : vector<16xf32>
    %convert_element_type3A_610 = arith.fptosi %mul3A_597 : vector<16xf32> to vector<16xi32>
    %jit3A_611 = arith.constant 0 : i32
    %jit3A_612 = arith.constant 255 : i32
    %max3A_613 = vector.broadcast %jit3A_611 : i32 to vector<16xi32>
    %max3A_614 = arith.maxsi %max3A_613, %convert_element_type3A_610 : vector<16xi32>
    %min3A_615 = vector.broadcast %jit3A_612 : i32 to vector<16xi32>
    %min3A_616 = arith.minsi %min3A_615, %max3A_614 : vector<16xi32>
    %convert_element_type3A_617 = arith.fptosi %mul3A_609 : vector<16xf32> to vector<16xi32>
    %jit3A_618 = arith.constant 0 : i32
    %jit3A_619 = arith.constant 255 : i32
    %max3A_620 = vector.broadcast %jit3A_618 : i32 to vector<16xi32>
    %max3A_621 = arith.maxsi %max3A_620, %convert_element_type3A_617 : vector<16xi32>
    %min3A_622 = vector.broadcast %jit3A_619 : i32 to vector<16xi32>
    %min3A_623 = arith.minsi %min3A_622, %max3A_621 : vector<16xi32>
    %add3A_624 = arith.constant 1 : i32
    %add3A_625 = vector.broadcast %add3A_624 : i32 to vector<16xi32>
    %add3A_626 = arith.addi %min3A_616, %add3A_625 : vector<16xi32>
    %min3A_627 = arith.constant 255 : i32
    %min3A_628 = vector.broadcast %min3A_627 : i32 to vector<16xi32>
    %min3A_629 = arith.minsi %add3A_626, %min3A_628 : vector<16xi32>
    %add3A_630 = arith.constant 1 : i32
    %add3A_631 = vector.broadcast %add3A_630 : i32 to vector<16xi32>
    %add3A_632 = arith.addi %min3A_623, %add3A_631 : vector<16xi32>
    %min3A_633 = arith.constant 255 : i32
    %min3A_634 = vector.broadcast %min3A_633 : i32 to vector<16xi32>
    %min3A_635 = arith.minsi %add3A_632, %min3A_634 : vector<16xi32>
    %mul3A_636 = arith.constant 256 : i32
    %mul3A_637 = vector.broadcast %mul3A_636 : i32 to vector<16xi32>
    %mul3A_638 = arith.muli %min3A_623, %mul3A_637 : vector<16xi32>
    %add3A_639 = vector.broadcast %mul3A_20 : i32 to vector<16xi32>
    %add3A_640 = arith.addi %add3A_639, %mul3A_638 : vector<16xi32>
    %mul3A_641 = arith.constant 256 : i32
    %mul3A_642 = vector.broadcast %mul3A_641 : i32 to vector<16xi32>
    %mul3A_643 = arith.muli %min3A_635, %mul3A_642 : vector<16xi32>
    %add3A_644 = vector.broadcast %mul3A_20 : i32 to vector<16xi32>
    %add3A_645 = arith.addi %add3A_644, %mul3A_643 : vector<16xi32>
    %add3A_646 = arith.addi %add3A_640, %min3A_616 : vector<16xi32>
    %add3A_647 = arith.addi %add3A_640, %min3A_629 : vector<16xi32>
    %add3A_648 = arith.addi %add3A_645, %min3A_616 : vector<16xi32>
    %add3A_649 = arith.addi %add3A_645, %min3A_629 : vector<16xi32>
    %swap3A_650 = arith.constant 0 : i32
    %swap3A_651 = arith.index_cast %swap3A_650 : i32 to index
    %swap3A_652 = arith.constant 96 : index
    %swap3A_653 = tpu.vector_load %arg8[%swap3A_651, %swap3A_652] {strides = array<i32>} : memref<5x128xi32, #tpu.memory_space<vmem>>, vector<1x16xi32>,
    %swap3A_654 = vector.shape_cast %swap3A_653 : vector<1x16xi32> to vector<16xi32>
    %swap3A_655 = vector.shape_cast %add3A_646 : vector<16xi32> to vector<1x16xi32>
    tpu.vector_store %arg8[%swap3A_651, %swap3A_652], %swap3A_655 {strides = array<i32>} : memref<5x128xi32, #tpu.memory_space<vmem>>, vector<1x16xi32>,
    %swap3A_656 = arith.constant 2 : i32
    %swap3A_657 = arith.index_cast %swap3A_656 : i32 to index
    %swap3A_658 = arith.constant 0 : index
    %swap3A_659 = tpu.vector_load %arg8[%swap3A_657, %swap3A_658] {strides = array<i32>} : memref<5x128xi32, #tpu.memory_space<vmem>>, vector<1x16xi32>,
    %swap3A_660 = vector.shape_cast %swap3A_659 : vector<1x16xi32> to vector<16xi32>
    %swap3A_661 = vector.shape_cast %add3A_647 : vector<16xi32> to vector<1x16xi32>
    tpu.vector_store %arg8[%swap3A_657, %swap3A_658], %swap3A_661 {strides = array<i32>} : memref<5x128xi32, #tpu.memory_space<vmem>>, vector<1x16xi32>,
    %swap3A_662 = arith.constant 3 : i32
    %swap3A_663 = arith.index_cast %swap3A_662 : i32 to index
    %swap3A_664 = arith.constant 32 : index
    %swap3A_665 = tpu.vector_load %arg8[%swap3A_663, %swap3A_664] {strides = array<i32>} : memref<5x128xi32, #tpu.memory_space<vmem>>, vector<1x16xi32>,
    %swap3A_666 = vector.shape_cast %swap3A_665 : vector<1x16xi32> to vector<16xi32>
    %swap3A_667 = vector.shape_cast %add3A_648 : vector<16xi32> to vector<1x16xi32>
    tpu.vector_store %arg8[%swap3A_663, %swap3A_664], %swap3A_667 {strides = array<i32>} : memref<5x128xi32, #tpu.memory_space<vmem>>, vector<1x16xi32>,
    %swap3A_668 = arith.constant 4 : i32
    %swap3A_669 = arith.index_cast %swap3A_668 : i32 to index
    %swap3A_670 = arith.constant 64 : index
    %swap3A_671 = tpu.vector_load %arg8[%swap3A_669, %swap3A_670] {strides = array<i32>} : memref<5x128xi32, #tpu.memory_space<vmem>>, vector<1x16xi32>,
    %swap3A_672 = vector.shape_cast %swap3A_671 : vector<1x16xi32> to vector<16xi32>
    %swap3A_673 = vector.shape_cast %add3A_649 : vector<16xi32> to vector<1x16xi32>
    tpu.vector_store %arg8[%swap3A_669, %swap3A_670], %swap3A_673 {strides = array<i32>} : memref<5x128xi32, #tpu.memory_space<vmem>>, vector<1x16xi32>,
    %get3A_674 = arith.constant 112 : index
    %get3A_675 = tpu.vector_load %arg6[%get3A_674] {strides = array<i32>} : memref<160xf32, #tpu.memory_space<vmem>>, vector<16xf32>,
    %get3A_676 = vector.shape_cast %get3A_675 : vector<16xf32> to vector<16xf32>
    %get3A_677 = arith.constant 112 : index
    %get3A_678 = tpu.vector_load %arg7[%get3A_677] {strides = array<i32>} : memref<160xf32, #tpu.memory_space<vmem>>, vector<16xf32>,
    %get3A_679 = vector.shape_cast %get3A_678 : vector<16xf32> to vector<16xf32>
    %mul3A_680 = arith.constant 7.812500e-03 : f32
    %mul3A_681 = vector.broadcast %mul3A_680 : f32 to vector<16xf32>
    %mul3A_682 = arith.mulf %get3A_676, %mul3A_681 : vector<16xf32>
    %sub3A_683 = arith.constant 1.000000e+00 : f32
    %sub3A_684 = vector.broadcast %sub3A_683 : f32 to vector<16xf32>
    %sub3A_685 = arith.subf %mul3A_682, %sub3A_684 : vector<16xf32>
    %add3A_686 = arith.constant 1.000000e+00 : f32
    %add3A_687 = vector.broadcast %add3A_686 : f32 to vector<16xf32>
    %add3A_688 = arith.addf %sub3A_685, %add3A_687 : vector<16xf32>
    %mul3A_689 = arith.constant 1.275000e+02 : f32
    %mul3A_690 = vector.broadcast %mul3A_689 : f32 to vector<16xf32>
    %mul3A_691 = arith.mulf %add3A_688, %mul3A_690 : vector<16xf32>
    %mul3A_692 = arith.constant 7.812500e-03 : f32
    %mul3A_693 = vector.broadcast %mul3A_692 : f32 to vector<16xf32>
    %mul3A_694 = arith.mulf %get3A_679, %mul3A_693 : vector<16xf32>
    %sub3A_695 = arith.constant 1.000000e+00 : f32
    %sub3A_696 = vector.broadcast %sub3A_695 : f32 to vector<16xf32>
    %sub3A_697 = arith.subf %mul3A_694, %sub3A_696 : vector<16xf32>
    %add3A_698 = arith.constant 1.000000e+00 : f32
    %add3A_699 = vector.broadcast %add3A_698 : f32 to vector<16xf32>
    %add3A_700 = arith.addf %sub3A_697, %add3A_699 : vector<16xf32>
    %mul3A_701 = arith.constant 1.275000e+02 : f32
    %mul3A_702 = vector.broadcast %mul3A_701 : f32 to vector<16xf32>
    %mul3A_703 = arith.mulf %add3A_700, %mul3A_702 : vector<16xf32>
    %convert_element_type3A_704 = arith.fptosi %mul3A_691 : vector<16xf32> to vector<16xi32>
    %jit3A_705 = arith.constant 0 : i32
    %jit3A_706 = arith.constant 255 : i32
    %max3A_707 = vector.broadcast %jit3A_705 : i32 to vector<16xi32>
    %max3A_708 = arith.maxsi %max3A_707, %convert_element_type3A_704 : vector<16xi32>
    %min3A_709 = vector.broadcast %jit3A_706 : i32 to vector<16xi32>
    %min3A_710 = arith.minsi %min3A_709, %max3A_708 : vector<16xi32>
    %convert_element_type3A_711 = arith.fptosi %mul3A_703 : vector<16xf32> to vector<16xi32>
    %jit3A_712 = arith.constant 0 : i32
    %jit3A_713 = arith.constant 255 : i32
    %max3A_714 = vector.broadcast %jit3A_712 : i32 to vector<16xi32>
    %max3A_715 = arith.maxsi %max3A_714, %convert_element_type3A_711 : vector<16xi32>
    %min3A_716 = vector.broadcast %jit3A_713 : i32 to vector<16xi32>
    %min3A_717 = arith.minsi %min3A_716, %max3A_715 : vector<16xi32>
    %add3A_718 = arith.constant 1 : i32
    %add3A_719 = vector.broadcast %add3A_718 : i32 to vector<16xi32>
    %add3A_720 = arith.addi %min3A_710, %add3A_719 : vector<16xi32>
    %min3A_721 = arith.constant 255 : i32
    %min3A_722 = vector.broadcast %min3A_721 : i32 to vector<16xi32>
    %min3A_723 = arith.minsi %add3A_720, %min3A_722 : vector<16xi32>
    %add3A_724 = arith.constant 1 : i32
    %add3A_725 = vector.broadcast %add3A_724 : i32 to vector<16xi32>
    %add3A_726 = arith.addi %min3A_717, %add3A_725 : vector<16xi32>
    %min3A_727 = arith.constant 255 : i32
    %min3A_728 = vector.broadcast %min3A_727 : i32 to vector<16xi32>
    %min3A_729 = arith.minsi %add3A_726, %min3A_728 : vector<16xi32>
    %mul3A_730 = arith.constant 256 : i32
    %mul3A_731 = vector.broadcast %mul3A_730 : i32 to vector<16xi32>
    %mul3A_732 = arith.muli %min3A_717, %mul3A_731 : vector<16xi32>
    %add3A_733 = vector.broadcast %mul3A_20 : i32 to vector<16xi32>
    %add3A_734 = arith.addi %add3A_733, %mul3A_732 : vector<16xi32>
    %mul3A_735 = arith.constant 256 : i32
    %mul3A_736 = vector.broadcast %mul3A_735 : i32 to vector<16xi32>
    %mul3A_737 = arith.muli %min3A_729, %mul3A_736 : vector<16xi32>
    %add3A_738 = vector.broadcast %mul3A_20 : i32 to vector<16xi32>
    %add3A_739 = arith.addi %add3A_738, %mul3A_737 : vector<16xi32>
    %add3A_740 = arith.addi %add3A_734, %min3A_710 : vector<16xi32>
    %add3A_741 = arith.addi %add3A_734, %min3A_723 : vector<16xi32>
    %add3A_742 = arith.addi %add3A_739, %min3A_710 : vector<16xi32>
    %add3A_743 = arith.addi %add3A_739, %min3A_723 : vector<16xi32>
    %swap3A_744 = arith.constant 0 : i32
    %swap3A_745 = arith.index_cast %swap3A_744 : i32 to index
    %swap3A_746 = arith.constant 112 : index
    %swap3A_747 = tpu.vector_load %arg8[%swap3A_745, %swap3A_746] {strides = array<i32>} : memref<5x128xi32, #tpu.memory_space<vmem>>, vector<1x16xi32>,
    %swap3A_748 = vector.shape_cast %swap3A_747 : vector<1x16xi32> to vector<16xi32>
    %swap3A_749 = vector.shape_cast %add3A_740 : vector<16xi32> to vector<1x16xi32>
    tpu.vector_store %arg8[%swap3A_745, %swap3A_746], %swap3A_749 {strides = array<i32>} : memref<5x128xi32, #tpu.memory_space<vmem>>, vector<1x16xi32>,
    %swap3A_750 = arith.constant 2 : i32
    %swap3A_751 = arith.index_cast %swap3A_750 : i32 to index
    %swap3A_752 = arith.constant 16 : index
    %swap3A_753 = tpu.vector_load %arg8[%swap3A_751, %swap3A_752] {strides = array<i32>} : memref<5x128xi32, #tpu.memory_space<vmem>>, vector<1x16xi32>,
    %swap3A_754 = vector.shape_cast %swap3A_753 : vector<1x16xi32> to vector<16xi32>
    %swap3A_755 = vector.shape_cast %add3A_741 : vector<16xi32> to vector<1x16xi32>
    tpu.vector_store %arg8[%swap3A_751, %swap3A_752], %swap3A_755 {strides = array<i32>} : memref<5x128xi32, #tpu.memory_space<vmem>>, vector<1x16xi32>,
    %swap3A_756 = arith.constant 3 : i32
    %swap3A_757 = arith.index_cast %swap3A_756 : i32 to index
    %swap3A_758 = arith.constant 48 : index
    %swap3A_759 = tpu.vector_load %arg8[%swap3A_757, %swap3A_758] {strides = array<i32>} : memref<5x128xi32, #tpu.memory_space<vmem>>, vector<1x16xi32>,
    %swap3A_760 = vector.shape_cast %swap3A_759 : vector<1x16xi32> to vector<16xi32>
    %swap3A_761 = vector.shape_cast %add3A_742 : vector<16xi32> to vector<1x16xi32>
    tpu.vector_store %arg8[%swap3A_757, %swap3A_758], %swap3A_761 {strides = array<i32>} : memref<5x128xi32, #tpu.memory_space<vmem>>, vector<1x16xi32>,
    %swap3A_762 = arith.constant 4 : i32
    %swap3A_763 = arith.index_cast %swap3A_762 : i32 to index
    %swap3A_764 = arith.constant 80 : index
    %swap3A_765 = tpu.vector_load %arg8[%swap3A_763, %swap3A_764] {strides = array<i32>} : memref<5x128xi32, #tpu.memory_space<vmem>>, vector<1x16xi32>,
    %swap3A_766 = vector.shape_cast %swap3A_765 : vector<1x16xi32> to vector<16xi32>
    %swap3A_767 = vector.shape_cast %add3A_743 : vector<16xi32> to vector<1x16xi32>
    tpu.vector_store %arg8[%swap3A_763, %swap3A_764], %swap3A_767 {strides = array<i32>} : memref<5x128xi32, #tpu.memory_space<vmem>>, vector<1x16xi32>,
    %get3A_768 = arith.constant 128 : index
    %get3A_769 = tpu.vector_load %arg6[%get3A_768] {strides = array<i32>} : memref<160xf32, #tpu.memory_space<vmem>>, vector<16xf32>,
    %get3A_770 = vector.shape_cast %get3A_769 : vector<16xf32> to vector<16xf32>
    %get3A_771 = arith.constant 128 : index
    %get3A_772 = tpu.vector_load %arg7[%get3A_771] {strides = array<i32>} : memref<160xf32, #tpu.memory_space<vmem>>, vector<16xf32>,
    %get3A_773 = vector.shape_cast %get3A_772 : vector<16xf32> to vector<16xf32>
    %mul3A_774 = arith.constant 7.812500e-03 : f32
    %mul3A_775 = vector.broadcast %mul3A_774 : f32 to vector<16xf32>
    %mul3A_776 = arith.mulf %get3A_770, %mul3A_775 : vector<16xf32>
    %sub3A_777 = arith.constant 1.000000e+00 : f32
    %sub3A_778 = vector.broadcast %sub3A_777 : f32 to vector<16xf32>
    %sub3A_779 = arith.subf %mul3A_776, %sub3A_778 : vector<16xf32>
    %add3A_780 = arith.constant 1.000000e+00 : f32
    %add3A_781 = vector.broadcast %add3A_780 : f32 to vector<16xf32>
    %add3A_782 = arith.addf %sub3A_779, %add3A_781 : vector<16xf32>
    %mul3A_783 = arith.constant 1.275000e+02 : f32
    %mul3A_784 = vector.broadcast %mul3A_783 : f32 to vector<16xf32>
    %mul3A_785 = arith.mulf %add3A_782, %mul3A_784 : vector<16xf32>
    %mul3A_786 = arith.constant 7.812500e-03 : f32
    %mul3A_787 = vector.broadcast %mul3A_786 : f32 to vector<16xf32>
    %mul3A_788 = arith.mulf %get3A_773, %mul3A_787 : vector<16xf32>
    %sub3A_789 = arith.constant 1.000000e+00 : f32
    %sub3A_790 = vector.broadcast %sub3A_789 : f32 to vector<16xf32>
    %sub3A_791 = arith.subf %mul3A_788, %sub3A_790 : vector<16xf32>
    %add3A_792 = arith.constant 1.000000e+00 : f32
    %add3A_793 = vector.broadcast %add3A_792 : f32 to vector<16xf32>
    %add3A_794 = arith.addf %sub3A_791, %add3A_793 : vector<16xf32>
    %mul3A_795 = arith.constant 1.275000e+02 : f32
    %mul3A_796 = vector.broadcast %mul3A_795 : f32 to vector<16xf32>
    %mul3A_797 = arith.mulf %add3A_794, %mul3A_796 : vector<16xf32>
    %convert_element_type3A_798 = arith.fptosi %mul3A_785 : vector<16xf32> to vector<16xi32>
    %jit3A_799 = arith.constant 0 : i32
    %jit3A_800 = arith.constant 255 : i32
    %max3A_801 = vector.broadcast %jit3A_799 : i32 to vector<16xi32>
    %max3A_802 = arith.maxsi %max3A_801, %convert_element_type3A_798 : vector<16xi32>
    %min3A_803 = vector.broadcast %jit3A_800 : i32 to vector<16xi32>
    %min3A_804 = arith.minsi %min3A_803, %max3A_802 : vector<16xi32>
    %convert_element_type3A_805 = arith.fptosi %mul3A_797 : vector<16xf32> to vector<16xi32>
    %jit3A_806 = arith.constant 0 : i32
    %jit3A_807 = arith.constant 255 : i32
    %max3A_808 = vector.broadcast %jit3A_806 : i32 to vector<16xi32>
    %max3A_809 = arith.maxsi %max3A_808, %convert_element_type3A_805 : vector<16xi32>
    %min3A_810 = vector.broadcast %jit3A_807 : i32 to vector<16xi32>
    %min3A_811 = arith.minsi %min3A_810, %max3A_809 : vector<16xi32>
    %add3A_812 = arith.constant 1 : i32
    %add3A_813 = vector.broadcast %add3A_812 : i32 to vector<16xi32>
    %add3A_814 = arith.addi %min3A_804, %add3A_813 : vector<16xi32>
    %min3A_815 = arith.constant 255 : i32
    %min3A_816 = vector.broadcast %min3A_815 : i32 to vector<16xi32>
    %min3A_817 = arith.minsi %add3A_814, %min3A_816 : vector<16xi32>
    %add3A_818 = arith.constant 1 : i32
    %add3A_819 = vector.broadcast %add3A_818 : i32 to vector<16xi32>
    %add3A_820 = arith.addi %min3A_811, %add3A_819 : vector<16xi32>
    %min3A_821 = arith.constant 255 : i32
    %min3A_822 = vector.broadcast %min3A_821 : i32 to vector<16xi32>
    %min3A_823 = arith.minsi %add3A_820, %min3A_822 : vector<16xi32>
    %mul3A_824 = arith.constant 256 : i32
    %mul3A_825 = vector.broadcast %mul3A_824 : i32 to vector<16xi32>
    %mul3A_826 = arith.muli %min3A_811, %mul3A_825 : vector<16xi32>
    %add3A_827 = vector.broadcast %mul3A_20 : i32 to vector<16xi32>
    %add3A_828 = arith.addi %add3A_827, %mul3A_826 : vector<16xi32>
    %mul3A_829 = arith.constant 256 : i32
    %mul3A_830 = vector.broadcast %mul3A_829 : i32 to vector<16xi32>
    %mul3A_831 = arith.muli %min3A_823, %mul3A_830 : vector<16xi32>
    %add3A_832 = vector.broadcast %mul3A_20 : i32 to vector<16xi32>
    %add3A_833 = arith.addi %add3A_832, %mul3A_831 : vector<16xi32>
    %add3A_834 = arith.addi %add3A_828, %min3A_804 : vector<16xi32>
    %add3A_835 = arith.addi %add3A_828, %min3A_817 : vector<16xi32>
    %add3A_836 = arith.addi %add3A_833, %min3A_804 : vector<16xi32>
    %add3A_837 = arith.addi %add3A_833, %min3A_817 : vector<16xi32>
    %swap3A_838 = arith.constant 1 : i32
    %swap3A_839 = arith.index_cast %swap3A_838 : i32 to index
    %swap3A_840 = arith.constant 0 : index
    %swap3A_841 = tpu.vector_load %arg8[%swap3A_839, %swap3A_840] {strides = array<i32>} : memref<5x128xi32, #tpu.memory_space<vmem>>, vector<1x16xi32>,
    %swap3A_842 = vector.shape_cast %swap3A_841 : vector<1x16xi32> to vector<16xi32>
    %swap3A_843 = vector.shape_cast %add3A_834 : vector<16xi32> to vector<1x16xi32>
    tpu.vector_store %arg8[%swap3A_839, %swap3A_840], %swap3A_843 {strides = array<i32>} : memref<5x128xi32, #tpu.memory_space<vmem>>, vector<1x16xi32>,
    %swap3A_844 = arith.constant 2 : i32
    %swap3A_845 = arith.index_cast %swap3A_844 : i32 to index
    %swap3A_846 = arith.constant 32 : index
    %swap3A_847 = tpu.vector_load %arg8[%swap3A_845, %swap3A_846] {strides = array<i32>} : memref<5x128xi32, #tpu.memory_space<vmem>>, vector<1x16xi32>,
    %swap3A_848 = vector.shape_cast %swap3A_847 : vector<1x16xi32> to vector<16xi32>
    %swap3A_849 = vector.shape_cast %add3A_835 : vector<16xi32> to vector<1x16xi32>
    tpu.vector_store %arg8[%swap3A_845, %swap3A_846], %swap3A_849 {strides = array<i32>} : memref<5x128xi32, #tpu.memory_space<vmem>>, vector<1x16xi32>,
    %swap3A_850 = arith.constant 3 : i32
    %swap3A_851 = arith.index_cast %swap3A_850 : i32 to index
    %swap3A_852 = arith.constant 64 : index
    %swap3A_853 = tpu.vector_load %arg8[%swap3A_851, %swap3A_852] {strides = array<i32>} : memref<5x128xi32, #tpu.memory_space<vmem>>, vector<1x16xi32>,
    %swap3A_854 = vector.shape_cast %swap3A_853 : vector<1x16xi32> to vector<16xi32>
    %swap3A_855 = vector.shape_cast %add3A_836 : vector<16xi32> to vector<1x16xi32>
    tpu.vector_store %arg8[%swap3A_851, %swap3A_852], %swap3A_855 {strides = array<i32>} : memref<5x128xi32, #tpu.memory_space<vmem>>, vector<1x16xi32>,
    %swap3A_856 = arith.constant 4 : i32
    %swap3A_857 = arith.index_cast %swap3A_856 : i32 to index
    %swap3A_858 = arith.constant 96 : index
    %swap3A_859 = tpu.vector_load %arg8[%swap3A_857, %swap3A_858] {strides = array<i32>} : memref<5x128xi32, #tpu.memory_space<vmem>>, vector<1x16xi32>,
    %swap3A_860 = vector.shape_cast %swap3A_859 : vector<1x16xi32> to vector<16xi32>
    %swap3A_861 = vector.shape_cast %add3A_837 : vector<16xi32> to vector<1x16xi32>
    tpu.vector_store %arg8[%swap3A_857, %swap3A_858], %swap3A_861 {strides = array<i32>} : memref<5x128xi32, #tpu.memory_space<vmem>>, vector<1x16xi32>,
    %get3A_862 = arith.constant 144 : index
    %get3A_863 = tpu.vector_load %arg6[%get3A_862] {strides = array<i32>} : memref<160xf32, #tpu.memory_space<vmem>>, vector<16xf32>,
    %get3A_864 = vector.shape_cast %get3A_863 : vector<16xf32> to vector<16xf32>
    %get3A_865 = arith.constant 144 : index
    %get3A_866 = tpu.vector_load %arg7[%get3A_865] {strides = array<i32>} : memref<160xf32, #tpu.memory_space<vmem>>, vector<16xf32>,
    %get3A_867 = vector.shape_cast %get3A_866 : vector<16xf32> to vector<16xf32>
    %mul3A_868 = arith.constant 7.812500e-03 : f32
    %mul3A_869 = vector.broadcast %mul3A_868 : f32 to vector<16xf32>
    %mul3A_870 = arith.mulf %get3A_864, %mul3A_869 : vector<16xf32>
    %sub3A_871 = arith.constant 1.000000e+00 : f32
    %sub3A_872 = vector.broadcast %sub3A_871 : f32 to vector<16xf32>
    %sub3A_873 = arith.subf %mul3A_870, %sub3A_872 : vector<16xf32>
    %add3A_874 = arith.constant 1.000000e+00 : f32
    %add3A_875 = vector.broadcast %add3A_874 : f32 to vector<16xf32>
    %add3A_876 = arith.addf %sub3A_873, %add3A_875 : vector<16xf32>
    %mul3A_877 = arith.constant 1.275000e+02 : f32
    %mul3A_878 = vector.broadcast %mul3A_877 : f32 to vector<16xf32>
    %mul3A_879 = arith.mulf %add3A_876, %mul3A_878 : vector<16xf32>
    %mul3A_880 = arith.constant 7.812500e-03 : f32
    %mul3A_881 = vector.broadcast %mul3A_880 : f32 to vector<16xf32>
    %mul3A_882 = arith.mulf %get3A_867, %mul3A_881 : vector<16xf32>
    %sub3A_883 = arith.constant 1.000000e+00 : f32
    %sub3A_884 = vector.broadcast %sub3A_883 : f32 to vector<16xf32>
    %sub3A_885 = arith.subf %mul3A_882, %sub3A_884 : vector<16xf32>
    %add3A_886 = arith.constant 1.000000e+00 : f32
    %add3A_887 = vector.broadcast %add3A_886 : f32 to vector<16xf32>
    %add3A_888 = arith.addf %sub3A_885, %add3A_887 : vector<16xf32>
    %mul3A_889 = arith.constant 1.275000e+02 : f32
    %mul3A_890 = vector.broadcast %mul3A_889 : f32 to vector<16xf32>
    %mul3A_891 = arith.mulf %add3A_888, %mul3A_890 : vector<16xf32>
    %convert_element_type3A_892 = arith.fptosi %mul3A_879 : vector<16xf32> to vector<16xi32>
    %jit3A_893 = arith.constant 0 : i32
    %jit3A_894 = arith.constant 255 : i32
    %max3A_895 = vector.broadcast %jit3A_893 : i32 to vector<16xi32>
    %max3A_896 = arith.maxsi %max3A_895, %convert_element_type3A_892 : vector<16xi32>
    %min3A_897 = vector.broadcast %jit3A_894 : i32 to vector<16xi32>
    %min3A_898 = arith.minsi %min3A_897, %max3A_896 : vector<16xi32>
    %convert_element_type3A_899 = arith.fptosi %mul3A_891 : vector<16xf32> to vector<16xi32>
    %jit3A_900 = arith.constant 0 : i32
    %jit3A_901 = arith.constant 255 : i32
    %max3A_902 = vector.broadcast %jit3A_900 : i32 to vector<16xi32>
    %max3A_903 = arith.maxsi %max3A_902, %convert_element_type3A_899 : vector<16xi32>
    %min3A_904 = vector.broadcast %jit3A_901 : i32 to vector<16xi32>
    %min3A_905 = arith.minsi %min3A_904, %max3A_903 : vector<16xi32>
    %add3A_906 = arith.constant 1 : i32
    %add3A_907 = vector.broadcast %add3A_906 : i32 to vector<16xi32>
    %add3A_908 = arith.addi %min3A_898, %add3A_907 : vector<16xi32>
    %min3A_909 = arith.constant 255 : i32
    %min3A_910 = vector.broadcast %min3A_909 : i32 to vector<16xi32>
    %min3A_911 = arith.minsi %add3A_908, %min3A_910 : vector<16xi32>
    %add3A_912 = arith.constant 1 : i32
    %add3A_913 = vector.broadcast %add3A_912 : i32 to vector<16xi32>
    %add3A_914 = arith.addi %min3A_905, %add3A_913 : vector<16xi32>
    %min3A_915 = arith.constant 255 : i32
    %min3A_916 = vector.broadcast %min3A_915 : i32 to vector<16xi32>
    %min3A_917 = arith.minsi %add3A_914, %min3A_916 : vector<16xi32>
    %mul3A_918 = arith.constant 256 : i32
    %mul3A_919 = vector.broadcast %mul3A_918 : i32 to vector<16xi32>
    %mul3A_920 = arith.muli %min3A_905, %mul3A_919 : vector<16xi32>
    %add3A_921 = vector.broadcast %mul3A_20 : i32 to vector<16xi32>
    %add3A_922 = arith.addi %add3A_921, %mul3A_920 : vector<16xi32>
    %mul3A_923 = arith.constant 256 : i32
    %mul3A_924 = vector.broadcast %mul3A_923 : i32 to vector<16xi32>
    %mul3A_925 = arith.muli %min3A_917, %mul3A_924 : vector<16xi32>
    %add3A_926 = vector.broadcast %mul3A_20 : i32 to vector<16xi32>
    %add3A_927 = arith.addi %add3A_926, %mul3A_925 : vector<16xi32>
    %add3A_928 = arith.addi %add3A_922, %min3A_898 : vector<16xi32>
    %add3A_929 = arith.addi %add3A_922, %min3A_911 : vector<16xi32>
    %add3A_930 = arith.addi %add3A_927, %min3A_898 : vector<16xi32>
    %add3A_931 = arith.addi %add3A_927, %min3A_911 : vector<16xi32>
    %swap3A_932 = arith.constant 1 : i32
    %swap3A_933 = arith.index_cast %swap3A_932 : i32 to index
    %swap3A_934 = arith.constant 16 : index
    %swap3A_935 = tpu.vector_load %arg8[%swap3A_933, %swap3A_934] {strides = array<i32>} : memref<5x128xi32, #tpu.memory_space<vmem>>, vector<1x16xi32>,
    %swap3A_936 = vector.shape_cast %swap3A_935 : vector<1x16xi32> to vector<16xi32>
    %swap3A_937 = vector.shape_cast %add3A_928 : vector<16xi32> to vector<1x16xi32>
    tpu.vector_store %arg8[%swap3A_933, %swap3A_934], %swap3A_937 {strides = array<i32>} : memref<5x128xi32, #tpu.memory_space<vmem>>, vector<1x16xi32>,
    %swap3A_938 = arith.constant 2 : i32
    %swap3A_939 = arith.index_cast %swap3A_938 : i32 to index
    %swap3A_940 = arith.constant 48 : index
    %swap3A_941 = tpu.vector_load %arg8[%swap3A_939, %swap3A_940] {strides = array<i32>} : memref<5x128xi32, #tpu.memory_space<vmem>>, vector<1x16xi32>,
    %swap3A_942 = vector.shape_cast %swap3A_941 : vector<1x16xi32> to vector<16xi32>
    %swap3A_943 = vector.shape_cast %add3A_929 : vector<16xi32> to vector<1x16xi32>
    tpu.vector_store %arg8[%swap3A_939, %swap3A_940], %swap3A_943 {strides = array<i32>} : memref<5x128xi32, #tpu.memory_space<vmem>>, vector<1x16xi32>,
    %swap3A_944 = arith.constant 3 : i32
    %swap3A_945 = arith.index_cast %swap3A_944 : i32 to index
    %swap3A_946 = arith.constant 80 : index
    %swap3A_947 = tpu.vector_load %arg8[%swap3A_945, %swap3A_946] {strides = array<i32>} : memref<5x128xi32, #tpu.memory_space<vmem>>, vector<1x16xi32>,
    %swap3A_948 = vector.shape_cast %swap3A_947 : vector<1x16xi32> to vector<16xi32>
    %swap3A_949 = vector.shape_cast %add3A_930 : vector<16xi32> to vector<1x16xi32>
    tpu.vector_store %arg8[%swap3A_945, %swap3A_946], %swap3A_949 {strides = array<i32>} : memref<5x128xi32, #tpu.memory_space<vmem>>, vector<1x16xi32>,
    %swap3A_950 = arith.constant 4 : i32
    %swap3A_951 = arith.index_cast %swap3A_950 : i32 to index
    %swap3A_952 = arith.constant 112 : index
    %swap3A_953 = tpu.vector_load %arg8[%swap3A_951, %swap3A_952] {strides = array<i32>} : memref<5x128xi32, #tpu.memory_space<vmem>>, vector<1x16xi32>,
    %swap3A_954 = vector.shape_cast %swap3A_953 : vector<1x16xi32> to vector<16xi32>
    %swap3A_955 = vector.shape_cast %add3A_931 : vector<16xi32> to vector<1x16xi32>
    tpu.vector_store %arg8[%swap3A_951, %swap3A_952], %swap3A_955 {strides = array<i32>} : memref<5x128xi32, #tpu.memory_space<vmem>>, vector<1x16xi32>,
    %dma_start3A = arith.constant 0 : i32
    %dma_start3A_956 = arith.constant 0 : i32
    %dma_start3A_957 = arith.constant 0 : i32
    %dma_start3A_958 = tpu.memref_slice %arg9[%dma_start3A_956, %dma_start3A_957] : memref<640x64xbf16, #tpu.memory_space<vmem>> -> memref<128x64xbf16, #tpu.memory_space<vmem>>
    %dma_start3A_959 = arith.constant 0 : i32
    %dma_start3A_960 = tpu.memref_slice %arg8[%dma_start3A, %dma_start3A_959] : memref<5x128xi32, #tpu.memory_space<vmem>> -> memref<1x128xi32, #tpu.memory_space<vmem>>
    %dma_start3A_961 = tpu.memref_squeeze %dma_start3A_960 : memref<1x128xi32, #tpu.memory_space<vmem>> -> memref<128xi32, #tpu.memory_space<vmem>>
    %dma_start3A_962 = arith.constant 0 : i32
    %dma_start3A_963 = arith.constant 0 : i32
    %dma_start3A_964 = tpu.memref_slice %arg4[%dma_start3A_962, %dma_start3A_963] : memref<262144x64xbf16, #tpu.memory_space<hbm>> -> memref<262144x64xbf16, #tpu.memory_space<hbm>>
    tpu.enqueue_indirect_dma source(%dma_start3A_964 : memref<262144x64xbf16, #tpu.memory_space<hbm>>) target(%dma_start3A_958 : memref<128x64xbf16, #tpu.memory_space<vmem>>) offsets(%dma_start3A_961 : memref<128xi32, #tpu.memory_space<vmem>>) semaphore(%arg10 : memref<!tpu.dma_semaphore, #tpu.memory_space<semaphore_mem>>)
    %dma_start3A_965 = arith.constant 1 : i32
    %dma_start3A_966 = arith.constant 128 : i32
    %dma_start3A_967 = arith.constant 0 : i32
    %dma_start3A_968 = tpu.memref_slice %arg9[%dma_start3A_966, %dma_start3A_967] : memref<640x64xbf16, #tpu.memory_space<vmem>> -> memref<128x64xbf16, #tpu.memory_space<vmem>>
    %dma_start3A_969 = arith.constant 0 : i32
    %dma_start3A_970 = tpu.memref_slice %arg8[%dma_start3A_965, %dma_start3A_969] : memref<5x128xi32, #tpu.memory_space<vmem>> -> memref<1x128xi32, #tpu.memory_space<vmem>>
    %dma_start3A_971 = tpu.memref_squeeze %dma_start3A_970 : memref<1x128xi32, #tpu.memory_space<vmem>> -> memref<128xi32, #tpu.memory_space<vmem>>
    %dma_start3A_972 = arith.constant 0 : i32
    %dma_start3A_973 = arith.constant 0 : i32
    %dma_start3A_974 = tpu.memref_slice %arg4[%dma_start3A_972, %dma_start3A_973] : memref<262144x64xbf16, #tpu.memory_space<hbm>> -> memref<262144x64xbf16, #tpu.memory_space<hbm>>
    tpu.enqueue_indirect_dma source(%dma_start3A_974 : memref<262144x64xbf16, #tpu.memory_space<hbm>>) target(%dma_start3A_968 : memref<128x64xbf16, #tpu.memory_space<vmem>>) offsets(%dma_start3A_971 : memref<128xi32, #tpu.memory_space<vmem>>) semaphore(%arg10 : memref<!tpu.dma_semaphore, #tpu.memory_space<semaphore_mem>>)
    %dma_start3A_975 = arith.constant 2 : i32
    %dma_start3A_976 = arith.constant 256 : i32
    %dma_start3A_977 = arith.constant 0 : i32
    %dma_start3A_978 = tpu.memref_slice %arg9[%dma_start3A_976, %dma_start3A_977] : memref<640x64xbf16, #tpu.memory_space<vmem>> -> memref<128x64xbf16, #tpu.memory_space<vmem>>
    %dma_start3A_979 = arith.constant 0 : i32
    %dma_start3A_980 = tpu.memref_slice %arg8[%dma_start3A_975, %dma_start3A_979] : memref<5x128xi32, #tpu.memory_space<vmem>> -> memref<1x128xi32, #tpu.memory_space<vmem>>
    %dma_start3A_981 = tpu.memref_squeeze %dma_start3A_980 : memref<1x128xi32, #tpu.memory_space<vmem>> -> memref<128xi32, #tpu.memory_space<vmem>>
    %dma_start3A_982 = arith.constant 0 : i32
    %dma_start3A_983 = arith.constant 0 : i32
    %dma_start3A_984 = tpu.memref_slice %arg4[%dma_start3A_982, %dma_start3A_983] : memref<262144x64xbf16, #tpu.memory_space<hbm>> -> memref<262144x64xbf16, #tpu.memory_space<hbm>>
    tpu.enqueue_indirect_dma source(%dma_start3A_984 : memref<262144x64xbf16, #tpu.memory_space<hbm>>) target(%dma_start3A_978 : memref<128x64xbf16, #tpu.memory_space<vmem>>) offsets(%dma_start3A_981 : memref<128xi32, #tpu.memory_space<vmem>>) semaphore(%arg10 : memref<!tpu.dma_semaphore, #tpu.memory_space<semaphore_mem>>)
    %dma_start3A_985 = arith.constant 3 : i32
    %dma_start3A_986 = arith.constant 384 : i32
    %dma_start3A_987 = arith.constant 0 : i32
    %dma_start3A_988 = tpu.memref_slice %arg9[%dma_start3A_986, %dma_start3A_987] : memref<640x64xbf16, #tpu.memory_space<vmem>> -> memref<128x64xbf16, #tpu.memory_space<vmem>>
    %dma_start3A_989 = arith.constant 0 : i32
    %dma_start3A_990 = tpu.memref_slice %arg8[%dma_start3A_985, %dma_start3A_989] : memref<5x128xi32, #tpu.memory_space<vmem>> -> memref<1x128xi32, #tpu.memory_space<vmem>>
    %dma_start3A_991 = tpu.memref_squeeze %dma_start3A_990 : memref<1x128xi32, #tpu.memory_space<vmem>> -> memref<128xi32, #tpu.memory_space<vmem>>
    %dma_start3A_992 = arith.constant 0 : i32
    %dma_start3A_993 = arith.constant 0 : i32
    %dma_start3A_994 = tpu.memref_slice %arg4[%dma_start3A_992, %dma_start3A_993] : memref<262144x64xbf16, #tpu.memory_space<hbm>> -> memref<262144x64xbf16, #tpu.memory_space<hbm>>
    tpu.enqueue_indirect_dma source(%dma_start3A_994 : memref<262144x64xbf16, #tpu.memory_space<hbm>>) target(%dma_start3A_988 : memref<128x64xbf16, #tpu.memory_space<vmem>>) offsets(%dma_start3A_991 : memref<128xi32, #tpu.memory_space<vmem>>) semaphore(%arg10 : memref<!tpu.dma_semaphore, #tpu.memory_space<semaphore_mem>>)
    %dma_start3A_995 = arith.constant 4 : i32
    %dma_start3A_996 = arith.constant 512 : i32
    %dma_start3A_997 = arith.constant 0 : i32
    %dma_start3A_998 = tpu.memref_slice %arg9[%dma_start3A_996, %dma_start3A_997] : memref<640x64xbf16, #tpu.memory_space<vmem>> -> memref<128x64xbf16, #tpu.memory_space<vmem>>
    %dma_start3A_999 = arith.constant 0 : i32
    %dma_start3A_1000 = tpu.memref_slice %arg8[%dma_start3A_995, %dma_start3A_999] : memref<5x128xi32, #tpu.memory_space<vmem>> -> memref<1x128xi32, #tpu.memory_space<vmem>>
    %dma_start3A_1001 = tpu.memref_squeeze %dma_start3A_1000 : memref<1x128xi32, #tpu.memory_space<vmem>> -> memref<128xi32, #tpu.memory_space<vmem>>
    %dma_start3A_1002 = arith.constant 0 : i32
    %dma_start3A_1003 = arith.constant 0 : i32
    %dma_start3A_1004 = tpu.memref_slice %arg4[%dma_start3A_1002, %dma_start3A_1003] : memref<262144x64xbf16, #tpu.memory_space<hbm>> -> memref<262144x64xbf16, #tpu.memory_space<hbm>>
    tpu.enqueue_indirect_dma source(%dma_start3A_1004 : memref<262144x64xbf16, #tpu.memory_space<hbm>>) target(%dma_start3A_998 : memref<128x64xbf16, #tpu.memory_space<vmem>>) offsets(%dma_start3A_1001 : memref<128xi32, #tpu.memory_space<vmem>>) semaphore(%arg10 : memref<!tpu.dma_semaphore, #tpu.memory_space<semaphore_mem>>)
    %dma_wait3A = arith.constant 0 : i32
    %dma_wait3A_1005 = arith.constant 0 : i32
    %dma_wait3A_1006 = arith.constant 0 : i32
    %dma_wait3A_1007 = tpu.memref_slice %arg9[%dma_wait3A_1005, %dma_wait3A_1006] : memref<640x64xbf16, #tpu.memory_space<vmem>> -> memref<128x64xbf16, #tpu.memory_space<vmem>>
    %dma_wait3A_1008 = arith.constant 0 : i32
    %dma_wait3A_1009 = tpu.memref_slice %arg8[%dma_wait3A, %dma_wait3A_1008] : memref<5x128xi32, #tpu.memory_space<vmem>> -> memref<1x128xi32, #tpu.memory_space<vmem>>
    %dma_wait3A_1010 = tpu.memref_squeeze %dma_wait3A_1009 : memref<1x128xi32, #tpu.memory_space<vmem>> -> memref<128xi32, #tpu.memory_space<vmem>>
    %dma_wait3A_1011 = arith.constant 0 : i32
    %dma_wait3A_1012 = arith.constant 0 : i32
    %dma_wait3A_1013 = tpu.memref_slice %arg4[%dma_wait3A_1011, %dma_wait3A_1012] : memref<262144x64xbf16, #tpu.memory_space<hbm>> -> memref<262144x64xbf16, #tpu.memory_space<hbm>>
    tpu.wait_indirect_dma semaphore(%arg10 : memref<!tpu.dma_semaphore, #tpu.memory_space<semaphore_mem>>) src(%dma_wait3A_1013 : memref<262144x64xbf16, #tpu.memory_space<hbm>>) dst(%dma_wait3A_1007 : memref<128x64xbf16, #tpu.memory_space<vmem>>)
    %dma_wait3A_1014 = arith.constant 1 : i32
    %dma_wait3A_1015 = arith.constant 128 : i32
    %dma_wait3A_1016 = arith.constant 0 : i32
    %dma_wait3A_1017 = tpu.memref_slice %arg9[%dma_wait3A_1015, %dma_wait3A_1016] : memref<640x64xbf16, #tpu.memory_space<vmem>> -> memref<128x64xbf16, #tpu.memory_space<vmem>>
    %dma_wait3A_1018 = arith.constant 0 : i32
    %dma_wait3A_1019 = tpu.memref_slice %arg8[%dma_wait3A_1014, %dma_wait3A_1018] : memref<5x128xi32, #tpu.memory_space<vmem>> -> memref<1x128xi32, #tpu.memory_space<vmem>>
    %dma_wait3A_1020 = tpu.memref_squeeze %dma_wait3A_1019 : memref<1x128xi32, #tpu.memory_space<vmem>> -> memref<128xi32, #tpu.memory_space<vmem>>
    %dma_wait3A_1021 = arith.constant 0 : i32
    %dma_wait3A_1022 = arith.constant 0 : i32
    %dma_wait3A_1023 = tpu.memref_slice %arg4[%dma_wait3A_1021, %dma_wait3A_1022] : memref<262144x64xbf16, #tpu.memory_space<hbm>> -> memref<262144x64xbf16, #tpu.memory_space<hbm>>
    tpu.wait_indirect_dma semaphore(%arg10 : memref<!tpu.dma_semaphore, #tpu.memory_space<semaphore_mem>>) src(%dma_wait3A_1023 : memref<262144x64xbf16, #tpu.memory_space<hbm>>) dst(%dma_wait3A_1017 : memref<128x64xbf16, #tpu.memory_space<vmem>>)
    %dma_wait3A_1024 = arith.constant 2 : i32
    %dma_wait3A_1025 = arith.constant 256 : i32
    %dma_wait3A_1026 = arith.constant 0 : i32
    %dma_wait3A_1027 = tpu.memref_slice %arg9[%dma_wait3A_1025, %dma_wait3A_1026] : memref<640x64xbf16, #tpu.memory_space<vmem>> -> memref<128x64xbf16, #tpu.memory_space<vmem>>
    %dma_wait3A_1028 = arith.constant 0 : i32
    %dma_wait3A_1029 = tpu.memref_slice %arg8[%dma_wait3A_1024, %dma_wait3A_1028] : memref<5x128xi32, #tpu.memory_space<vmem>> -> memref<1x128xi32, #tpu.memory_space<vmem>>
    %dma_wait3A_1030 = tpu.memref_squeeze %dma_wait3A_1029 : memref<1x128xi32, #tpu.memory_space<vmem>> -> memref<128xi32, #tpu.memory_space<vmem>>
    %dma_wait3A_1031 = arith.constant 0 : i32
    %dma_wait3A_1032 = arith.constant 0 : i32
    %dma_wait3A_1033 = tpu.memref_slice %arg4[%dma_wait3A_1031, %dma_wait3A_1032] : memref<262144x64xbf16, #tpu.memory_space<hbm>> -> memref<262144x64xbf16, #tpu.memory_space<hbm>>
    tpu.wait_indirect_dma semaphore(%arg10 : memref<!tpu.dma_semaphore, #tpu.memory_space<semaphore_mem>>) src(%dma_wait3A_1033 : memref<262144x64xbf16, #tpu.memory_space<hbm>>) dst(%dma_wait3A_1027 : memref<128x64xbf16, #tpu.memory_space<vmem>>)
    %dma_wait3A_1034 = arith.constant 3 : i32
    %dma_wait3A_1035 = arith.constant 384 : i32
    %dma_wait3A_1036 = arith.constant 0 : i32
    %dma_wait3A_1037 = tpu.memref_slice %arg9[%dma_wait3A_1035, %dma_wait3A_1036] : memref<640x64xbf16, #tpu.memory_space<vmem>> -> memref<128x64xbf16, #tpu.memory_space<vmem>>
    %dma_wait3A_1038 = arith.constant 0 : i32
    %dma_wait3A_1039 = tpu.memref_slice %arg8[%dma_wait3A_1034, %dma_wait3A_1038] : memref<5x128xi32, #tpu.memory_space<vmem>> -> memref<1x128xi32, #tpu.memory_space<vmem>>
    %dma_wait3A_1040 = tpu.memref_squeeze %dma_wait3A_1039 : memref<1x128xi32, #tpu.memory_space<vmem>> -> memref<128xi32, #tpu.memory_space<vmem>>
    %dma_wait3A_1041 = arith.constant 0 : i32
    %dma_wait3A_1042 = arith.constant 0 : i32
    %dma_wait3A_1043 = tpu.memref_slice %arg4[%dma_wait3A_1041, %dma_wait3A_1042] : memref<262144x64xbf16, #tpu.memory_space<hbm>> -> memref<262144x64xbf16, #tpu.memory_space<hbm>>
    tpu.wait_indirect_dma semaphore(%arg10 : memref<!tpu.dma_semaphore, #tpu.memory_space<semaphore_mem>>) src(%dma_wait3A_1043 : memref<262144x64xbf16, #tpu.memory_space<hbm>>) dst(%dma_wait3A_1037 : memref<128x64xbf16, #tpu.memory_space<vmem>>)
    %dma_wait3A_1044 = arith.constant 4 : i32
    %dma_wait3A_1045 = arith.constant 512 : i32
    %dma_wait3A_1046 = arith.constant 0 : i32
    %dma_wait3A_1047 = tpu.memref_slice %arg9[%dma_wait3A_1045, %dma_wait3A_1046] : memref<640x64xbf16, #tpu.memory_space<vmem>> -> memref<128x64xbf16, #tpu.memory_space<vmem>>
    %dma_wait3A_1048 = arith.constant 0 : i32
    %dma_wait3A_1049 = tpu.memref_slice %arg8[%dma_wait3A_1044, %dma_wait3A_1048] : memref<5x128xi32, #tpu.memory_space<vmem>> -> memref<1x128xi32, #tpu.memory_space<vmem>>
    %dma_wait3A_1050 = tpu.memref_squeeze %dma_wait3A_1049 : memref<1x128xi32, #tpu.memory_space<vmem>> -> memref<128xi32, #tpu.memory_space<vmem>>
    %dma_wait3A_1051 = arith.constant 0 : i32
    %dma_wait3A_1052 = arith.constant 0 : i32
    %dma_wait3A_1053 = tpu.memref_slice %arg4[%dma_wait3A_1051, %dma_wait3A_1052] : memref<262144x64xbf16, #tpu.memory_space<hbm>> -> memref<262144x64xbf16, #tpu.memory_space<hbm>>
    tpu.wait_indirect_dma semaphore(%arg10 : memref<!tpu.dma_semaphore, #tpu.memory_space<semaphore_mem>>) src(%dma_wait3A_1053 : memref<262144x64xbf16, #tpu.memory_space<hbm>>) dst(%dma_wait3A_1047 : memref<128x64xbf16, #tpu.memory_space<vmem>>)
    %run_scoped3A = arith.constant 0 : i32
    "tpu.region"() ({
      %run_scoped3A_1057 = tpu.sem_alloc : memref<!tpu.dma_semaphore, #tpu.memory_space<semaphore_mem>>
      %dma_start3A_1058 = arith.constant 0 : i32
      %dma_start3A_1059 = arith.constant 0 : i32
      %dma_start3A_1060 = tpu.memref_slice %arg9[%dma_start3A_1058, %dma_start3A_1059] : memref<640x64xbf16, #tpu.memory_space<vmem>> -> memref<160x64xbf16, #tpu.memory_space<vmem>>
      %dma_start3A_1061 = arith.constant 0 : i32
      %dma_start3A_1062 = tpu.memref_slice %arg5[%run_scoped3A, %multiple_of3A, %dma_start3A_1061] : memref<4x5120x64xbf16, #tpu.memory_space<hbm>> -> memref<1x160x64xbf16, #tpu.memory_space<hbm>>
      %dma_start3A_1063 = tpu.memref_squeeze %dma_start3A_1062 : memref<1x160x64xbf16, #tpu.memory_space<hbm>> -> memref<160x64xbf16, #tpu.memory_space<hbm>>
      %dma_start3A_1064 = arith.constant 0 : i32
      %dma_start3A_1065 = tpu.memref_slice %arg5[%run_scoped3A, %multiple_of3A, %dma_start3A_1064] : memref<4x5120x64xbf16, #tpu.memory_space<hbm>> -> memref<1x160x64xbf16, #tpu.memory_space<hbm>>
      %dma_start3A_1066 = tpu.memref_squeeze %dma_start3A_1065 : memref<1x160x64xbf16, #tpu.memory_space<hbm>> -> memref<160x64xbf16, #tpu.memory_space<hbm>>
      %dma_start3A_1067 = arith.constant 0 : i32
      %dma_start3A_1068 = arith.constant 0 : i32
      %dma_start3A_1069 = tpu.memref_slice %arg9[%dma_start3A_1067, %dma_start3A_1068] : memref<640x64xbf16, #tpu.memory_space<vmem>> -> memref<160x64xbf16, #tpu.memory_space<vmem>>
      tpu.enqueue_dma source(%dma_start3A_1069 : memref<160x64xbf16, #tpu.memory_space<vmem>>) target(%dma_start3A_1066 : memref<160x64xbf16, #tpu.memory_space<hbm>>) target_semaphore(%run_scoped3A_1057 : memref<!tpu.dma_semaphore, #tpu.memory_space<semaphore_mem>>)
      %dma_wait3A_1070 = arith.constant 0 : i32
      %dma_wait3A_1071 = arith.constant 0 : i32
      %dma_wait3A_1072 = tpu.memref_slice %arg9[%dma_wait3A_1070, %dma_wait3A_1071] : memref<640x64xbf16, #tpu.memory_space<vmem>> -> memref<160x64xbf16, #tpu.memory_space<vmem>>
      %dma_wait3A_1073 = arith.constant 0 : i32
      %dma_wait3A_1074 = tpu.memref_slice %arg5[%run_scoped3A, %multiple_of3A, %dma_wait3A_1073] : memref<4x5120x64xbf16, #tpu.memory_space<hbm>> -> memref<1x160x64xbf16, #tpu.memory_space<hbm>>
      %dma_wait3A_1075 = tpu.memref_squeeze %dma_wait3A_1074 : memref<1x160x64xbf16, #tpu.memory_space<hbm>> -> memref<160x64xbf16, #tpu.memory_space<hbm>>
      %dma_wait3A_1076 = arith.constant 0 : i32
      %dma_wait3A_1077 = tpu.memref_slice %arg5[%run_scoped3A, %multiple_of3A, %dma_wait3A_1076] : memref<4x5120x64xbf16, #tpu.memory_space<hbm>> -> memref<1x160x64xbf16, #tpu.memory_space<hbm>>
      %dma_wait3A_1078 = tpu.memref_squeeze %dma_wait3A_1077 : memref<1x160x64xbf16, #tpu.memory_space<hbm>> -> memref<160x64xbf16, #tpu.memory_space<hbm>>
      %dma_wait3A_1079 = arith.constant 0 : i32
      %dma_wait3A_1080 = arith.constant 0 : i32
      %dma_wait3A_1081 = tpu.memref_slice %arg9[%dma_wait3A_1079, %dma_wait3A_1080] : memref<640x64xbf16, #tpu.memory_space<vmem>> -> memref<160x64xbf16, #tpu.memory_space<vmem>>
      tpu.wait_dma2 semaphore(%run_scoped3A_1057 : memref<!tpu.dma_semaphore, #tpu.memory_space<semaphore_mem>>) src(%dma_wait3A_1081 : memref<160x64xbf16, #tpu.memory_space<vmem>>) dst(%dma_wait3A_1078 : memref<160x64xbf16, #tpu.memory_space<hbm>>)
      tpu.yield
    }) : () -> ()
    %run_scoped3A_1054 = arith.constant 1 : i32
    "tpu.region"() ({
      %run_scoped3A_1057 = tpu.sem_alloc : memref<!tpu.dma_semaphore, #tpu.memory_space<semaphore_mem>>
      %dma_start3A_1058 = arith.constant 160 : i32
      %dma_start3A_1059 = arith.constant 0 : i32
      %dma_start3A_1060 = tpu.memref_slice %arg9[%dma_start3A_1058, %dma_start3A_1059] : memref<640x64xbf16, #tpu.memory_space<vmem>> -> memref<160x64xbf16, #tpu.memory_space<vmem>>
      %dma_start3A_1061 = arith.constant 0 : i32
      %dma_start3A_1062 = tpu.memref_slice %arg5[%run_scoped3A_1054, %multiple_of3A, %dma_start3A_1061] : memref<4x5120x64xbf16, #tpu.memory_space<hbm>> -> memref<1x160x64xbf16, #tpu.memory_space<hbm>>
      %dma_start3A_1063 = tpu.memref_squeeze %dma_start3A_1062 : memref<1x160x64xbf16, #tpu.memory_space<hbm>> -> memref<160x64xbf16, #tpu.memory_space<hbm>>
      %dma_start3A_1064 = arith.constant 0 : i32
      %dma_start3A_1065 = tpu.memref_slice %arg5[%run_scoped3A_1054, %multiple_of3A, %dma_start3A_1064] : memref<4x5120x64xbf16, #tpu.memory_space<hbm>> -> memref<1x160x64xbf16, #tpu.memory_space<hbm>>
      %dma_start3A_1066 = tpu.memref_squeeze %dma_start3A_1065 : memref<1x160x64xbf16, #tpu.memory_space<hbm>> -> memref<160x64xbf16, #tpu.memory_space<hbm>>
      %dma_start3A_1067 = arith.constant 160 : i32
      %dma_start3A_1068 = arith.constant 0 : i32
      %dma_start3A_1069 = tpu.memref_slice %arg9[%dma_start3A_1067, %dma_start3A_1068] : memref<640x64xbf16, #tpu.memory_space<vmem>> -> memref<160x64xbf16, #tpu.memory_space<vmem>>
      tpu.enqueue_dma source(%dma_start3A_1069 : memref<160x64xbf16, #tpu.memory_space<vmem>>) target(%dma_start3A_1066 : memref<160x64xbf16, #tpu.memory_space<hbm>>) target_semaphore(%run_scoped3A_1057 : memref<!tpu.dma_semaphore, #tpu.memory_space<semaphore_mem>>)
      %dma_wait3A_1070 = arith.constant 160 : i32
      %dma_wait3A_1071 = arith.constant 0 : i32
      %dma_wait3A_1072 = tpu.memref_slice %arg9[%dma_wait3A_1070, %dma_wait3A_1071] : memref<640x64xbf16, #tpu.memory_space<vmem>> -> memref<160x64xbf16, #tpu.memory_space<vmem>>
      %dma_wait3A_1073 = arith.constant 0 : i32
      %dma_wait3A_1074 = tpu.memref_slice %arg5[%run_scoped3A_1054, %multiple_of3A, %dma_wait3A_1073] : memref<4x5120x64xbf16, #tpu.memory_space<hbm>> -> memref<1x160x64xbf16, #tpu.memory_space<hbm>>
      %dma_wait3A_1075 = tpu.memref_squeeze %dma_wait3A_1074 : memref<1x160x64xbf16, #tpu.memory_space<hbm>> -> memref<160x64xbf16, #tpu.memory_space<hbm>>
      %dma_wait3A_1076 = arith.constant 0 : i32
      %dma_wait3A_1077 = tpu.memref_slice %arg5[%run_scoped3A_1054, %multiple_of3A, %dma_wait3A_1076] : memref<4x5120x64xbf16, #tpu.memory_space<hbm>> -> memref<1x160x64xbf16, #tpu.memory_space<hbm>>
      %dma_wait3A_1078 = tpu.memref_squeeze %dma_wait3A_1077 : memref<1x160x64xbf16, #tpu.memory_space<hbm>> -> memref<160x64xbf16, #tpu.memory_space<hbm>>
      %dma_wait3A_1079 = arith.constant 160 : i32
      %dma_wait3A_1080 = arith.constant 0 : i32
      %dma_wait3A_1081 = tpu.memref_slice %arg9[%dma_wait3A_1079, %dma_wait3A_1080] : memref<640x64xbf16, #tpu.memory_space<vmem>> -> memref<160x64xbf16, #tpu.memory_space<vmem>>
      tpu.wait_dma2 semaphore(%run_scoped3A_1057 : memref<!tpu.dma_semaphore, #tpu.memory_space<semaphore_mem>>) src(%dma_wait3A_1081 : memref<160x64xbf16, #tpu.memory_space<vmem>>) dst(%dma_wait3A_1078 : memref<160x64xbf16, #tpu.memory_space<hbm>>)
      tpu.yield
    }) : () -> ()
    %run_scoped3A_1055 = arith.constant 2 : i32
    "tpu.region"() ({
      %run_scoped3A_1057 = tpu.sem_alloc : memref<!tpu.dma_semaphore, #tpu.memory_space<semaphore_mem>>
      %dma_start3A_1058 = arith.constant 320 : i32
      %dma_start3A_1059 = arith.constant 0 : i32
      %dma_start3A_1060 = tpu.memref_slice %arg9[%dma_start3A_1058, %dma_start3A_1059] : memref<640x64xbf16, #tpu.memory_space<vmem>> -> memref<160x64xbf16, #tpu.memory_space<vmem>>
      %dma_start3A_1061 = arith.constant 0 : i32
      %dma_start3A_1062 = tpu.memref_slice %arg5[%run_scoped3A_1055, %multiple_of3A, %dma_start3A_1061] : memref<4x5120x64xbf16, #tpu.memory_space<hbm>> -> memref<1x160x64xbf16, #tpu.memory_space<hbm>>
      %dma_start3A_1063 = tpu.memref_squeeze %dma_start3A_1062 : memref<1x160x64xbf16, #tpu.memory_space<hbm>> -> memref<160x64xbf16, #tpu.memory_space<hbm>>
      %dma_start3A_1064 = arith.constant 0 : i32
      %dma_start3A_1065 = tpu.memref_slice %arg5[%run_scoped3A_1055, %multiple_of3A, %dma_start3A_1064] : memref<4x5120x64xbf16, #tpu.memory_space<hbm>> -> memref<1x160x64xbf16, #tpu.memory_space<hbm>>
      %dma_start3A_1066 = tpu.memref_squeeze %dma_start3A_1065 : memref<1x160x64xbf16, #tpu.memory_space<hbm>> -> memref<160x64xbf16, #tpu.memory_space<hbm>>
      %dma_start3A_1067 = arith.constant 320 : i32
      %dma_start3A_1068 = arith.constant 0 : i32
      %dma_start3A_1069 = tpu.memref_slice %arg9[%dma_start3A_1067, %dma_start3A_1068] : memref<640x64xbf16, #tpu.memory_space<vmem>> -> memref<160x64xbf16, #tpu.memory_space<vmem>>
      tpu.enqueue_dma source(%dma_start3A_1069 : memref<160x64xbf16, #tpu.memory_space<vmem>>) target(%dma_start3A_1066 : memref<160x64xbf16, #tpu.memory_space<hbm>>) target_semaphore(%run_scoped3A_1057 : memref<!tpu.dma_semaphore, #tpu.memory_space<semaphore_mem>>)
      %dma_wait3A_1070 = arith.constant 320 : i32
      %dma_wait3A_1071 = arith.constant 0 : i32
      %dma_wait3A_1072 = tpu.memref_slice %arg9[%dma_wait3A_1070, %dma_wait3A_1071] : memref<640x64xbf16, #tpu.memory_space<vmem>> -> memref<160x64xbf16, #tpu.memory_space<vmem>>
      %dma_wait3A_1073 = arith.constant 0 : i32
      %dma_wait3A_1074 = tpu.memref_slice %arg5[%run_scoped3A_1055, %multiple_of3A, %dma_wait3A_1073] : memref<4x5120x64xbf16, #tpu.memory_space<hbm>> -> memref<1x160x64xbf16, #tpu.memory_space<hbm>>
      %dma_wait3A_1075 = tpu.memref_squeeze %dma_wait3A_1074 : memref<1x160x64xbf16, #tpu.memory_space<hbm>> -> memref<160x64xbf16, #tpu.memory_space<hbm>>
      %dma_wait3A_1076 = arith.constant 0 : i32
      %dma_wait3A_1077 = tpu.memref_slice %arg5[%run_scoped3A_1055, %multiple_of3A, %dma_wait3A_1076] : memref<4x5120x64xbf16, #tpu.memory_space<hbm>> -> memref<1x160x64xbf16, #tpu.memory_space<hbm>>
      %dma_wait3A_1078 = tpu.memref_squeeze %dma_wait3A_1077 : memref<1x160x64xbf16, #tpu.memory_space<hbm>> -> memref<160x64xbf16, #tpu.memory_space<hbm>>
      %dma_wait3A_1079 = arith.constant 320 : i32
      %dma_wait3A_1080 = arith.constant 0 : i32
      %dma_wait3A_1081 = tpu.memref_slice %arg9[%dma_wait3A_1079, %dma_wait3A_1080] : memref<640x64xbf16, #tpu.memory_space<vmem>> -> memref<160x64xbf16, #tpu.memory_space<vmem>>
      tpu.wait_dma2 semaphore(%run_scoped3A_1057 : memref<!tpu.dma_semaphore, #tpu.memory_space<semaphore_mem>>) src(%dma_wait3A_1081 : memref<160x64xbf16, #tpu.memory_space<vmem>>) dst(%dma_wait3A_1078 : memref<160x64xbf16, #tpu.memory_space<hbm>>)
      tpu.yield
    }) : () -> ()
    %run_scoped3A_1056 = arith.constant 3 : i32
    "tpu.region"() ({
      %run_scoped3A_1057 = tpu.sem_alloc : memref<!tpu.dma_semaphore, #tpu.memory_space<semaphore_mem>>
      %dma_start3A_1058 = arith.constant 480 : i32
      %dma_start3A_1059 = arith.constant 0 : i32
      %dma_start3A_1060 = tpu.memref_slice %arg9[%dma_start3A_1058, %dma_start3A_1059] : memref<640x64xbf16, #tpu.memory_space<vmem>> -> memref<160x64xbf16, #tpu.memory_space<vmem>>
      %dma_start3A_1061 = arith.constant 0 : i32
      %dma_start3A_1062 = tpu.memref_slice %arg5[%run_scoped3A_1056, %multiple_of3A, %dma_start3A_1061] : memref<4x5120x64xbf16, #tpu.memory_space<hbm>> -> memref<1x160x64xbf16, #tpu.memory_space<hbm>>
      %dma_start3A_1063 = tpu.memref_squeeze %dma_start3A_1062 : memref<1x160x64xbf16, #tpu.memory_space<hbm>> -> memref<160x64xbf16, #tpu.memory_space<hbm>>
      %dma_start3A_1064 = arith.constant 0 : i32
      %dma_start3A_1065 = tpu.memref_slice %arg5[%run_scoped3A_1056, %multiple_of3A, %dma_start3A_1064] : memref<4x5120x64xbf16, #tpu.memory_space<hbm>> -> memref<1x160x64xbf16, #tpu.memory_space<hbm>>
      %dma_start3A_1066 = tpu.memref_squeeze %dma_start3A_1065 : memref<1x160x64xbf16, #tpu.memory_space<hbm>> -> memref<160x64xbf16, #tpu.memory_space<hbm>>
      %dma_start3A_1067 = arith.constant 480 : i32
      %dma_start3A_1068 = arith.constant 0 : i32
      %dma_start3A_1069 = tpu.memref_slice %arg9[%dma_start3A_1067, %dma_start3A_1068] : memref<640x64xbf16, #tpu.memory_space<vmem>> -> memref<160x64xbf16, #tpu.memory_space<vmem>>
      tpu.enqueue_dma source(%dma_start3A_1069 : memref<160x64xbf16, #tpu.memory_space<vmem>>) target(%dma_start3A_1066 : memref<160x64xbf16, #tpu.memory_space<hbm>>) target_semaphore(%run_scoped3A_1057 : memref<!tpu.dma_semaphore, #tpu.memory_space<semaphore_mem>>)
      %dma_wait3A_1070 = arith.constant 480 : i32
      %dma_wait3A_1071 = arith.constant 0 : i32
      %dma_wait3A_1072 = tpu.memref_slice %arg9[%dma_wait3A_1070, %dma_wait3A_1071] : memref<640x64xbf16, #tpu.memory_space<vmem>> -> memref<160x64xbf16, #tpu.memory_space<vmem>>
      %dma_wait3A_1073 = arith.constant 0 : i32
      %dma_wait3A_1074 = tpu.memref_slice %arg5[%run_scoped3A_1056, %multiple_of3A, %dma_wait3A_1073] : memref<4x5120x64xbf16, #tpu.memory_space<hbm>> -> memref<1x160x64xbf16, #tpu.memory_space<hbm>>
      %dma_wait3A_1075 = tpu.memref_squeeze %dma_wait3A_1074 : memref<1x160x64xbf16, #tpu.memory_space<hbm>> -> memref<160x64xbf16, #tpu.memory_space<hbm>>
      %dma_wait3A_1076 = arith.constant 0 : i32
      %dma_wait3A_1077 = tpu.memref_slice %arg5[%run_scoped3A_1056, %multiple_of3A, %dma_wait3A_1076] : memref<4x5120x64xbf16, #tpu.memory_space<hbm>> -> memref<1x160x64xbf16, #tpu.memory_space<hbm>>
      %dma_wait3A_1078 = tpu.memref_squeeze %dma_wait3A_1077 : memref<1x160x64xbf16, #tpu.memory_space<hbm>> -> memref<160x64xbf16, #tpu.memory_space<hbm>>
      %dma_wait3A_1079 = arith.constant 480 : i32
      %dma_wait3A_1080 = arith.constant 0 : i32
      %dma_wait3A_1081 = tpu.memref_slice %arg9[%dma_wait3A_1079, %dma_wait3A_1080] : memref<640x64xbf16, #tpu.memory_space<vmem>> -> memref<160x64xbf16, #tpu.memory_space<vmem>>
      tpu.wait_dma2 semaphore(%run_scoped3A_1057 : memref<!tpu.dma_semaphore, #tpu.memory_space<semaphore_mem>>) src(%dma_wait3A_1081 : memref<160x64xbf16, #tpu.memory_space<vmem>>) dst(%dma_wait3A_1078 : memref<160x64xbf16, #tpu.memory_space<hbm>>)
      tpu.yield
    }) : () -> ()
    return
  }
}

#map = affine_map<(d0, d1) -> (0)>
#map1 = affine_map<(d0, d1) -> (0, 0)>
#map2 = affine_map<(d0, d1) -> (0, 0, 0)>
module attributes {stable_mosaic.version = 14 : i64} {
  func.func @_sc_body(%arg0: i32, %arg1: i32, %arg2: memref<5120xf32, #tpu.memory_space<hbm>>, %arg3: memref<5120xf32, #tpu.memory_space<hbm>>, %arg4: memref<262144x64xbf16, #tpu.memory_space<hbm>>, %arg5: memref<4x5120x64xbf16, #tpu.memory_space<hbm>>, %arg6: memref<160xf32, #tpu.memory_space<vmem>>, %arg7: memref<160xf32, #tpu.memory_space<vmem>>, %arg8: memref<5x128xi32, #tpu.memory_space<vmem>>, %arg9: memref<640x64xbf16, #tpu.memory_space<vmem>>, %arg10: memref<!tpu.dma_semaphore, #tpu.memory_space<semaphore_mem>>) attributes {dimension_semantics = [#tpu.dimension_semantics<core_parallel>, #tpu.dimension_semantics<subcore_parallel>], iteration_bounds = array<i64: 2, 16>, scalar_prefetch = 0 : i64, scratch_operands = 5 : i64, tpu.core_type = #tpu.core_type<sc_vector_subcore>, window_params = [{transform_indices = #map}, {transform_indices = #map}, {transform_indices = #map1}, {transform_indices = #map2}]} {
    %mul3A = arith.constant 2 : i32
    %mul3A_0 = arith.muli %arg1, %mul3A : i32
    %add3A = arith.addi %mul3A_0, %arg0 : i32
    %mul3A_1 = arith.constant 160 : i32
    %mul3A_2 = arith.muli %add3A, %mul3A_1 : i32
    %multiple_of3A = tpu.assume_multiple %mul3A_2, 160 : i32
    "tpu.region"() ({
      %run_scoped3A_1057 = tpu.sem_alloc : memref<!tpu.dma_semaphore, #tpu.memory_space<semaphore_mem>>
      %dma_start3A_1058 = tpu.memref_slice %arg2[%multiple_of3A] : memref<5120xf32, #tpu.memory_space<hbm>> -> memref<160xf32, #tpu.memory_space<hbm>>
      %dma_start3A_1059 = tpu.memref_slice %arg2[%multiple_of3A] : memref<5120xf32, #tpu.memory_space<hbm>> -> memref<160xf32, #tpu.memory_space<hbm>>
      tpu.enqueue_dma source(%dma_start3A_1059 : memref<160xf32, #tpu.memory_space<hbm>>) target(%arg6 : memref<160xf32, #tpu.memory_space<vmem>>) target_semaphore(%run_scoped3A_1057 : memref<!tpu.dma_semaphore, #tpu.memory_space<semaphore_mem>>)
      %dma_wait3A_1060 = tpu.memref_slice %arg2[%multiple_of3A] : memref<5120xf32, #tpu.memory_space<hbm>> -> memref<160xf32, #tpu.memory_space<hbm>>
      %dma_wait3A_1061 = tpu.memref_slice %arg2[%multiple_of3A] : memref<5120xf32, #tpu.memory_space<hbm>> -> memref<160xf32, #tpu.memory_space<hbm>>
      tpu.wait_dma2 semaphore(%run_scoped3A_1057 : memref<!tpu.dma_semaphore, #tpu.memory_space<semaphore_mem>>) src(%dma_wait3A_1061 : memref<160xf32, #tpu.memory_space<hbm>>) dst(%arg6 : memref<160xf32, #tpu.memory_space<vmem>>)
      tpu.yield
    }) : () -> ()
    "tpu.region"() ({
      %run_scoped3A_1057 = tpu.sem_alloc : memref<!tpu.dma_semaphore, #tpu.memory_space<semaphore_mem>>
      %dma_start3A_1058 = tpu.memref_slice %arg3[%multiple_of3A] : memref<5120xf32, #tpu.memory_space<hbm>> -> memref<160xf32, #tpu.memory_space<hbm>>
      %dma_start3A_1059 = tpu.memref_slice %arg3[%multiple_of3A] : memref<5120xf32, #tpu.memory_space<hbm>> -> memref<160xf32, #tpu.memory_space<hbm>>
      tpu.enqueue_dma source(%dma_start3A_1059 : memref<160xf32, #tpu.memory_space<hbm>>) target(%arg7 : memref<160xf32, #tpu.memory_space<vmem>>) target_semaphore(%run_scoped3A_1057 : memref<!tpu.dma_semaphore, #tpu.memory_space<semaphore_mem>>)
      %dma_wait3A_1060 = tpu.memref_slice %arg3[%multiple_of3A] : memref<5120xf32, #tpu.memory_space<hbm>> -> memref<160xf32, #tpu.memory_space<hbm>>
      %dma_wait3A_1061 = tpu.memref_slice %arg3[%multiple_of3A] : memref<5120xf32, #tpu.memory_space<hbm>> -> memref<160xf32, #tpu.memory_space<hbm>>
      tpu.wait_dma2 semaphore(%run_scoped3A_1057 : memref<!tpu.dma_semaphore, #tpu.memory_space<semaphore_mem>>) src(%dma_wait3A_1061 : memref<160xf32, #tpu.memory_space<hbm>>) dst(%arg7 : memref<160xf32, #tpu.memory_space<vmem>>)
      tpu.yield
    }) : () -> ()
    %jit3A = arith.constant 8 : i32
    %div3A = arith.divsi %add3A, %jit3A : i32
    %sign3A = arith.constant 0 : i32
    %sign3A_3 = arith.cmpi sgt, %add3A, %sign3A : i32
    %sign3A_4 = arith.extui %sign3A_3 : i1 to i32
    %sign3A_5 = arith.constant 0 : i32
    %sign3A_6 = arith.cmpi slt, %add3A, %sign3A_5 : i32
    %sign3A_7 = arith.extui %sign3A_6 : i1 to i32
    %sign3A_8 = arith.subi %sign3A_4, %sign3A_7 : i32
    %sign3A_9 = arith.constant 0 : i32
    %sign3A_10 = arith.cmpi sgt, %jit3A, %sign3A_9 : i32
    %sign3A_11 = arith.extui %sign3A_10 : i1 to i32
    %sign3A_12 = arith.constant 0 : i32
    %sign3A_13 = arith.cmpi slt, %jit3A, %sign3A_12 : i32
    %sign3A_14 = arith.extui %sign3A_13 : i1 to i32
    %sign3A_15 = arith.subi %sign3A_11, %sign3A_14 : i32
    %ne3A = arith.cmpi ne, %sign3A_8, %sign3A_15 : i32
    %rem3A = arith.remsi %add3A, %jit3A : i32
    %ne3A_16 = arith.constant 0 : i32
    %ne3A_17 = arith.cmpi ne, %rem3A, %ne3A_16 : i32
    %and3A = arith.andi %ne3A, %ne3A_17 : i1
    %sub3A = arith.constant 1 : i32
    %sub3A_18 = arith.subi %div3A, %sub3A : i32
    %select_n3A = arith.select %and3A, %sub3A_18, %div3A : i32
    %mul3A_19 = arith.constant 65536 : i32
    %mul3A_20 = arith.muli %select_n3A, %mul3A_19 : i32
    %get3A = arith.constant 0 : index
    %get3A_21 = tpu.vector_load %arg6[%get3A] {strides = array<i32>} : memref<160xf32, #tpu.memory_space<vmem>>, vector<16xf32>,
    %get3A_22 = vector.shape_cast %get3A_21 : vector<16xf32> to vector<16xf32>
    %get3A_23 = arith.constant 0 : index
    %get3A_24 = tpu.vector_load %arg7[%get3A_23] {strides = array<i32>} : memref<160xf32, #tpu.memory_space<vmem>>, vector<16xf32>,
    %get3A_25 = vector.shape_cast %get3A_24 : vector<16xf32> to vector<16xf32>
    %mul3A_26 = arith.constant 7.812500e-03 : f32
    %mul3A_27 = vector.broadcast %mul3A_26 : f32 to vector<16xf32>
    %mul3A_28 = arith.mulf %get3A_22, %mul3A_27 : vector<16xf32>
    %sub3A_29 = arith.constant 1.000000e+00 : f32
    %sub3A_30 = vector.broadcast %sub3A_29 : f32 to vector<16xf32>
    %sub3A_31 = arith.subf %mul3A_28, %sub3A_30 : vector<16xf32>
    %add3A_32 = arith.constant 1.000000e+00 : f32
    %add3A_33 = vector.broadcast %add3A_32 : f32 to vector<16xf32>
    %add3A_34 = arith.addf %sub3A_31, %add3A_33 : vector<16xf32>
    %mul3A_35 = arith.constant 1.275000e+02 : f32
    %mul3A_36 = vector.broadcast %mul3A_35 : f32 to vector<16xf32>
    %mul3A_37 = arith.mulf %add3A_34, %mul3A_36 : vector<16xf32>
    %mul3A_38 = arith.constant 7.812500e-03 : f32
    %mul3A_39 = vector.broadcast %mul3A_38 : f32 to vector<16xf32>
    %mul3A_40 = arith.mulf %get3A_25, %mul3A_39 : vector<16xf32>
    %sub3A_41 = arith.constant 1.000000e+00 : f32
    %sub3A_42 = vector.broadcast %sub3A_41 : f32 to vector<16xf32>
    %sub3A_43 = arith.subf %mul3A_40, %sub3A_42 : vector<16xf32>
    %add3A_44 = arith.constant 1.000000e+00 : f32
    %add3A_45 = vector.broadcast %add3A_44 : f32 to vector<16xf32>
    %add3A_46 = arith.addf %sub3A_43, %add3A_45 : vector<16xf32>
    %mul3A_47 = arith.constant 1.275000e+02 : f32
    %mul3A_48 = vector.broadcast %mul3A_47 : f32 to vector<16xf32>
    %mul3A_49 = arith.mulf %add3A_46, %mul3A_48 : vector<16xf32>
    %convert_element_type3A = arith.fptosi %mul3A_37 : vector<16xf32> to vector<16xi32>
    %jit3A_50 = arith.constant 0 : i32
    %jit3A_51 = arith.constant 255 : i32
    %max3A = vector.broadcast %jit3A_50 : i32 to vector<16xi32>
    %max3A_52 = arith.maxsi %max3A, %convert_element_type3A : vector<16xi32>
    %min3A = vector.broadcast %jit3A_51 : i32 to vector<16xi32>
    %min3A_53 = arith.minsi %min3A, %max3A_52 : vector<16xi32>
    %convert_element_type3A_54 = arith.fptosi %mul3A_49 : vector<16xf32> to vector<16xi32>
    %jit3A_55 = arith.constant 0 : i32
    %jit3A_56 = arith.constant 255 : i32
    %max3A_57 = vector.broadcast %jit3A_55 : i32 to vector<16xi32>
    %max3A_58 = arith.maxsi %max3A_57, %convert_element_type3A_54 : vector<16xi32>
    %min3A_59 = vector.broadcast %jit3A_56 : i32 to vector<16xi32>
    %min3A_60 = arith.minsi %min3A_59, %max3A_58 : vector<16xi32>
    %add3A_61 = arith.constant 1 : i32
    %add3A_62 = vector.broadcast %add3A_61 : i32 to vector<16xi32>
    %add3A_63 = arith.addi %min3A_53, %add3A_62 : vector<16xi32>
    %min3A_64 = arith.constant 255 : i32
    %min3A_65 = vector.broadcast %min3A_64 : i32 to vector<16xi32>
    %min3A_66 = arith.minsi %add3A_63, %min3A_65 : vector<16xi32>
    %add3A_67 = arith.constant 1 : i32
    %add3A_68 = vector.broadcast %add3A_67 : i32 to vector<16xi32>
    %add3A_69 = arith.addi %min3A_60, %add3A_68 : vector<16xi32>
    %min3A_70 = arith.constant 255 : i32
    %min3A_71 = vector.broadcast %min3A_70 : i32 to vector<16xi32>
    %min3A_72 = arith.minsi %add3A_69, %min3A_71 : vector<16xi32>
    %mul3A_73 = arith.constant 256 : i32
    %mul3A_74 = vector.broadcast %mul3A_73 : i32 to vector<16xi32>
    %mul3A_75 = arith.muli %min3A_60, %mul3A_74 : vector<16xi32>
    %add3A_76 = vector.broadcast %mul3A_20 : i32 to vector<16xi32>
    %add3A_77 = arith.addi %add3A_76, %mul3A_75 : vector<16xi32>
    %mul3A_78 = arith.constant 256 : i32
    %mul3A_79 = vector.broadcast %mul3A_78 : i32 to vector<16xi32>
    %mul3A_80 = arith.muli %min3A_72, %mul3A_79 : vector<16xi32>
    %add3A_81 = vector.broadcast %mul3A_20 : i32 to vector<16xi32>
    %add3A_82 = arith.addi %add3A_81, %mul3A_80 : vector<16xi32>
    %add3A_83 = arith.addi %add3A_77, %min3A_53 : vector<16xi32>
    %add3A_84 = arith.addi %add3A_77, %min3A_66 : vector<16xi32>
    %add3A_85 = arith.addi %add3A_82, %min3A_53 : vector<16xi32>
    %add3A_86 = arith.addi %add3A_82, %min3A_66 : vector<16xi32>
    %swap3A = arith.constant 0 : i32
    %swap3A_87 = arith.index_cast %swap3A : i32 to index
    %swap3A_88 = arith.constant 0 : index
    %swap3A_89 = tpu.vector_load %arg8[%swap3A_87, %swap3A_88] {strides = array<i32>} : memref<5x128xi32, #tpu.memory_space<vmem>>, vector<1x16xi32>,
    %swap3A_90 = vector.shape_cast %swap3A_89 : vector<1x16xi32> to vector<16xi32>
    %swap3A_91 = vector.shape_cast %add3A_83 : vector<16xi32> to vector<1x16xi32>
    tpu.vector_store %arg8[%swap3A_87, %swap3A_88], %swap3A_91 {strides = array<i32>} : memref<5x128xi32, #tpu.memory_space<vmem>>, vector<1x16xi32>,
    %swap3A_92 = arith.constant 1 : i32
    %swap3A_93 = arith.index_cast %swap3A_92 : i32 to index
    %swap3A_94 = arith.constant 32 : index
    %swap3A_95 = tpu.vector_load %arg8[%swap3A_93, %swap3A_94] {strides = array<i32>} : memref<5x128xi32, #tpu.memory_space<vmem>>, vector<1x16xi32>,
    %swap3A_96 = vector.shape_cast %swap3A_95 : vector<1x16xi32> to vector<16xi32>
    %swap3A_97 = vector.shape_cast %add3A_84 : vector<16xi32> to vector<1x16xi32>
    tpu.vector_store %arg8[%swap3A_93, %swap3A_94], %swap3A_97 {strides = array<i32>} : memref<5x128xi32, #tpu.memory_space<vmem>>, vector<1x16xi32>,
    %swap3A_98 = arith.constant 2 : i32
    %swap3A_99 = arith.index_cast %swap3A_98 : i32 to index
    %swap3A_100 = arith.constant 64 : index
    %swap3A_101 = tpu.vector_load %arg8[%swap3A_99, %swap3A_100] {strides = array<i32>} : memref<5x128xi32, #tpu.memory_space<vmem>>, vector<1x16xi32>,
    %swap3A_102 = vector.shape_cast %swap3A_101 : vector<1x16xi32> to vector<16xi32>
    %swap3A_103 = vector.shape_cast %add3A_85 : vector<16xi32> to vector<1x16xi32>
    tpu.vector_store %arg8[%swap3A_99, %swap3A_100], %swap3A_103 {strides = array<i32>} : memref<5x128xi32, #tpu.memory_space<vmem>>, vector<1x16xi32>,
    %swap3A_104 = arith.constant 3 : i32
    %swap3A_105 = arith.index_cast %swap3A_104 : i32 to index
    %swap3A_106 = arith.constant 96 : index
    %swap3A_107 = tpu.vector_load %arg8[%swap3A_105, %swap3A_106] {strides = array<i32>} : memref<5x128xi32, #tpu.memory_space<vmem>>, vector<1x16xi32>,
    %swap3A_108 = vector.shape_cast %swap3A_107 : vector<1x16xi32> to vector<16xi32>
    %swap3A_109 = vector.shape_cast %add3A_86 : vector<16xi32> to vector<1x16xi32>
    tpu.vector_store %arg8[%swap3A_105, %swap3A_106], %swap3A_109 {strides = array<i32>} : memref<5x128xi32, #tpu.memory_space<vmem>>, vector<1x16xi32>,
    %get3A_110 = arith.constant 16 : index
    %get3A_111 = tpu.vector_load %arg6[%get3A_110] {strides = array<i32>} : memref<160xf32, #tpu.memory_space<vmem>>, vector<16xf32>,
    %get3A_112 = vector.shape_cast %get3A_111 : vector<16xf32> to vector<16xf32>
    %get3A_113 = arith.constant 16 : index
    %get3A_114 = tpu.vector_load %arg7[%get3A_113] {strides = array<i32>} : memref<160xf32, #tpu.memory_space<vmem>>, vector<16xf32>,
    %get3A_115 = vector.shape_cast %get3A_114 : vector<16xf32> to vector<16xf32>
    %mul3A_116 = arith.constant 7.812500e-03 : f32
    %mul3A_117 = vector.broadcast %mul3A_116 : f32 to vector<16xf32>
    %mul3A_118 = arith.mulf %get3A_112, %mul3A_117 : vector<16xf32>
    %sub3A_119 = arith.constant 1.000000e+00 : f32
    %sub3A_120 = vector.broadcast %sub3A_119 : f32 to vector<16xf32>
    %sub3A_121 = arith.subf %mul3A_118, %sub3A_120 : vector<16xf32>
    %add3A_122 = arith.constant 1.000000e+00 : f32
    %add3A_123 = vector.broadcast %add3A_122 : f32 to vector<16xf32>
    %add3A_124 = arith.addf %sub3A_121, %add3A_123 : vector<16xf32>
    %mul3A_125 = arith.constant 1.275000e+02 : f32
    %mul3A_126 = vector.broadcast %mul3A_125 : f32 to vector<16xf32>
    %mul3A_127 = arith.mulf %add3A_124, %mul3A_126 : vector<16xf32>
    %mul3A_128 = arith.constant 7.812500e-03 : f32
    %mul3A_129 = vector.broadcast %mul3A_128 : f32 to vector<16xf32>
    %mul3A_130 = arith.mulf %get3A_115, %mul3A_129 : vector<16xf32>
    %sub3A_131 = arith.constant 1.000000e+00 : f32
    %sub3A_132 = vector.broadcast %sub3A_131 : f32 to vector<16xf32>
    %sub3A_133 = arith.subf %mul3A_130, %sub3A_132 : vector<16xf32>
    %add3A_134 = arith.constant 1.000000e+00 : f32
    %add3A_135 = vector.broadcast %add3A_134 : f32 to vector<16xf32>
    %add3A_136 = arith.addf %sub3A_133, %add3A_135 : vector<16xf32>
    %mul3A_137 = arith.constant 1.275000e+02 : f32
    %mul3A_138 = vector.broadcast %mul3A_137 : f32 to vector<16xf32>
    %mul3A_139 = arith.mulf %add3A_136, %mul3A_138 : vector<16xf32>
    %convert_element_type3A_140 = arith.fptosi %mul3A_127 : vector<16xf32> to vector<16xi32>
    %jit3A_141 = arith.constant 0 : i32
    %jit3A_142 = arith.constant 255 : i32
    %max3A_143 = vector.broadcast %jit3A_141 : i32 to vector<16xi32>
    %max3A_144 = arith.maxsi %max3A_143, %convert_element_type3A_140 : vector<16xi32>
    %min3A_145 = vector.broadcast %jit3A_142 : i32 to vector<16xi32>
    %min3A_146 = arith.minsi %min3A_145, %max3A_144 : vector<16xi32>
    %convert_element_type3A_147 = arith.fptosi %mul3A_139 : vector<16xf32> to vector<16xi32>
    %jit3A_148 = arith.constant 0 : i32
    %jit3A_149 = arith.constant 255 : i32
    %max3A_150 = vector.broadcast %jit3A_148 : i32 to vector<16xi32>
    %max3A_151 = arith.maxsi %max3A_150, %convert_element_type3A_147 : vector<16xi32>
    %min3A_152 = vector.broadcast %jit3A_149 : i32 to vector<16xi32>
    %min3A_153 = arith.minsi %min3A_152, %max3A_151 : vector<16xi32>
    %add3A_154 = arith.constant 1 : i32
    %add3A_155 = vector.broadcast %add3A_154 : i32 to vector<16xi32>
    %add3A_156 = arith.addi %min3A_146, %add3A_155 : vector<16xi32>
    %min3A_157 = arith.constant 255 : i32
    %min3A_158 = vector.broadcast %min3A_157 : i32 to vector<16xi32>
    %min3A_159 = arith.minsi %add3A_156, %min3A_158 : vector<16xi32>
    %add3A_160 = arith.constant 1 : i32
    %add3A_161 = vector.broadcast %add3A_160 : i32 to vector<16xi32>
    %add3A_162 = arith.addi %min3A_153, %add3A_161 : vector<16xi32>
    %min3A_163 = arith.constant 255 : i32
    %min3A_164 = vector.broadcast %min3A_163 : i32 to vector<16xi32>
    %min3A_165 = arith.minsi %add3A_162, %min3A_164 : vector<16xi32>
    %mul3A_166 = arith.constant 256 : i32
    %mul3A_167 = vector.broadcast %mul3A_166 : i32 to vector<16xi32>
    %mul3A_168 = arith.muli %min3A_153, %mul3A_167 : vector<16xi32>
    %add3A_169 = vector.broadcast %mul3A_20 : i32 to vector<16xi32>
    %add3A_170 = arith.addi %add3A_169, %mul3A_168 : vector<16xi32>
    %mul3A_171 = arith.constant 256 : i32
    %mul3A_172 = vector.broadcast %mul3A_171 : i32 to vector<16xi32>
    %mul3A_173 = arith.muli %min3A_165, %mul3A_172 : vector<16xi32>
    %add3A_174 = vector.broadcast %mul3A_20 : i32 to vector<16xi32>
    %add3A_175 = arith.addi %add3A_174, %mul3A_173 : vector<16xi32>
    %add3A_176 = arith.addi %add3A_170, %min3A_146 : vector<16xi32>
    %add3A_177 = arith.addi %add3A_170, %min3A_159 : vector<16xi32>
    %add3A_178 = arith.addi %add3A_175, %min3A_146 : vector<16xi32>
    %add3A_179 = arith.addi %add3A_175, %min3A_159 : vector<16xi32>
    %swap3A_180 = arith.constant 0 : i32
    %swap3A_181 = arith.index_cast %swap3A_180 : i32 to index
    %swap3A_182 = arith.constant 16 : index
    %swap3A_183 = tpu.vector_load %arg8[%swap3A_181, %swap3A_182] {strides = array<i32>} : memref<5x128xi32, #tpu.memory_space<vmem>>, vector<1x16xi32>,
    %swap3A_184 = vector.shape_cast %swap3A_183 : vector<1x16xi32> to vector<16xi32>
    %swap3A_185 = vector.shape_cast %add3A_176 : vector<16xi32> to vector<1x16xi32>
    tpu.vector_store %arg8[%swap3A_181, %swap3A_182], %swap3A_185 {strides = array<i32>} : memref<5x128xi32, #tpu.memory_space<vmem>>, vector<1x16xi32>,
    %swap3A_186 = arith.constant 1 : i32
    %swap3A_187 = arith.index_cast %swap3A_186 : i32 to index
    %swap3A_188 = arith.constant 48 : index
    %swap3A_189 = tpu.vector_load %arg8[%swap3A_187, %swap3A_188] {strides = array<i32>} : memref<5x128xi32, #tpu.memory_space<vmem>>, vector<1x16xi32>,
    %swap3A_190 = vector.shape_cast %swap3A_189 : vector<1x16xi32> to vector<16xi32>
    %swap3A_191 = vector.shape_cast %add3A_177 : vector<16xi32> to vector<1x16xi32>
    tpu.vector_store %arg8[%swap3A_187, %swap3A_188], %swap3A_191 {strides = array<i32>} : memref<5x128xi32, #tpu.memory_space<vmem>>, vector<1x16xi32>,
    %swap3A_192 = arith.constant 2 : i32
    %swap3A_193 = arith.index_cast %swap3A_192 : i32 to index
    %swap3A_194 = arith.constant 80 : index
    %swap3A_195 = tpu.vector_load %arg8[%swap3A_193, %swap3A_194] {strides = array<i32>} : memref<5x128xi32, #tpu.memory_space<vmem>>, vector<1x16xi32>,
    %swap3A_196 = vector.shape_cast %swap3A_195 : vector<1x16xi32> to vector<16xi32>
    %swap3A_197 = vector.shape_cast %add3A_178 : vector<16xi32> to vector<1x16xi32>
    tpu.vector_store %arg8[%swap3A_193, %swap3A_194], %swap3A_197 {strides = array<i32>} : memref<5x128xi32, #tpu.memory_space<vmem>>, vector<1x16xi32>,
    %swap3A_198 = arith.constant 3 : i32
    %swap3A_199 = arith.index_cast %swap3A_198 : i32 to index
    %swap3A_200 = arith.constant 112 : index
    %swap3A_201 = tpu.vector_load %arg8[%swap3A_199, %swap3A_200] {strides = array<i32>} : memref<5x128xi32, #tpu.memory_space<vmem>>, vector<1x16xi32>,
    %swap3A_202 = vector.shape_cast %swap3A_201 : vector<1x16xi32> to vector<16xi32>
    %swap3A_203 = vector.shape_cast %add3A_179 : vector<16xi32> to vector<1x16xi32>
    tpu.vector_store %arg8[%swap3A_199, %swap3A_200], %swap3A_203 {strides = array<i32>} : memref<5x128xi32, #tpu.memory_space<vmem>>, vector<1x16xi32>,
    %get3A_204 = arith.constant 32 : index
    %get3A_205 = tpu.vector_load %arg6[%get3A_204] {strides = array<i32>} : memref<160xf32, #tpu.memory_space<vmem>>, vector<16xf32>,
    %get3A_206 = vector.shape_cast %get3A_205 : vector<16xf32> to vector<16xf32>
    %get3A_207 = arith.constant 32 : index
    %get3A_208 = tpu.vector_load %arg7[%get3A_207] {strides = array<i32>} : memref<160xf32, #tpu.memory_space<vmem>>, vector<16xf32>,
    %get3A_209 = vector.shape_cast %get3A_208 : vector<16xf32> to vector<16xf32>
    %mul3A_210 = arith.constant 7.812500e-03 : f32
    %mul3A_211 = vector.broadcast %mul3A_210 : f32 to vector<16xf32>
    %mul3A_212 = arith.mulf %get3A_206, %mul3A_211 : vector<16xf32>
    %sub3A_213 = arith.constant 1.000000e+00 : f32
    %sub3A_214 = vector.broadcast %sub3A_213 : f32 to vector<16xf32>
    %sub3A_215 = arith.subf %mul3A_212, %sub3A_214 : vector<16xf32>
    %add3A_216 = arith.constant 1.000000e+00 : f32
    %add3A_217 = vector.broadcast %add3A_216 : f32 to vector<16xf32>
    %add3A_218 = arith.addf %sub3A_215, %add3A_217 : vector<16xf32>
    %mul3A_219 = arith.constant 1.275000e+02 : f32
    %mul3A_220 = vector.broadcast %mul3A_219 : f32 to vector<16xf32>
    %mul3A_221 = arith.mulf %add3A_218, %mul3A_220 : vector<16xf32>
    %mul3A_222 = arith.constant 7.812500e-03 : f32
    %mul3A_223 = vector.broadcast %mul3A_222 : f32 to vector<16xf32>
    %mul3A_224 = arith.mulf %get3A_209, %mul3A_223 : vector<16xf32>
    %sub3A_225 = arith.constant 1.000000e+00 : f32
    %sub3A_226 = vector.broadcast %sub3A_225 : f32 to vector<16xf32>
    %sub3A_227 = arith.subf %mul3A_224, %sub3A_226 : vector<16xf32>
    %add3A_228 = arith.constant 1.000000e+00 : f32
    %add3A_229 = vector.broadcast %add3A_228 : f32 to vector<16xf32>
    %add3A_230 = arith.addf %sub3A_227, %add3A_229 : vector<16xf32>
    %mul3A_231 = arith.constant 1.275000e+02 : f32
    %mul3A_232 = vector.broadcast %mul3A_231 : f32 to vector<16xf32>
    %mul3A_233 = arith.mulf %add3A_230, %mul3A_232 : vector<16xf32>
    %convert_element_type3A_234 = arith.fptosi %mul3A_221 : vector<16xf32> to vector<16xi32>
    %jit3A_235 = arith.constant 0 : i32
    %jit3A_236 = arith.constant 255 : i32
    %max3A_237 = vector.broadcast %jit3A_235 : i32 to vector<16xi32>
    %max3A_238 = arith.maxsi %max3A_237, %convert_element_type3A_234 : vector<16xi32>
    %min3A_239 = vector.broadcast %jit3A_236 : i32 to vector<16xi32>
    %min3A_240 = arith.minsi %min3A_239, %max3A_238 : vector<16xi32>
    %convert_element_type3A_241 = arith.fptosi %mul3A_233 : vector<16xf32> to vector<16xi32>
    %jit3A_242 = arith.constant 0 : i32
    %jit3A_243 = arith.constant 255 : i32
    %max3A_244 = vector.broadcast %jit3A_242 : i32 to vector<16xi32>
    %max3A_245 = arith.maxsi %max3A_244, %convert_element_type3A_241 : vector<16xi32>
    %min3A_246 = vector.broadcast %jit3A_243 : i32 to vector<16xi32>
    %min3A_247 = arith.minsi %min3A_246, %max3A_245 : vector<16xi32>
    %add3A_248 = arith.constant 1 : i32
    %add3A_249 = vector.broadcast %add3A_248 : i32 to vector<16xi32>
    %add3A_250 = arith.addi %min3A_240, %add3A_249 : vector<16xi32>
    %min3A_251 = arith.constant 255 : i32
    %min3A_252 = vector.broadcast %min3A_251 : i32 to vector<16xi32>
    %min3A_253 = arith.minsi %add3A_250, %min3A_252 : vector<16xi32>
    %add3A_254 = arith.constant 1 : i32
    %add3A_255 = vector.broadcast %add3A_254 : i32 to vector<16xi32>
    %add3A_256 = arith.addi %min3A_247, %add3A_255 : vector<16xi32>
    %min3A_257 = arith.constant 255 : i32
    %min3A_258 = vector.broadcast %min3A_257 : i32 to vector<16xi32>
    %min3A_259 = arith.minsi %add3A_256, %min3A_258 : vector<16xi32>
    %mul3A_260 = arith.constant 256 : i32
    %mul3A_261 = vector.broadcast %mul3A_260 : i32 to vector<16xi32>
    %mul3A_262 = arith.muli %min3A_247, %mul3A_261 : vector<16xi32>
    %add3A_263 = vector.broadcast %mul3A_20 : i32 to vector<16xi32>
    %add3A_264 = arith.addi %add3A_263, %mul3A_262 : vector<16xi32>
    %mul3A_265 = arith.constant 256 : i32
    %mul3A_266 = vector.broadcast %mul3A_265 : i32 to vector<16xi32>
    %mul3A_267 = arith.muli %min3A_259, %mul3A_266 : vector<16xi32>
    %add3A_268 = vector.broadcast %mul3A_20 : i32 to vector<16xi32>
    %add3A_269 = arith.addi %add3A_268, %mul3A_267 : vector<16xi32>
    %add3A_270 = arith.addi %add3A_264, %min3A_240 : vector<16xi32>
    %add3A_271 = arith.addi %add3A_264, %min3A_253 : vector<16xi32>
    %add3A_272 = arith.addi %add3A_269, %min3A_240 : vector<16xi32>
    %add3A_273 = arith.addi %add3A_269, %min3A_253 : vector<16xi32>
    %swap3A_274 = arith.constant 0 : i32
    %swap3A_275 = arith.index_cast %swap3A_274 : i32 to index
    %swap3A_276 = arith.constant 32 : index
    %swap3A_277 = tpu.vector_load %arg8[%swap3A_275, %swap3A_276] {strides = array<i32>} : memref<5x128xi32, #tpu.memory_space<vmem>>, vector<1x16xi32>,
    %swap3A_278 = vector.shape_cast %swap3A_277 : vector<1x16xi32> to vector<16xi32>
    %swap3A_279 = vector.shape_cast %add3A_270 : vector<16xi32> to vector<1x16xi32>
    tpu.vector_store %arg8[%swap3A_275, %swap3A_276], %swap3A_279 {strides = array<i32>} : memref<5x128xi32, #tpu.memory_space<vmem>>, vector<1x16xi32>,
    %swap3A_280 = arith.constant 1 : i32
    %swap3A_281 = arith.index_cast %swap3A_280 : i32 to index
    %swap3A_282 = arith.constant 64 : index
    %swap3A_283 = tpu.vector_load %arg8[%swap3A_281, %swap3A_282] {strides = array<i32>} : memref<5x128xi32, #tpu.memory_space<vmem>>, vector<1x16xi32>,
    %swap3A_284 = vector.shape_cast %swap3A_283 : vector<1x16xi32> to vector<16xi32>
    %swap3A_285 = vector.shape_cast %add3A_271 : vector<16xi32> to vector<1x16xi32>
    tpu.vector_store %arg8[%swap3A_281, %swap3A_282], %swap3A_285 {strides = array<i32>} : memref<5x128xi32, #tpu.memory_space<vmem>>, vector<1x16xi32>,
    %swap3A_286 = arith.constant 2 : i32
    %swap3A_287 = arith.index_cast %swap3A_286 : i32 to index
    %swap3A_288 = arith.constant 96 : index
    %swap3A_289 = tpu.vector_load %arg8[%swap3A_287, %swap3A_288] {strides = array<i32>} : memref<5x128xi32, #tpu.memory_space<vmem>>, vector<1x16xi32>,
    %swap3A_290 = vector.shape_cast %swap3A_289 : vector<1x16xi32> to vector<16xi32>
    %swap3A_291 = vector.shape_cast %add3A_272 : vector<16xi32> to vector<1x16xi32>
    tpu.vector_store %arg8[%swap3A_287, %swap3A_288], %swap3A_291 {strides = array<i32>} : memref<5x128xi32, #tpu.memory_space<vmem>>, vector<1x16xi32>,
    %swap3A_292 = arith.constant 4 : i32
    %swap3A_293 = arith.index_cast %swap3A_292 : i32 to index
    %swap3A_294 = arith.constant 0 : index
    %swap3A_295 = tpu.vector_load %arg8[%swap3A_293, %swap3A_294] {strides = array<i32>} : memref<5x128xi32, #tpu.memory_space<vmem>>, vector<1x16xi32>,
    %swap3A_296 = vector.shape_cast %swap3A_295 : vector<1x16xi32> to vector<16xi32>
    %swap3A_297 = vector.shape_cast %add3A_273 : vector<16xi32> to vector<1x16xi32>
    tpu.vector_store %arg8[%swap3A_293, %swap3A_294], %swap3A_297 {strides = array<i32>} : memref<5x128xi32, #tpu.memory_space<vmem>>, vector<1x16xi32>,
    %get3A_298 = arith.constant 48 : index
    %get3A_299 = tpu.vector_load %arg6[%get3A_298] {strides = array<i32>} : memref<160xf32, #tpu.memory_space<vmem>>, vector<16xf32>,
    %get3A_300 = vector.shape_cast %get3A_299 : vector<16xf32> to vector<16xf32>
    %get3A_301 = arith.constant 48 : index
    %get3A_302 = tpu.vector_load %arg7[%get3A_301] {strides = array<i32>} : memref<160xf32, #tpu.memory_space<vmem>>, vector<16xf32>,
    %get3A_303 = vector.shape_cast %get3A_302 : vector<16xf32> to vector<16xf32>
    %mul3A_304 = arith.constant 7.812500e-03 : f32
    %mul3A_305 = vector.broadcast %mul3A_304 : f32 to vector<16xf32>
    %mul3A_306 = arith.mulf %get3A_300, %mul3A_305 : vector<16xf32>
    %sub3A_307 = arith.constant 1.000000e+00 : f32
    %sub3A_308 = vector.broadcast %sub3A_307 : f32 to vector<16xf32>
    %sub3A_309 = arith.subf %mul3A_306, %sub3A_308 : vector<16xf32>
    %add3A_310 = arith.constant 1.000000e+00 : f32
    %add3A_311 = vector.broadcast %add3A_310 : f32 to vector<16xf32>
    %add3A_312 = arith.addf %sub3A_309, %add3A_311 : vector<16xf32>
    %mul3A_313 = arith.constant 1.275000e+02 : f32
    %mul3A_314 = vector.broadcast %mul3A_313 : f32 to vector<16xf32>
    %mul3A_315 = arith.mulf %add3A_312, %mul3A_314 : vector<16xf32>
    %mul3A_316 = arith.constant 7.812500e-03 : f32
    %mul3A_317 = vector.broadcast %mul3A_316 : f32 to vector<16xf32>
    %mul3A_318 = arith.mulf %get3A_303, %mul3A_317 : vector<16xf32>
    %sub3A_319 = arith.constant 1.000000e+00 : f32
    %sub3A_320 = vector.broadcast %sub3A_319 : f32 to vector<16xf32>
    %sub3A_321 = arith.subf %mul3A_318, %sub3A_320 : vector<16xf32>
    %add3A_322 = arith.constant 1.000000e+00 : f32
    %add3A_323 = vector.broadcast %add3A_322 : f32 to vector<16xf32>
    %add3A_324 = arith.addf %sub3A_321, %add3A_323 : vector<16xf32>
    %mul3A_325 = arith.constant 1.275000e+02 : f32
    %mul3A_326 = vector.broadcast %mul3A_325 : f32 to vector<16xf32>
    %mul3A_327 = arith.mulf %add3A_324, %mul3A_326 : vector<16xf32>
    %convert_element_type3A_328 = arith.fptosi %mul3A_315 : vector<16xf32> to vector<16xi32>
    %jit3A_329 = arith.constant 0 : i32
    %jit3A_330 = arith.constant 255 : i32
    %max3A_331 = vector.broadcast %jit3A_329 : i32 to vector<16xi32>
    %max3A_332 = arith.maxsi %max3A_331, %convert_element_type3A_328 : vector<16xi32>
    %min3A_333 = vector.broadcast %jit3A_330 : i32 to vector<16xi32>
    %min3A_334 = arith.minsi %min3A_333, %max3A_332 : vector<16xi32>
    %convert_element_type3A_335 = arith.fptosi %mul3A_327 : vector<16xf32> to vector<16xi32>
    %jit3A_336 = arith.constant 0 : i32
    %jit3A_337 = arith.constant 255 : i32
    %max3A_338 = vector.broadcast %jit3A_336 : i32 to vector<16xi32>
    %max3A_339 = arith.maxsi %max3A_338, %convert_element_type3A_335 : vector<16xi32>
    %min3A_340 = vector.broadcast %jit3A_337 : i32 to vector<16xi32>
    %min3A_341 = arith.minsi %min3A_340, %max3A_339 : vector<16xi32>
    %add3A_342 = arith.constant 1 : i32
    %add3A_343 = vector.broadcast %add3A_342 : i32 to vector<16xi32>
    %add3A_344 = arith.addi %min3A_334, %add3A_343 : vector<16xi32>
    %min3A_345 = arith.constant 255 : i32
    %min3A_346 = vector.broadcast %min3A_345 : i32 to vector<16xi32>
    %min3A_347 = arith.minsi %add3A_344, %min3A_346 : vector<16xi32>
    %add3A_348 = arith.constant 1 : i32
    %add3A_349 = vector.broadcast %add3A_348 : i32 to vector<16xi32>
    %add3A_350 = arith.addi %min3A_341, %add3A_349 : vector<16xi32>
    %min3A_351 = arith.constant 255 : i32
    %min3A_352 = vector.broadcast %min3A_351 : i32 to vector<16xi32>
    %min3A_353 = arith.minsi %add3A_350, %min3A_352 : vector<16xi32>
    %mul3A_354 = arith.constant 256 : i32
    %mul3A_355 = vector.broadcast %mul3A_354 : i32 to vector<16xi32>
    %mul3A_356 = arith.muli %min3A_341, %mul3A_355 : vector<16xi32>
    %add3A_357 = vector.broadcast %mul3A_20 : i32 to vector<16xi32>
    %add3A_358 = arith.addi %add3A_357, %mul3A_356 : vector<16xi32>
    %mul3A_359 = arith.constant 256 : i32
    %mul3A_360 = vector.broadcast %mul3A_359 : i32 to vector<16xi32>
    %mul3A_361 = arith.muli %min3A_353, %mul3A_360 : vector<16xi32>
    %add3A_362 = vector.broadcast %mul3A_20 : i32 to vector<16xi32>
    %add3A_363 = arith.addi %add3A_362, %mul3A_361 : vector<16xi32>
    %add3A_364 = arith.addi %add3A_358, %min3A_334 : vector<16xi32>
    %add3A_365 = arith.addi %add3A_358, %min3A_347 : vector<16xi32>
    %add3A_366 = arith.addi %add3A_363, %min3A_334 : vector<16xi32>
    %add3A_367 = arith.addi %add3A_363, %min3A_347 : vector<16xi32>
    %swap3A_368 = arith.constant 0 : i32
    %swap3A_369 = arith.index_cast %swap3A_368 : i32 to index
    %swap3A_370 = arith.constant 48 : index
    %swap3A_371 = tpu.vector_load %arg8[%swap3A_369, %swap3A_370] {strides = array<i32>} : memref<5x128xi32, #tpu.memory_space<vmem>>, vector<1x16xi32>,
    %swap3A_372 = vector.shape_cast %swap3A_371 : vector<1x16xi32> to vector<16xi32>
    %swap3A_373 = vector.shape_cast %add3A_364 : vector<16xi32> to vector<1x16xi32>
    tpu.vector_store %arg8[%swap3A_369, %swap3A_370], %swap3A_373 {strides = array<i32>} : memref<5x128xi32, #tpu.memory_space<vmem>>, vector<1x16xi32>,
    %swap3A_374 = arith.constant 1 : i32
    %swap3A_375 = arith.index_cast %swap3A_374 : i32 to index
    %swap3A_376 = arith.constant 80 : index
    %swap3A_377 = tpu.vector_load %arg8[%swap3A_375, %swap3A_376] {strides = array<i32>} : memref<5x128xi32, #tpu.memory_space<vmem>>, vector<1x16xi32>,
    %swap3A_378 = vector.shape_cast %swap3A_377 : vector<1x16xi32> to vector<16xi32>
    %swap3A_379 = vector.shape_cast %add3A_365 : vector<16xi32> to vector<1x16xi32>
    tpu.vector_store %arg8[%swap3A_375, %swap3A_376], %swap3A_379 {strides = array<i32>} : memref<5x128xi32, #tpu.memory_space<vmem>>, vector<1x16xi32>,
    %swap3A_380 = arith.constant 2 : i32
    %swap3A_381 = arith.index_cast %swap3A_380 : i32 to index
    %swap3A_382 = arith.constant 112 : index
    %swap3A_383 = tpu.vector_load %arg8[%swap3A_381, %swap3A_382] {strides = array<i32>} : memref<5x128xi32, #tpu.memory_space<vmem>>, vector<1x16xi32>,
    %swap3A_384 = vector.shape_cast %swap3A_383 : vector<1x16xi32> to vector<16xi32>
    %swap3A_385 = vector.shape_cast %add3A_366 : vector<16xi32> to vector<1x16xi32>
    tpu.vector_store %arg8[%swap3A_381, %swap3A_382], %swap3A_385 {strides = array<i32>} : memref<5x128xi32, #tpu.memory_space<vmem>>, vector<1x16xi32>,
    %swap3A_386 = arith.constant 4 : i32
    %swap3A_387 = arith.index_cast %swap3A_386 : i32 to index
    %swap3A_388 = arith.constant 16 : index
    %swap3A_389 = tpu.vector_load %arg8[%swap3A_387, %swap3A_388] {strides = array<i32>} : memref<5x128xi32, #tpu.memory_space<vmem>>, vector<1x16xi32>,
    %swap3A_390 = vector.shape_cast %swap3A_389 : vector<1x16xi32> to vector<16xi32>
    %swap3A_391 = vector.shape_cast %add3A_367 : vector<16xi32> to vector<1x16xi32>
    tpu.vector_store %arg8[%swap3A_387, %swap3A_388], %swap3A_391 {strides = array<i32>} : memref<5x128xi32, #tpu.memory_space<vmem>>, vector<1x16xi32>,
    %get3A_392 = arith.constant 64 : index
    %get3A_393 = tpu.vector_load %arg6[%get3A_392] {strides = array<i32>} : memref<160xf32, #tpu.memory_space<vmem>>, vector<16xf32>,
    %get3A_394 = vector.shape_cast %get3A_393 : vector<16xf32> to vector<16xf32>
    %get3A_395 = arith.constant 64 : index
    %get3A_396 = tpu.vector_load %arg7[%get3A_395] {strides = array<i32>} : memref<160xf32, #tpu.memory_space<vmem>>, vector<16xf32>,
    %get3A_397 = vector.shape_cast %get3A_396 : vector<16xf32> to vector<16xf32>
    %mul3A_398 = arith.constant 7.812500e-03 : f32
    %mul3A_399 = vector.broadcast %mul3A_398 : f32 to vector<16xf32>
    %mul3A_400 = arith.mulf %get3A_394, %mul3A_399 : vector<16xf32>
    %sub3A_401 = arith.constant 1.000000e+00 : f32
    %sub3A_402 = vector.broadcast %sub3A_401 : f32 to vector<16xf32>
    %sub3A_403 = arith.subf %mul3A_400, %sub3A_402 : vector<16xf32>
    %add3A_404 = arith.constant 1.000000e+00 : f32
    %add3A_405 = vector.broadcast %add3A_404 : f32 to vector<16xf32>
    %add3A_406 = arith.addf %sub3A_403, %add3A_405 : vector<16xf32>
    %mul3A_407 = arith.constant 1.275000e+02 : f32
    %mul3A_408 = vector.broadcast %mul3A_407 : f32 to vector<16xf32>
    %mul3A_409 = arith.mulf %add3A_406, %mul3A_408 : vector<16xf32>
    %mul3A_410 = arith.constant 7.812500e-03 : f32
    %mul3A_411 = vector.broadcast %mul3A_410 : f32 to vector<16xf32>
    %mul3A_412 = arith.mulf %get3A_397, %mul3A_411 : vector<16xf32>
    %sub3A_413 = arith.constant 1.000000e+00 : f32
    %sub3A_414 = vector.broadcast %sub3A_413 : f32 to vector<16xf32>
    %sub3A_415 = arith.subf %mul3A_412, %sub3A_414 : vector<16xf32>
    %add3A_416 = arith.constant 1.000000e+00 : f32
    %add3A_417 = vector.broadcast %add3A_416 : f32 to vector<16xf32>
    %add3A_418 = arith.addf %sub3A_415, %add3A_417 : vector<16xf32>
    %mul3A_419 = arith.constant 1.275000e+02 : f32
    %mul3A_420 = vector.broadcast %mul3A_419 : f32 to vector<16xf32>
    %mul3A_421 = arith.mulf %add3A_418, %mul3A_420 : vector<16xf32>
    %convert_element_type3A_422 = arith.fptosi %mul3A_409 : vector<16xf32> to vector<16xi32>
    %jit3A_423 = arith.constant 0 : i32
    %jit3A_424 = arith.constant 255 : i32
    %max3A_425 = vector.broadcast %jit3A_423 : i32 to vector<16xi32>
    %max3A_426 = arith.maxsi %max3A_425, %convert_element_type3A_422 : vector<16xi32>
    %min3A_427 = vector.broadcast %jit3A_424 : i32 to vector<16xi32>
    %min3A_428 = arith.minsi %min3A_427, %max3A_426 : vector<16xi32>
    %convert_element_type3A_429 = arith.fptosi %mul3A_421 : vector<16xf32> to vector<16xi32>
    %jit3A_430 = arith.constant 0 : i32
    %jit3A_431 = arith.constant 255 : i32
    %max3A_432 = vector.broadcast %jit3A_430 : i32 to vector<16xi32>
    %max3A_433 = arith.maxsi %max3A_432, %convert_element_type3A_429 : vector<16xi32>
    %min3A_434 = vector.broadcast %jit3A_431 : i32 to vector<16xi32>
    %min3A_435 = arith.minsi %min3A_434, %max3A_433 : vector<16xi32>
    %add3A_436 = arith.constant 1 : i32
    %add3A_437 = vector.broadcast %add3A_436 : i32 to vector<16xi32>
    %add3A_438 = arith.addi %min3A_428, %add3A_437 : vector<16xi32>
    %min3A_439 = arith.constant 255 : i32
    %min3A_440 = vector.broadcast %min3A_439 : i32 to vector<16xi32>
    %min3A_441 = arith.minsi %add3A_438, %min3A_440 : vector<16xi32>
    %add3A_442 = arith.constant 1 : i32
    %add3A_443 = vector.broadcast %add3A_442 : i32 to vector<16xi32>
    %add3A_444 = arith.addi %min3A_435, %add3A_443 : vector<16xi32>
    %min3A_445 = arith.constant 255 : i32
    %min3A_446 = vector.broadcast %min3A_445 : i32 to vector<16xi32>
    %min3A_447 = arith.minsi %add3A_444, %min3A_446 : vector<16xi32>
    %mul3A_448 = arith.constant 256 : i32
    %mul3A_449 = vector.broadcast %mul3A_448 : i32 to vector<16xi32>
    %mul3A_450 = arith.muli %min3A_435, %mul3A_449 : vector<16xi32>
    %add3A_451 = vector.broadcast %mul3A_20 : i32 to vector<16xi32>
    %add3A_452 = arith.addi %add3A_451, %mul3A_450 : vector<16xi32>
    %mul3A_453 = arith.constant 256 : i32
    %mul3A_454 = vector.broadcast %mul3A_453 : i32 to vector<16xi32>
    %mul3A_455 = arith.muli %min3A_447, %mul3A_454 : vector<16xi32>
    %add3A_456 = vector.broadcast %mul3A_20 : i32 to vector<16xi32>
    %add3A_457 = arith.addi %add3A_456, %mul3A_455 : vector<16xi32>
    %add3A_458 = arith.addi %add3A_452, %min3A_428 : vector<16xi32>
    %add3A_459 = arith.addi %add3A_452, %min3A_441 : vector<16xi32>
    %add3A_460 = arith.addi %add3A_457, %min3A_428 : vector<16xi32>
    %add3A_461 = arith.addi %add3A_457, %min3A_441 : vector<16xi32>
    %swap3A_462 = arith.constant 0 : i32
    %swap3A_463 = arith.index_cast %swap3A_462 : i32 to index
    %swap3A_464 = arith.constant 64 : index
    %swap3A_465 = tpu.vector_load %arg8[%swap3A_463, %swap3A_464] {strides = array<i32>} : memref<5x128xi32, #tpu.memory_space<vmem>>, vector<1x16xi32>,
    %swap3A_466 = vector.shape_cast %swap3A_465 : vector<1x16xi32> to vector<16xi32>
    %swap3A_467 = vector.shape_cast %add3A_458 : vector<16xi32> to vector<1x16xi32>
    tpu.vector_store %arg8[%swap3A_463, %swap3A_464], %swap3A_467 {strides = array<i32>} : memref<5x128xi32, #tpu.memory_space<vmem>>, vector<1x16xi32>,
    %swap3A_468 = arith.constant 1 : i32
    %swap3A_469 = arith.index_cast %swap3A_468 : i32 to index
    %swap3A_470 = arith.constant 96 : index
    %swap3A_471 = tpu.vector_load %arg8[%swap3A_469, %swap3A_470] {strides = array<i32>} : memref<5x128xi32, #tpu.memory_space<vmem>>, vector<1x16xi32>,
    %swap3A_472 = vector.shape_cast %swap3A_471 : vector<1x16xi32> to vector<16xi32>
    %swap3A_473 = vector.shape_cast %add3A_459 : vector<16xi32> to vector<1x16xi32>
    tpu.vector_store %arg8[%swap3A_469, %swap3A_470], %swap3A_473 {strides = array<i32>} : memref<5x128xi32, #tpu.memory_space<vmem>>, vector<1x16xi32>,
    %swap3A_474 = arith.constant 3 : i32
    %swap3A_475 = arith.index_cast %swap3A_474 : i32 to index
    %swap3A_476 = arith.constant 0 : index
    %swap3A_477 = tpu.vector_load %arg8[%swap3A_475, %swap3A_476] {strides = array<i32>} : memref<5x128xi32, #tpu.memory_space<vmem>>, vector<1x16xi32>,
    %swap3A_478 = vector.shape_cast %swap3A_477 : vector<1x16xi32> to vector<16xi32>
    %swap3A_479 = vector.shape_cast %add3A_460 : vector<16xi32> to vector<1x16xi32>
    tpu.vector_store %arg8[%swap3A_475, %swap3A_476], %swap3A_479 {strides = array<i32>} : memref<5x128xi32, #tpu.memory_space<vmem>>, vector<1x16xi32>,
    %swap3A_480 = arith.constant 4 : i32
    %swap3A_481 = arith.index_cast %swap3A_480 : i32 to index
    %swap3A_482 = arith.constant 32 : index
    %swap3A_483 = tpu.vector_load %arg8[%swap3A_481, %swap3A_482] {strides = array<i32>} : memref<5x128xi32, #tpu.memory_space<vmem>>, vector<1x16xi32>,
    %swap3A_484 = vector.shape_cast %swap3A_483 : vector<1x16xi32> to vector<16xi32>
    %swap3A_485 = vector.shape_cast %add3A_461 : vector<16xi32> to vector<1x16xi32>
    tpu.vector_store %arg8[%swap3A_481, %swap3A_482], %swap3A_485 {strides = array<i32>} : memref<5x128xi32, #tpu.memory_space<vmem>>, vector<1x16xi32>,
    %get3A_486 = arith.constant 80 : index
    %get3A_487 = tpu.vector_load %arg6[%get3A_486] {strides = array<i32>} : memref<160xf32, #tpu.memory_space<vmem>>, vector<16xf32>,
    %get3A_488 = vector.shape_cast %get3A_487 : vector<16xf32> to vector<16xf32>
    %get3A_489 = arith.constant 80 : index
    %get3A_490 = tpu.vector_load %arg7[%get3A_489] {strides = array<i32>} : memref<160xf32, #tpu.memory_space<vmem>>, vector<16xf32>,
    %get3A_491 = vector.shape_cast %get3A_490 : vector<16xf32> to vector<16xf32>
    %mul3A_492 = arith.constant 7.812500e-03 : f32
    %mul3A_493 = vector.broadcast %mul3A_492 : f32 to vector<16xf32>
    %mul3A_494 = arith.mulf %get3A_488, %mul3A_493 : vector<16xf32>
    %sub3A_495 = arith.constant 1.000000e+00 : f32
    %sub3A_496 = vector.broadcast %sub3A_495 : f32 to vector<16xf32>
    %sub3A_497 = arith.subf %mul3A_494, %sub3A_496 : vector<16xf32>
    %add3A_498 = arith.constant 1.000000e+00 : f32
    %add3A_499 = vector.broadcast %add3A_498 : f32 to vector<16xf32>
    %add3A_500 = arith.addf %sub3A_497, %add3A_499 : vector<16xf32>
    %mul3A_501 = arith.constant 1.275000e+02 : f32
    %mul3A_502 = vector.broadcast %mul3A_501 : f32 to vector<16xf32>
    %mul3A_503 = arith.mulf %add3A_500, %mul3A_502 : vector<16xf32>
    %mul3A_504 = arith.constant 7.812500e-03 : f32
    %mul3A_505 = vector.broadcast %mul3A_504 : f32 to vector<16xf32>
    %mul3A_506 = arith.mulf %get3A_491, %mul3A_505 : vector<16xf32>
    %sub3A_507 = arith.constant 1.000000e+00 : f32
    %sub3A_508 = vector.broadcast %sub3A_507 : f32 to vector<16xf32>
    %sub3A_509 = arith.subf %mul3A_506, %sub3A_508 : vector<16xf32>
    %add3A_510 = arith.constant 1.000000e+00 : f32
    %add3A_511 = vector.broadcast %add3A_510 : f32 to vector<16xf32>
    %add3A_512 = arith.addf %sub3A_509, %add3A_511 : vector<16xf32>
    %mul3A_513 = arith.constant 1.275000e+02 : f32
    %mul3A_514 = vector.broadcast %mul3A_513 : f32 to vector<16xf32>
    %mul3A_515 = arith.mulf %add3A_512, %mul3A_514 : vector<16xf32>
    %convert_element_type3A_516 = arith.fptosi %mul3A_503 : vector<16xf32> to vector<16xi32>
    %jit3A_517 = arith.constant 0 : i32
    %jit3A_518 = arith.constant 255 : i32
    %max3A_519 = vector.broadcast %jit3A_517 : i32 to vector<16xi32>
    %max3A_520 = arith.maxsi %max3A_519, %convert_element_type3A_516 : vector<16xi32>
    %min3A_521 = vector.broadcast %jit3A_518 : i32 to vector<16xi32>
    %min3A_522 = arith.minsi %min3A_521, %max3A_520 : vector<16xi32>
    %convert_element_type3A_523 = arith.fptosi %mul3A_515 : vector<16xf32> to vector<16xi32>
    %jit3A_524 = arith.constant 0 : i32
    %jit3A_525 = arith.constant 255 : i32
    %max3A_526 = vector.broadcast %jit3A_524 : i32 to vector<16xi32>
    %max3A_527 = arith.maxsi %max3A_526, %convert_element_type3A_523 : vector<16xi32>
    %min3A_528 = vector.broadcast %jit3A_525 : i32 to vector<16xi32>
    %min3A_529 = arith.minsi %min3A_528, %max3A_527 : vector<16xi32>
    %add3A_530 = arith.constant 1 : i32
    %add3A_531 = vector.broadcast %add3A_530 : i32 to vector<16xi32>
    %add3A_532 = arith.addi %min3A_522, %add3A_531 : vector<16xi32>
    %min3A_533 = arith.constant 255 : i32
    %min3A_534 = vector.broadcast %min3A_533 : i32 to vector<16xi32>
    %min3A_535 = arith.minsi %add3A_532, %min3A_534 : vector<16xi32>
    %add3A_536 = arith.constant 1 : i32
    %add3A_537 = vector.broadcast %add3A_536 : i32 to vector<16xi32>
    %add3A_538 = arith.addi %min3A_529, %add3A_537 : vector<16xi32>
    %min3A_539 = arith.constant 255 : i32
    %min3A_540 = vector.broadcast %min3A_539 : i32 to vector<16xi32>
    %min3A_541 = arith.minsi %add3A_538, %min3A_540 : vector<16xi32>
    %mul3A_542 = arith.constant 256 : i32
    %mul3A_543 = vector.broadcast %mul3A_542 : i32 to vector<16xi32>
    %mul3A_544 = arith.muli %min3A_529, %mul3A_543 : vector<16xi32>
    %add3A_545 = vector.broadcast %mul3A_20 : i32 to vector<16xi32>
    %add3A_546 = arith.addi %add3A_545, %mul3A_544 : vector<16xi32>
    %mul3A_547 = arith.constant 256 : i32
    %mul3A_548 = vector.broadcast %mul3A_547 : i32 to vector<16xi32>
    %mul3A_549 = arith.muli %min3A_541, %mul3A_548 : vector<16xi32>
    %add3A_550 = vector.broadcast %mul3A_20 : i32 to vector<16xi32>
    %add3A_551 = arith.addi %add3A_550, %mul3A_549 : vector<16xi32>
    %add3A_552 = arith.addi %add3A_546, %min3A_522 : vector<16xi32>
    %add3A_553 = arith.addi %add3A_546, %min3A_535 : vector<16xi32>
    %add3A_554 = arith.addi %add3A_551, %min3A_522 : vector<16xi32>
    %add3A_555 = arith.addi %add3A_551, %min3A_535 : vector<16xi32>
    %swap3A_556 = arith.constant 0 : i32
    %swap3A_557 = arith.index_cast %swap3A_556 : i32 to index
    %swap3A_558 = arith.constant 80 : index
    %swap3A_559 = tpu.vector_load %arg8[%swap3A_557, %swap3A_558] {strides = array<i32>} : memref<5x128xi32, #tpu.memory_space<vmem>>, vector<1x16xi32>,
    %swap3A_560 = vector.shape_cast %swap3A_559 : vector<1x16xi32> to vector<16xi32>
    %swap3A_561 = vector.shape_cast %add3A_552 : vector<16xi32> to vector<1x16xi32>
    tpu.vector_store %arg8[%swap3A_557, %swap3A_558], %swap3A_561 {strides = array<i32>} : memref<5x128xi32, #tpu.memory_space<vmem>>, vector<1x16xi32>,
    %swap3A_562 = arith.constant 1 : i32
    %swap3A_563 = arith.index_cast %swap3A_562 : i32 to index
    %swap3A_564 = arith.constant 112 : index
    %swap3A_565 = tpu.vector_load %arg8[%swap3A_563, %swap3A_564] {strides = array<i32>} : memref<5x128xi32, #tpu.memory_space<vmem>>, vector<1x16xi32>,
    %swap3A_566 = vector.shape_cast %swap3A_565 : vector<1x16xi32> to vector<16xi32>
    %swap3A_567 = vector.shape_cast %add3A_553 : vector<16xi32> to vector<1x16xi32>
    tpu.vector_store %arg8[%swap3A_563, %swap3A_564], %swap3A_567 {strides = array<i32>} : memref<5x128xi32, #tpu.memory_space<vmem>>, vector<1x16xi32>,
    %swap3A_568 = arith.constant 3 : i32
    %swap3A_569 = arith.index_cast %swap3A_568 : i32 to index
    %swap3A_570 = arith.constant 16 : index
    %swap3A_571 = tpu.vector_load %arg8[%swap3A_569, %swap3A_570] {strides = array<i32>} : memref<5x128xi32, #tpu.memory_space<vmem>>, vector<1x16xi32>,
    %swap3A_572 = vector.shape_cast %swap3A_571 : vector<1x16xi32> to vector<16xi32>
    %swap3A_573 = vector.shape_cast %add3A_554 : vector<16xi32> to vector<1x16xi32>
    tpu.vector_store %arg8[%swap3A_569, %swap3A_570], %swap3A_573 {strides = array<i32>} : memref<5x128xi32, #tpu.memory_space<vmem>>, vector<1x16xi32>,
    %swap3A_574 = arith.constant 4 : i32
    %swap3A_575 = arith.index_cast %swap3A_574 : i32 to index
    %swap3A_576 = arith.constant 48 : index
    %swap3A_577 = tpu.vector_load %arg8[%swap3A_575, %swap3A_576] {strides = array<i32>} : memref<5x128xi32, #tpu.memory_space<vmem>>, vector<1x16xi32>,
    %swap3A_578 = vector.shape_cast %swap3A_577 : vector<1x16xi32> to vector<16xi32>
    %swap3A_579 = vector.shape_cast %add3A_555 : vector<16xi32> to vector<1x16xi32>
    tpu.vector_store %arg8[%swap3A_575, %swap3A_576], %swap3A_579 {strides = array<i32>} : memref<5x128xi32, #tpu.memory_space<vmem>>, vector<1x16xi32>,
    %get3A_580 = arith.constant 96 : index
    %get3A_581 = tpu.vector_load %arg6[%get3A_580] {strides = array<i32>} : memref<160xf32, #tpu.memory_space<vmem>>, vector<16xf32>,
    %get3A_582 = vector.shape_cast %get3A_581 : vector<16xf32> to vector<16xf32>
    %get3A_583 = arith.constant 96 : index
    %get3A_584 = tpu.vector_load %arg7[%get3A_583] {strides = array<i32>} : memref<160xf32, #tpu.memory_space<vmem>>, vector<16xf32>,
    %get3A_585 = vector.shape_cast %get3A_584 : vector<16xf32> to vector<16xf32>
    %mul3A_586 = arith.constant 7.812500e-03 : f32
    %mul3A_587 = vector.broadcast %mul3A_586 : f32 to vector<16xf32>
    %mul3A_588 = arith.mulf %get3A_582, %mul3A_587 : vector<16xf32>
    %sub3A_589 = arith.constant 1.000000e+00 : f32
    %sub3A_590 = vector.broadcast %sub3A_589 : f32 to vector<16xf32>
    %sub3A_591 = arith.subf %mul3A_588, %sub3A_590 : vector<16xf32>
    %add3A_592 = arith.constant 1.000000e+00 : f32
    %add3A_593 = vector.broadcast %add3A_592 : f32 to vector<16xf32>
    %add3A_594 = arith.addf %sub3A_591, %add3A_593 : vector<16xf32>
    %mul3A_595 = arith.constant 1.275000e+02 : f32
    %mul3A_596 = vector.broadcast %mul3A_595 : f32 to vector<16xf32>
    %mul3A_597 = arith.mulf %add3A_594, %mul3A_596 : vector<16xf32>
    %mul3A_598 = arith.constant 7.812500e-03 : f32
    %mul3A_599 = vector.broadcast %mul3A_598 : f32 to vector<16xf32>
    %mul3A_600 = arith.mulf %get3A_585, %mul3A_599 : vector<16xf32>
    %sub3A_601 = arith.constant 1.000000e+00 : f32
    %sub3A_602 = vector.broadcast %sub3A_601 : f32 to vector<16xf32>
    %sub3A_603 = arith.subf %mul3A_600, %sub3A_602 : vector<16xf32>
    %add3A_604 = arith.constant 1.000000e+00 : f32
    %add3A_605 = vector.broadcast %add3A_604 : f32 to vector<16xf32>
    %add3A_606 = arith.addf %sub3A_603, %add3A_605 : vector<16xf32>
    %mul3A_607 = arith.constant 1.275000e+02 : f32
    %mul3A_608 = vector.broadcast %mul3A_607 : f32 to vector<16xf32>
    %mul3A_609 = arith.mulf %add3A_606, %mul3A_608 : vector<16xf32>
    %convert_element_type3A_610 = arith.fptosi %mul3A_597 : vector<16xf32> to vector<16xi32>
    %jit3A_611 = arith.constant 0 : i32
    %jit3A_612 = arith.constant 255 : i32
    %max3A_613 = vector.broadcast %jit3A_611 : i32 to vector<16xi32>
    %max3A_614 = arith.maxsi %max3A_613, %convert_element_type3A_610 : vector<16xi32>
    %min3A_615 = vector.broadcast %jit3A_612 : i32 to vector<16xi32>
    %min3A_616 = arith.minsi %min3A_615, %max3A_614 : vector<16xi32>
    %convert_element_type3A_617 = arith.fptosi %mul3A_609 : vector<16xf32> to vector<16xi32>
    %jit3A_618 = arith.constant 0 : i32
    %jit3A_619 = arith.constant 255 : i32
    %max3A_620 = vector.broadcast %jit3A_618 : i32 to vector<16xi32>
    %max3A_621 = arith.maxsi %max3A_620, %convert_element_type3A_617 : vector<16xi32>
    %min3A_622 = vector.broadcast %jit3A_619 : i32 to vector<16xi32>
    %min3A_623 = arith.minsi %min3A_622, %max3A_621 : vector<16xi32>
    %add3A_624 = arith.constant 1 : i32
    %add3A_625 = vector.broadcast %add3A_624 : i32 to vector<16xi32>
    %add3A_626 = arith.addi %min3A_616, %add3A_625 : vector<16xi32>
    %min3A_627 = arith.constant 255 : i32
    %min3A_628 = vector.broadcast %min3A_627 : i32 to vector<16xi32>
    %min3A_629 = arith.minsi %add3A_626, %min3A_628 : vector<16xi32>
    %add3A_630 = arith.constant 1 : i32
    %add3A_631 = vector.broadcast %add3A_630 : i32 to vector<16xi32>
    %add3A_632 = arith.addi %min3A_623, %add3A_631 : vector<16xi32>
    %min3A_633 = arith.constant 255 : i32
    %min3A_634 = vector.broadcast %min3A_633 : i32 to vector<16xi32>
    %min3A_635 = arith.minsi %add3A_632, %min3A_634 : vector<16xi32>
    %mul3A_636 = arith.constant 256 : i32
    %mul3A_637 = vector.broadcast %mul3A_636 : i32 to vector<16xi32>
    %mul3A_638 = arith.muli %min3A_623, %mul3A_637 : vector<16xi32>
    %add3A_639 = vector.broadcast %mul3A_20 : i32 to vector<16xi32>
    %add3A_640 = arith.addi %add3A_639, %mul3A_638 : vector<16xi32>
    %mul3A_641 = arith.constant 256 : i32
    %mul3A_642 = vector.broadcast %mul3A_641 : i32 to vector<16xi32>
    %mul3A_643 = arith.muli %min3A_635, %mul3A_642 : vector<16xi32>
    %add3A_644 = vector.broadcast %mul3A_20 : i32 to vector<16xi32>
    %add3A_645 = arith.addi %add3A_644, %mul3A_643 : vector<16xi32>
    %add3A_646 = arith.addi %add3A_640, %min3A_616 : vector<16xi32>
    %add3A_647 = arith.addi %add3A_640, %min3A_629 : vector<16xi32>
    %add3A_648 = arith.addi %add3A_645, %min3A_616 : vector<16xi32>
    %add3A_649 = arith.addi %add3A_645, %min3A_629 : vector<16xi32>
    %swap3A_650 = arith.constant 0 : i32
    %swap3A_651 = arith.index_cast %swap3A_650 : i32 to index
    %swap3A_652 = arith.constant 96 : index
    %swap3A_653 = tpu.vector_load %arg8[%swap3A_651, %swap3A_652] {strides = array<i32>} : memref<5x128xi32, #tpu.memory_space<vmem>>, vector<1x16xi32>,
    %swap3A_654 = vector.shape_cast %swap3A_653 : vector<1x16xi32> to vector<16xi32>
    %swap3A_655 = vector.shape_cast %add3A_646 : vector<16xi32> to vector<1x16xi32>
    tpu.vector_store %arg8[%swap3A_651, %swap3A_652], %swap3A_655 {strides = array<i32>} : memref<5x128xi32, #tpu.memory_space<vmem>>, vector<1x16xi32>,
    %swap3A_656 = arith.constant 2 : i32
    %swap3A_657 = arith.index_cast %swap3A_656 : i32 to index
    %swap3A_658 = arith.constant 0 : index
    %swap3A_659 = tpu.vector_load %arg8[%swap3A_657, %swap3A_658] {strides = array<i32>} : memref<5x128xi32, #tpu.memory_space<vmem>>, vector<1x16xi32>,
    %swap3A_660 = vector.shape_cast %swap3A_659 : vector<1x16xi32> to vector<16xi32>
    %swap3A_661 = vector.shape_cast %add3A_647 : vector<16xi32> to vector<1x16xi32>
    tpu.vector_store %arg8[%swap3A_657, %swap3A_658], %swap3A_661 {strides = array<i32>} : memref<5x128xi32, #tpu.memory_space<vmem>>, vector<1x16xi32>,
    %swap3A_662 = arith.constant 3 : i32
    %swap3A_663 = arith.index_cast %swap3A_662 : i32 to index
    %swap3A_664 = arith.constant 32 : index
    %swap3A_665 = tpu.vector_load %arg8[%swap3A_663, %swap3A_664] {strides = array<i32>} : memref<5x128xi32, #tpu.memory_space<vmem>>, vector<1x16xi32>,
    %swap3A_666 = vector.shape_cast %swap3A_665 : vector<1x16xi32> to vector<16xi32>
    %swap3A_667 = vector.shape_cast %add3A_648 : vector<16xi32> to vector<1x16xi32>
    tpu.vector_store %arg8[%swap3A_663, %swap3A_664], %swap3A_667 {strides = array<i32>} : memref<5x128xi32, #tpu.memory_space<vmem>>, vector<1x16xi32>,
    %swap3A_668 = arith.constant 4 : i32
    %swap3A_669 = arith.index_cast %swap3A_668 : i32 to index
    %swap3A_670 = arith.constant 64 : index
    %swap3A_671 = tpu.vector_load %arg8[%swap3A_669, %swap3A_670] {strides = array<i32>} : memref<5x128xi32, #tpu.memory_space<vmem>>, vector<1x16xi32>,
    %swap3A_672 = vector.shape_cast %swap3A_671 : vector<1x16xi32> to vector<16xi32>
    %swap3A_673 = vector.shape_cast %add3A_649 : vector<16xi32> to vector<1x16xi32>
    tpu.vector_store %arg8[%swap3A_669, %swap3A_670], %swap3A_673 {strides = array<i32>} : memref<5x128xi32, #tpu.memory_space<vmem>>, vector<1x16xi32>,
    %get3A_674 = arith.constant 112 : index
    %get3A_675 = tpu.vector_load %arg6[%get3A_674] {strides = array<i32>} : memref<160xf32, #tpu.memory_space<vmem>>, vector<16xf32>,
    %get3A_676 = vector.shape_cast %get3A_675 : vector<16xf32> to vector<16xf32>
    %get3A_677 = arith.constant 112 : index
    %get3A_678 = tpu.vector_load %arg7[%get3A_677] {strides = array<i32>} : memref<160xf32, #tpu.memory_space<vmem>>, vector<16xf32>,
    %get3A_679 = vector.shape_cast %get3A_678 : vector<16xf32> to vector<16xf32>
    %mul3A_680 = arith.constant 7.812500e-03 : f32
    %mul3A_681 = vector.broadcast %mul3A_680 : f32 to vector<16xf32>
    %mul3A_682 = arith.mulf %get3A_676, %mul3A_681 : vector<16xf32>
    %sub3A_683 = arith.constant 1.000000e+00 : f32
    %sub3A_684 = vector.broadcast %sub3A_683 : f32 to vector<16xf32>
    %sub3A_685 = arith.subf %mul3A_682, %sub3A_684 : vector<16xf32>
    %add3A_686 = arith.constant 1.000000e+00 : f32
    %add3A_687 = vector.broadcast %add3A_686 : f32 to vector<16xf32>
    %add3A_688 = arith.addf %sub3A_685, %add3A_687 : vector<16xf32>
    %mul3A_689 = arith.constant 1.275000e+02 : f32
    %mul3A_690 = vector.broadcast %mul3A_689 : f32 to vector<16xf32>
    %mul3A_691 = arith.mulf %add3A_688, %mul3A_690 : vector<16xf32>
    %mul3A_692 = arith.constant 7.812500e-03 : f32
    %mul3A_693 = vector.broadcast %mul3A_692 : f32 to vector<16xf32>
    %mul3A_694 = arith.mulf %get3A_679, %mul3A_693 : vector<16xf32>
    %sub3A_695 = arith.constant 1.000000e+00 : f32
    %sub3A_696 = vector.broadcast %sub3A_695 : f32 to vector<16xf32>
    %sub3A_697 = arith.subf %mul3A_694, %sub3A_696 : vector<16xf32>
    %add3A_698 = arith.constant 1.000000e+00 : f32
    %add3A_699 = vector.broadcast %add3A_698 : f32 to vector<16xf32>
    %add3A_700 = arith.addf %sub3A_697, %add3A_699 : vector<16xf32>
    %mul3A_701 = arith.constant 1.275000e+02 : f32
    %mul3A_702 = vector.broadcast %mul3A_701 : f32 to vector<16xf32>
    %mul3A_703 = arith.mulf %add3A_700, %mul3A_702 : vector<16xf32>
    %convert_element_type3A_704 = arith.fptosi %mul3A_691 : vector<16xf32> to vector<16xi32>
    %jit3A_705 = arith.constant 0 : i32
    %jit3A_706 = arith.constant 255 : i32
    %max3A_707 = vector.broadcast %jit3A_705 : i32 to vector<16xi32>
    %max3A_708 = arith.maxsi %max3A_707, %convert_element_type3A_704 : vector<16xi32>
    %min3A_709 = vector.broadcast %jit3A_706 : i32 to vector<16xi32>
    %min3A_710 = arith.minsi %min3A_709, %max3A_708 : vector<16xi32>
    %convert_element_type3A_711 = arith.fptosi %mul3A_703 : vector<16xf32> to vector<16xi32>
    %jit3A_712 = arith.constant 0 : i32
    %jit3A_713 = arith.constant 255 : i32
    %max3A_714 = vector.broadcast %jit3A_712 : i32 to vector<16xi32>
    %max3A_715 = arith.maxsi %max3A_714, %convert_element_type3A_711 : vector<16xi32>
    %min3A_716 = vector.broadcast %jit3A_713 : i32 to vector<16xi32>
    %min3A_717 = arith.minsi %min3A_716, %max3A_715 : vector<16xi32>
    %add3A_718 = arith.constant 1 : i32
    %add3A_719 = vector.broadcast %add3A_718 : i32 to vector<16xi32>
    %add3A_720 = arith.addi %min3A_710, %add3A_719 : vector<16xi32>
    %min3A_721 = arith.constant 255 : i32
    %min3A_722 = vector.broadcast %min3A_721 : i32 to vector<16xi32>
    %min3A_723 = arith.minsi %add3A_720, %min3A_722 : vector<16xi32>
    %add3A_724 = arith.constant 1 : i32
    %add3A_725 = vector.broadcast %add3A_724 : i32 to vector<16xi32>
    %add3A_726 = arith.addi %min3A_717, %add3A_725 : vector<16xi32>
    %min3A_727 = arith.constant 255 : i32
    %min3A_728 = vector.broadcast %min3A_727 : i32 to vector<16xi32>
    %min3A_729 = arith.minsi %add3A_726, %min3A_728 : vector<16xi32>
    %mul3A_730 = arith.constant 256 : i32
    %mul3A_731 = vector.broadcast %mul3A_730 : i32 to vector<16xi32>
    %mul3A_732 = arith.muli %min3A_717, %mul3A_731 : vector<16xi32>
    %add3A_733 = vector.broadcast %mul3A_20 : i32 to vector<16xi32>
    %add3A_734 = arith.addi %add3A_733, %mul3A_732 : vector<16xi32>
    %mul3A_735 = arith.constant 256 : i32
    %mul3A_736 = vector.broadcast %mul3A_735 : i32 to vector<16xi32>
    %mul3A_737 = arith.muli %min3A_729, %mul3A_736 : vector<16xi32>
    %add3A_738 = vector.broadcast %mul3A_20 : i32 to vector<16xi32>
    %add3A_739 = arith.addi %add3A_738, %mul3A_737 : vector<16xi32>
    %add3A_740 = arith.addi %add3A_734, %min3A_710 : vector<16xi32>
    %add3A_741 = arith.addi %add3A_734, %min3A_723 : vector<16xi32>
    %add3A_742 = arith.addi %add3A_739, %min3A_710 : vector<16xi32>
    %add3A_743 = arith.addi %add3A_739, %min3A_723 : vector<16xi32>
    %swap3A_744 = arith.constant 0 : i32
    %swap3A_745 = arith.index_cast %swap3A_744 : i32 to index
    %swap3A_746 = arith.constant 112 : index
    %swap3A_747 = tpu.vector_load %arg8[%swap3A_745, %swap3A_746] {strides = array<i32>} : memref<5x128xi32, #tpu.memory_space<vmem>>, vector<1x16xi32>,
    %swap3A_748 = vector.shape_cast %swap3A_747 : vector<1x16xi32> to vector<16xi32>
    %swap3A_749 = vector.shape_cast %add3A_740 : vector<16xi32> to vector<1x16xi32>
    tpu.vector_store %arg8[%swap3A_745, %swap3A_746], %swap3A_749 {strides = array<i32>} : memref<5x128xi32, #tpu.memory_space<vmem>>, vector<1x16xi32>,
    %swap3A_750 = arith.constant 2 : i32
    %swap3A_751 = arith.index_cast %swap3A_750 : i32 to index
    %swap3A_752 = arith.constant 16 : index
    %swap3A_753 = tpu.vector_load %arg8[%swap3A_751, %swap3A_752] {strides = array<i32>} : memref<5x128xi32, #tpu.memory_space<vmem>>, vector<1x16xi32>,
    %swap3A_754 = vector.shape_cast %swap3A_753 : vector<1x16xi32> to vector<16xi32>
    %swap3A_755 = vector.shape_cast %add3A_741 : vector<16xi32> to vector<1x16xi32>
    tpu.vector_store %arg8[%swap3A_751, %swap3A_752], %swap3A_755 {strides = array<i32>} : memref<5x128xi32, #tpu.memory_space<vmem>>, vector<1x16xi32>,
    %swap3A_756 = arith.constant 3 : i32
    %swap3A_757 = arith.index_cast %swap3A_756 : i32 to index
    %swap3A_758 = arith.constant 48 : index
    %swap3A_759 = tpu.vector_load %arg8[%swap3A_757, %swap3A_758] {strides = array<i32>} : memref<5x128xi32, #tpu.memory_space<vmem>>, vector<1x16xi32>,
    %swap3A_760 = vector.shape_cast %swap3A_759 : vector<1x16xi32> to vector<16xi32>
    %swap3A_761 = vector.shape_cast %add3A_742 : vector<16xi32> to vector<1x16xi32>
    tpu.vector_store %arg8[%swap3A_757, %swap3A_758], %swap3A_761 {strides = array<i32>} : memref<5x128xi32, #tpu.memory_space<vmem>>, vector<1x16xi32>,
    %swap3A_762 = arith.constant 4 : i32
    %swap3A_763 = arith.index_cast %swap3A_762 : i32 to index
    %swap3A_764 = arith.constant 80 : index
    %swap3A_765 = tpu.vector_load %arg8[%swap3A_763, %swap3A_764] {strides = array<i32>} : memref<5x128xi32, #tpu.memory_space<vmem>>, vector<1x16xi32>,
    %swap3A_766 = vector.shape_cast %swap3A_765 : vector<1x16xi32> to vector<16xi32>
    %swap3A_767 = vector.shape_cast %add3A_743 : vector<16xi32> to vector<1x16xi32>
    tpu.vector_store %arg8[%swap3A_763, %swap3A_764], %swap3A_767 {strides = array<i32>} : memref<5x128xi32, #tpu.memory_space<vmem>>, vector<1x16xi32>,
    %get3A_768 = arith.constant 128 : index
    %get3A_769 = tpu.vector_load %arg6[%get3A_768] {strides = array<i32>} : memref<160xf32, #tpu.memory_space<vmem>>, vector<16xf32>,
    %get3A_770 = vector.shape_cast %get3A_769 : vector<16xf32> to vector<16xf32>
    %get3A_771 = arith.constant 128 : index
    %get3A_772 = tpu.vector_load %arg7[%get3A_771] {strides = array<i32>} : memref<160xf32, #tpu.memory_space<vmem>>, vector<16xf32>,
    %get3A_773 = vector.shape_cast %get3A_772 : vector<16xf32> to vector<16xf32>
    %mul3A_774 = arith.constant 7.812500e-03 : f32
    %mul3A_775 = vector.broadcast %mul3A_774 : f32 to vector<16xf32>
    %mul3A_776 = arith.mulf %get3A_770, %mul3A_775 : vector<16xf32>
    %sub3A_777 = arith.constant 1.000000e+00 : f32
    %sub3A_778 = vector.broadcast %sub3A_777 : f32 to vector<16xf32>
    %sub3A_779 = arith.subf %mul3A_776, %sub3A_778 : vector<16xf32>
    %add3A_780 = arith.constant 1.000000e+00 : f32
    %add3A_781 = vector.broadcast %add3A_780 : f32 to vector<16xf32>
    %add3A_782 = arith.addf %sub3A_779, %add3A_781 : vector<16xf32>
    %mul3A_783 = arith.constant 1.275000e+02 : f32
    %mul3A_784 = vector.broadcast %mul3A_783 : f32 to vector<16xf32>
    %mul3A_785 = arith.mulf %add3A_782, %mul3A_784 : vector<16xf32>
    %mul3A_786 = arith.constant 7.812500e-03 : f32
    %mul3A_787 = vector.broadcast %mul3A_786 : f32 to vector<16xf32>
    %mul3A_788 = arith.mulf %get3A_773, %mul3A_787 : vector<16xf32>
    %sub3A_789 = arith.constant 1.000000e+00 : f32
    %sub3A_790 = vector.broadcast %sub3A_789 : f32 to vector<16xf32>
    %sub3A_791 = arith.subf %mul3A_788, %sub3A_790 : vector<16xf32>
    %add3A_792 = arith.constant 1.000000e+00 : f32
    %add3A_793 = vector.broadcast %add3A_792 : f32 to vector<16xf32>
    %add3A_794 = arith.addf %sub3A_791, %add3A_793 : vector<16xf32>
    %mul3A_795 = arith.constant 1.275000e+02 : f32
    %mul3A_796 = vector.broadcast %mul3A_795 : f32 to vector<16xf32>
    %mul3A_797 = arith.mulf %add3A_794, %mul3A_796 : vector<16xf32>
    %convert_element_type3A_798 = arith.fptosi %mul3A_785 : vector<16xf32> to vector<16xi32>
    %jit3A_799 = arith.constant 0 : i32
    %jit3A_800 = arith.constant 255 : i32
    %max3A_801 = vector.broadcast %jit3A_799 : i32 to vector<16xi32>
    %max3A_802 = arith.maxsi %max3A_801, %convert_element_type3A_798 : vector<16xi32>
    %min3A_803 = vector.broadcast %jit3A_800 : i32 to vector<16xi32>
    %min3A_804 = arith.minsi %min3A_803, %max3A_802 : vector<16xi32>
    %convert_element_type3A_805 = arith.fptosi %mul3A_797 : vector<16xf32> to vector<16xi32>
    %jit3A_806 = arith.constant 0 : i32
    %jit3A_807 = arith.constant 255 : i32
    %max3A_808 = vector.broadcast %jit3A_806 : i32 to vector<16xi32>
    %max3A_809 = arith.maxsi %max3A_808, %convert_element_type3A_805 : vector<16xi32>
    %min3A_810 = vector.broadcast %jit3A_807 : i32 to vector<16xi32>
    %min3A_811 = arith.minsi %min3A_810, %max3A_809 : vector<16xi32>
    %add3A_812 = arith.constant 1 : i32
    %add3A_813 = vector.broadcast %add3A_812 : i32 to vector<16xi32>
    %add3A_814 = arith.addi %min3A_804, %add3A_813 : vector<16xi32>
    %min3A_815 = arith.constant 255 : i32
    %min3A_816 = vector.broadcast %min3A_815 : i32 to vector<16xi32>
    %min3A_817 = arith.minsi %add3A_814, %min3A_816 : vector<16xi32>
    %add3A_818 = arith.constant 1 : i32
    %add3A_819 = vector.broadcast %add3A_818 : i32 to vector<16xi32>
    %add3A_820 = arith.addi %min3A_811, %add3A_819 : vector<16xi32>
    %min3A_821 = arith.constant 255 : i32
    %min3A_822 = vector.broadcast %min3A_821 : i32 to vector<16xi32>
    %min3A_823 = arith.minsi %add3A_820, %min3A_822 : vector<16xi32>
    %mul3A_824 = arith.constant 256 : i32
    %mul3A_825 = vector.broadcast %mul3A_824 : i32 to vector<16xi32>
    %mul3A_826 = arith.muli %min3A_811, %mul3A_825 : vector<16xi32>
    %add3A_827 = vector.broadcast %mul3A_20 : i32 to vector<16xi32>
    %add3A_828 = arith.addi %add3A_827, %mul3A_826 : vector<16xi32>
    %mul3A_829 = arith.constant 256 : i32
    %mul3A_830 = vector.broadcast %mul3A_829 : i32 to vector<16xi32>
    %mul3A_831 = arith.muli %min3A_823, %mul3A_830 : vector<16xi32>
    %add3A_832 = vector.broadcast %mul3A_20 : i32 to vector<16xi32>
    %add3A_833 = arith.addi %add3A_832, %mul3A_831 : vector<16xi32>
    %add3A_834 = arith.addi %add3A_828, %min3A_804 : vector<16xi32>
    %add3A_835 = arith.addi %add3A_828, %min3A_817 : vector<16xi32>
    %add3A_836 = arith.addi %add3A_833, %min3A_804 : vector<16xi32>
    %add3A_837 = arith.addi %add3A_833, %min3A_817 : vector<16xi32>
    %swap3A_838 = arith.constant 1 : i32
    %swap3A_839 = arith.index_cast %swap3A_838 : i32 to index
    %swap3A_840 = arith.constant 0 : index
    %swap3A_841 = tpu.vector_load %arg8[%swap3A_839, %swap3A_840] {strides = array<i32>} : memref<5x128xi32, #tpu.memory_space<vmem>>, vector<1x16xi32>,
    %swap3A_842 = vector.shape_cast %swap3A_841 : vector<1x16xi32> to vector<16xi32>
    %swap3A_843 = vector.shape_cast %add3A_834 : vector<16xi32> to vector<1x16xi32>
    tpu.vector_store %arg8[%swap3A_839, %swap3A_840], %swap3A_843 {strides = array<i32>} : memref<5x128xi32, #tpu.memory_space<vmem>>, vector<1x16xi32>,
    %swap3A_844 = arith.constant 2 : i32
    %swap3A_845 = arith.index_cast %swap3A_844 : i32 to index
    %swap3A_846 = arith.constant 32 : index
    %swap3A_847 = tpu.vector_load %arg8[%swap3A_845, %swap3A_846] {strides = array<i32>} : memref<5x128xi32, #tpu.memory_space<vmem>>, vector<1x16xi32>,
    %swap3A_848 = vector.shape_cast %swap3A_847 : vector<1x16xi32> to vector<16xi32>
    %swap3A_849 = vector.shape_cast %add3A_835 : vector<16xi32> to vector<1x16xi32>
    tpu.vector_store %arg8[%swap3A_845, %swap3A_846], %swap3A_849 {strides = array<i32>} : memref<5x128xi32, #tpu.memory_space<vmem>>, vector<1x16xi32>,
    %swap3A_850 = arith.constant 3 : i32
    %swap3A_851 = arith.index_cast %swap3A_850 : i32 to index
    %swap3A_852 = arith.constant 64 : index
    %swap3A_853 = tpu.vector_load %arg8[%swap3A_851, %swap3A_852] {strides = array<i32>} : memref<5x128xi32, #tpu.memory_space<vmem>>, vector<1x16xi32>,
    %swap3A_854 = vector.shape_cast %swap3A_853 : vector<1x16xi32> to vector<16xi32>
    %swap3A_855 = vector.shape_cast %add3A_836 : vector<16xi32> to vector<1x16xi32>
    tpu.vector_store %arg8[%swap3A_851, %swap3A_852], %swap3A_855 {strides = array<i32>} : memref<5x128xi32, #tpu.memory_space<vmem>>, vector<1x16xi32>,
    %swap3A_856 = arith.constant 4 : i32
    %swap3A_857 = arith.index_cast %swap3A_856 : i32 to index
    %swap3A_858 = arith.constant 96 : index
    %swap3A_859 = tpu.vector_load %arg8[%swap3A_857, %swap3A_858] {strides = array<i32>} : memref<5x128xi32, #tpu.memory_space<vmem>>, vector<1x16xi32>,
    %swap3A_860 = vector.shape_cast %swap3A_859 : vector<1x16xi32> to vector<16xi32>
    %swap3A_861 = vector.shape_cast %add3A_837 : vector<16xi32> to vector<1x16xi32>
    tpu.vector_store %arg8[%swap3A_857, %swap3A_858], %swap3A_861 {strides = array<i32>} : memref<5x128xi32, #tpu.memory_space<vmem>>, vector<1x16xi32>,
    %get3A_862 = arith.constant 144 : index
    %get3A_863 = tpu.vector_load %arg6[%get3A_862] {strides = array<i32>} : memref<160xf32, #tpu.memory_space<vmem>>, vector<16xf32>,
    %get3A_864 = vector.shape_cast %get3A_863 : vector<16xf32> to vector<16xf32>
    %get3A_865 = arith.constant 144 : index
    %get3A_866 = tpu.vector_load %arg7[%get3A_865] {strides = array<i32>} : memref<160xf32, #tpu.memory_space<vmem>>, vector<16xf32>,
    %get3A_867 = vector.shape_cast %get3A_866 : vector<16xf32> to vector<16xf32>
    %mul3A_868 = arith.constant 7.812500e-03 : f32
    %mul3A_869 = vector.broadcast %mul3A_868 : f32 to vector<16xf32>
    %mul3A_870 = arith.mulf %get3A_864, %mul3A_869 : vector<16xf32>
    %sub3A_871 = arith.constant 1.000000e+00 : f32
    %sub3A_872 = vector.broadcast %sub3A_871 : f32 to vector<16xf32>
    %sub3A_873 = arith.subf %mul3A_870, %sub3A_872 : vector<16xf32>
    %add3A_874 = arith.constant 1.000000e+00 : f32
    %add3A_875 = vector.broadcast %add3A_874 : f32 to vector<16xf32>
    %add3A_876 = arith.addf %sub3A_873, %add3A_875 : vector<16xf32>
    %mul3A_877 = arith.constant 1.275000e+02 : f32
    %mul3A_878 = vector.broadcast %mul3A_877 : f32 to vector<16xf32>
    %mul3A_879 = arith.mulf %add3A_876, %mul3A_878 : vector<16xf32>
    %mul3A_880 = arith.constant 7.812500e-03 : f32
    %mul3A_881 = vector.broadcast %mul3A_880 : f32 to vector<16xf32>
    %mul3A_882 = arith.mulf %get3A_867, %mul3A_881 : vector<16xf32>
    %sub3A_883 = arith.constant 1.000000e+00 : f32
    %sub3A_884 = vector.broadcast %sub3A_883 : f32 to vector<16xf32>
    %sub3A_885 = arith.subf %mul3A_882, %sub3A_884 : vector<16xf32>
    %add3A_886 = arith.constant 1.000000e+00 : f32
    %add3A_887 = vector.broadcast %add3A_886 : f32 to vector<16xf32>
    %add3A_888 = arith.addf %sub3A_885, %add3A_887 : vector<16xf32>
    %mul3A_889 = arith.constant 1.275000e+02 : f32
    %mul3A_890 = vector.broadcast %mul3A_889 : f32 to vector<16xf32>
    %mul3A_891 = arith.mulf %add3A_888, %mul3A_890 : vector<16xf32>
    %convert_element_type3A_892 = arith.fptosi %mul3A_879 : vector<16xf32> to vector<16xi32>
    %jit3A_893 = arith.constant 0 : i32
    %jit3A_894 = arith.constant 255 : i32
    %max3A_895 = vector.broadcast %jit3A_893 : i32 to vector<16xi32>
    %max3A_896 = arith.maxsi %max3A_895, %convert_element_type3A_892 : vector<16xi32>
    %min3A_897 = vector.broadcast %jit3A_894 : i32 to vector<16xi32>
    %min3A_898 = arith.minsi %min3A_897, %max3A_896 : vector<16xi32>
    %convert_element_type3A_899 = arith.fptosi %mul3A_891 : vector<16xf32> to vector<16xi32>
    %jit3A_900 = arith.constant 0 : i32
    %jit3A_901 = arith.constant 255 : i32
    %max3A_902 = vector.broadcast %jit3A_900 : i32 to vector<16xi32>
    %max3A_903 = arith.maxsi %max3A_902, %convert_element_type3A_899 : vector<16xi32>
    %min3A_904 = vector.broadcast %jit3A_901 : i32 to vector<16xi32>
    %min3A_905 = arith.minsi %min3A_904, %max3A_903 : vector<16xi32>
    %add3A_906 = arith.constant 1 : i32
    %add3A_907 = vector.broadcast %add3A_906 : i32 to vector<16xi32>
    %add3A_908 = arith.addi %min3A_898, %add3A_907 : vector<16xi32>
    %min3A_909 = arith.constant 255 : i32
    %min3A_910 = vector.broadcast %min3A_909 : i32 to vector<16xi32>
    %min3A_911 = arith.minsi %add3A_908, %min3A_910 : vector<16xi32>
    %add3A_912 = arith.constant 1 : i32
    %add3A_913 = vector.broadcast %add3A_912 : i32 to vector<16xi32>
    %add3A_914 = arith.addi %min3A_905, %add3A_913 : vector<16xi32>
    %min3A_915 = arith.constant 255 : i32
    %min3A_916 = vector.broadcast %min3A_915 : i32 to vector<16xi32>
    %min3A_917 = arith.minsi %add3A_914, %min3A_916 : vector<16xi32>
    %mul3A_918 = arith.constant 256 : i32
    %mul3A_919 = vector.broadcast %mul3A_918 : i32 to vector<16xi32>
    %mul3A_920 = arith.muli %min3A_905, %mul3A_919 : vector<16xi32>
    %add3A_921 = vector.broadcast %mul3A_20 : i32 to vector<16xi32>
    %add3A_922 = arith.addi %add3A_921, %mul3A_920 : vector<16xi32>
    %mul3A_923 = arith.constant 256 : i32
    %mul3A_924 = vector.broadcast %mul3A_923 : i32 to vector<16xi32>
    %mul3A_925 = arith.muli %min3A_917, %mul3A_924 : vector<16xi32>
    %add3A_926 = vector.broadcast %mul3A_20 : i32 to vector<16xi32>
    %add3A_927 = arith.addi %add3A_926, %mul3A_925 : vector<16xi32>
    %add3A_928 = arith.addi %add3A_922, %min3A_898 : vector<16xi32>
    %add3A_929 = arith.addi %add3A_922, %min3A_911 : vector<16xi32>
    %add3A_930 = arith.addi %add3A_927, %min3A_898 : vector<16xi32>
    %add3A_931 = arith.addi %add3A_927, %min3A_911 : vector<16xi32>
    %swap3A_932 = arith.constant 1 : i32
    %swap3A_933 = arith.index_cast %swap3A_932 : i32 to index
    %swap3A_934 = arith.constant 16 : index
    %swap3A_935 = tpu.vector_load %arg8[%swap3A_933, %swap3A_934] {strides = array<i32>} : memref<5x128xi32, #tpu.memory_space<vmem>>, vector<1x16xi32>,
    %swap3A_936 = vector.shape_cast %swap3A_935 : vector<1x16xi32> to vector<16xi32>
    %swap3A_937 = vector.shape_cast %add3A_928 : vector<16xi32> to vector<1x16xi32>
    tpu.vector_store %arg8[%swap3A_933, %swap3A_934], %swap3A_937 {strides = array<i32>} : memref<5x128xi32, #tpu.memory_space<vmem>>, vector<1x16xi32>,
    %swap3A_938 = arith.constant 2 : i32
    %swap3A_939 = arith.index_cast %swap3A_938 : i32 to index
    %swap3A_940 = arith.constant 48 : index
    %swap3A_941 = tpu.vector_load %arg8[%swap3A_939, %swap3A_940] {strides = array<i32>} : memref<5x128xi32, #tpu.memory_space<vmem>>, vector<1x16xi32>,
    %swap3A_942 = vector.shape_cast %swap3A_941 : vector<1x16xi32> to vector<16xi32>
    %swap3A_943 = vector.shape_cast %add3A_929 : vector<16xi32> to vector<1x16xi32>
    tpu.vector_store %arg8[%swap3A_939, %swap3A_940], %swap3A_943 {strides = array<i32>} : memref<5x128xi32, #tpu.memory_space<vmem>>, vector<1x16xi32>,
    %swap3A_944 = arith.constant 3 : i32
    %swap3A_945 = arith.index_cast %swap3A_944 : i32 to index
    %swap3A_946 = arith.constant 80 : index
    %swap3A_947 = tpu.vector_load %arg8[%swap3A_945, %swap3A_946] {strides = array<i32>} : memref<5x128xi32, #tpu.memory_space<vmem>>, vector<1x16xi32>,
    %swap3A_948 = vector.shape_cast %swap3A_947 : vector<1x16xi32> to vector<16xi32>
    %swap3A_949 = vector.shape_cast %add3A_930 : vector<16xi32> to vector<1x16xi32>
    tpu.vector_store %arg8[%swap3A_945, %swap3A_946], %swap3A_949 {strides = array<i32>} : memref<5x128xi32, #tpu.memory_space<vmem>>, vector<1x16xi32>,
    %swap3A_950 = arith.constant 4 : i32
    %swap3A_951 = arith.index_cast %swap3A_950 : i32 to index
    %swap3A_952 = arith.constant 112 : index
    %swap3A_953 = tpu.vector_load %arg8[%swap3A_951, %swap3A_952] {strides = array<i32>} : memref<5x128xi32, #tpu.memory_space<vmem>>, vector<1x16xi32>,
    %swap3A_954 = vector.shape_cast %swap3A_953 : vector<1x16xi32> to vector<16xi32>
    %swap3A_955 = vector.shape_cast %add3A_931 : vector<16xi32> to vector<1x16xi32>
    tpu.vector_store %arg8[%swap3A_951, %swap3A_952], %swap3A_955 {strides = array<i32>} : memref<5x128xi32, #tpu.memory_space<vmem>>, vector<1x16xi32>,
    %dma_start3A = arith.constant 0 : i32
    %dma_start3A_956 = arith.constant 0 : i32
    %dma_start3A_957 = arith.constant 0 : i32
    %dma_start3A_958 = tpu.memref_slice %arg9[%dma_start3A_956, %dma_start3A_957] : memref<640x64xbf16, #tpu.memory_space<vmem>> -> memref<128x64xbf16, #tpu.memory_space<vmem>>
    %dma_start3A_959 = arith.constant 0 : i32
    %dma_start3A_960 = tpu.memref_slice %arg8[%dma_start3A, %dma_start3A_959] : memref<5x128xi32, #tpu.memory_space<vmem>> -> memref<1x128xi32, #tpu.memory_space<vmem>>
    %dma_start3A_961 = tpu.memref_squeeze %dma_start3A_960 : memref<1x128xi32, #tpu.memory_space<vmem>> -> memref<128xi32, #tpu.memory_space<vmem>>
    %dma_start3A_962 = arith.constant 0 : i32
    %dma_start3A_963 = arith.constant 0 : i32
    %dma_start3A_964 = tpu.memref_slice %arg4[%dma_start3A_962, %dma_start3A_963] : memref<262144x64xbf16, #tpu.memory_space<hbm>> -> memref<262144x64xbf16, #tpu.memory_space<hbm>>
    tpu.enqueue_indirect_dma source(%dma_start3A_964 : memref<262144x64xbf16, #tpu.memory_space<hbm>>) target(%dma_start3A_958 : memref<128x64xbf16, #tpu.memory_space<vmem>>) offsets(%dma_start3A_961 : memref<128xi32, #tpu.memory_space<vmem>>) semaphore(%arg10 : memref<!tpu.dma_semaphore, #tpu.memory_space<semaphore_mem>>)
    %dma_start3A_965 = arith.constant 1 : i32
    %dma_start3A_966 = arith.constant 128 : i32
    %dma_start3A_967 = arith.constant 0 : i32
    %dma_start3A_968 = tpu.memref_slice %arg9[%dma_start3A_966, %dma_start3A_967] : memref<640x64xbf16, #tpu.memory_space<vmem>> -> memref<128x64xbf16, #tpu.memory_space<vmem>>
    %dma_start3A_969 = arith.constant 0 : i32
    %dma_start3A_970 = tpu.memref_slice %arg8[%dma_start3A_965, %dma_start3A_969] : memref<5x128xi32, #tpu.memory_space<vmem>> -> memref<1x128xi32, #tpu.memory_space<vmem>>
    %dma_start3A_971 = tpu.memref_squeeze %dma_start3A_970 : memref<1x128xi32, #tpu.memory_space<vmem>> -> memref<128xi32, #tpu.memory_space<vmem>>
    %dma_start3A_972 = arith.constant 0 : i32
    %dma_start3A_973 = arith.constant 0 : i32
    %dma_start3A_974 = tpu.memref_slice %arg4[%dma_start3A_972, %dma_start3A_973] : memref<262144x64xbf16, #tpu.memory_space<hbm>> -> memref<262144x64xbf16, #tpu.memory_space<hbm>>
    tpu.enqueue_indirect_dma source(%dma_start3A_974 : memref<262144x64xbf16, #tpu.memory_space<hbm>>) target(%dma_start3A_968 : memref<128x64xbf16, #tpu.memory_space<vmem>>) offsets(%dma_start3A_971 : memref<128xi32, #tpu.memory_space<vmem>>) semaphore(%arg10 : memref<!tpu.dma_semaphore, #tpu.memory_space<semaphore_mem>>)
    %dma_start3A_975 = arith.constant 2 : i32
    %dma_start3A_976 = arith.constant 256 : i32
    %dma_start3A_977 = arith.constant 0 : i32
    %dma_start3A_978 = tpu.memref_slice %arg9[%dma_start3A_976, %dma_start3A_977] : memref<640x64xbf16, #tpu.memory_space<vmem>> -> memref<128x64xbf16, #tpu.memory_space<vmem>>
    %dma_start3A_979 = arith.constant 0 : i32
    %dma_start3A_980 = tpu.memref_slice %arg8[%dma_start3A_975, %dma_start3A_979] : memref<5x128xi32, #tpu.memory_space<vmem>> -> memref<1x128xi32, #tpu.memory_space<vmem>>
    %dma_start3A_981 = tpu.memref_squeeze %dma_start3A_980 : memref<1x128xi32, #tpu.memory_space<vmem>> -> memref<128xi32, #tpu.memory_space<vmem>>
    %dma_start3A_982 = arith.constant 0 : i32
    %dma_start3A_983 = arith.constant 0 : i32
    %dma_start3A_984 = tpu.memref_slice %arg4[%dma_start3A_982, %dma_start3A_983] : memref<262144x64xbf16, #tpu.memory_space<hbm>> -> memref<262144x64xbf16, #tpu.memory_space<hbm>>
    tpu.enqueue_indirect_dma source(%dma_start3A_984 : memref<262144x64xbf16, #tpu.memory_space<hbm>>) target(%dma_start3A_978 : memref<128x64xbf16, #tpu.memory_space<vmem>>) offsets(%dma_start3A_981 : memref<128xi32, #tpu.memory_space<vmem>>) semaphore(%arg10 : memref<!tpu.dma_semaphore, #tpu.memory_space<semaphore_mem>>)
    %dma_start3A_985 = arith.constant 3 : i32
    %dma_start3A_986 = arith.constant 384 : i32
    %dma_start3A_987 = arith.constant 0 : i32
    %dma_start3A_988 = tpu.memref_slice %arg9[%dma_start3A_986, %dma_start3A_987] : memref<640x64xbf16, #tpu.memory_space<vmem>> -> memref<128x64xbf16, #tpu.memory_space<vmem>>
    %dma_start3A_989 = arith.constant 0 : i32
    %dma_start3A_990 = tpu.memref_slice %arg8[%dma_start3A_985, %dma_start3A_989] : memref<5x128xi32, #tpu.memory_space<vmem>> -> memref<1x128xi32, #tpu.memory_space<vmem>>
    %dma_start3A_991 = tpu.memref_squeeze %dma_start3A_990 : memref<1x128xi32, #tpu.memory_space<vmem>> -> memref<128xi32, #tpu.memory_space<vmem>>
    %dma_start3A_992 = arith.constant 0 : i32
    %dma_start3A_993 = arith.constant 0 : i32
    %dma_start3A_994 = tpu.memref_slice %arg4[%dma_start3A_992, %dma_start3A_993] : memref<262144x64xbf16, #tpu.memory_space<hbm>> -> memref<262144x64xbf16, #tpu.memory_space<hbm>>
    tpu.enqueue_indirect_dma source(%dma_start3A_994 : memref<262144x64xbf16, #tpu.memory_space<hbm>>) target(%dma_start3A_988 : memref<128x64xbf16, #tpu.memory_space<vmem>>) offsets(%dma_start3A_991 : memref<128xi32, #tpu.memory_space<vmem>>) semaphore(%arg10 : memref<!tpu.dma_semaphore, #tpu.memory_space<semaphore_mem>>)
    %dma_start3A_995 = arith.constant 4 : i32
    %dma_start3A_996 = arith.constant 512 : i32
    %dma_start3A_997 = arith.constant 0 : i32
    %dma_start3A_998 = tpu.memref_slice %arg9[%dma_start3A_996, %dma_start3A_997] : memref<640x64xbf16, #tpu.memory_space<vmem>> -> memref<128x64xbf16, #tpu.memory_space<vmem>>
    %dma_start3A_999 = arith.constant 0 : i32
    %dma_start3A_1000 = tpu.memref_slice %arg8[%dma_start3A_995, %dma_start3A_999] : memref<5x128xi32, #tpu.memory_space<vmem>> -> memref<1x128xi32, #tpu.memory_space<vmem>>
    %dma_start3A_1001 = tpu.memref_squeeze %dma_start3A_1000 : memref<1x128xi32, #tpu.memory_space<vmem>> -> memref<128xi32, #tpu.memory_space<vmem>>
    %dma_start3A_1002 = arith.constant 0 : i32
    %dma_start3A_1003 = arith.constant 0 : i32
    %dma_start3A_1004 = tpu.memref_slice %arg4[%dma_start3A_1002, %dma_start3A_1003] : memref<262144x64xbf16, #tpu.memory_space<hbm>> -> memref<262144x64xbf16, #tpu.memory_space<hbm>>
    tpu.enqueue_indirect_dma source(%dma_start3A_1004 : memref<262144x64xbf16, #tpu.memory_space<hbm>>) target(%dma_start3A_998 : memref<128x64xbf16, #tpu.memory_space<vmem>>) offsets(%dma_start3A_1001 : memref<128xi32, #tpu.memory_space<vmem>>) semaphore(%arg10 : memref<!tpu.dma_semaphore, #tpu.memory_space<semaphore_mem>>)
    %dma_wait3A = arith.constant 0 : i32
    %dma_wait3A_1005 = arith.constant 0 : i32
    %dma_wait3A_1006 = arith.constant 0 : i32
    %dma_wait3A_1007 = tpu.memref_slice %arg9[%dma_wait3A_1005, %dma_wait3A_1006] : memref<640x64xbf16, #tpu.memory_space<vmem>> -> memref<128x64xbf16, #tpu.memory_space<vmem>>
    %dma_wait3A_1008 = arith.constant 0 : i32
    %dma_wait3A_1009 = tpu.memref_slice %arg8[%dma_wait3A, %dma_wait3A_1008] : memref<5x128xi32, #tpu.memory_space<vmem>> -> memref<1x128xi32, #tpu.memory_space<vmem>>
    %dma_wait3A_1010 = tpu.memref_squeeze %dma_wait3A_1009 : memref<1x128xi32, #tpu.memory_space<vmem>> -> memref<128xi32, #tpu.memory_space<vmem>>
    %dma_wait3A_1011 = arith.constant 0 : i32
    %dma_wait3A_1012 = arith.constant 0 : i32
    %dma_wait3A_1013 = tpu.memref_slice %arg4[%dma_wait3A_1011, %dma_wait3A_1012] : memref<262144x64xbf16, #tpu.memory_space<hbm>> -> memref<262144x64xbf16, #tpu.memory_space<hbm>>
    tpu.wait_indirect_dma semaphore(%arg10 : memref<!tpu.dma_semaphore, #tpu.memory_space<semaphore_mem>>) src(%dma_wait3A_1013 : memref<262144x64xbf16, #tpu.memory_space<hbm>>) dst(%dma_wait3A_1007 : memref<128x64xbf16, #tpu.memory_space<vmem>>)
    %dma_wait3A_1014 = arith.constant 1 : i32
    %dma_wait3A_1015 = arith.constant 128 : i32
    %dma_wait3A_1016 = arith.constant 0 : i32
    %dma_wait3A_1017 = tpu.memref_slice %arg9[%dma_wait3A_1015, %dma_wait3A_1016] : memref<640x64xbf16, #tpu.memory_space<vmem>> -> memref<128x64xbf16, #tpu.memory_space<vmem>>
    %dma_wait3A_1018 = arith.constant 0 : i32
    %dma_wait3A_1019 = tpu.memref_slice %arg8[%dma_wait3A_1014, %dma_wait3A_1018] : memref<5x128xi32, #tpu.memory_space<vmem>> -> memref<1x128xi32, #tpu.memory_space<vmem>>
    %dma_wait3A_1020 = tpu.memref_squeeze %dma_wait3A_1019 : memref<1x128xi32, #tpu.memory_space<vmem>> -> memref<128xi32, #tpu.memory_space<vmem>>
    %dma_wait3A_1021 = arith.constant 0 : i32
    %dma_wait3A_1022 = arith.constant 0 : i32
    %dma_wait3A_1023 = tpu.memref_slice %arg4[%dma_wait3A_1021, %dma_wait3A_1022] : memref<262144x64xbf16, #tpu.memory_space<hbm>> -> memref<262144x64xbf16, #tpu.memory_space<hbm>>
    tpu.wait_indirect_dma semaphore(%arg10 : memref<!tpu.dma_semaphore, #tpu.memory_space<semaphore_mem>>) src(%dma_wait3A_1023 : memref<262144x64xbf16, #tpu.memory_space<hbm>>) dst(%dma_wait3A_1017 : memref<128x64xbf16, #tpu.memory_space<vmem>>)
    %dma_wait3A_1024 = arith.constant 2 : i32
    %dma_wait3A_1025 = arith.constant 256 : i32
    %dma_wait3A_1026 = arith.constant 0 : i32
    %dma_wait3A_1027 = tpu.memref_slice %arg9[%dma_wait3A_1025, %dma_wait3A_1026] : memref<640x64xbf16, #tpu.memory_space<vmem>> -> memref<128x64xbf16, #tpu.memory_space<vmem>>
    %dma_wait3A_1028 = arith.constant 0 : i32
    %dma_wait3A_1029 = tpu.memref_slice %arg8[%dma_wait3A_1024, %dma_wait3A_1028] : memref<5x128xi32, #tpu.memory_space<vmem>> -> memref<1x128xi32, #tpu.memory_space<vmem>>
    %dma_wait3A_1030 = tpu.memref_squeeze %dma_wait3A_1029 : memref<1x128xi32, #tpu.memory_space<vmem>> -> memref<128xi32, #tpu.memory_space<vmem>>
    %dma_wait3A_1031 = arith.constant 0 : i32
    %dma_wait3A_1032 = arith.constant 0 : i32
    %dma_wait3A_1033 = tpu.memref_slice %arg4[%dma_wait3A_1031, %dma_wait3A_1032] : memref<262144x64xbf16, #tpu.memory_space<hbm>> -> memref<262144x64xbf16, #tpu.memory_space<hbm>>
    tpu.wait_indirect_dma semaphore(%arg10 : memref<!tpu.dma_semaphore, #tpu.memory_space<semaphore_mem>>) src(%dma_wait3A_1033 : memref<262144x64xbf16, #tpu.memory_space<hbm>>) dst(%dma_wait3A_1027 : memref<128x64xbf16, #tpu.memory_space<vmem>>)
    %dma_wait3A_1034 = arith.constant 3 : i32
    %dma_wait3A_1035 = arith.constant 384 : i32
    %dma_wait3A_1036 = arith.constant 0 : i32
    %dma_wait3A_1037 = tpu.memref_slice %arg9[%dma_wait3A_1035, %dma_wait3A_1036] : memref<640x64xbf16, #tpu.memory_space<vmem>> -> memref<128x64xbf16, #tpu.memory_space<vmem>>
    %dma_wait3A_1038 = arith.constant 0 : i32
    %dma_wait3A_1039 = tpu.memref_slice %arg8[%dma_wait3A_1034, %dma_wait3A_1038] : memref<5x128xi32, #tpu.memory_space<vmem>> -> memref<1x128xi32, #tpu.memory_space<vmem>>
    %dma_wait3A_1040 = tpu.memref_squeeze %dma_wait3A_1039 : memref<1x128xi32, #tpu.memory_space<vmem>> -> memref<128xi32, #tpu.memory_space<vmem>>
    %dma_wait3A_1041 = arith.constant 0 : i32
    %dma_wait3A_1042 = arith.constant 0 : i32
    %dma_wait3A_1043 = tpu.memref_slice %arg4[%dma_wait3A_1041, %dma_wait3A_1042] : memref<262144x64xbf16, #tpu.memory_space<hbm>> -> memref<262144x64xbf16, #tpu.memory_space<hbm>>
    tpu.wait_indirect_dma semaphore(%arg10 : memref<!tpu.dma_semaphore, #tpu.memory_space<semaphore_mem>>) src(%dma_wait3A_1043 : memref<262144x64xbf16, #tpu.memory_space<hbm>>) dst(%dma_wait3A_1037 : memref<128x64xbf16, #tpu.memory_space<vmem>>)
    %dma_wait3A_1044 = arith.constant 4 : i32
    %dma_wait3A_1045 = arith.constant 512 : i32
    %dma_wait3A_1046 = arith.constant 0 : i32
    %dma_wait3A_1047 = tpu.memref_slice %arg9[%dma_wait3A_1045, %dma_wait3A_1046] : memref<640x64xbf16, #tpu.memory_space<vmem>> -> memref<128x64xbf16, #tpu.memory_space<vmem>>
    %dma_wait3A_1048 = arith.constant 0 : i32
    %dma_wait3A_1049 = tpu.memref_slice %arg8[%dma_wait3A_1044, %dma_wait3A_1048] : memref<5x128xi32, #tpu.memory_space<vmem>> -> memref<1x128xi32, #tpu.memory_space<vmem>>
    %dma_wait3A_1050 = tpu.memref_squeeze %dma_wait3A_1049 : memref<1x128xi32, #tpu.memory_space<vmem>> -> memref<128xi32, #tpu.memory_space<vmem>>
    %dma_wait3A_1051 = arith.constant 0 : i32
    %dma_wait3A_1052 = arith.constant 0 : i32
    %dma_wait3A_1053 = tpu.memref_slice %arg4[%dma_wait3A_1051, %dma_wait3A_1052] : memref<262144x64xbf16, #tpu.memory_space<hbm>> -> memref<262144x64xbf16, #tpu.memory_space<hbm>>
    tpu.wait_indirect_dma semaphore(%arg10 : memref<!tpu.dma_semaphore, #tpu.memory_space<semaphore_mem>>) src(%dma_wait3A_1053 : memref<262144x64xbf16, #tpu.memory_space<hbm>>) dst(%dma_wait3A_1047 : memref<128x64xbf16, #tpu.memory_space<vmem>>)
    %run_scoped3A = arith.constant 0 : i32
    "tpu.region"() ({
      %run_scoped3A_1057 = tpu.sem_alloc : memref<!tpu.dma_semaphore, #tpu.memory_space<semaphore_mem>>
      %dma_start3A_1058 = arith.constant 0 : i32
      %dma_start3A_1059 = arith.constant 0 : i32
      %dma_start3A_1060 = tpu.memref_slice %arg9[%dma_start3A_1058, %dma_start3A_1059] : memref<640x64xbf16, #tpu.memory_space<vmem>> -> memref<160x64xbf16, #tpu.memory_space<vmem>>
      %dma_start3A_1061 = arith.constant 0 : i32
      %dma_start3A_1062 = tpu.memref_slice %arg5[%run_scoped3A, %multiple_of3A, %dma_start3A_1061] : memref<4x5120x64xbf16, #tpu.memory_space<hbm>> -> memref<1x160x64xbf16, #tpu.memory_space<hbm>>
      %dma_start3A_1063 = tpu.memref_squeeze %dma_start3A_1062 : memref<1x160x64xbf16, #tpu.memory_space<hbm>> -> memref<160x64xbf16, #tpu.memory_space<hbm>>
      %dma_start3A_1064 = arith.constant 0 : i32
      %dma_start3A_1065 = tpu.memref_slice %arg5[%run_scoped3A, %multiple_of3A, %dma_start3A_1064] : memref<4x5120x64xbf16, #tpu.memory_space<hbm>> -> memref<1x160x64xbf16, #tpu.memory_space<hbm>>
      %dma_start3A_1066 = tpu.memref_squeeze %dma_start3A_1065 : memref<1x160x64xbf16, #tpu.memory_space<hbm>> -> memref<160x64xbf16, #tpu.memory_space<hbm>>
      %dma_start3A_1067 = arith.constant 0 : i32
      %dma_start3A_1068 = arith.constant 0 : i32
      %dma_start3A_1069 = tpu.memref_slice %arg9[%dma_start3A_1067, %dma_start3A_1068] : memref<640x64xbf16, #tpu.memory_space<vmem>> -> memref<160x64xbf16, #tpu.memory_space<vmem>>
      tpu.enqueue_dma source(%dma_start3A_1069 : memref<160x64xbf16, #tpu.memory_space<vmem>>) target(%dma_start3A_1066 : memref<160x64xbf16, #tpu.memory_space<hbm>>) target_semaphore(%run_scoped3A_1057 : memref<!tpu.dma_semaphore, #tpu.memory_space<semaphore_mem>>)
      %dma_wait3A_1070 = arith.constant 0 : i32
      %dma_wait3A_1071 = arith.constant 0 : i32
      %dma_wait3A_1072 = tpu.memref_slice %arg9[%dma_wait3A_1070, %dma_wait3A_1071] : memref<640x64xbf16, #tpu.memory_space<vmem>> -> memref<160x64xbf16, #tpu.memory_space<vmem>>
      %dma_wait3A_1073 = arith.constant 0 : i32
      %dma_wait3A_1074 = tpu.memref_slice %arg5[%run_scoped3A, %multiple_of3A, %dma_wait3A_1073] : memref<4x5120x64xbf16, #tpu.memory_space<hbm>> -> memref<1x160x64xbf16, #tpu.memory_space<hbm>>
      %dma_wait3A_1075 = tpu.memref_squeeze %dma_wait3A_1074 : memref<1x160x64xbf16, #tpu.memory_space<hbm>> -> memref<160x64xbf16, #tpu.memory_space<hbm>>
      %dma_wait3A_1076 = arith.constant 0 : i32
      %dma_wait3A_1077 = tpu.memref_slice %arg5[%run_scoped3A, %multiple_of3A, %dma_wait3A_1076] : memref<4x5120x64xbf16, #tpu.memory_space<hbm>> -> memref<1x160x64xbf16, #tpu.memory_space<hbm>>
      %dma_wait3A_1078 = tpu.memref_squeeze %dma_wait3A_1077 : memref<1x160x64xbf16, #tpu.memory_space<hbm>> -> memref<160x64xbf16, #tpu.memory_space<hbm>>
      %dma_wait3A_1079 = arith.constant 0 : i32
      %dma_wait3A_1080 = arith.constant 0 : i32
      %dma_wait3A_1081 = tpu.memref_slice %arg9[%dma_wait3A_1079, %dma_wait3A_1080] : memref<640x64xbf16, #tpu.memory_space<vmem>> -> memref<160x64xbf16, #tpu.memory_space<vmem>>
      tpu.wait_dma2 semaphore(%run_scoped3A_1057 : memref<!tpu.dma_semaphore, #tpu.memory_space<semaphore_mem>>) src(%dma_wait3A_1081 : memref<160x64xbf16, #tpu.memory_space<vmem>>) dst(%dma_wait3A_1078 : memref<160x64xbf16, #tpu.memory_space<hbm>>)
      tpu.yield
    }) : () -> ()
    %run_scoped3A_1054 = arith.constant 1 : i32
    "tpu.region"() ({
      %run_scoped3A_1057 = tpu.sem_alloc : memref<!tpu.dma_semaphore, #tpu.memory_space<semaphore_mem>>
      %dma_start3A_1058 = arith.constant 160 : i32
      %dma_start3A_1059 = arith.constant 0 : i32
      %dma_start3A_1060 = tpu.memref_slice %arg9[%dma_start3A_1058, %dma_start3A_1059] : memref<640x64xbf16, #tpu.memory_space<vmem>> -> memref<160x64xbf16, #tpu.memory_space<vmem>>
      %dma_start3A_1061 = arith.constant 0 : i32
      %dma_start3A_1062 = tpu.memref_slice %arg5[%run_scoped3A_1054, %multiple_of3A, %dma_start3A_1061] : memref<4x5120x64xbf16, #tpu.memory_space<hbm>> -> memref<1x160x64xbf16, #tpu.memory_space<hbm>>
      %dma_start3A_1063 = tpu.memref_squeeze %dma_start3A_1062 : memref<1x160x64xbf16, #tpu.memory_space<hbm>> -> memref<160x64xbf16, #tpu.memory_space<hbm>>
      %dma_start3A_1064 = arith.constant 0 : i32
      %dma_start3A_1065 = tpu.memref_slice %arg5[%run_scoped3A_1054, %multiple_of3A, %dma_start3A_1064] : memref<4x5120x64xbf16, #tpu.memory_space<hbm>> -> memref<1x160x64xbf16, #tpu.memory_space<hbm>>
      %dma_start3A_1066 = tpu.memref_squeeze %dma_start3A_1065 : memref<1x160x64xbf16, #tpu.memory_space<hbm>> -> memref<160x64xbf16, #tpu.memory_space<hbm>>
      %dma_start3A_1067 = arith.constant 160 : i32
      %dma_start3A_1068 = arith.constant 0 : i32
      %dma_start3A_1069 = tpu.memref_slice %arg9[%dma_start3A_1067, %dma_start3A_1068] : memref<640x64xbf16, #tpu.memory_space<vmem>> -> memref<160x64xbf16, #tpu.memory_space<vmem>>
      tpu.enqueue_dma source(%dma_start3A_1069 : memref<160x64xbf16, #tpu.memory_space<vmem>>) target(%dma_start3A_1066 : memref<160x64xbf16, #tpu.memory_space<hbm>>) target_semaphore(%run_scoped3A_1057 : memref<!tpu.dma_semaphore, #tpu.memory_space<semaphore_mem>>)
      %dma_wait3A_1070 = arith.constant 160 : i32
      %dma_wait3A_1071 = arith.constant 0 : i32
      %dma_wait3A_1072 = tpu.memref_slice %arg9[%dma_wait3A_1070, %dma_wait3A_1071] : memref<640x64xbf16, #tpu.memory_space<vmem>> -> memref<160x64xbf16, #tpu.memory_space<vmem>>
      %dma_wait3A_1073 = arith.constant 0 : i32
      %dma_wait3A_1074 = tpu.memref_slice %arg5[%run_scoped3A_1054, %multiple_of3A, %dma_wait3A_1073] : memref<4x5120x64xbf16, #tpu.memory_space<hbm>> -> memref<1x160x64xbf16, #tpu.memory_space<hbm>>
      %dma_wait3A_1075 = tpu.memref_squeeze %dma_wait3A_1074 : memref<1x160x64xbf16, #tpu.memory_space<hbm>> -> memref<160x64xbf16, #tpu.memory_space<hbm>>
      %dma_wait3A_1076 = arith.constant 0 : i32
      %dma_wait3A_1077 = tpu.memref_slice %arg5[%run_scoped3A_1054, %multiple_of3A, %dma_wait3A_1076] : memref<4x5120x64xbf16, #tpu.memory_space<hbm>> -> memref<1x160x64xbf16, #tpu.memory_space<hbm>>
      %dma_wait3A_1078 = tpu.memref_squeeze %dma_wait3A_1077 : memref<1x160x64xbf16, #tpu.memory_space<hbm>> -> memref<160x64xbf16, #tpu.memory_space<hbm>>
      %dma_wait3A_1079 = arith.constant 160 : i32
      %dma_wait3A_1080 = arith.constant 0 : i32
      %dma_wait3A_1081 = tpu.memref_slice %arg9[%dma_wait3A_1079, %dma_wait3A_1080] : memref<640x64xbf16, #tpu.memory_space<vmem>> -> memref<160x64xbf16, #tpu.memory_space<vmem>>
      tpu.wait_dma2 semaphore(%run_scoped3A_1057 : memref<!tpu.dma_semaphore, #tpu.memory_space<semaphore_mem>>) src(%dma_wait3A_1081 : memref<160x64xbf16, #tpu.memory_space<vmem>>) dst(%dma_wait3A_1078 : memref<160x64xbf16, #tpu.memory_space<hbm>>)
      tpu.yield
    }) : () -> ()
    %run_scoped3A_1055 = arith.constant 2 : i32
    "tpu.region"() ({
      %run_scoped3A_1057 = tpu.sem_alloc : memref<!tpu.dma_semaphore, #tpu.memory_space<semaphore_mem>>
      %dma_start3A_1058 = arith.constant 320 : i32
      %dma_start3A_1059 = arith.constant 0 : i32
      %dma_start3A_1060 = tpu.memref_slice %arg9[%dma_start3A_1058, %dma_start3A_1059] : memref<640x64xbf16, #tpu.memory_space<vmem>> -> memref<160x64xbf16, #tpu.memory_space<vmem>>
      %dma_start3A_1061 = arith.constant 0 : i32
      %dma_start3A_1062 = tpu.memref_slice %arg5[%run_scoped3A_1055, %multiple_of3A, %dma_start3A_1061] : memref<4x5120x64xbf16, #tpu.memory_space<hbm>> -> memref<1x160x64xbf16, #tpu.memory_space<hbm>>
      %dma_start3A_1063 = tpu.memref_squeeze %dma_start3A_1062 : memref<1x160x64xbf16, #tpu.memory_space<hbm>> -> memref<160x64xbf16, #tpu.memory_space<hbm>>
      %dma_start3A_1064 = arith.constant 0 : i32
      %dma_start3A_1065 = tpu.memref_slice %arg5[%run_scoped3A_1055, %multiple_of3A, %dma_start3A_1064] : memref<4x5120x64xbf16, #tpu.memory_space<hbm>> -> memref<1x160x64xbf16, #tpu.memory_space<hbm>>
      %dma_start3A_1066 = tpu.memref_squeeze %dma_start3A_1065 : memref<1x160x64xbf16, #tpu.memory_space<hbm>> -> memref<160x64xbf16, #tpu.memory_space<hbm>>
      %dma_start3A_1067 = arith.constant 320 : i32
      %dma_start3A_1068 = arith.constant 0 : i32
      %dma_start3A_1069 = tpu.memref_slice %arg9[%dma_start3A_1067, %dma_start3A_1068] : memref<640x64xbf16, #tpu.memory_space<vmem>> -> memref<160x64xbf16, #tpu.memory_space<vmem>>
      tpu.enqueue_dma source(%dma_start3A_1069 : memref<160x64xbf16, #tpu.memory_space<vmem>>) target(%dma_start3A_1066 : memref<160x64xbf16, #tpu.memory_space<hbm>>) target_semaphore(%run_scoped3A_1057 : memref<!tpu.dma_semaphore, #tpu.memory_space<semaphore_mem>>)
      %dma_wait3A_1070 = arith.constant 320 : i32
      %dma_wait3A_1071 = arith.constant 0 : i32
      %dma_wait3A_1072 = tpu.memref_slice %arg9[%dma_wait3A_1070, %dma_wait3A_1071] : memref<640x64xbf16, #tpu.memory_space<vmem>> -> memref<160x64xbf16, #tpu.memory_space<vmem>>
      %dma_wait3A_1073 = arith.constant 0 : i32
      %dma_wait3A_1074 = tpu.memref_slice %arg5[%run_scoped3A_1055, %multiple_of3A, %dma_wait3A_1073] : memref<4x5120x64xbf16, #tpu.memory_space<hbm>> -> memref<1x160x64xbf16, #tpu.memory_space<hbm>>
      %dma_wait3A_1075 = tpu.memref_squeeze %dma_wait3A_1074 : memref<1x160x64xbf16, #tpu.memory_space<hbm>> -> memref<160x64xbf16, #tpu.memory_space<hbm>>
      %dma_wait3A_1076 = arith.constant 0 : i32
      %dma_wait3A_1077 = tpu.memref_slice %arg5[%run_scoped3A_1055, %multiple_of3A, %dma_wait3A_1076] : memref<4x5120x64xbf16, #tpu.memory_space<hbm>> -> memref<1x160x64xbf16, #tpu.memory_space<hbm>>
      %dma_wait3A_1078 = tpu.memref_squeeze %dma_wait3A_1077 : memref<1x160x64xbf16, #tpu.memory_space<hbm>> -> memref<160x64xbf16, #tpu.memory_space<hbm>>
      %dma_wait3A_1079 = arith.constant 320 : i32
      %dma_wait3A_1080 = arith.constant 0 : i32
      %dma_wait3A_1081 = tpu.memref_slice %arg9[%dma_wait3A_1079, %dma_wait3A_1080] : memref<640x64xbf16, #tpu.memory_space<vmem>> -> memref<160x64xbf16, #tpu.memory_space<vmem>>
      tpu.wait_dma2 semaphore(%run_scoped3A_1057 : memref<!tpu.dma_semaphore, #tpu.memory_space<semaphore_mem>>) src(%dma_wait3A_1081 : memref<160x64xbf16, #tpu.memory_space<vmem>>) dst(%dma_wait3A_1078 : memref<160x64xbf16, #tpu.memory_space<hbm>>)
      tpu.yield
    }) : () -> ()
    %run_scoped3A_1056 = arith.constant 3 : i32
    "tpu.region"() ({
      %run_scoped3A_1057 = tpu.sem_alloc : memref<!tpu.dma_semaphore, #tpu.memory_space<semaphore_mem>>
      %dma_start3A_1058 = arith.constant 480 : i32
      %dma_start3A_1059 = arith.constant 0 : i32
      %dma_start3A_1060 = tpu.memref_slice %arg9[%dma_start3A_1058, %dma_start3A_1059] : memref<640x64xbf16, #tpu.memory_space<vmem>> -> memref<160x64xbf16, #tpu.memory_space<vmem>>
      %dma_start3A_1061 = arith.constant 0 : i32
      %dma_start3A_1062 = tpu.memref_slice %arg5[%run_scoped3A_1056, %multiple_of3A, %dma_start3A_1061] : memref<4x5120x64xbf16, #tpu.memory_space<hbm>> -> memref<1x160x64xbf16, #tpu.memory_space<hbm>>
      %dma_start3A_1063 = tpu.memref_squeeze %dma_start3A_1062 : memref<1x160x64xbf16, #tpu.memory_space<hbm>> -> memref<160x64xbf16, #tpu.memory_space<hbm>>
      %dma_start3A_1064 = arith.constant 0 : i32
      %dma_start3A_1065 = tpu.memref_slice %arg5[%run_scoped3A_1056, %multiple_of3A, %dma_start3A_1064] : memref<4x5120x64xbf16, #tpu.memory_space<hbm>> -> memref<1x160x64xbf16, #tpu.memory_space<hbm>>
      %dma_start3A_1066 = tpu.memref_squeeze %dma_start3A_1065 : memref<1x160x64xbf16, #tpu.memory_space<hbm>> -> memref<160x64xbf16, #tpu.memory_space<hbm>>
      %dma_start3A_1067 = arith.constant 480 : i32
      %dma_start3A_1068 = arith.constant 0 : i32
      %dma_start3A_1069 = tpu.memref_slice %arg9[%dma_start3A_1067, %dma_start3A_1068] : memref<640x64xbf16, #tpu.memory_space<vmem>> -> memref<160x64xbf16, #tpu.memory_space<vmem>>
      tpu.enqueue_dma source(%dma_start3A_1069 : memref<160x64xbf16, #tpu.memory_space<vmem>>) target(%dma_start3A_1066 : memref<160x64xbf16, #tpu.memory_space<hbm>>) target_semaphore(%run_scoped3A_1057 : memref<!tpu.dma_semaphore, #tpu.memory_space<semaphore_mem>>)
      %dma_wait3A_1070 = arith.constant 480 : i32
      %dma_wait3A_1071 = arith.constant 0 : i32
      %dma_wait3A_1072 = tpu.memref_slice %arg9[%dma_wait3A_1070, %dma_wait3A_1071] : memref<640x64xbf16, #tpu.memory_space<vmem>> -> memref<160x64xbf16, #tpu.memory_space<vmem>>
      %dma_wait3A_1073 = arith.constant 0 : i32
      %dma_wait3A_1074 = tpu.memref_slice %arg5[%run_scoped3A_1056, %multiple_of3A, %dma_wait3A_1073] : memref<4x5120x64xbf16, #tpu.memory_space<hbm>> -> memref<1x160x64xbf16, #tpu.memory_space<hbm>>
      %dma_wait3A_1075 = tpu.memref_squeeze %dma_wait3A_1074 : memref<1x160x64xbf16, #tpu.memory_space<hbm>> -> memref<160x64xbf16, #tpu.memory_space<hbm>>
      %dma_wait3A_1076 = arith.constant 0 : i32
      %dma_wait3A_1077 = tpu.memref_slice %arg5[%run_scoped3A_1056, %multiple_of3A, %dma_wait3A_1076] : memref<4x5120x64xbf16, #tpu.memory_space<hbm>> -> memref<1x160x64xbf16, #tpu.memory_space<hbm>>
      %dma_wait3A_1078 = tpu.memref_squeeze %dma_wait3A_1077 : memref<1x160x64xbf16, #tpu.memory_space<hbm>> -> memref<160x64xbf16, #tpu.memory_space<hbm>>
      %dma_wait3A_1079 = arith.constant 480 : i32
      %dma_wait3A_1080 = arith.constant 0 : i32
      %dma_wait3A_1081 = tpu.memref_slice %arg9[%dma_wait3A_1079, %dma_wait3A_1080] : memref<640x64xbf16, #tpu.memory_space<vmem>> -> memref<160x64xbf16, #tpu.memory_space<vmem>>
      tpu.wait_dma2 semaphore(%run_scoped3A_1057 : memref<!tpu.dma_semaphore, #tpu.memory_space<semaphore_mem>>) src(%dma_wait3A_1081 : memref<160x64xbf16, #tpu.memory_space<vmem>>) dst(%dma_wait3A_1078 : memref<160x64xbf16, #tpu.memory_space<hbm>>)
      tpu.yield
    }) : () -> ()
    return
  }
}

module attributes {stable_mosaic.version = 14 : i64} {
  func.func @_tc_body(%arg0: memref<4x5120x64xbf16, #tpu.memory_space<vmem>>, %arg1: memref<5120xf32, #tpu.memory_space<vmem>>, %arg2: memref<5120xf32, #tpu.memory_space<vmem>>, %arg3: memref<64x256xbf16, #tpu.memory_space<vmem>>, %arg4: memref<64x256xbf16, #tpu.memory_space<vmem>>, %arg5: memref<1x256xf32, #tpu.memory_space<vmem>>, %arg6: memref<256x1024xbf16, #tpu.memory_space<vmem>>, %arg7: memref<256x1024xbf16, #tpu.memory_space<vmem>>, %arg8: memref<1x1024xf32, #tpu.memory_space<vmem>>, %arg9: memref<1024x512xbf16, #tpu.memory_space<vmem>>, %arg10: memref<1024x512xbf16, #tpu.memory_space<vmem>>, %arg11: memref<1x512xf32, #tpu.memory_space<vmem>>, %arg12: memref<512x128xbf16, #tpu.memory_space<vmem>>, %arg13: memref<512x128xbf16, #tpu.memory_space<vmem>>, %arg14: memref<1x128xf32, #tpu.memory_space<vmem>>, %arg15: memref<128x128xbf16, #tpu.memory_space<vmem>>, %arg16: memref<1x128xf32, #tpu.memory_space<vmem>>, %arg17: memref<128x128xbf16, #tpu.memory_space<vmem>>, %arg18: memref<1x128xf32, #tpu.memory_space<vmem>>, %arg19: memref<128x2xbf16, #tpu.memory_space<vmem>>, %arg20: memref<1x2xf32, #tpu.memory_space<vmem>>, %arg21: memref<256x20x2xf32, #tpu.memory_space<vmem>>, %arg22: memref<5120xf32, #tpu.memory_space<vmem>>, %arg23: memref<5120xf32, #tpu.memory_space<vmem>>, %arg24: memref<5120x64xf32, #tpu.memory_space<vmem>>) attributes {dimension_semantics = [], scalar_prefetch = 0 : i64, scratch_operands = 1 : i64, tpu.core_type = #tpu.core_type<tc>} {
    %get3A = arith.constant 0 : index
    %get3A_0 = vector.load %arg1[%get3A] : memref<5120xf32, #tpu.memory_space<vmem>>, vector<5120xf32>
    %broadcast_in_dim3A = vector.shape_cast %get3A_0 : vector<5120xf32> to vector<5120x1xf32>
    %get3A_1 = arith.constant 0 : index
    %get3A_2 = vector.load %arg2[%get3A_1] : memref<5120xf32, #tpu.memory_space<vmem>>, vector<5120xf32>
    %broadcast_in_dim3A_3 = vector.shape_cast %get3A_2 : vector<5120xf32> to vector<5120x1xf32>
    %mul3A = arith.constant 7.812500e-03 : f32
    %mul3A_4 = vector.broadcast %mul3A : f32 to vector<5120x1xf32>
    %mul3A_5 = arith.mulf %broadcast_in_dim3A, %mul3A_4 : vector<5120x1xf32>
    %sub3A = arith.constant 1.000000e+00 : f32
    %sub3A_6 = vector.broadcast %sub3A : f32 to vector<5120x1xf32>
    %sub3A_7 = arith.subf %mul3A_5, %sub3A_6 : vector<5120x1xf32>
    %add3A = arith.constant 1.000000e+00 : f32
    %add3A_8 = vector.broadcast %add3A : f32 to vector<5120x1xf32>
    %add3A_9 = arith.addf %sub3A_7, %add3A_8 : vector<5120x1xf32>
    %mul3A_10 = arith.constant 1.275000e+02 : f32
    %mul3A_11 = vector.broadcast %mul3A_10 : f32 to vector<5120x1xf32>
    %mul3A_12 = arith.mulf %add3A_9, %mul3A_11 : vector<5120x1xf32>
    %mul3A_13 = arith.constant 7.812500e-03 : f32
    %mul3A_14 = vector.broadcast %mul3A_13 : f32 to vector<5120x1xf32>
    %mul3A_15 = arith.mulf %broadcast_in_dim3A_3, %mul3A_14 : vector<5120x1xf32>
    %sub3A_16 = arith.constant 1.000000e+00 : f32
    %sub3A_17 = vector.broadcast %sub3A_16 : f32 to vector<5120x1xf32>
    %sub3A_18 = arith.subf %mul3A_15, %sub3A_17 : vector<5120x1xf32>
    %add3A_19 = arith.constant 1.000000e+00 : f32
    %add3A_20 = vector.broadcast %add3A_19 : f32 to vector<5120x1xf32>
    %add3A_21 = arith.addf %sub3A_18, %add3A_20 : vector<5120x1xf32>
    %mul3A_22 = arith.constant 1.275000e+02 : f32
    %mul3A_23 = vector.broadcast %mul3A_22 : f32 to vector<5120x1xf32>
    %mul3A_24 = arith.mulf %add3A_21, %mul3A_23 : vector<5120x1xf32>
    %floor3A = math.floor %mul3A_12 : vector<5120x1xf32>
    %sub3A_25 = arith.subf %mul3A_12, %floor3A : vector<5120x1xf32>
    %sub3A_26 = arith.constant 1.000000e+00 : f32
    %sub3A_27 = vector.broadcast %sub3A_26 : f32 to vector<5120x1xf32>
    %sub3A_28 = arith.subf %sub3A_27, %sub3A_25 : vector<5120x1xf32>
    %floor3A_29 = math.floor %mul3A_24 : vector<5120x1xf32>
    %sub3A_30 = arith.subf %mul3A_24, %floor3A_29 : vector<5120x1xf32>
    %sub3A_31 = arith.constant 1.000000e+00 : f32
    %sub3A_32 = vector.broadcast %sub3A_31 : f32 to vector<5120x1xf32>
    %sub3A_33 = arith.subf %sub3A_32, %sub3A_30 : vector<5120x1xf32>
    %get3A_34 = arith.constant 0 : index
    %get3A_35 = arith.constant 0 : index
    %get3A_36 = arith.constant 0 : index
    %get3A_37 = vector.load %arg0[%get3A_34, %get3A_35, %get3A_36] : memref<4x5120x64xbf16, #tpu.memory_space<vmem>>, vector<1x5120x64xbf16>
    %get3A_38 = vector.shape_cast %get3A_37 : vector<1x5120x64xbf16> to vector<5120x64xbf16>
    %convert_element_type3A = arith.extf %get3A_38 : vector<5120x64xbf16> to vector<5120x64xf32>
    %mul3A_39 = arith.mulf %sub3A_28, %sub3A_33 : vector<5120x1xf32>
    %mul3A_40 = vector.broadcast %mul3A_39 : vector<5120x1xf32> to vector<5120x64xf32>
    %mul3A_41 = arith.mulf %convert_element_type3A, %mul3A_40 : vector<5120x64xf32>
    %get3A_42 = arith.constant 1 : index
    %get3A_43 = arith.constant 0 : index
    %get3A_44 = arith.constant 0 : index
    %get3A_45 = vector.load %arg0[%get3A_42, %get3A_43, %get3A_44] : memref<4x5120x64xbf16, #tpu.memory_space<vmem>>, vector<1x5120x64xbf16>
    %get3A_46 = vector.shape_cast %get3A_45 : vector<1x5120x64xbf16> to vector<5120x64xbf16>
    %convert_element_type3A_47 = arith.extf %get3A_46 : vector<5120x64xbf16> to vector<5120x64xf32>
    %mul3A_48 = arith.mulf %sub3A_25, %sub3A_33 : vector<5120x1xf32>
    %mul3A_49 = vector.broadcast %mul3A_48 : vector<5120x1xf32> to vector<5120x64xf32>
    %mul3A_50 = arith.mulf %convert_element_type3A_47, %mul3A_49 : vector<5120x64xf32>
    %add3A_51 = arith.addf %mul3A_41, %mul3A_50 : vector<5120x64xf32>
    %get3A_52 = arith.constant 2 : index
    %get3A_53 = arith.constant 0 : index
    %get3A_54 = arith.constant 0 : index
    %get3A_55 = vector.load %arg0[%get3A_52, %get3A_53, %get3A_54] : memref<4x5120x64xbf16, #tpu.memory_space<vmem>>, vector<1x5120x64xbf16>
    %get3A_56 = vector.shape_cast %get3A_55 : vector<1x5120x64xbf16> to vector<5120x64xbf16>
    %convert_element_type3A_57 = arith.extf %get3A_56 : vector<5120x64xbf16> to vector<5120x64xf32>
    %mul3A_58 = arith.mulf %sub3A_28, %sub3A_30 : vector<5120x1xf32>
    %mul3A_59 = vector.broadcast %mul3A_58 : vector<5120x1xf32> to vector<5120x64xf32>
    %mul3A_60 = arith.mulf %convert_element_type3A_57, %mul3A_59 : vector<5120x64xf32>
    %add3A_61 = arith.addf %add3A_51, %mul3A_60 : vector<5120x64xf32>
    %get3A_62 = arith.constant 3 : index
    %get3A_63 = arith.constant 0 : index
    %get3A_64 = arith.constant 0 : index
    %get3A_65 = vector.load %arg0[%get3A_62, %get3A_63, %get3A_64] : memref<4x5120x64xbf16, #tpu.memory_space<vmem>>, vector<1x5120x64xbf16>
    %get3A_66 = vector.shape_cast %get3A_65 : vector<1x5120x64xbf16> to vector<5120x64xbf16>
    %convert_element_type3A_67 = arith.extf %get3A_66 : vector<5120x64xbf16> to vector<5120x64xf32>
    %mul3A_68 = arith.mulf %sub3A_25, %sub3A_30 : vector<5120x1xf32>
    %mul3A_69 = vector.broadcast %mul3A_68 : vector<5120x1xf32> to vector<5120x64xf32>
    %mul3A_70 = arith.mulf %convert_element_type3A_67, %mul3A_69 : vector<5120x64xf32>
    %add3A_71 = arith.addf %add3A_61, %mul3A_70 : vector<5120x64xf32>
    %swap3A = arith.constant 0 : index
    %swap3A_72 = arith.constant 0 : index
    %swap3A_73 = vector.load %arg24[%swap3A, %swap3A_72] : memref<5120x64xf32, #tpu.memory_space<vmem>>, vector<5120x64xf32>
    tpu.vector_store %arg24[%swap3A, %swap3A_72], %add3A_71 {strides = array<i32>} : memref<5120x64xf32, #tpu.memory_space<vmem>>, vector<5120x64xf32>,
    %get3A_74 = arith.constant 0 : index
    %get3A_75 = arith.constant 0 : index
    %get3A_76 = vector.load %arg24[%get3A_74, %get3A_75] : memref<5120x64xf32, #tpu.memory_space<vmem>>, vector<5120x64xf32>
    %reduce_sum3A = arith.constant dense<0.000000e+00> : vector<64xf32>
    %reduce_sum3A_77 = vector.multi_reduction <add>, %get3A_76, %reduce_sum3A [0] : vector<5120x64xf32> to vector<64xf32>
    %broadcast_in_dim3A_78 = vector.shape_cast %reduce_sum3A_77 : vector<64xf32> to vector<1x64xf32>
    %mul3A_79 = arith.mulf %get3A_76, %get3A_76 : vector<5120x64xf32>
    %reduce_sum3A_80 = arith.constant dense<0.000000e+00> : vector<64xf32>
    %reduce_sum3A_81 = vector.multi_reduction <add>, %mul3A_79, %reduce_sum3A_80 [0] : vector<5120x64xf32> to vector<64xf32>
    %broadcast_in_dim3A_82 = vector.shape_cast %reduce_sum3A_81 : vector<64xf32> to vector<1x64xf32>
    %mul3A_83 = arith.constant 1.95312503E-4 : f32
    %mul3A_84 = vector.broadcast %mul3A_83 : f32 to vector<1x64xf32>
    %mul3A_85 = arith.mulf %broadcast_in_dim3A_78, %mul3A_84 : vector<1x64xf32>
    %mul3A_86 = arith.constant 1.95312503E-4 : f32
    %mul3A_87 = vector.broadcast %mul3A_86 : f32 to vector<1x64xf32>
    %mul3A_88 = arith.mulf %broadcast_in_dim3A_82, %mul3A_87 : vector<1x64xf32>
    %mul3A_89 = arith.mulf %mul3A_85, %mul3A_85 : vector<1x64xf32>
    %sub3A_90 = arith.subf %mul3A_88, %mul3A_89 : vector<1x64xf32>
    %add3A_91 = arith.constant 9.99999974E-6 : f32
    %add3A_92 = vector.broadcast %add3A_91 : f32 to vector<1x64xf32>
    %add3A_93 = arith.addf %sub3A_90, %add3A_92 : vector<1x64xf32>
    %rsqrt3A = math.rsqrt %add3A_93 : vector<1x64xf32>
    %iota3A = tpu.iota {dimensions = array<i32: 0>} : vector<640x1xi32>
    %jit3A = arith.constant 20 : i32
    %eq3A = arith.constant 0 : i32
    %eq3A_94 = arith.cmpi eq, %jit3A, %eq3A : i32
    %jit3A_95 = arith.constant 1 : i32
    %select_n3A = arith.select %eq3A_94, %jit3A_95, %jit3A : i32
    %rem3A = vector.broadcast %select_n3A : i32 to vector<640x1xi32>
    %rem3A_96 = arith.remsi %iota3A, %rem3A : vector<640x1xi32>
    %ne3A = arith.constant 0 : i32
    %ne3A_97 = vector.broadcast %ne3A : i32 to vector<640x1xi32>
    %ne3A_98 = arith.cmpi ne, %rem3A_96, %ne3A_97 : vector<640x1xi32>
    %lt3A = arith.constant 0 : i32
    %lt3A_99 = vector.broadcast %lt3A : i32 to vector<640x1xi32>
    %lt3A_100 = arith.cmpi slt, %rem3A_96, %lt3A_99 : vector<640x1xi32>
    %lt3A_101 = arith.constant 0 : i32
    %lt3A_102 = arith.cmpi slt, %select_n3A, %lt3A_101 : i32
    %ne3A_103 = vector.broadcast %lt3A_102 : i1 to vector<640x1xi1>
    %ne3A_104 = vector.broadcast %ne3A_103 : vector<640x1xi1> to vector<640x1xi1>
    %ne3A_105 = arith.xori %lt3A_100, %ne3A_104 : vector<640x1xi1>
    %and3A = arith.andi %ne3A_105, %ne3A_98 : vector<640x1xi1>
    %add3A_106 = vector.broadcast %select_n3A : i32 to vector<640x1xi32>
    %add3A_107 = arith.addi %rem3A_96, %add3A_106 : vector<640x1xi32>
    %select_n3A_108 = arith.select %and3A, %add3A_107, %rem3A_96 : vector<640x1xi1>, vector<640x1xi32>
    %scan3A = arith.constant 0 : i32
    %scan3A_109 = arith.constant 8 : i32
    %scan3A_110 = arith.addi %scan3A, %scan3A_109 : i32
    %scan3A_111 = arith.constant 1 : i32
    scf.for %scan3A_113 = %scan3A to %scan3A_110 step %scan3A_111  : i32 {
      %mul3A_114 = arith.constant 640 : i32
      %mul3A_115 = arith.muli %scan3A_113, %mul3A_114 : i32
      %multiple_of3A = tpu.assume_multiple %mul3A_115, 640 : i32
      %get3A_116 = arith.index_cast %multiple_of3A : i32 to index
      %get3A_117 = arith.constant 0 : index
      %get3A_118 = vector.load %arg24[%get3A_116, %get3A_117] : memref<5120x64xf32, #tpu.memory_space<vmem>>, vector<640x64xf32>
      %sub3A_119 = vector.broadcast %mul3A_85 : vector<1x64xf32> to vector<640x64xf32>
      %sub3A_120 = arith.subf %get3A_118, %sub3A_119 : vector<640x64xf32>
      %mul3A_121 = vector.broadcast %rsqrt3A : vector<1x64xf32> to vector<640x64xf32>
      %mul3A_122 = arith.mulf %sub3A_120, %mul3A_121 : vector<640x64xf32>
      %convert_element_type3A_123 = arith.truncf %mul3A_122 : vector<640x64xf32> to vector<640x64xbf16>
      %slice3A = vector.extract_strided_slice %convert_element_type3A_123 {offsets = [639, 0], sizes = [1, 64], strides = [1, 1]} : vector<640x64xbf16> to vector<1x64xbf16>
      %slice3A_124 = vector.extract_strided_slice %convert_element_type3A_123 {offsets = [0, 0], sizes = [639, 64], strides = [1, 1]} : vector<640x64xbf16> to vector<639x64xbf16>
      %concatenate3A = tpu.concatenate %slice3A, %slice3A_124 in 0 : vector<1x64xbf16>, vector<639x64xbf16> -> vector<640x64xbf16>
      %slice3A_125 = vector.extract_strided_slice %convert_element_type3A_123 {offsets = [19, 0], sizes = [621, 64], strides = [1, 1]} : vector<640x64xbf16> to vector<621x64xbf16>
      %slice3A_126 = vector.extract_strided_slice %convert_element_type3A_123 {offsets = [0, 0], sizes = [19, 64], strides = [1, 1]} : vector<640x64xbf16> to vector<19x64xbf16>
      %concatenate3A_127 = tpu.concatenate %slice3A_125, %slice3A_126 in 0 : vector<621x64xbf16>, vector<19x64xbf16> -> vector<640x64xbf16>
      %lt3A_128 = arith.constant 1 : i32
      %lt3A_129 = vector.broadcast %lt3A_128 : i32 to vector<640x1xi32>
      %lt3A_130 = arith.cmpi slt, %select_n3A_108, %lt3A_129 : vector<640x1xi32>
      %broadcast_in_dim3A_131 = vector.shape_cast %lt3A_130 : vector<640x1xi1> to vector<640x1xi1>
      %broadcast_in_dim3A_132 = vector.broadcast %broadcast_in_dim3A_131 : vector<640x1xi1> to vector<640x64xi1>
      %select_n3A_133 = arith.select %broadcast_in_dim3A_132, %concatenate3A_127, %concatenate3A : vector<640x64xi1>, vector<640x64xbf16>
      %slice3A_134 = vector.extract_strided_slice %convert_element_type3A_123 {offsets = [1, 0], sizes = [639, 64], strides = [1, 1]} : vector<640x64xbf16> to vector<639x64xbf16>
      %slice3A_135 = vector.extract_strided_slice %convert_element_type3A_123 {offsets = [0, 0], sizes = [1, 64], strides = [1, 1]} : vector<640x64xbf16> to vector<1x64xbf16>
      %concatenate3A_136 = tpu.concatenate %slice3A_134, %slice3A_135 in 0 : vector<639x64xbf16>, vector<1x64xbf16> -> vector<640x64xbf16>
      %slice3A_137 = vector.extract_strided_slice %convert_element_type3A_123 {offsets = [621, 0], sizes = [19, 64], strides = [1, 1]} : vector<640x64xbf16> to vector<19x64xbf16>
      %slice3A_138 = vector.extract_strided_slice %convert_element_type3A_123 {offsets = [0, 0], sizes = [621, 64], strides = [1, 1]} : vector<640x64xbf16> to vector<621x64xbf16>
      %concatenate3A_139 = tpu.concatenate %slice3A_137, %slice3A_138 in 0 : vector<19x64xbf16>, vector<621x64xbf16> -> vector<640x64xbf16>
      %ge3A = arith.constant 19 : i32
      %ge3A_140 = vector.broadcast %ge3A : i32 to vector<640x1xi32>
      %ge3A_141 = arith.cmpi sge, %select_n3A_108, %ge3A_140 : vector<640x1xi32>
      %broadcast_in_dim3A_142 = vector.shape_cast %ge3A_141 : vector<640x1xi1> to vector<640x1xi1>
      %broadcast_in_dim3A_143 = vector.broadcast %broadcast_in_dim3A_142 : vector<640x1xi1> to vector<640x64xi1>
      %select_n3A_144 = arith.select %broadcast_in_dim3A_143, %concatenate3A_139, %concatenate3A_136 : vector<640x64xi1>, vector<640x64xbf16>
      %add3A_145 = arith.addf %select_n3A_133, %select_n3A_144 : vector<640x64xbf16>
      %slice3A_146 = vector.extract_strided_slice %convert_element_type3A_123 {offsets = [638, 0], sizes = [2, 64], strides = [1, 1]} : vector<640x64xbf16> to vector<2x64xbf16>
      %slice3A_147 = vector.extract_strided_slice %convert_element_type3A_123 {offsets = [0, 0], sizes = [638, 64], strides = [1, 1]} : vector<640x64xbf16> to vector<638x64xbf16>
      %concatenate3A_148 = tpu.concatenate %slice3A_146, %slice3A_147 in 0 : vector<2x64xbf16>, vector<638x64xbf16> -> vector<640x64xbf16>
      %slice3A_149 = vector.extract_strided_slice %convert_element_type3A_123 {offsets = [18, 0], sizes = [622, 64], strides = [1, 1]} : vector<640x64xbf16> to vector<622x64xbf16>
      %slice3A_150 = vector.extract_strided_slice %convert_element_type3A_123 {offsets = [0, 0], sizes = [18, 64], strides = [1, 1]} : vector<640x64xbf16> to vector<18x64xbf16>
      %concatenate3A_151 = tpu.concatenate %slice3A_149, %slice3A_150 in 0 : vector<622x64xbf16>, vector<18x64xbf16> -> vector<640x64xbf16>
      %lt3A_152 = arith.constant 2 : i32
      %lt3A_153 = vector.broadcast %lt3A_152 : i32 to vector<640x1xi32>
      %lt3A_154 = arith.cmpi slt, %select_n3A_108, %lt3A_153 : vector<640x1xi32>
      %broadcast_in_dim3A_155 = vector.shape_cast %lt3A_154 : vector<640x1xi1> to vector<640x1xi1>
      %broadcast_in_dim3A_156 = vector.broadcast %broadcast_in_dim3A_155 : vector<640x1xi1> to vector<640x64xi1>
      %select_n3A_157 = arith.select %broadcast_in_dim3A_156, %concatenate3A_151, %concatenate3A_148 : vector<640x64xi1>, vector<640x64xbf16>
      %add3A_158 = arith.addf %add3A_145, %select_n3A_157 : vector<640x64xbf16>
      %slice3A_159 = vector.extract_strided_slice %convert_element_type3A_123 {offsets = [2, 0], sizes = [638, 64], strides = [1, 1]} : vector<640x64xbf16> to vector<638x64xbf16>
      %slice3A_160 = vector.extract_strided_slice %convert_element_type3A_123 {offsets = [0, 0], sizes = [2, 64], strides = [1, 1]} : vector<640x64xbf16> to vector<2x64xbf16>
      %concatenate3A_161 = tpu.concatenate %slice3A_159, %slice3A_160 in 0 : vector<638x64xbf16>, vector<2x64xbf16> -> vector<640x64xbf16>
      %slice3A_162 = vector.extract_strided_slice %convert_element_type3A_123 {offsets = [622, 0], sizes = [18, 64], strides = [1, 1]} : vector<640x64xbf16> to vector<18x64xbf16>
      %slice3A_163 = vector.extract_strided_slice %convert_element_type3A_123 {offsets = [0, 0], sizes = [622, 64], strides = [1, 1]} : vector<640x64xbf16> to vector<622x64xbf16>
      %concatenate3A_164 = tpu.concatenate %slice3A_162, %slice3A_163 in 0 : vector<18x64xbf16>, vector<622x64xbf16> -> vector<640x64xbf16>
      %ge3A_165 = arith.constant 18 : i32
      %ge3A_166 = vector.broadcast %ge3A_165 : i32 to vector<640x1xi32>
      %ge3A_167 = arith.cmpi sge, %select_n3A_108, %ge3A_166 : vector<640x1xi32>
      %broadcast_in_dim3A_168 = vector.shape_cast %ge3A_167 : vector<640x1xi1> to vector<640x1xi1>
      %broadcast_in_dim3A_169 = vector.broadcast %broadcast_in_dim3A_168 : vector<640x1xi1> to vector<640x64xi1>
      %select_n3A_170 = arith.select %broadcast_in_dim3A_169, %concatenate3A_164, %concatenate3A_161 : vector<640x64xi1>, vector<640x64xbf16>
      %add3A_171 = arith.addf %add3A_158, %select_n3A_170 : vector<640x64xbf16>
      %mul3A_172 = arith.constant 2.001950e-01 : bf16
      %mul3A_173 = vector.broadcast %mul3A_172 : bf16 to vector<640x64xbf16>
      %mul3A_174 = arith.mulf %add3A_171, %mul3A_173 : vector<640x64xbf16>
      %get3A_175 = arith.constant 0 : index
      %get3A_176 = arith.constant 0 : index
      %get3A_177 = vector.load %arg3[%get3A_175, %get3A_176] : memref<64x256xbf16, #tpu.memory_space<vmem>>, vector<64x256xbf16>
      %dot_general3A = arith.constant dense<0.000000e+00> : vector<640x256xf32>
      %dot_general3A_178 = tpu.matmul %convert_element_type3A_123, %get3A_177, %dot_general3A {dimension_numbers = #tpu.dot_dimension_numbers<[1], [0], [0], [1], [0, 0, 1, 1], [], []>, transpose_lhs_hint = false} : vector<640x64xbf16>, vector<64x256xbf16>, vector<640x256xf32> -> vector<640x256xf32>
      %get3A_179 = arith.constant 0 : index
      %get3A_180 = arith.constant 0 : index
      %get3A_181 = vector.load %arg4[%get3A_179, %get3A_180] : memref<64x256xbf16, #tpu.memory_space<vmem>>, vector<64x256xbf16>
      %dot_general3A_182 = arith.constant dense<0.000000e+00> : vector<640x256xf32>
      %dot_general3A_183 = tpu.matmul %mul3A_174, %get3A_181, %dot_general3A_182 {dimension_numbers = #tpu.dot_dimension_numbers<[1], [0], [0], [1], [0, 0, 1, 1], [], []>, transpose_lhs_hint = false} : vector<640x64xbf16>, vector<64x256xbf16>, vector<640x256xf32> -> vector<640x256xf32>
      %add3A_184 = arith.addf %dot_general3A_178, %dot_general3A_183 : vector<640x256xf32>
      %get3A_185 = arith.constant 0 : index
      %get3A_186 = arith.constant 0 : index
      %get3A_187 = vector.load %arg5[%get3A_185, %get3A_186] : memref<1x256xf32, #tpu.memory_space<vmem>>, vector<1x256xf32>
      %add3A_188 = vector.broadcast %get3A_187 : vector<1x256xf32> to vector<640x256xf32>
      %add3A_189 = arith.addf %add3A_184, %add3A_188 : vector<640x256xf32>
      %max3A = arith.constant 0.000000e+00 : f32
      %max3A_190 = vector.broadcast %max3A : f32 to vector<640x256xf32>
      %max3A_191 = arith.maximumf %add3A_189, %max3A_190 : vector<640x256xf32>
      %convert_element_type3A_192 = arith.truncf %max3A_191 : vector<640x256xf32> to vector<640x256xbf16>
      %slice3A_193 = vector.extract_strided_slice %convert_element_type3A_192 {offsets = [639, 0], sizes = [1, 256], strides = [1, 1]} : vector<640x256xbf16> to vector<1x256xbf16>
      %slice3A_194 = vector.extract_strided_slice %convert_element_type3A_192 {offsets = [0, 0], sizes = [639, 256], strides = [1, 1]} : vector<640x256xbf16> to vector<639x256xbf16>
      %concatenate3A_195 = tpu.concatenate %slice3A_193, %slice3A_194 in 0 : vector<1x256xbf16>, vector<639x256xbf16> -> vector<640x256xbf16>
      %slice3A_196 = vector.extract_strided_slice %convert_element_type3A_192 {offsets = [19, 0], sizes = [621, 256], strides = [1, 1]} : vector<640x256xbf16> to vector<621x256xbf16>
      %slice3A_197 = vector.extract_strided_slice %convert_element_type3A_192 {offsets = [0, 0], sizes = [19, 256], strides = [1, 1]} : vector<640x256xbf16> to vector<19x256xbf16>
      %concatenate3A_198 = tpu.concatenate %slice3A_196, %slice3A_197 in 0 : vector<621x256xbf16>, vector<19x256xbf16> -> vector<640x256xbf16>
      %lt3A_199 = arith.constant 1 : i32
      %lt3A_200 = vector.broadcast %lt3A_199 : i32 to vector<640x1xi32>
      %lt3A_201 = arith.cmpi slt, %select_n3A_108, %lt3A_200 : vector<640x1xi32>
      %broadcast_in_dim3A_202 = vector.shape_cast %lt3A_201 : vector<640x1xi1> to vector<640x1xi1>
      %broadcast_in_dim3A_203 = vector.broadcast %broadcast_in_dim3A_202 : vector<640x1xi1> to vector<640x256xi1>
      %select_n3A_204 = arith.select %broadcast_in_dim3A_203, %concatenate3A_198, %concatenate3A_195 : vector<640x256xi1>, vector<640x256xbf16>
      %slice3A_205 = vector.extract_strided_slice %convert_element_type3A_192 {offsets = [1, 0], sizes = [639, 256], strides = [1, 1]} : vector<640x256xbf16> to vector<639x256xbf16>
      %slice3A_206 = vector.extract_strided_slice %convert_element_type3A_192 {offsets = [0, 0], sizes = [1, 256], strides = [1, 1]} : vector<640x256xbf16> to vector<1x256xbf16>
      %concatenate3A_207 = tpu.concatenate %slice3A_205, %slice3A_206 in 0 : vector<639x256xbf16>, vector<1x256xbf16> -> vector<640x256xbf16>
      %slice3A_208 = vector.extract_strided_slice %convert_element_type3A_192 {offsets = [621, 0], sizes = [19, 256], strides = [1, 1]} : vector<640x256xbf16> to vector<19x256xbf16>
      %slice3A_209 = vector.extract_strided_slice %convert_element_type3A_192 {offsets = [0, 0], sizes = [621, 256], strides = [1, 1]} : vector<640x256xbf16> to vector<621x256xbf16>
      %concatenate3A_210 = tpu.concatenate %slice3A_208, %slice3A_209 in 0 : vector<19x256xbf16>, vector<621x256xbf16> -> vector<640x256xbf16>
      %ge3A_211 = arith.constant 19 : i32
      %ge3A_212 = vector.broadcast %ge3A_211 : i32 to vector<640x1xi32>
      %ge3A_213 = arith.cmpi sge, %select_n3A_108, %ge3A_212 : vector<640x1xi32>
      %broadcast_in_dim3A_214 = vector.shape_cast %ge3A_213 : vector<640x1xi1> to vector<640x1xi1>
      %broadcast_in_dim3A_215 = vector.broadcast %broadcast_in_dim3A_214 : vector<640x1xi1> to vector<640x256xi1>
      %select_n3A_216 = arith.select %broadcast_in_dim3A_215, %concatenate3A_210, %concatenate3A_207 : vector<640x256xi1>, vector<640x256xbf16>
      %add3A_217 = arith.addf %select_n3A_204, %select_n3A_216 : vector<640x256xbf16>
      %slice3A_218 = vector.extract_strided_slice %convert_element_type3A_192 {offsets = [638, 0], sizes = [2, 256], strides = [1, 1]} : vector<640x256xbf16> to vector<2x256xbf16>
      %slice3A_219 = vector.extract_strided_slice %convert_element_type3A_192 {offsets = [0, 0], sizes = [638, 256], strides = [1, 1]} : vector<640x256xbf16> to vector<638x256xbf16>
      %concatenate3A_220 = tpu.concatenate %slice3A_218, %slice3A_219 in 0 : vector<2x256xbf16>, vector<638x256xbf16> -> vector<640x256xbf16>
      %slice3A_221 = vector.extract_strided_slice %convert_element_type3A_192 {offsets = [18, 0], sizes = [622, 256], strides = [1, 1]} : vector<640x256xbf16> to vector<622x256xbf16>
      %slice3A_222 = vector.extract_strided_slice %convert_element_type3A_192 {offsets = [0, 0], sizes = [18, 256], strides = [1, 1]} : vector<640x256xbf16> to vector<18x256xbf16>
      %concatenate3A_223 = tpu.concatenate %slice3A_221, %slice3A_222 in 0 : vector<622x256xbf16>, vector<18x256xbf16> -> vector<640x256xbf16>
      %lt3A_224 = arith.constant 2 : i32
      %lt3A_225 = vector.broadcast %lt3A_224 : i32 to vector<640x1xi32>
      %lt3A_226 = arith.cmpi slt, %select_n3A_108, %lt3A_225 : vector<640x1xi32>
      %broadcast_in_dim3A_227 = vector.shape_cast %lt3A_226 : vector<640x1xi1> to vector<640x1xi1>
      %broadcast_in_dim3A_228 = vector.broadcast %broadcast_in_dim3A_227 : vector<640x1xi1> to vector<640x256xi1>
      %select_n3A_229 = arith.select %broadcast_in_dim3A_228, %concatenate3A_223, %concatenate3A_220 : vector<640x256xi1>, vector<640x256xbf16>
      %add3A_230 = arith.addf %add3A_217, %select_n3A_229 : vector<640x256xbf16>
      %slice3A_231 = vector.extract_strided_slice %convert_element_type3A_192 {offsets = [2, 0], sizes = [638, 256], strides = [1, 1]} : vector<640x256xbf16> to vector<638x256xbf16>
      %slice3A_232 = vector.extract_strided_slice %convert_element_type3A_192 {offsets = [0, 0], sizes = [2, 256], strides = [1, 1]} : vector<640x256xbf16> to vector<2x256xbf16>
      %concatenate3A_233 = tpu.concatenate %slice3A_231, %slice3A_232 in 0 : vector<638x256xbf16>, vector<2x256xbf16> -> vector<640x256xbf16>
      %slice3A_234 = vector.extract_strided_slice %convert_element_type3A_192 {offsets = [622, 0], sizes = [18, 256], strides = [1, 1]} : vector<640x256xbf16> to vector<18x256xbf16>
      %slice3A_235 = vector.extract_strided_slice %convert_element_type3A_192 {offsets = [0, 0], sizes = [622, 256], strides = [1, 1]} : vector<640x256xbf16> to vector<622x256xbf16>
      %concatenate3A_236 = tpu.concatenate %slice3A_234, %slice3A_235 in 0 : vector<18x256xbf16>, vector<622x256xbf16> -> vector<640x256xbf16>
      %ge3A_237 = arith.constant 18 : i32
      %ge3A_238 = vector.broadcast %ge3A_237 : i32 to vector<640x1xi32>
      %ge3A_239 = arith.cmpi sge, %select_n3A_108, %ge3A_238 : vector<640x1xi32>
      %broadcast_in_dim3A_240 = vector.shape_cast %ge3A_239 : vector<640x1xi1> to vector<640x1xi1>
      %broadcast_in_dim3A_241 = vector.broadcast %broadcast_in_dim3A_240 : vector<640x1xi1> to vector<640x256xi1>
      %select_n3A_242 = arith.select %broadcast_in_dim3A_241, %concatenate3A_236, %concatenate3A_233 : vector<640x256xi1>, vector<640x256xbf16>
      %add3A_243 = arith.addf %add3A_230, %select_n3A_242 : vector<640x256xbf16>
      %mul3A_244 = arith.constant 2.001950e-01 : bf16
      %mul3A_245 = vector.broadcast %mul3A_244 : bf16 to vector<640x256xbf16>
      %mul3A_246 = arith.mulf %add3A_243, %mul3A_245 : vector<640x256xbf16>
      %get3A_247 = arith.constant 0 : index
      %get3A_248 = arith.constant 0 : index
      %get3A_249 = vector.load %arg6[%get3A_247, %get3A_248] : memref<256x1024xbf16, #tpu.memory_space<vmem>>, vector<256x1024xbf16>
      %dot_general3A_250 = arith.constant dense<0.000000e+00> : vector<640x1024xf32>
      %dot_general3A_251 = tpu.matmul %convert_element_type3A_192, %get3A_249, %dot_general3A_250 {dimension_numbers = #tpu.dot_dimension_numbers<[1], [0], [0], [1], [0, 0, 1, 1], [], []>, transpose_lhs_hint = false} : vector<640x256xbf16>, vector<256x1024xbf16>, vector<640x1024xf32> -> vector<640x1024xf32>
      %get3A_252 = arith.constant 0 : index
      %get3A_253 = arith.constant 0 : index
      %get3A_254 = vector.load %arg7[%get3A_252, %get3A_253] : memref<256x1024xbf16, #tpu.memory_space<vmem>>, vector<256x1024xbf16>
      %dot_general3A_255 = arith.constant dense<0.000000e+00> : vector<640x1024xf32>
      %dot_general3A_256 = tpu.matmul %mul3A_246, %get3A_254, %dot_general3A_255 {dimension_numbers = #tpu.dot_dimension_numbers<[1], [0], [0], [1], [0, 0, 1, 1], [], []>, transpose_lhs_hint = false} : vector<640x256xbf16>, vector<256x1024xbf16>, vector<640x1024xf32> -> vector<640x1024xf32>
      %add3A_257 = arith.addf %dot_general3A_251, %dot_general3A_256 : vector<640x1024xf32>
      %get3A_258 = arith.constant 0 : index
      %get3A_259 = arith.constant 0 : index
      %get3A_260 = vector.load %arg8[%get3A_258, %get3A_259] : memref<1x1024xf32, #tpu.memory_space<vmem>>, vector<1x1024xf32>
      %add3A_261 = vector.broadcast %get3A_260 : vector<1x1024xf32> to vector<640x1024xf32>
      %add3A_262 = arith.addf %add3A_257, %add3A_261 : vector<640x1024xf32>
      %max3A_263 = arith.constant 0.000000e+00 : f32
      %max3A_264 = vector.broadcast %max3A_263 : f32 to vector<640x1024xf32>
      %max3A_265 = arith.maximumf %add3A_262, %max3A_264 : vector<640x1024xf32>
      %convert_element_type3A_266 = arith.truncf %max3A_265 : vector<640x1024xf32> to vector<640x1024xbf16>
      %slice3A_267 = vector.extract_strided_slice %convert_element_type3A_266 {offsets = [639, 0], sizes = [1, 1024], strides = [1, 1]} : vector<640x1024xbf16> to vector<1x1024xbf16>
      %slice3A_268 = vector.extract_strided_slice %convert_element_type3A_266 {offsets = [0, 0], sizes = [639, 1024], strides = [1, 1]} : vector<640x1024xbf16> to vector<639x1024xbf16>
      %concatenate3A_269 = tpu.concatenate %slice3A_267, %slice3A_268 in 0 : vector<1x1024xbf16>, vector<639x1024xbf16> -> vector<640x1024xbf16>
      %slice3A_270 = vector.extract_strided_slice %convert_element_type3A_266 {offsets = [19, 0], sizes = [621, 1024], strides = [1, 1]} : vector<640x1024xbf16> to vector<621x1024xbf16>
      %slice3A_271 = vector.extract_strided_slice %convert_element_type3A_266 {offsets = [0, 0], sizes = [19, 1024], strides = [1, 1]} : vector<640x1024xbf16> to vector<19x1024xbf16>
      %concatenate3A_272 = tpu.concatenate %slice3A_270, %slice3A_271 in 0 : vector<621x1024xbf16>, vector<19x1024xbf16> -> vector<640x1024xbf16>
      %lt3A_273 = arith.constant 1 : i32
      %lt3A_274 = vector.broadcast %lt3A_273 : i32 to vector<640x1xi32>
      %lt3A_275 = arith.cmpi slt, %select_n3A_108, %lt3A_274 : vector<640x1xi32>
      %broadcast_in_dim3A_276 = vector.shape_cast %lt3A_275 : vector<640x1xi1> to vector<640x1xi1>
      %broadcast_in_dim3A_277 = vector.broadcast %broadcast_in_dim3A_276 : vector<640x1xi1> to vector<640x1024xi1>
      %select_n3A_278 = arith.select %broadcast_in_dim3A_277, %concatenate3A_272, %concatenate3A_269 : vector<640x1024xi1>, vector<640x1024xbf16>
      %slice3A_279 = vector.extract_strided_slice %convert_element_type3A_266 {offsets = [1, 0], sizes = [639, 1024], strides = [1, 1]} : vector<640x1024xbf16> to vector<639x1024xbf16>
      %slice3A_280 = vector.extract_strided_slice %convert_element_type3A_266 {offsets = [0, 0], sizes = [1, 1024], strides = [1, 1]} : vector<640x1024xbf16> to vector<1x1024xbf16>
      %concatenate3A_281 = tpu.concatenate %slice3A_279, %slice3A_280 in 0 : vector<639x1024xbf16>, vector<1x1024xbf16> -> vector<640x1024xbf16>
      %slice3A_282 = vector.extract_strided_slice %convert_element_type3A_266 {offsets = [621, 0], sizes = [19, 1024], strides = [1, 1]} : vector<640x1024xbf16> to vector<19x1024xbf16>
      %slice3A_283 = vector.extract_strided_slice %convert_element_type3A_266 {offsets = [0, 0], sizes = [621, 1024], strides = [1, 1]} : vector<640x1024xbf16> to vector<621x1024xbf16>
      %concatenate3A_284 = tpu.concatenate %slice3A_282, %slice3A_283 in 0 : vector<19x1024xbf16>, vector<621x1024xbf16> -> vector<640x1024xbf16>
      %ge3A_285 = arith.constant 19 : i32
      %ge3A_286 = vector.broadcast %ge3A_285 : i32 to vector<640x1xi32>
      %ge3A_287 = arith.cmpi sge, %select_n3A_108, %ge3A_286 : vector<640x1xi32>
      %broadcast_in_dim3A_288 = vector.shape_cast %ge3A_287 : vector<640x1xi1> to vector<640x1xi1>
      %broadcast_in_dim3A_289 = vector.broadcast %broadcast_in_dim3A_288 : vector<640x1xi1> to vector<640x1024xi1>
      %select_n3A_290 = arith.select %broadcast_in_dim3A_289, %concatenate3A_284, %concatenate3A_281 : vector<640x1024xi1>, vector<640x1024xbf16>
      %add3A_291 = arith.addf %select_n3A_278, %select_n3A_290 : vector<640x1024xbf16>
      %slice3A_292 = vector.extract_strided_slice %convert_element_type3A_266 {offsets = [638, 0], sizes = [2, 1024], strides = [1, 1]} : vector<640x1024xbf16> to vector<2x1024xbf16>
      %slice3A_293 = vector.extract_strided_slice %convert_element_type3A_266 {offsets = [0, 0], sizes = [638, 1024], strides = [1, 1]} : vector<640x1024xbf16> to vector<638x1024xbf16>
      %concatenate3A_294 = tpu.concatenate %slice3A_292, %slice3A_293 in 0 : vector<2x1024xbf16>, vector<638x1024xbf16> -> vector<640x1024xbf16>
      %slice3A_295 = vector.extract_strided_slice %convert_element_type3A_266 {offsets = [18, 0], sizes = [622, 1024], strides = [1, 1]} : vector<640x1024xbf16> to vector<622x1024xbf16>
      %slice3A_296 = vector.extract_strided_slice %convert_element_type3A_266 {offsets = [0, 0], sizes = [18, 1024], strides = [1, 1]} : vector<640x1024xbf16> to vector<18x1024xbf16>
      %concatenate3A_297 = tpu.concatenate %slice3A_295, %slice3A_296 in 0 : vector<622x1024xbf16>, vector<18x1024xbf16> -> vector<640x1024xbf16>
      %lt3A_298 = arith.constant 2 : i32
      %lt3A_299 = vector.broadcast %lt3A_298 : i32 to vector<640x1xi32>
      %lt3A_300 = arith.cmpi slt, %select_n3A_108, %lt3A_299 : vector<640x1xi32>
      %broadcast_in_dim3A_301 = vector.shape_cast %lt3A_300 : vector<640x1xi1> to vector<640x1xi1>
      %broadcast_in_dim3A_302 = vector.broadcast %broadcast_in_dim3A_301 : vector<640x1xi1> to vector<640x1024xi1>
      %select_n3A_303 = arith.select %broadcast_in_dim3A_302, %concatenate3A_297, %concatenate3A_294 : vector<640x1024xi1>, vector<640x1024xbf16>
      %add3A_304 = arith.addf %add3A_291, %select_n3A_303 : vector<640x1024xbf16>
      %slice3A_305 = vector.extract_strided_slice %convert_element_type3A_266 {offsets = [2, 0], sizes = [638, 1024], strides = [1, 1]} : vector<640x1024xbf16> to vector<638x1024xbf16>
      %slice3A_306 = vector.extract_strided_slice %convert_element_type3A_266 {offsets = [0, 0], sizes = [2, 1024], strides = [1, 1]} : vector<640x1024xbf16> to vector<2x1024xbf16>
      %concatenate3A_307 = tpu.concatenate %slice3A_305, %slice3A_306 in 0 : vector<638x1024xbf16>, vector<2x1024xbf16> -> vector<640x1024xbf16>
      %slice3A_308 = vector.extract_strided_slice %convert_element_type3A_266 {offsets = [622, 0], sizes = [18, 1024], strides = [1, 1]} : vector<640x1024xbf16> to vector<18x1024xbf16>
      %slice3A_309 = vector.extract_strided_slice %convert_element_type3A_266 {offsets = [0, 0], sizes = [622, 1024], strides = [1, 1]} : vector<640x1024xbf16> to vector<622x1024xbf16>
      %concatenate3A_310 = tpu.concatenate %slice3A_308, %slice3A_309 in 0 : vector<18x1024xbf16>, vector<622x1024xbf16> -> vector<640x1024xbf16>
      %ge3A_311 = arith.constant 18 : i32
      %ge3A_312 = vector.broadcast %ge3A_311 : i32 to vector<640x1xi32>
      %ge3A_313 = arith.cmpi sge, %select_n3A_108, %ge3A_312 : vector<640x1xi32>
      %broadcast_in_dim3A_314 = vector.shape_cast %ge3A_313 : vector<640x1xi1> to vector<640x1xi1>
      %broadcast_in_dim3A_315 = vector.broadcast %broadcast_in_dim3A_314 : vector<640x1xi1> to vector<640x1024xi1>
      %select_n3A_316 = arith.select %broadcast_in_dim3A_315, %concatenate3A_310, %concatenate3A_307 : vector<640x1024xi1>, vector<640x1024xbf16>
      %add3A_317 = arith.addf %add3A_304, %select_n3A_316 : vector<640x1024xbf16>
      %mul3A_318 = arith.constant 2.001950e-01 : bf16
      %mul3A_319 = vector.broadcast %mul3A_318 : bf16 to vector<640x1024xbf16>
      %mul3A_320 = arith.mulf %add3A_317, %mul3A_319 : vector<640x1024xbf16>
      %get3A_321 = arith.constant 0 : index
      %get3A_322 = arith.constant 0 : index
      %get3A_323 = vector.load %arg9[%get3A_321, %get3A_322] : memref<1024x512xbf16, #tpu.memory_space<vmem>>, vector<1024x512xbf16>
      %dot_general3A_324 = arith.constant dense<0.000000e+00> : vector<640x512xf32>
      %dot_general3A_325 = tpu.matmul %convert_element_type3A_266, %get3A_323, %dot_general3A_324 {dimension_numbers = #tpu.dot_dimension_numbers<[1], [0], [0], [1], [0, 0, 1, 1], [], []>, transpose_lhs_hint = false} : vector<640x1024xbf16>, vector<1024x512xbf16>, vector<640x512xf32> -> vector<640x512xf32>
      %get3A_326 = arith.constant 0 : index
      %get3A_327 = arith.constant 0 : index
      %get3A_328 = vector.load %arg10[%get3A_326, %get3A_327] : memref<1024x512xbf16, #tpu.memory_space<vmem>>, vector<1024x512xbf16>
      %dot_general3A_329 = arith.constant dense<0.000000e+00> : vector<640x512xf32>
      %dot_general3A_330 = tpu.matmul %mul3A_320, %get3A_328, %dot_general3A_329 {dimension_numbers = #tpu.dot_dimension_numbers<[1], [0], [0], [1], [0, 0, 1, 1], [], []>, transpose_lhs_hint = false} : vector<640x1024xbf16>, vector<1024x512xbf16>, vector<640x512xf32> -> vector<640x512xf32>
      %add3A_331 = arith.addf %dot_general3A_325, %dot_general3A_330 : vector<640x512xf32>
      %get3A_332 = arith.constant 0 : index
      %get3A_333 = arith.constant 0 : index
      %get3A_334 = vector.load %arg11[%get3A_332, %get3A_333] : memref<1x512xf32, #tpu.memory_space<vmem>>, vector<1x512xf32>
      %add3A_335 = vector.broadcast %get3A_334 : vector<1x512xf32> to vector<640x512xf32>
      %add3A_336 = arith.addf %add3A_331, %add3A_335 : vector<640x512xf32>
      %max3A_337 = arith.constant 0.000000e+00 : f32
      %max3A_338 = vector.broadcast %max3A_337 : f32 to vector<640x512xf32>
      %max3A_339 = arith.maximumf %add3A_336, %max3A_338 : vector<640x512xf32>
      %convert_element_type3A_340 = arith.truncf %max3A_339 : vector<640x512xf32> to vector<640x512xbf16>
      %slice3A_341 = vector.extract_strided_slice %convert_element_type3A_340 {offsets = [639, 0], sizes = [1, 512], strides = [1, 1]} : vector<640x512xbf16> to vector<1x512xbf16>
      %slice3A_342 = vector.extract_strided_slice %convert_element_type3A_340 {offsets = [0, 0], sizes = [639, 512], strides = [1, 1]} : vector<640x512xbf16> to vector<639x512xbf16>
      %concatenate3A_343 = tpu.concatenate %slice3A_341, %slice3A_342 in 0 : vector<1x512xbf16>, vector<639x512xbf16> -> vector<640x512xbf16>
      %slice3A_344 = vector.extract_strided_slice %convert_element_type3A_340 {offsets = [19, 0], sizes = [621, 512], strides = [1, 1]} : vector<640x512xbf16> to vector<621x512xbf16>
      %slice3A_345 = vector.extract_strided_slice %convert_element_type3A_340 {offsets = [0, 0], sizes = [19, 512], strides = [1, 1]} : vector<640x512xbf16> to vector<19x512xbf16>
      %concatenate3A_346 = tpu.concatenate %slice3A_344, %slice3A_345 in 0 : vector<621x512xbf16>, vector<19x512xbf16> -> vector<640x512xbf16>
      %lt3A_347 = arith.constant 1 : i32
      %lt3A_348 = vector.broadcast %lt3A_347 : i32 to vector<640x1xi32>
      %lt3A_349 = arith.cmpi slt, %select_n3A_108, %lt3A_348 : vector<640x1xi32>
      %broadcast_in_dim3A_350 = vector.shape_cast %lt3A_349 : vector<640x1xi1> to vector<640x1xi1>
      %broadcast_in_dim3A_351 = vector.broadcast %broadcast_in_dim3A_350 : vector<640x1xi1> to vector<640x512xi1>
      %select_n3A_352 = arith.select %broadcast_in_dim3A_351, %concatenate3A_346, %concatenate3A_343 : vector<640x512xi1>, vector<640x512xbf16>
      %slice3A_353 = vector.extract_strided_slice %convert_element_type3A_340 {offsets = [1, 0], sizes = [639, 512], strides = [1, 1]} : vector<640x512xbf16> to vector<639x512xbf16>
      %slice3A_354 = vector.extract_strided_slice %convert_element_type3A_340 {offsets = [0, 0], sizes = [1, 512], strides = [1, 1]} : vector<640x512xbf16> to vector<1x512xbf16>
      %concatenate3A_355 = tpu.concatenate %slice3A_353, %slice3A_354 in 0 : vector<639x512xbf16>, vector<1x512xbf16> -> vector<640x512xbf16>
      %slice3A_356 = vector.extract_strided_slice %convert_element_type3A_340 {offsets = [621, 0], sizes = [19, 512], strides = [1, 1]} : vector<640x512xbf16> to vector<19x512xbf16>
      %slice3A_357 = vector.extract_strided_slice %convert_element_type3A_340 {offsets = [0, 0], sizes = [621, 512], strides = [1, 1]} : vector<640x512xbf16> to vector<621x512xbf16>
      %concatenate3A_358 = tpu.concatenate %slice3A_356, %slice3A_357 in 0 : vector<19x512xbf16>, vector<621x512xbf16> -> vector<640x512xbf16>
      %ge3A_359 = arith.constant 19 : i32
      %ge3A_360 = vector.broadcast %ge3A_359 : i32 to vector<640x1xi32>
      %ge3A_361 = arith.cmpi sge, %select_n3A_108, %ge3A_360 : vector<640x1xi32>
      %broadcast_in_dim3A_362 = vector.shape_cast %ge3A_361 : vector<640x1xi1> to vector<640x1xi1>
      %broadcast_in_dim3A_363 = vector.broadcast %broadcast_in_dim3A_362 : vector<640x1xi1> to vector<640x512xi1>
      %select_n3A_364 = arith.select %broadcast_in_dim3A_363, %concatenate3A_358, %concatenate3A_355 : vector<640x512xi1>, vector<640x512xbf16>
      %add3A_365 = arith.addf %select_n3A_352, %select_n3A_364 : vector<640x512xbf16>
      %slice3A_366 = vector.extract_strided_slice %convert_element_type3A_340 {offsets = [638, 0], sizes = [2, 512], strides = [1, 1]} : vector<640x512xbf16> to vector<2x512xbf16>
      %slice3A_367 = vector.extract_strided_slice %convert_element_type3A_340 {offsets = [0, 0], sizes = [638, 512], strides = [1, 1]} : vector<640x512xbf16> to vector<638x512xbf16>
      %concatenate3A_368 = tpu.concatenate %slice3A_366, %slice3A_367 in 0 : vector<2x512xbf16>, vector<638x512xbf16> -> vector<640x512xbf16>
      %slice3A_369 = vector.extract_strided_slice %convert_element_type3A_340 {offsets = [18, 0], sizes = [622, 512], strides = [1, 1]} : vector<640x512xbf16> to vector<622x512xbf16>
      %slice3A_370 = vector.extract_strided_slice %convert_element_type3A_340 {offsets = [0, 0], sizes = [18, 512], strides = [1, 1]} : vector<640x512xbf16> to vector<18x512xbf16>
      %concatenate3A_371 = tpu.concatenate %slice3A_369, %slice3A_370 in 0 : vector<622x512xbf16>, vector<18x512xbf16> -> vector<640x512xbf16>
      %lt3A_372 = arith.constant 2 : i32
      %lt3A_373 = vector.broadcast %lt3A_372 : i32 to vector<640x1xi32>
      %lt3A_374 = arith.cmpi slt, %select_n3A_108, %lt3A_373 : vector<640x1xi32>
      %broadcast_in_dim3A_375 = vector.shape_cast %lt3A_374 : vector<640x1xi1> to vector<640x1xi1>
      %broadcast_in_dim3A_376 = vector.broadcast %broadcast_in_dim3A_375 : vector<640x1xi1> to vector<640x512xi1>
      %select_n3A_377 = arith.select %broadcast_in_dim3A_376, %concatenate3A_371, %concatenate3A_368 : vector<640x512xi1>, vector<640x512xbf16>
      %add3A_378 = arith.addf %add3A_365, %select_n3A_377 : vector<640x512xbf16>
      %slice3A_379 = vector.extract_strided_slice %convert_element_type3A_340 {offsets = [2, 0], sizes = [638, 512], strides = [1, 1]} : vector<640x512xbf16> to vector<638x512xbf16>
      %slice3A_380 = vector.extract_strided_slice %convert_element_type3A_340 {offsets = [0, 0], sizes = [2, 512], strides = [1, 1]} : vector<640x512xbf16> to vector<2x512xbf16>
      %concatenate3A_381 = tpu.concatenate %slice3A_379, %slice3A_380 in 0 : vector<638x512xbf16>, vector<2x512xbf16> -> vector<640x512xbf16>
      %slice3A_382 = vector.extract_strided_slice %convert_element_type3A_340 {offsets = [622, 0], sizes = [18, 512], strides = [1, 1]} : vector<640x512xbf16> to vector<18x512xbf16>
      %slice3A_383 = vector.extract_strided_slice %convert_element_type3A_340 {offsets = [0, 0], sizes = [622, 512], strides = [1, 1]} : vector<640x512xbf16> to vector<622x512xbf16>
      %concatenate3A_384 = tpu.concatenate %slice3A_382, %slice3A_383 in 0 : vector<18x512xbf16>, vector<622x512xbf16> -> vector<640x512xbf16>
      %ge3A_385 = arith.constant 18 : i32
      %ge3A_386 = vector.broadcast %ge3A_385 : i32 to vector<640x1xi32>
      %ge3A_387 = arith.cmpi sge, %select_n3A_108, %ge3A_386 : vector<640x1xi32>
      %broadcast_in_dim3A_388 = vector.shape_cast %ge3A_387 : vector<640x1xi1> to vector<640x1xi1>
      %broadcast_in_dim3A_389 = vector.broadcast %broadcast_in_dim3A_388 : vector<640x1xi1> to vector<640x512xi1>
      %select_n3A_390 = arith.select %broadcast_in_dim3A_389, %concatenate3A_384, %concatenate3A_381 : vector<640x512xi1>, vector<640x512xbf16>
      %add3A_391 = arith.addf %add3A_378, %select_n3A_390 : vector<640x512xbf16>
      %mul3A_392 = arith.constant 2.001950e-01 : bf16
      %mul3A_393 = vector.broadcast %mul3A_392 : bf16 to vector<640x512xbf16>
      %mul3A_394 = arith.mulf %add3A_391, %mul3A_393 : vector<640x512xbf16>
      %get3A_395 = arith.constant 0 : index
      %get3A_396 = arith.constant 0 : index
      %get3A_397 = vector.load %arg12[%get3A_395, %get3A_396] : memref<512x128xbf16, #tpu.memory_space<vmem>>, vector<512x128xbf16>
      %dot_general3A_398 = arith.constant dense<0.000000e+00> : vector<640x128xf32>
      %dot_general3A_399 = tpu.matmul %convert_element_type3A_340, %get3A_397, %dot_general3A_398 {dimension_numbers = #tpu.dot_dimension_numbers<[1], [0], [0], [1], [0, 0, 1, 1], [], []>, transpose_lhs_hint = false} : vector<640x512xbf16>, vector<512x128xbf16>, vector<640x128xf32> -> vector<640x128xf32>
      %get3A_400 = arith.constant 0 : index
      %get3A_401 = arith.constant 0 : index
      %get3A_402 = vector.load %arg13[%get3A_400, %get3A_401] : memref<512x128xbf16, #tpu.memory_space<vmem>>, vector<512x128xbf16>
      %dot_general3A_403 = arith.constant dense<0.000000e+00> : vector<640x128xf32>
      %dot_general3A_404 = tpu.matmul %mul3A_394, %get3A_402, %dot_general3A_403 {dimension_numbers = #tpu.dot_dimension_numbers<[1], [0], [0], [1], [0, 0, 1, 1], [], []>, transpose_lhs_hint = false} : vector<640x512xbf16>, vector<512x128xbf16>, vector<640x128xf32> -> vector<640x128xf32>
      %add3A_405 = arith.addf %dot_general3A_399, %dot_general3A_404 : vector<640x128xf32>
      %get3A_406 = arith.constant 0 : index
      %get3A_407 = arith.constant 0 : index
      %get3A_408 = vector.load %arg14[%get3A_406, %get3A_407] : memref<1x128xf32, #tpu.memory_space<vmem>>, vector<1x128xf32>
      %add3A_409 = vector.broadcast %get3A_408 : vector<1x128xf32> to vector<640x128xf32>
      %add3A_410 = arith.addf %add3A_405, %add3A_409 : vector<640x128xf32>
      %max3A_411 = arith.constant 0.000000e+00 : f32
      %max3A_412 = vector.broadcast %max3A_411 : f32 to vector<640x128xf32>
      %max3A_413 = arith.maximumf %add3A_410, %max3A_412 : vector<640x128xf32>
      %convert_element_type3A_414 = arith.truncf %max3A_413 : vector<640x128xf32> to vector<640x128xbf16>
      %get3A_415 = arith.constant 0 : index
      %get3A_416 = arith.constant 0 : index
      %get3A_417 = vector.load %arg15[%get3A_415, %get3A_416] : memref<128x128xbf16, #tpu.memory_space<vmem>>, vector<128x128xbf16>
      %dot_general3A_418 = arith.constant dense<0.000000e+00> : vector<640x128xf32>
      %dot_general3A_419 = tpu.matmul %convert_element_type3A_414, %get3A_417, %dot_general3A_418 {dimension_numbers = #tpu.dot_dimension_numbers<[1], [0], [0], [1], [0, 0, 1, 1], [], []>, transpose_lhs_hint = false} : vector<640x128xbf16>, vector<128x128xbf16>, vector<640x128xf32> -> vector<640x128xf32>
      %get3A_420 = arith.constant 0 : index
      %get3A_421 = arith.constant 0 : index
      %get3A_422 = vector.load %arg16[%get3A_420, %get3A_421] : memref<1x128xf32, #tpu.memory_space<vmem>>, vector<1x128xf32>
      %add3A_423 = vector.broadcast %get3A_422 : vector<1x128xf32> to vector<640x128xf32>
      %add3A_424 = arith.addf %dot_general3A_419, %add3A_423 : vector<640x128xf32>
      %max3A_425 = arith.constant 0.000000e+00 : f32
      %max3A_426 = vector.broadcast %max3A_425 : f32 to vector<640x128xf32>
      %max3A_427 = arith.maximumf %add3A_424, %max3A_426 : vector<640x128xf32>
      %convert_element_type3A_428 = arith.truncf %max3A_427 : vector<640x128xf32> to vector<640x128xbf16>
      %get3A_429 = arith.constant 0 : index
      %get3A_430 = arith.constant 0 : index
      %get3A_431 = vector.load %arg17[%get3A_429, %get3A_430] : memref<128x128xbf16, #tpu.memory_space<vmem>>, vector<128x128xbf16>
      %dot_general3A_432 = arith.constant dense<0.000000e+00> : vector<640x128xf32>
      %dot_general3A_433 = tpu.matmul %convert_element_type3A_428, %get3A_431, %dot_general3A_432 {dimension_numbers = #tpu.dot_dimension_numbers<[1], [0], [0], [1], [0, 0, 1, 1], [], []>, transpose_lhs_hint = false} : vector<640x128xbf16>, vector<128x128xbf16>, vector<640x128xf32> -> vector<640x128xf32>
      %get3A_434 = arith.constant 0 : index
      %get3A_435 = arith.constant 0 : index
      %get3A_436 = vector.load %arg18[%get3A_434, %get3A_435] : memref<1x128xf32, #tpu.memory_space<vmem>>, vector<1x128xf32>
      %add3A_437 = vector.broadcast %get3A_436 : vector<1x128xf32> to vector<640x128xf32>
      %add3A_438 = arith.addf %dot_general3A_433, %add3A_437 : vector<640x128xf32>
      %max3A_439 = arith.constant 0.000000e+00 : f32
      %max3A_440 = vector.broadcast %max3A_439 : f32 to vector<640x128xf32>
      %max3A_441 = arith.maximumf %add3A_438, %max3A_440 : vector<640x128xf32>
      %convert_element_type3A_442 = arith.truncf %max3A_441 : vector<640x128xf32> to vector<640x128xbf16>
      %get3A_443 = arith.constant 0 : index
      %get3A_444 = arith.constant 0 : index
      %get3A_445 = vector.load %arg19[%get3A_443, %get3A_444] : memref<128x2xbf16, #tpu.memory_space<vmem>>, vector<128x2xbf16>
      %dot_general3A_446 = arith.constant dense<0.000000e+00> : vector<640x2xf32>
      %dot_general3A_447 = tpu.matmul %convert_element_type3A_442, %get3A_445, %dot_general3A_446 {dimension_numbers = #tpu.dot_dimension_numbers<[1], [0], [0], [1], [0, 0, 1, 1], [], []>, transpose_lhs_hint = false} : vector<640x128xbf16>, vector<128x2xbf16>, vector<640x2xf32> -> vector<640x2xf32>
      %get3A_448 = arith.constant 0 : index
      %get3A_449 = arith.constant 0 : index
      %get3A_450 = vector.load %arg20[%get3A_448, %get3A_449] : memref<1x2xf32, #tpu.memory_space<vmem>>, vector<1x2xf32>
      %add3A_451 = vector.broadcast %get3A_450 : vector<1x2xf32> to vector<640x2xf32>
      %add3A_452 = arith.addf %dot_general3A_447, %add3A_451 : vector<640x2xf32>
      %get3A_453 = arith.index_cast %multiple_of3A : i32 to index
      %get3A_454 = vector.load %arg1[%get3A_453] : memref<5120xf32, #tpu.memory_space<vmem>>, vector<640xf32>
      %broadcast_in_dim3A_455 = vector.shape_cast %get3A_454 : vector<640xf32> to vector<640x1xf32>
      %get3A_456 = arith.index_cast %multiple_of3A : i32 to index
      %get3A_457 = vector.load %arg2[%get3A_456] : memref<5120xf32, #tpu.memory_space<vmem>>, vector<640xf32>
      %broadcast_in_dim3A_458 = vector.shape_cast %get3A_457 : vector<640xf32> to vector<640x1xf32>
      %concatenate3A_459 = tpu.concatenate %broadcast_in_dim3A_455, %broadcast_in_dim3A_458 in 1 : vector<640x1xf32>, vector<640x1xf32> -> vector<640x2xf32>
      %jit3A_460 = arith.constant -1.600000e+01 : f32
      %jit3A_461 = arith.constant 1.600000e+01 : f32
      %max3A_462 = vector.broadcast %jit3A_460 : f32 to vector<640x2xf32>
      %max3A_463 = arith.maximumf %max3A_462, %add3A_452 : vector<640x2xf32>
      %min3A = vector.broadcast %jit3A_461 : f32 to vector<640x2xf32>
      %min3A_464 = arith.minimumf %min3A, %max3A_463 : vector<640x2xf32>
      %add3A_465 = arith.addf %concatenate3A_459, %min3A_464 : vector<640x2xf32>
      %jit3A_466 = arith.constant 0.000000e+00 : f32
      %jit3A_467 = arith.constant 2.550000e+02 : f32
      %max3A_468 = vector.broadcast %jit3A_466 : f32 to vector<640x2xf32>
      %max3A_469 = arith.maximumf %max3A_468, %add3A_465 : vector<640x2xf32>
      %min3A_470 = vector.broadcast %jit3A_467 : f32 to vector<640x2xf32>
      %min3A_471 = arith.minimumf %min3A_470, %max3A_469 : vector<640x2xf32>
      %reshape3A = vector.shape_cast %min3A_471 : vector<640x2xf32> to vector<32x20x2xf32>
      %jit3A_472 = arith.constant 20 : i32
      %div3A = arith.divsi %multiple_of3A, %jit3A_472 : i32
      %sign3A = arith.constant 0 : i32
      %sign3A_473 = arith.cmpi sgt, %multiple_of3A, %sign3A : i32
      %sign3A_474 = arith.extui %sign3A_473 : i1 to i32
      %sign3A_475 = arith.constant 0 : i32
      %sign3A_476 = arith.cmpi slt, %multiple_of3A, %sign3A_475 : i32
      %sign3A_477 = arith.extui %sign3A_476 : i1 to i32
      %sign3A_478 = arith.subi %sign3A_474, %sign3A_477 : i32
      %sign3A_479 = arith.constant 0 : i32
      %sign3A_480 = arith.cmpi sgt, %jit3A_472, %sign3A_479 : i32
      %sign3A_481 = arith.extui %sign3A_480 : i1 to i32
      %sign3A_482 = arith.constant 0 : i32
      %sign3A_483 = arith.cmpi slt, %jit3A_472, %sign3A_482 : i32
      %sign3A_484 = arith.extui %sign3A_483 : i1 to i32
      %sign3A_485 = arith.subi %sign3A_481, %sign3A_484 : i32
      %ne3A_486 = arith.cmpi ne, %sign3A_478, %sign3A_485 : i32
      %rem3A_487 = arith.remsi %multiple_of3A, %jit3A_472 : i32
      %ne3A_488 = arith.constant 0 : i32
      %ne3A_489 = arith.cmpi ne, %rem3A_487, %ne3A_488 : i32
      %and3A_490 = arith.andi %ne3A_486, %ne3A_489 : i1
      %sub3A_491 = arith.constant 1 : i32
      %sub3A_492 = arith.subi %div3A, %sub3A_491 : i32
      %select_n3A_493 = arith.select %and3A_490, %sub3A_492, %div3A : i32
      %swap3A_494 = arith.index_cast %select_n3A_493 : i32 to index
      %swap3A_495 = arith.constant 0 : index
      %swap3A_496 = arith.constant 0 : index
      %swap3A_497 = vector.load %arg21[%swap3A_494, %swap3A_495, %swap3A_496] : memref<256x20x2xf32, #tpu.memory_space<vmem>>, vector<32x20x2xf32>
      tpu.vector_store %arg21[%swap3A_494, %swap3A_495, %swap3A_496], %reshape3A {strides = array<i32>} : memref<256x20x2xf32, #tpu.memory_space<vmem>>, vector<32x20x2xf32>,
      %slice3A_498 = vector.extract_strided_slice %min3A_471 {offsets = [0, 0], sizes = [640, 1], strides = [1, 1]} : vector<640x2xf32> to vector<640x1xf32>
      %squeeze3A = vector.shape_cast %slice3A_498 : vector<640x1xf32> to vector<640xf32>
      %swap3A_499 = arith.index_cast %multiple_of3A : i32 to index
      %swap3A_500 = vector.load %arg22[%swap3A_499] : memref<5120xf32, #tpu.memory_space<vmem>>, vector<640xf32>
      tpu.vector_store %arg22[%swap3A_499], %squeeze3A {strides = array<i32>} : memref<5120xf32, #tpu.memory_space<vmem>>, vector<640xf32>,
      %slice3A_501 = vector.extract_strided_slice %min3A_471 {offsets = [0, 1], sizes = [640, 1], strides = [1, 1]} : vector<640x2xf32> to vector<640x1xf32>
      %squeeze3A_502 = vector.shape_cast %slice3A_501 : vector<640x1xf32> to vector<640xf32>
      %swap3A_503 = arith.index_cast %multiple_of3A : i32 to index
      %swap3A_504 = vector.load %arg23[%swap3A_503] : memref<5120xf32, #tpu.memory_space<vmem>>, vector<640xf32>
      tpu.vector_store %arg23[%swap3A_503], %squeeze3A_502 {strides = array<i32>} : memref<5120xf32, #tpu.memory_space<vmem>>, vector<640xf32>,
    }
    %scan3A_112 = arith.constant 8 : i32
    return
  }
}

module attributes {stable_mosaic.version = 14 : i64} {
  func.func @_tc_body(%arg0: memref<4x5120x64xbf16, #tpu.memory_space<vmem>>, %arg1: memref<5120xf32, #tpu.memory_space<vmem>>, %arg2: memref<5120xf32, #tpu.memory_space<vmem>>, %arg3: memref<64x256xbf16, #tpu.memory_space<vmem>>, %arg4: memref<64x256xbf16, #tpu.memory_space<vmem>>, %arg5: memref<1x256xf32, #tpu.memory_space<vmem>>, %arg6: memref<256x1024xbf16, #tpu.memory_space<vmem>>, %arg7: memref<256x1024xbf16, #tpu.memory_space<vmem>>, %arg8: memref<1x1024xf32, #tpu.memory_space<vmem>>, %arg9: memref<1024x512xbf16, #tpu.memory_space<vmem>>, %arg10: memref<1024x512xbf16, #tpu.memory_space<vmem>>, %arg11: memref<1x512xf32, #tpu.memory_space<vmem>>, %arg12: memref<512x128xbf16, #tpu.memory_space<vmem>>, %arg13: memref<512x128xbf16, #tpu.memory_space<vmem>>, %arg14: memref<1x128xf32, #tpu.memory_space<vmem>>, %arg15: memref<128x128xbf16, #tpu.memory_space<vmem>>, %arg16: memref<1x128xf32, #tpu.memory_space<vmem>>, %arg17: memref<128x128xbf16, #tpu.memory_space<vmem>>, %arg18: memref<1x128xf32, #tpu.memory_space<vmem>>, %arg19: memref<128x2xbf16, #tpu.memory_space<vmem>>, %arg20: memref<1x2xf32, #tpu.memory_space<vmem>>, %arg21: memref<256x20x2xf32, #tpu.memory_space<vmem>>, %arg22: memref<5120xf32, #tpu.memory_space<vmem>>, %arg23: memref<5120xf32, #tpu.memory_space<vmem>>, %arg24: memref<5120x64xf32, #tpu.memory_space<vmem>>) attributes {dimension_semantics = [], scalar_prefetch = 0 : i64, scratch_operands = 1 : i64, tpu.core_type = #tpu.core_type<tc>} {
    %get3A = arith.constant 0 : index
    %get3A_0 = vector.load %arg1[%get3A] : memref<5120xf32, #tpu.memory_space<vmem>>, vector<5120xf32>
    %broadcast_in_dim3A = vector.shape_cast %get3A_0 : vector<5120xf32> to vector<5120x1xf32>
    %get3A_1 = arith.constant 0 : index
    %get3A_2 = vector.load %arg2[%get3A_1] : memref<5120xf32, #tpu.memory_space<vmem>>, vector<5120xf32>
    %broadcast_in_dim3A_3 = vector.shape_cast %get3A_2 : vector<5120xf32> to vector<5120x1xf32>
    %mul3A = arith.constant 7.812500e-03 : f32
    %mul3A_4 = vector.broadcast %mul3A : f32 to vector<5120x1xf32>
    %mul3A_5 = arith.mulf %broadcast_in_dim3A, %mul3A_4 : vector<5120x1xf32>
    %sub3A = arith.constant 1.000000e+00 : f32
    %sub3A_6 = vector.broadcast %sub3A : f32 to vector<5120x1xf32>
    %sub3A_7 = arith.subf %mul3A_5, %sub3A_6 : vector<5120x1xf32>
    %add3A = arith.constant 1.000000e+00 : f32
    %add3A_8 = vector.broadcast %add3A : f32 to vector<5120x1xf32>
    %add3A_9 = arith.addf %sub3A_7, %add3A_8 : vector<5120x1xf32>
    %mul3A_10 = arith.constant 1.275000e+02 : f32
    %mul3A_11 = vector.broadcast %mul3A_10 : f32 to vector<5120x1xf32>
    %mul3A_12 = arith.mulf %add3A_9, %mul3A_11 : vector<5120x1xf32>
    %mul3A_13 = arith.constant 7.812500e-03 : f32
    %mul3A_14 = vector.broadcast %mul3A_13 : f32 to vector<5120x1xf32>
    %mul3A_15 = arith.mulf %broadcast_in_dim3A_3, %mul3A_14 : vector<5120x1xf32>
    %sub3A_16 = arith.constant 1.000000e+00 : f32
    %sub3A_17 = vector.broadcast %sub3A_16 : f32 to vector<5120x1xf32>
    %sub3A_18 = arith.subf %mul3A_15, %sub3A_17 : vector<5120x1xf32>
    %add3A_19 = arith.constant 1.000000e+00 : f32
    %add3A_20 = vector.broadcast %add3A_19 : f32 to vector<5120x1xf32>
    %add3A_21 = arith.addf %sub3A_18, %add3A_20 : vector<5120x1xf32>
    %mul3A_22 = arith.constant 1.275000e+02 : f32
    %mul3A_23 = vector.broadcast %mul3A_22 : f32 to vector<5120x1xf32>
    %mul3A_24 = arith.mulf %add3A_21, %mul3A_23 : vector<5120x1xf32>
    %floor3A = math.floor %mul3A_12 : vector<5120x1xf32>
    %sub3A_25 = arith.subf %mul3A_12, %floor3A : vector<5120x1xf32>
    %sub3A_26 = arith.constant 1.000000e+00 : f32
    %sub3A_27 = vector.broadcast %sub3A_26 : f32 to vector<5120x1xf32>
    %sub3A_28 = arith.subf %sub3A_27, %sub3A_25 : vector<5120x1xf32>
    %floor3A_29 = math.floor %mul3A_24 : vector<5120x1xf32>
    %sub3A_30 = arith.subf %mul3A_24, %floor3A_29 : vector<5120x1xf32>
    %sub3A_31 = arith.constant 1.000000e+00 : f32
    %sub3A_32 = vector.broadcast %sub3A_31 : f32 to vector<5120x1xf32>
    %sub3A_33 = arith.subf %sub3A_32, %sub3A_30 : vector<5120x1xf32>
    %get3A_34 = arith.constant 0 : index
    %get3A_35 = arith.constant 0 : index
    %get3A_36 = arith.constant 0 : index
    %get3A_37 = vector.load %arg0[%get3A_34, %get3A_35, %get3A_36] : memref<4x5120x64xbf16, #tpu.memory_space<vmem>>, vector<1x5120x64xbf16>
    %get3A_38 = vector.shape_cast %get3A_37 : vector<1x5120x64xbf16> to vector<5120x64xbf16>
    %convert_element_type3A = arith.extf %get3A_38 : vector<5120x64xbf16> to vector<5120x64xf32>
    %mul3A_39 = arith.mulf %sub3A_28, %sub3A_33 : vector<5120x1xf32>
    %mul3A_40 = vector.broadcast %mul3A_39 : vector<5120x1xf32> to vector<5120x64xf32>
    %mul3A_41 = arith.mulf %convert_element_type3A, %mul3A_40 : vector<5120x64xf32>
    %get3A_42 = arith.constant 1 : index
    %get3A_43 = arith.constant 0 : index
    %get3A_44 = arith.constant 0 : index
    %get3A_45 = vector.load %arg0[%get3A_42, %get3A_43, %get3A_44] : memref<4x5120x64xbf16, #tpu.memory_space<vmem>>, vector<1x5120x64xbf16>
    %get3A_46 = vector.shape_cast %get3A_45 : vector<1x5120x64xbf16> to vector<5120x64xbf16>
    %convert_element_type3A_47 = arith.extf %get3A_46 : vector<5120x64xbf16> to vector<5120x64xf32>
    %mul3A_48 = arith.mulf %sub3A_25, %sub3A_33 : vector<5120x1xf32>
    %mul3A_49 = vector.broadcast %mul3A_48 : vector<5120x1xf32> to vector<5120x64xf32>
    %mul3A_50 = arith.mulf %convert_element_type3A_47, %mul3A_49 : vector<5120x64xf32>
    %add3A_51 = arith.addf %mul3A_41, %mul3A_50 : vector<5120x64xf32>
    %get3A_52 = arith.constant 2 : index
    %get3A_53 = arith.constant 0 : index
    %get3A_54 = arith.constant 0 : index
    %get3A_55 = vector.load %arg0[%get3A_52, %get3A_53, %get3A_54] : memref<4x5120x64xbf16, #tpu.memory_space<vmem>>, vector<1x5120x64xbf16>
    %get3A_56 = vector.shape_cast %get3A_55 : vector<1x5120x64xbf16> to vector<5120x64xbf16>
    %convert_element_type3A_57 = arith.extf %get3A_56 : vector<5120x64xbf16> to vector<5120x64xf32>
    %mul3A_58 = arith.mulf %sub3A_28, %sub3A_30 : vector<5120x1xf32>
    %mul3A_59 = vector.broadcast %mul3A_58 : vector<5120x1xf32> to vector<5120x64xf32>
    %mul3A_60 = arith.mulf %convert_element_type3A_57, %mul3A_59 : vector<5120x64xf32>
    %add3A_61 = arith.addf %add3A_51, %mul3A_60 : vector<5120x64xf32>
    %get3A_62 = arith.constant 3 : index
    %get3A_63 = arith.constant 0 : index
    %get3A_64 = arith.constant 0 : index
    %get3A_65 = vector.load %arg0[%get3A_62, %get3A_63, %get3A_64] : memref<4x5120x64xbf16, #tpu.memory_space<vmem>>, vector<1x5120x64xbf16>
    %get3A_66 = vector.shape_cast %get3A_65 : vector<1x5120x64xbf16> to vector<5120x64xbf16>
    %convert_element_type3A_67 = arith.extf %get3A_66 : vector<5120x64xbf16> to vector<5120x64xf32>
    %mul3A_68 = arith.mulf %sub3A_25, %sub3A_30 : vector<5120x1xf32>
    %mul3A_69 = vector.broadcast %mul3A_68 : vector<5120x1xf32> to vector<5120x64xf32>
    %mul3A_70 = arith.mulf %convert_element_type3A_67, %mul3A_69 : vector<5120x64xf32>
    %add3A_71 = arith.addf %add3A_61, %mul3A_70 : vector<5120x64xf32>
    %swap3A = arith.constant 0 : index
    %swap3A_72 = arith.constant 0 : index
    %swap3A_73 = vector.load %arg24[%swap3A, %swap3A_72] : memref<5120x64xf32, #tpu.memory_space<vmem>>, vector<5120x64xf32>
    tpu.vector_store %arg24[%swap3A, %swap3A_72], %add3A_71 {strides = array<i32>} : memref<5120x64xf32, #tpu.memory_space<vmem>>, vector<5120x64xf32>,
    %get3A_74 = arith.constant 0 : index
    %get3A_75 = arith.constant 0 : index
    %get3A_76 = vector.load %arg24[%get3A_74, %get3A_75] : memref<5120x64xf32, #tpu.memory_space<vmem>>, vector<5120x64xf32>
    %reduce_sum3A = arith.constant dense<0.000000e+00> : vector<64xf32>
    %reduce_sum3A_77 = vector.multi_reduction <add>, %get3A_76, %reduce_sum3A [0] : vector<5120x64xf32> to vector<64xf32>
    %broadcast_in_dim3A_78 = vector.shape_cast %reduce_sum3A_77 : vector<64xf32> to vector<1x64xf32>
    %mul3A_79 = arith.mulf %get3A_76, %get3A_76 : vector<5120x64xf32>
    %reduce_sum3A_80 = arith.constant dense<0.000000e+00> : vector<64xf32>
    %reduce_sum3A_81 = vector.multi_reduction <add>, %mul3A_79, %reduce_sum3A_80 [0] : vector<5120x64xf32> to vector<64xf32>
    %broadcast_in_dim3A_82 = vector.shape_cast %reduce_sum3A_81 : vector<64xf32> to vector<1x64xf32>
    %mul3A_83 = arith.constant 1.95312503E-4 : f32
    %mul3A_84 = vector.broadcast %mul3A_83 : f32 to vector<1x64xf32>
    %mul3A_85 = arith.mulf %broadcast_in_dim3A_78, %mul3A_84 : vector<1x64xf32>
    %mul3A_86 = arith.constant 1.95312503E-4 : f32
    %mul3A_87 = vector.broadcast %mul3A_86 : f32 to vector<1x64xf32>
    %mul3A_88 = arith.mulf %broadcast_in_dim3A_82, %mul3A_87 : vector<1x64xf32>
    %mul3A_89 = arith.mulf %mul3A_85, %mul3A_85 : vector<1x64xf32>
    %sub3A_90 = arith.subf %mul3A_88, %mul3A_89 : vector<1x64xf32>
    %add3A_91 = arith.constant 9.99999974E-6 : f32
    %add3A_92 = vector.broadcast %add3A_91 : f32 to vector<1x64xf32>
    %add3A_93 = arith.addf %sub3A_90, %add3A_92 : vector<1x64xf32>
    %rsqrt3A = math.rsqrt %add3A_93 : vector<1x64xf32>
    %iota3A = tpu.iota {dimensions = array<i32: 0>} : vector<640x1xi32>
    %jit3A = arith.constant 20 : i32
    %eq3A = arith.constant 0 : i32
    %eq3A_94 = arith.cmpi eq, %jit3A, %eq3A : i32
    %jit3A_95 = arith.constant 1 : i32
    %select_n3A = arith.select %eq3A_94, %jit3A_95, %jit3A : i32
    %rem3A = vector.broadcast %select_n3A : i32 to vector<640x1xi32>
    %rem3A_96 = arith.remsi %iota3A, %rem3A : vector<640x1xi32>
    %ne3A = arith.constant 0 : i32
    %ne3A_97 = vector.broadcast %ne3A : i32 to vector<640x1xi32>
    %ne3A_98 = arith.cmpi ne, %rem3A_96, %ne3A_97 : vector<640x1xi32>
    %lt3A = arith.constant 0 : i32
    %lt3A_99 = vector.broadcast %lt3A : i32 to vector<640x1xi32>
    %lt3A_100 = arith.cmpi slt, %rem3A_96, %lt3A_99 : vector<640x1xi32>
    %lt3A_101 = arith.constant 0 : i32
    %lt3A_102 = arith.cmpi slt, %select_n3A, %lt3A_101 : i32
    %ne3A_103 = vector.broadcast %lt3A_102 : i1 to vector<640x1xi1>
    %ne3A_104 = vector.broadcast %ne3A_103 : vector<640x1xi1> to vector<640x1xi1>
    %ne3A_105 = arith.xori %lt3A_100, %ne3A_104 : vector<640x1xi1>
    %and3A = arith.andi %ne3A_105, %ne3A_98 : vector<640x1xi1>
    %add3A_106 = vector.broadcast %select_n3A : i32 to vector<640x1xi32>
    %add3A_107 = arith.addi %rem3A_96, %add3A_106 : vector<640x1xi32>
    %select_n3A_108 = arith.select %and3A, %add3A_107, %rem3A_96 : vector<640x1xi1>, vector<640x1xi32>
    %scan3A = arith.constant 0 : i32
    %scan3A_109 = arith.constant 8 : i32
    %scan3A_110 = arith.addi %scan3A, %scan3A_109 : i32
    %scan3A_111 = arith.constant 1 : i32
    scf.for %scan3A_113 = %scan3A to %scan3A_110 step %scan3A_111  : i32 {
      %mul3A_114 = arith.constant 640 : i32
      %mul3A_115 = arith.muli %scan3A_113, %mul3A_114 : i32
      %multiple_of3A = tpu.assume_multiple %mul3A_115, 640 : i32
      %get3A_116 = arith.index_cast %multiple_of3A : i32 to index
      %get3A_117 = arith.constant 0 : index
      %get3A_118 = vector.load %arg24[%get3A_116, %get3A_117] : memref<5120x64xf32, #tpu.memory_space<vmem>>, vector<640x64xf32>
      %sub3A_119 = vector.broadcast %mul3A_85 : vector<1x64xf32> to vector<640x64xf32>
      %sub3A_120 = arith.subf %get3A_118, %sub3A_119 : vector<640x64xf32>
      %mul3A_121 = vector.broadcast %rsqrt3A : vector<1x64xf32> to vector<640x64xf32>
      %mul3A_122 = arith.mulf %sub3A_120, %mul3A_121 : vector<640x64xf32>
      %convert_element_type3A_123 = arith.truncf %mul3A_122 : vector<640x64xf32> to vector<640x64xbf16>
      %slice3A = vector.extract_strided_slice %convert_element_type3A_123 {offsets = [639, 0], sizes = [1, 64], strides = [1, 1]} : vector<640x64xbf16> to vector<1x64xbf16>
      %slice3A_124 = vector.extract_strided_slice %convert_element_type3A_123 {offsets = [0, 0], sizes = [639, 64], strides = [1, 1]} : vector<640x64xbf16> to vector<639x64xbf16>
      %concatenate3A = tpu.concatenate %slice3A, %slice3A_124 in 0 : vector<1x64xbf16>, vector<639x64xbf16> -> vector<640x64xbf16>
      %slice3A_125 = vector.extract_strided_slice %convert_element_type3A_123 {offsets = [19, 0], sizes = [621, 64], strides = [1, 1]} : vector<640x64xbf16> to vector<621x64xbf16>
      %slice3A_126 = vector.extract_strided_slice %convert_element_type3A_123 {offsets = [0, 0], sizes = [19, 64], strides = [1, 1]} : vector<640x64xbf16> to vector<19x64xbf16>
      %concatenate3A_127 = tpu.concatenate %slice3A_125, %slice3A_126 in 0 : vector<621x64xbf16>, vector<19x64xbf16> -> vector<640x64xbf16>
      %lt3A_128 = arith.constant 1 : i32
      %lt3A_129 = vector.broadcast %lt3A_128 : i32 to vector<640x1xi32>
      %lt3A_130 = arith.cmpi slt, %select_n3A_108, %lt3A_129 : vector<640x1xi32>
      %broadcast_in_dim3A_131 = vector.shape_cast %lt3A_130 : vector<640x1xi1> to vector<640x1xi1>
      %broadcast_in_dim3A_132 = vector.broadcast %broadcast_in_dim3A_131 : vector<640x1xi1> to vector<640x64xi1>
      %select_n3A_133 = arith.select %broadcast_in_dim3A_132, %concatenate3A_127, %concatenate3A : vector<640x64xi1>, vector<640x64xbf16>
      %slice3A_134 = vector.extract_strided_slice %convert_element_type3A_123 {offsets = [1, 0], sizes = [639, 64], strides = [1, 1]} : vector<640x64xbf16> to vector<639x64xbf16>
      %slice3A_135 = vector.extract_strided_slice %convert_element_type3A_123 {offsets = [0, 0], sizes = [1, 64], strides = [1, 1]} : vector<640x64xbf16> to vector<1x64xbf16>
      %concatenate3A_136 = tpu.concatenate %slice3A_134, %slice3A_135 in 0 : vector<639x64xbf16>, vector<1x64xbf16> -> vector<640x64xbf16>
      %slice3A_137 = vector.extract_strided_slice %convert_element_type3A_123 {offsets = [621, 0], sizes = [19, 64], strides = [1, 1]} : vector<640x64xbf16> to vector<19x64xbf16>
      %slice3A_138 = vector.extract_strided_slice %convert_element_type3A_123 {offsets = [0, 0], sizes = [621, 64], strides = [1, 1]} : vector<640x64xbf16> to vector<621x64xbf16>
      %concatenate3A_139 = tpu.concatenate %slice3A_137, %slice3A_138 in 0 : vector<19x64xbf16>, vector<621x64xbf16> -> vector<640x64xbf16>
      %ge3A = arith.constant 19 : i32
      %ge3A_140 = vector.broadcast %ge3A : i32 to vector<640x1xi32>
      %ge3A_141 = arith.cmpi sge, %select_n3A_108, %ge3A_140 : vector<640x1xi32>
      %broadcast_in_dim3A_142 = vector.shape_cast %ge3A_141 : vector<640x1xi1> to vector<640x1xi1>
      %broadcast_in_dim3A_143 = vector.broadcast %broadcast_in_dim3A_142 : vector<640x1xi1> to vector<640x64xi1>
      %select_n3A_144 = arith.select %broadcast_in_dim3A_143, %concatenate3A_139, %concatenate3A_136 : vector<640x64xi1>, vector<640x64xbf16>
      %add3A_145 = arith.addf %select_n3A_133, %select_n3A_144 : vector<640x64xbf16>
      %slice3A_146 = vector.extract_strided_slice %convert_element_type3A_123 {offsets = [638, 0], sizes = [2, 64], strides = [1, 1]} : vector<640x64xbf16> to vector<2x64xbf16>
      %slice3A_147 = vector.extract_strided_slice %convert_element_type3A_123 {offsets = [0, 0], sizes = [638, 64], strides = [1, 1]} : vector<640x64xbf16> to vector<638x64xbf16>
      %concatenate3A_148 = tpu.concatenate %slice3A_146, %slice3A_147 in 0 : vector<2x64xbf16>, vector<638x64xbf16> -> vector<640x64xbf16>
      %slice3A_149 = vector.extract_strided_slice %convert_element_type3A_123 {offsets = [18, 0], sizes = [622, 64], strides = [1, 1]} : vector<640x64xbf16> to vector<622x64xbf16>
      %slice3A_150 = vector.extract_strided_slice %convert_element_type3A_123 {offsets = [0, 0], sizes = [18, 64], strides = [1, 1]} : vector<640x64xbf16> to vector<18x64xbf16>
      %concatenate3A_151 = tpu.concatenate %slice3A_149, %slice3A_150 in 0 : vector<622x64xbf16>, vector<18x64xbf16> -> vector<640x64xbf16>
      %lt3A_152 = arith.constant 2 : i32
      %lt3A_153 = vector.broadcast %lt3A_152 : i32 to vector<640x1xi32>
      %lt3A_154 = arith.cmpi slt, %select_n3A_108, %lt3A_153 : vector<640x1xi32>
      %broadcast_in_dim3A_155 = vector.shape_cast %lt3A_154 : vector<640x1xi1> to vector<640x1xi1>
      %broadcast_in_dim3A_156 = vector.broadcast %broadcast_in_dim3A_155 : vector<640x1xi1> to vector<640x64xi1>
      %select_n3A_157 = arith.select %broadcast_in_dim3A_156, %concatenate3A_151, %concatenate3A_148 : vector<640x64xi1>, vector<640x64xbf16>
      %add3A_158 = arith.addf %add3A_145, %select_n3A_157 : vector<640x64xbf16>
      %slice3A_159 = vector.extract_strided_slice %convert_element_type3A_123 {offsets = [2, 0], sizes = [638, 64], strides = [1, 1]} : vector<640x64xbf16> to vector<638x64xbf16>
      %slice3A_160 = vector.extract_strided_slice %convert_element_type3A_123 {offsets = [0, 0], sizes = [2, 64], strides = [1, 1]} : vector<640x64xbf16> to vector<2x64xbf16>
      %concatenate3A_161 = tpu.concatenate %slice3A_159, %slice3A_160 in 0 : vector<638x64xbf16>, vector<2x64xbf16> -> vector<640x64xbf16>
      %slice3A_162 = vector.extract_strided_slice %convert_element_type3A_123 {offsets = [622, 0], sizes = [18, 64], strides = [1, 1]} : vector<640x64xbf16> to vector<18x64xbf16>
      %slice3A_163 = vector.extract_strided_slice %convert_element_type3A_123 {offsets = [0, 0], sizes = [622, 64], strides = [1, 1]} : vector<640x64xbf16> to vector<622x64xbf16>
      %concatenate3A_164 = tpu.concatenate %slice3A_162, %slice3A_163 in 0 : vector<18x64xbf16>, vector<622x64xbf16> -> vector<640x64xbf16>
      %ge3A_165 = arith.constant 18 : i32
      %ge3A_166 = vector.broadcast %ge3A_165 : i32 to vector<640x1xi32>
      %ge3A_167 = arith.cmpi sge, %select_n3A_108, %ge3A_166 : vector<640x1xi32>
      %broadcast_in_dim3A_168 = vector.shape_cast %ge3A_167 : vector<640x1xi1> to vector<640x1xi1>
      %broadcast_in_dim3A_169 = vector.broadcast %broadcast_in_dim3A_168 : vector<640x1xi1> to vector<640x64xi1>
      %select_n3A_170 = arith.select %broadcast_in_dim3A_169, %concatenate3A_164, %concatenate3A_161 : vector<640x64xi1>, vector<640x64xbf16>
      %add3A_171 = arith.addf %add3A_158, %select_n3A_170 : vector<640x64xbf16>
      %mul3A_172 = arith.constant 2.001950e-01 : bf16
      %mul3A_173 = vector.broadcast %mul3A_172 : bf16 to vector<640x64xbf16>
      %mul3A_174 = arith.mulf %add3A_171, %mul3A_173 : vector<640x64xbf16>
      %get3A_175 = arith.constant 0 : index
      %get3A_176 = arith.constant 0 : index
      %get3A_177 = vector.load %arg3[%get3A_175, %get3A_176] : memref<64x256xbf16, #tpu.memory_space<vmem>>, vector<64x256xbf16>
      %dot_general3A = arith.constant dense<0.000000e+00> : vector<640x256xf32>
      %dot_general3A_178 = tpu.matmul %convert_element_type3A_123, %get3A_177, %dot_general3A {dimension_numbers = #tpu.dot_dimension_numbers<[1], [0], [0], [1], [0, 0, 1, 1], [], []>, transpose_lhs_hint = false} : vector<640x64xbf16>, vector<64x256xbf16>, vector<640x256xf32> -> vector<640x256xf32>
      %get3A_179 = arith.constant 0 : index
      %get3A_180 = arith.constant 0 : index
      %get3A_181 = vector.load %arg4[%get3A_179, %get3A_180] : memref<64x256xbf16, #tpu.memory_space<vmem>>, vector<64x256xbf16>
      %dot_general3A_182 = arith.constant dense<0.000000e+00> : vector<640x256xf32>
      %dot_general3A_183 = tpu.matmul %mul3A_174, %get3A_181, %dot_general3A_182 {dimension_numbers = #tpu.dot_dimension_numbers<[1], [0], [0], [1], [0, 0, 1, 1], [], []>, transpose_lhs_hint = false} : vector<640x64xbf16>, vector<64x256xbf16>, vector<640x256xf32> -> vector<640x256xf32>
      %add3A_184 = arith.addf %dot_general3A_178, %dot_general3A_183 : vector<640x256xf32>
      %get3A_185 = arith.constant 0 : index
      %get3A_186 = arith.constant 0 : index
      %get3A_187 = vector.load %arg5[%get3A_185, %get3A_186] : memref<1x256xf32, #tpu.memory_space<vmem>>, vector<1x256xf32>
      %add3A_188 = vector.broadcast %get3A_187 : vector<1x256xf32> to vector<640x256xf32>
      %add3A_189 = arith.addf %add3A_184, %add3A_188 : vector<640x256xf32>
      %max3A = arith.constant 0.000000e+00 : f32
      %max3A_190 = vector.broadcast %max3A : f32 to vector<640x256xf32>
      %max3A_191 = arith.maximumf %add3A_189, %max3A_190 : vector<640x256xf32>
      %convert_element_type3A_192 = arith.truncf %max3A_191 : vector<640x256xf32> to vector<640x256xbf16>
      %slice3A_193 = vector.extract_strided_slice %convert_element_type3A_192 {offsets = [639, 0], sizes = [1, 256], strides = [1, 1]} : vector<640x256xbf16> to vector<1x256xbf16>
      %slice3A_194 = vector.extract_strided_slice %convert_element_type3A_192 {offsets = [0, 0], sizes = [639, 256], strides = [1, 1]} : vector<640x256xbf16> to vector<639x256xbf16>
      %concatenate3A_195 = tpu.concatenate %slice3A_193, %slice3A_194 in 0 : vector<1x256xbf16>, vector<639x256xbf16> -> vector<640x256xbf16>
      %slice3A_196 = vector.extract_strided_slice %convert_element_type3A_192 {offsets = [19, 0], sizes = [621, 256], strides = [1, 1]} : vector<640x256xbf16> to vector<621x256xbf16>
      %slice3A_197 = vector.extract_strided_slice %convert_element_type3A_192 {offsets = [0, 0], sizes = [19, 256], strides = [1, 1]} : vector<640x256xbf16> to vector<19x256xbf16>
      %concatenate3A_198 = tpu.concatenate %slice3A_196, %slice3A_197 in 0 : vector<621x256xbf16>, vector<19x256xbf16> -> vector<640x256xbf16>
      %lt3A_199 = arith.constant 1 : i32
      %lt3A_200 = vector.broadcast %lt3A_199 : i32 to vector<640x1xi32>
      %lt3A_201 = arith.cmpi slt, %select_n3A_108, %lt3A_200 : vector<640x1xi32>
      %broadcast_in_dim3A_202 = vector.shape_cast %lt3A_201 : vector<640x1xi1> to vector<640x1xi1>
      %broadcast_in_dim3A_203 = vector.broadcast %broadcast_in_dim3A_202 : vector<640x1xi1> to vector<640x256xi1>
      %select_n3A_204 = arith.select %broadcast_in_dim3A_203, %concatenate3A_198, %concatenate3A_195 : vector<640x256xi1>, vector<640x256xbf16>
      %slice3A_205 = vector.extract_strided_slice %convert_element_type3A_192 {offsets = [1, 0], sizes = [639, 256], strides = [1, 1]} : vector<640x256xbf16> to vector<639x256xbf16>
      %slice3A_206 = vector.extract_strided_slice %convert_element_type3A_192 {offsets = [0, 0], sizes = [1, 256], strides = [1, 1]} : vector<640x256xbf16> to vector<1x256xbf16>
      %concatenate3A_207 = tpu.concatenate %slice3A_205, %slice3A_206 in 0 : vector<639x256xbf16>, vector<1x256xbf16> -> vector<640x256xbf16>
      %slice3A_208 = vector.extract_strided_slice %convert_element_type3A_192 {offsets = [621, 0], sizes = [19, 256], strides = [1, 1]} : vector<640x256xbf16> to vector<19x256xbf16>
      %slice3A_209 = vector.extract_strided_slice %convert_element_type3A_192 {offsets = [0, 0], sizes = [621, 256], strides = [1, 1]} : vector<640x256xbf16> to vector<621x256xbf16>
      %concatenate3A_210 = tpu.concatenate %slice3A_208, %slice3A_209 in 0 : vector<19x256xbf16>, vector<621x256xbf16> -> vector<640x256xbf16>
      %ge3A_211 = arith.constant 19 : i32
      %ge3A_212 = vector.broadcast %ge3A_211 : i32 to vector<640x1xi32>
      %ge3A_213 = arith.cmpi sge, %select_n3A_108, %ge3A_212 : vector<640x1xi32>
      %broadcast_in_dim3A_214 = vector.shape_cast %ge3A_213 : vector<640x1xi1> to vector<640x1xi1>
      %broadcast_in_dim3A_215 = vector.broadcast %broadcast_in_dim3A_214 : vector<640x1xi1> to vector<640x256xi1>
      %select_n3A_216 = arith.select %broadcast_in_dim3A_215, %concatenate3A_210, %concatenate3A_207 : vector<640x256xi1>, vector<640x256xbf16>
      %add3A_217 = arith.addf %select_n3A_204, %select_n3A_216 : vector<640x256xbf16>
      %slice3A_218 = vector.extract_strided_slice %convert_element_type3A_192 {offsets = [638, 0], sizes = [2, 256], strides = [1, 1]} : vector<640x256xbf16> to vector<2x256xbf16>
      %slice3A_219 = vector.extract_strided_slice %convert_element_type3A_192 {offsets = [0, 0], sizes = [638, 256], strides = [1, 1]} : vector<640x256xbf16> to vector<638x256xbf16>
      %concatenate3A_220 = tpu.concatenate %slice3A_218, %slice3A_219 in 0 : vector<2x256xbf16>, vector<638x256xbf16> -> vector<640x256xbf16>
      %slice3A_221 = vector.extract_strided_slice %convert_element_type3A_192 {offsets = [18, 0], sizes = [622, 256], strides = [1, 1]} : vector<640x256xbf16> to vector<622x256xbf16>
      %slice3A_222 = vector.extract_strided_slice %convert_element_type3A_192 {offsets = [0, 0], sizes = [18, 256], strides = [1, 1]} : vector<640x256xbf16> to vector<18x256xbf16>
      %concatenate3A_223 = tpu.concatenate %slice3A_221, %slice3A_222 in 0 : vector<622x256xbf16>, vector<18x256xbf16> -> vector<640x256xbf16>
      %lt3A_224 = arith.constant 2 : i32
      %lt3A_225 = vector.broadcast %lt3A_224 : i32 to vector<640x1xi32>
      %lt3A_226 = arith.cmpi slt, %select_n3A_108, %lt3A_225 : vector<640x1xi32>
      %broadcast_in_dim3A_227 = vector.shape_cast %lt3A_226 : vector<640x1xi1> to vector<640x1xi1>
      %broadcast_in_dim3A_228 = vector.broadcast %broadcast_in_dim3A_227 : vector<640x1xi1> to vector<640x256xi1>
      %select_n3A_229 = arith.select %broadcast_in_dim3A_228, %concatenate3A_223, %concatenate3A_220 : vector<640x256xi1>, vector<640x256xbf16>
      %add3A_230 = arith.addf %add3A_217, %select_n3A_229 : vector<640x256xbf16>
      %slice3A_231 = vector.extract_strided_slice %convert_element_type3A_192 {offsets = [2, 0], sizes = [638, 256], strides = [1, 1]} : vector<640x256xbf16> to vector<638x256xbf16>
      %slice3A_232 = vector.extract_strided_slice %convert_element_type3A_192 {offsets = [0, 0], sizes = [2, 256], strides = [1, 1]} : vector<640x256xbf16> to vector<2x256xbf16>
      %concatenate3A_233 = tpu.concatenate %slice3A_231, %slice3A_232 in 0 : vector<638x256xbf16>, vector<2x256xbf16> -> vector<640x256xbf16>
      %slice3A_234 = vector.extract_strided_slice %convert_element_type3A_192 {offsets = [622, 0], sizes = [18, 256], strides = [1, 1]} : vector<640x256xbf16> to vector<18x256xbf16>
      %slice3A_235 = vector.extract_strided_slice %convert_element_type3A_192 {offsets = [0, 0], sizes = [622, 256], strides = [1, 1]} : vector<640x256xbf16> to vector<622x256xbf16>
      %concatenate3A_236 = tpu.concatenate %slice3A_234, %slice3A_235 in 0 : vector<18x256xbf16>, vector<622x256xbf16> -> vector<640x256xbf16>
      %ge3A_237 = arith.constant 18 : i32
      %ge3A_238 = vector.broadcast %ge3A_237 : i32 to vector<640x1xi32>
      %ge3A_239 = arith.cmpi sge, %select_n3A_108, %ge3A_238 : vector<640x1xi32>
      %broadcast_in_dim3A_240 = vector.shape_cast %ge3A_239 : vector<640x1xi1> to vector<640x1xi1>
      %broadcast_in_dim3A_241 = vector.broadcast %broadcast_in_dim3A_240 : vector<640x1xi1> to vector<640x256xi1>
      %select_n3A_242 = arith.select %broadcast_in_dim3A_241, %concatenate3A_236, %concatenate3A_233 : vector<640x256xi1>, vector<640x256xbf16>
      %add3A_243 = arith.addf %add3A_230, %select_n3A_242 : vector<640x256xbf16>
      %mul3A_244 = arith.constant 2.001950e-01 : bf16
      %mul3A_245 = vector.broadcast %mul3A_244 : bf16 to vector<640x256xbf16>
      %mul3A_246 = arith.mulf %add3A_243, %mul3A_245 : vector<640x256xbf16>
      %get3A_247 = arith.constant 0 : index
      %get3A_248 = arith.constant 0 : index
      %get3A_249 = vector.load %arg6[%get3A_247, %get3A_248] : memref<256x1024xbf16, #tpu.memory_space<vmem>>, vector<256x1024xbf16>
      %dot_general3A_250 = arith.constant dense<0.000000e+00> : vector<640x1024xf32>
      %dot_general3A_251 = tpu.matmul %convert_element_type3A_192, %get3A_249, %dot_general3A_250 {dimension_numbers = #tpu.dot_dimension_numbers<[1], [0], [0], [1], [0, 0, 1, 1], [], []>, transpose_lhs_hint = false} : vector<640x256xbf16>, vector<256x1024xbf16>, vector<640x1024xf32> -> vector<640x1024xf32>
      %get3A_252 = arith.constant 0 : index
      %get3A_253 = arith.constant 0 : index
      %get3A_254 = vector.load %arg7[%get3A_252, %get3A_253] : memref<256x1024xbf16, #tpu.memory_space<vmem>>, vector<256x1024xbf16>
      %dot_general3A_255 = arith.constant dense<0.000000e+00> : vector<640x1024xf32>
      %dot_general3A_256 = tpu.matmul %mul3A_246, %get3A_254, %dot_general3A_255 {dimension_numbers = #tpu.dot_dimension_numbers<[1], [0], [0], [1], [0, 0, 1, 1], [], []>, transpose_lhs_hint = false} : vector<640x256xbf16>, vector<256x1024xbf16>, vector<640x1024xf32> -> vector<640x1024xf32>
      %add3A_257 = arith.addf %dot_general3A_251, %dot_general3A_256 : vector<640x1024xf32>
      %get3A_258 = arith.constant 0 : index
      %get3A_259 = arith.constant 0 : index
      %get3A_260 = vector.load %arg8[%get3A_258, %get3A_259] : memref<1x1024xf32, #tpu.memory_space<vmem>>, vector<1x1024xf32>
      %add3A_261 = vector.broadcast %get3A_260 : vector<1x1024xf32> to vector<640x1024xf32>
      %add3A_262 = arith.addf %add3A_257, %add3A_261 : vector<640x1024xf32>
      %max3A_263 = arith.constant 0.000000e+00 : f32
      %max3A_264 = vector.broadcast %max3A_263 : f32 to vector<640x1024xf32>
      %max3A_265 = arith.maximumf %add3A_262, %max3A_264 : vector<640x1024xf32>
      %convert_element_type3A_266 = arith.truncf %max3A_265 : vector<640x1024xf32> to vector<640x1024xbf16>
      %slice3A_267 = vector.extract_strided_slice %convert_element_type3A_266 {offsets = [639, 0], sizes = [1, 1024], strides = [1, 1]} : vector<640x1024xbf16> to vector<1x1024xbf16>
      %slice3A_268 = vector.extract_strided_slice %convert_element_type3A_266 {offsets = [0, 0], sizes = [639, 1024], strides = [1, 1]} : vector<640x1024xbf16> to vector<639x1024xbf16>
      %concatenate3A_269 = tpu.concatenate %slice3A_267, %slice3A_268 in 0 : vector<1x1024xbf16>, vector<639x1024xbf16> -> vector<640x1024xbf16>
      %slice3A_270 = vector.extract_strided_slice %convert_element_type3A_266 {offsets = [19, 0], sizes = [621, 1024], strides = [1, 1]} : vector<640x1024xbf16> to vector<621x1024xbf16>
      %slice3A_271 = vector.extract_strided_slice %convert_element_type3A_266 {offsets = [0, 0], sizes = [19, 1024], strides = [1, 1]} : vector<640x1024xbf16> to vector<19x1024xbf16>
      %concatenate3A_272 = tpu.concatenate %slice3A_270, %slice3A_271 in 0 : vector<621x1024xbf16>, vector<19x1024xbf16> -> vector<640x1024xbf16>
      %lt3A_273 = arith.constant 1 : i32
      %lt3A_274 = vector.broadcast %lt3A_273 : i32 to vector<640x1xi32>
      %lt3A_275 = arith.cmpi slt, %select_n3A_108, %lt3A_274 : vector<640x1xi32>
      %broadcast_in_dim3A_276 = vector.shape_cast %lt3A_275 : vector<640x1xi1> to vector<640x1xi1>
      %broadcast_in_dim3A_277 = vector.broadcast %broadcast_in_dim3A_276 : vector<640x1xi1> to vector<640x1024xi1>
      %select_n3A_278 = arith.select %broadcast_in_dim3A_277, %concatenate3A_272, %concatenate3A_269 : vector<640x1024xi1>, vector<640x1024xbf16>
      %slice3A_279 = vector.extract_strided_slice %convert_element_type3A_266 {offsets = [1, 0], sizes = [639, 1024], strides = [1, 1]} : vector<640x1024xbf16> to vector<639x1024xbf16>
      %slice3A_280 = vector.extract_strided_slice %convert_element_type3A_266 {offsets = [0, 0], sizes = [1, 1024], strides = [1, 1]} : vector<640x1024xbf16> to vector<1x1024xbf16>
      %concatenate3A_281 = tpu.concatenate %slice3A_279, %slice3A_280 in 0 : vector<639x1024xbf16>, vector<1x1024xbf16> -> vector<640x1024xbf16>
      %slice3A_282 = vector.extract_strided_slice %convert_element_type3A_266 {offsets = [621, 0], sizes = [19, 1024], strides = [1, 1]} : vector<640x1024xbf16> to vector<19x1024xbf16>
      %slice3A_283 = vector.extract_strided_slice %convert_element_type3A_266 {offsets = [0, 0], sizes = [621, 1024], strides = [1, 1]} : vector<640x1024xbf16> to vector<621x1024xbf16>
      %concatenate3A_284 = tpu.concatenate %slice3A_282, %slice3A_283 in 0 : vector<19x1024xbf16>, vector<621x1024xbf16> -> vector<640x1024xbf16>
      %ge3A_285 = arith.constant 19 : i32
      %ge3A_286 = vector.broadcast %ge3A_285 : i32 to vector<640x1xi32>
      %ge3A_287 = arith.cmpi sge, %select_n3A_108, %ge3A_286 : vector<640x1xi32>
      %broadcast_in_dim3A_288 = vector.shape_cast %ge3A_287 : vector<640x1xi1> to vector<640x1xi1>
      %broadcast_in_dim3A_289 = vector.broadcast %broadcast_in_dim3A_288 : vector<640x1xi1> to vector<640x1024xi1>
      %select_n3A_290 = arith.select %broadcast_in_dim3A_289, %concatenate3A_284, %concatenate3A_281 : vector<640x1024xi1>, vector<640x1024xbf16>
      %add3A_291 = arith.addf %select_n3A_278, %select_n3A_290 : vector<640x1024xbf16>
      %slice3A_292 = vector.extract_strided_slice %convert_element_type3A_266 {offsets = [638, 0], sizes = [2, 1024], strides = [1, 1]} : vector<640x1024xbf16> to vector<2x1024xbf16>
      %slice3A_293 = vector.extract_strided_slice %convert_element_type3A_266 {offsets = [0, 0], sizes = [638, 1024], strides = [1, 1]} : vector<640x1024xbf16> to vector<638x1024xbf16>
      %concatenate3A_294 = tpu.concatenate %slice3A_292, %slice3A_293 in 0 : vector<2x1024xbf16>, vector<638x1024xbf16> -> vector<640x1024xbf16>
      %slice3A_295 = vector.extract_strided_slice %convert_element_type3A_266 {offsets = [18, 0], sizes = [622, 1024], strides = [1, 1]} : vector<640x1024xbf16> to vector<622x1024xbf16>
      %slice3A_296 = vector.extract_strided_slice %convert_element_type3A_266 {offsets = [0, 0], sizes = [18, 1024], strides = [1, 1]} : vector<640x1024xbf16> to vector<18x1024xbf16>
      %concatenate3A_297 = tpu.concatenate %slice3A_295, %slice3A_296 in 0 : vector<622x1024xbf16>, vector<18x1024xbf16> -> vector<640x1024xbf16>
      %lt3A_298 = arith.constant 2 : i32
      %lt3A_299 = vector.broadcast %lt3A_298 : i32 to vector<640x1xi32>
      %lt3A_300 = arith.cmpi slt, %select_n3A_108, %lt3A_299 : vector<640x1xi32>
      %broadcast_in_dim3A_301 = vector.shape_cast %lt3A_300 : vector<640x1xi1> to vector<640x1xi1>
      %broadcast_in_dim3A_302 = vector.broadcast %broadcast_in_dim3A_301 : vector<640x1xi1> to vector<640x1024xi1>
      %select_n3A_303 = arith.select %broadcast_in_dim3A_302, %concatenate3A_297, %concatenate3A_294 : vector<640x1024xi1>, vector<640x1024xbf16>
      %add3A_304 = arith.addf %add3A_291, %select_n3A_303 : vector<640x1024xbf16>
      %slice3A_305 = vector.extract_strided_slice %convert_element_type3A_266 {offsets = [2, 0], sizes = [638, 1024], strides = [1, 1]} : vector<640x1024xbf16> to vector<638x1024xbf16>
      %slice3A_306 = vector.extract_strided_slice %convert_element_type3A_266 {offsets = [0, 0], sizes = [2, 1024], strides = [1, 1]} : vector<640x1024xbf16> to vector<2x1024xbf16>
      %concatenate3A_307 = tpu.concatenate %slice3A_305, %slice3A_306 in 0 : vector<638x1024xbf16>, vector<2x1024xbf16> -> vector<640x1024xbf16>
      %slice3A_308 = vector.extract_strided_slice %convert_element_type3A_266 {offsets = [622, 0], sizes = [18, 1024], strides = [1, 1]} : vector<640x1024xbf16> to vector<18x1024xbf16>
      %slice3A_309 = vector.extract_strided_slice %convert_element_type3A_266 {offsets = [0, 0], sizes = [622, 1024], strides = [1, 1]} : vector<640x1024xbf16> to vector<622x1024xbf16>
      %concatenate3A_310 = tpu.concatenate %slice3A_308, %slice3A_309 in 0 : vector<18x1024xbf16>, vector<622x1024xbf16> -> vector<640x1024xbf16>
      %ge3A_311 = arith.constant 18 : i32
      %ge3A_312 = vector.broadcast %ge3A_311 : i32 to vector<640x1xi32>
      %ge3A_313 = arith.cmpi sge, %select_n3A_108, %ge3A_312 : vector<640x1xi32>
      %broadcast_in_dim3A_314 = vector.shape_cast %ge3A_313 : vector<640x1xi1> to vector<640x1xi1>
      %broadcast_in_dim3A_315 = vector.broadcast %broadcast_in_dim3A_314 : vector<640x1xi1> to vector<640x1024xi1>
      %select_n3A_316 = arith.select %broadcast_in_dim3A_315, %concatenate3A_310, %concatenate3A_307 : vector<640x1024xi1>, vector<640x1024xbf16>
      %add3A_317 = arith.addf %add3A_304, %select_n3A_316 : vector<640x1024xbf16>
      %mul3A_318 = arith.constant 2.001950e-01 : bf16
      %mul3A_319 = vector.broadcast %mul3A_318 : bf16 to vector<640x1024xbf16>
      %mul3A_320 = arith.mulf %add3A_317, %mul3A_319 : vector<640x1024xbf16>
      %get3A_321 = arith.constant 0 : index
      %get3A_322 = arith.constant 0 : index
      %get3A_323 = vector.load %arg9[%get3A_321, %get3A_322] : memref<1024x512xbf16, #tpu.memory_space<vmem>>, vector<1024x512xbf16>
      %dot_general3A_324 = arith.constant dense<0.000000e+00> : vector<640x512xf32>
      %dot_general3A_325 = tpu.matmul %convert_element_type3A_266, %get3A_323, %dot_general3A_324 {dimension_numbers = #tpu.dot_dimension_numbers<[1], [0], [0], [1], [0, 0, 1, 1], [], []>, transpose_lhs_hint = false} : vector<640x1024xbf16>, vector<1024x512xbf16>, vector<640x512xf32> -> vector<640x512xf32>
      %get3A_326 = arith.constant 0 : index
      %get3A_327 = arith.constant 0 : index
      %get3A_328 = vector.load %arg10[%get3A_326, %get3A_327] : memref<1024x512xbf16, #tpu.memory_space<vmem>>, vector<1024x512xbf16>
      %dot_general3A_329 = arith.constant dense<0.000000e+00> : vector<640x512xf32>
      %dot_general3A_330 = tpu.matmul %mul3A_320, %get3A_328, %dot_general3A_329 {dimension_numbers = #tpu.dot_dimension_numbers<[1], [0], [0], [1], [0, 0, 1, 1], [], []>, transpose_lhs_hint = false} : vector<640x1024xbf16>, vector<1024x512xbf16>, vector<640x512xf32> -> vector<640x512xf32>
      %add3A_331 = arith.addf %dot_general3A_325, %dot_general3A_330 : vector<640x512xf32>
      %get3A_332 = arith.constant 0 : index
      %get3A_333 = arith.constant 0 : index
      %get3A_334 = vector.load %arg11[%get3A_332, %get3A_333] : memref<1x512xf32, #tpu.memory_space<vmem>>, vector<1x512xf32>
      %add3A_335 = vector.broadcast %get3A_334 : vector<1x512xf32> to vector<640x512xf32>
      %add3A_336 = arith.addf %add3A_331, %add3A_335 : vector<640x512xf32>
      %max3A_337 = arith.constant 0.000000e+00 : f32
      %max3A_338 = vector.broadcast %max3A_337 : f32 to vector<640x512xf32>
      %max3A_339 = arith.maximumf %add3A_336, %max3A_338 : vector<640x512xf32>
      %convert_element_type3A_340 = arith.truncf %max3A_339 : vector<640x512xf32> to vector<640x512xbf16>
      %slice3A_341 = vector.extract_strided_slice %convert_element_type3A_340 {offsets = [639, 0], sizes = [1, 512], strides = [1, 1]} : vector<640x512xbf16> to vector<1x512xbf16>
      %slice3A_342 = vector.extract_strided_slice %convert_element_type3A_340 {offsets = [0, 0], sizes = [639, 512], strides = [1, 1]} : vector<640x512xbf16> to vector<639x512xbf16>
      %concatenate3A_343 = tpu.concatenate %slice3A_341, %slice3A_342 in 0 : vector<1x512xbf16>, vector<639x512xbf16> -> vector<640x512xbf16>
      %slice3A_344 = vector.extract_strided_slice %convert_element_type3A_340 {offsets = [19, 0], sizes = [621, 512], strides = [1, 1]} : vector<640x512xbf16> to vector<621x512xbf16>
      %slice3A_345 = vector.extract_strided_slice %convert_element_type3A_340 {offsets = [0, 0], sizes = [19, 512], strides = [1, 1]} : vector<640x512xbf16> to vector<19x512xbf16>
      %concatenate3A_346 = tpu.concatenate %slice3A_344, %slice3A_345 in 0 : vector<621x512xbf16>, vector<19x512xbf16> -> vector<640x512xbf16>
      %lt3A_347 = arith.constant 1 : i32
      %lt3A_348 = vector.broadcast %lt3A_347 : i32 to vector<640x1xi32>
      %lt3A_349 = arith.cmpi slt, %select_n3A_108, %lt3A_348 : vector<640x1xi32>
      %broadcast_in_dim3A_350 = vector.shape_cast %lt3A_349 : vector<640x1xi1> to vector<640x1xi1>
      %broadcast_in_dim3A_351 = vector.broadcast %broadcast_in_dim3A_350 : vector<640x1xi1> to vector<640x512xi1>
      %select_n3A_352 = arith.select %broadcast_in_dim3A_351, %concatenate3A_346, %concatenate3A_343 : vector<640x512xi1>, vector<640x512xbf16>
      %slice3A_353 = vector.extract_strided_slice %convert_element_type3A_340 {offsets = [1, 0], sizes = [639, 512], strides = [1, 1]} : vector<640x512xbf16> to vector<639x512xbf16>
      %slice3A_354 = vector.extract_strided_slice %convert_element_type3A_340 {offsets = [0, 0], sizes = [1, 512], strides = [1, 1]} : vector<640x512xbf16> to vector<1x512xbf16>
      %concatenate3A_355 = tpu.concatenate %slice3A_353, %slice3A_354 in 0 : vector<639x512xbf16>, vector<1x512xbf16> -> vector<640x512xbf16>
      %slice3A_356 = vector.extract_strided_slice %convert_element_type3A_340 {offsets = [621, 0], sizes = [19, 512], strides = [1, 1]} : vector<640x512xbf16> to vector<19x512xbf16>
      %slice3A_357 = vector.extract_strided_slice %convert_element_type3A_340 {offsets = [0, 0], sizes = [621, 512], strides = [1, 1]} : vector<640x512xbf16> to vector<621x512xbf16>
      %concatenate3A_358 = tpu.concatenate %slice3A_356, %slice3A_357 in 0 : vector<19x512xbf16>, vector<621x512xbf16> -> vector<640x512xbf16>
      %ge3A_359 = arith.constant 19 : i32
      %ge3A_360 = vector.broadcast %ge3A_359 : i32 to vector<640x1xi32>
      %ge3A_361 = arith.cmpi sge, %select_n3A_108, %ge3A_360 : vector<640x1xi32>
      %broadcast_in_dim3A_362 = vector.shape_cast %ge3A_361 : vector<640x1xi1> to vector<640x1xi1>
      %broadcast_in_dim3A_363 = vector.broadcast %broadcast_in_dim3A_362 : vector<640x1xi1> to vector<640x512xi1>
      %select_n3A_364 = arith.select %broadcast_in_dim3A_363, %concatenate3A_358, %concatenate3A_355 : vector<640x512xi1>, vector<640x512xbf16>
      %add3A_365 = arith.addf %select_n3A_352, %select_n3A_364 : vector<640x512xbf16>
      %slice3A_366 = vector.extract_strided_slice %convert_element_type3A_340 {offsets = [638, 0], sizes = [2, 512], strides = [1, 1]} : vector<640x512xbf16> to vector<2x512xbf16>
      %slice3A_367 = vector.extract_strided_slice %convert_element_type3A_340 {offsets = [0, 0], sizes = [638, 512], strides = [1, 1]} : vector<640x512xbf16> to vector<638x512xbf16>
      %concatenate3A_368 = tpu.concatenate %slice3A_366, %slice3A_367 in 0 : vector<2x512xbf16>, vector<638x512xbf16> -> vector<640x512xbf16>
      %slice3A_369 = vector.extract_strided_slice %convert_element_type3A_340 {offsets = [18, 0], sizes = [622, 512], strides = [1, 1]} : vector<640x512xbf16> to vector<622x512xbf16>
      %slice3A_370 = vector.extract_strided_slice %convert_element_type3A_340 {offsets = [0, 0], sizes = [18, 512], strides = [1, 1]} : vector<640x512xbf16> to vector<18x512xbf16>
      %concatenate3A_371 = tpu.concatenate %slice3A_369, %slice3A_370 in 0 : vector<622x512xbf16>, vector<18x512xbf16> -> vector<640x512xbf16>
      %lt3A_372 = arith.constant 2 : i32
      %lt3A_373 = vector.broadcast %lt3A_372 : i32 to vector<640x1xi32>
      %lt3A_374 = arith.cmpi slt, %select_n3A_108, %lt3A_373 : vector<640x1xi32>
      %broadcast_in_dim3A_375 = vector.shape_cast %lt3A_374 : vector<640x1xi1> to vector<640x1xi1>
      %broadcast_in_dim3A_376 = vector.broadcast %broadcast_in_dim3A_375 : vector<640x1xi1> to vector<640x512xi1>
      %select_n3A_377 = arith.select %broadcast_in_dim3A_376, %concatenate3A_371, %concatenate3A_368 : vector<640x512xi1>, vector<640x512xbf16>
      %add3A_378 = arith.addf %add3A_365, %select_n3A_377 : vector<640x512xbf16>
      %slice3A_379 = vector.extract_strided_slice %convert_element_type3A_340 {offsets = [2, 0], sizes = [638, 512], strides = [1, 1]} : vector<640x512xbf16> to vector<638x512xbf16>
      %slice3A_380 = vector.extract_strided_slice %convert_element_type3A_340 {offsets = [0, 0], sizes = [2, 512], strides = [1, 1]} : vector<640x512xbf16> to vector<2x512xbf16>
      %concatenate3A_381 = tpu.concatenate %slice3A_379, %slice3A_380 in 0 : vector<638x512xbf16>, vector<2x512xbf16> -> vector<640x512xbf16>
      %slice3A_382 = vector.extract_strided_slice %convert_element_type3A_340 {offsets = [622, 0], sizes = [18, 512], strides = [1, 1]} : vector<640x512xbf16> to vector<18x512xbf16>
      %slice3A_383 = vector.extract_strided_slice %convert_element_type3A_340 {offsets = [0, 0], sizes = [622, 512], strides = [1, 1]} : vector<640x512xbf16> to vector<622x512xbf16>
      %concatenate3A_384 = tpu.concatenate %slice3A_382, %slice3A_383 in 0 : vector<18x512xbf16>, vector<622x512xbf16> -> vector<640x512xbf16>
      %ge3A_385 = arith.constant 18 : i32
      %ge3A_386 = vector.broadcast %ge3A_385 : i32 to vector<640x1xi32>
      %ge3A_387 = arith.cmpi sge, %select_n3A_108, %ge3A_386 : vector<640x1xi32>
      %broadcast_in_dim3A_388 = vector.shape_cast %ge3A_387 : vector<640x1xi1> to vector<640x1xi1>
      %broadcast_in_dim3A_389 = vector.broadcast %broadcast_in_dim3A_388 : vector<640x1xi1> to vector<640x512xi1>
      %select_n3A_390 = arith.select %broadcast_in_dim3A_389, %concatenate3A_384, %concatenate3A_381 : vector<640x512xi1>, vector<640x512xbf16>
      %add3A_391 = arith.addf %add3A_378, %select_n3A_390 : vector<640x512xbf16>
      %mul3A_392 = arith.constant 2.001950e-01 : bf16
      %mul3A_393 = vector.broadcast %mul3A_392 : bf16 to vector<640x512xbf16>
      %mul3A_394 = arith.mulf %add3A_391, %mul3A_393 : vector<640x512xbf16>
      %get3A_395 = arith.constant 0 : index
      %get3A_396 = arith.constant 0 : index
      %get3A_397 = vector.load %arg12[%get3A_395, %get3A_396] : memref<512x128xbf16, #tpu.memory_space<vmem>>, vector<512x128xbf16>
      %dot_general3A_398 = arith.constant dense<0.000000e+00> : vector<640x128xf32>
      %dot_general3A_399 = tpu.matmul %convert_element_type3A_340, %get3A_397, %dot_general3A_398 {dimension_numbers = #tpu.dot_dimension_numbers<[1], [0], [0], [1], [0, 0, 1, 1], [], []>, transpose_lhs_hint = false} : vector<640x512xbf16>, vector<512x128xbf16>, vector<640x128xf32> -> vector<640x128xf32>
      %get3A_400 = arith.constant 0 : index
      %get3A_401 = arith.constant 0 : index
      %get3A_402 = vector.load %arg13[%get3A_400, %get3A_401] : memref<512x128xbf16, #tpu.memory_space<vmem>>, vector<512x128xbf16>
      %dot_general3A_403 = arith.constant dense<0.000000e+00> : vector<640x128xf32>
      %dot_general3A_404 = tpu.matmul %mul3A_394, %get3A_402, %dot_general3A_403 {dimension_numbers = #tpu.dot_dimension_numbers<[1], [0], [0], [1], [0, 0, 1, 1], [], []>, transpose_lhs_hint = false} : vector<640x512xbf16>, vector<512x128xbf16>, vector<640x128xf32> -> vector<640x128xf32>
      %add3A_405 = arith.addf %dot_general3A_399, %dot_general3A_404 : vector<640x128xf32>
      %get3A_406 = arith.constant 0 : index
      %get3A_407 = arith.constant 0 : index
      %get3A_408 = vector.load %arg14[%get3A_406, %get3A_407] : memref<1x128xf32, #tpu.memory_space<vmem>>, vector<1x128xf32>
      %add3A_409 = vector.broadcast %get3A_408 : vector<1x128xf32> to vector<640x128xf32>
      %add3A_410 = arith.addf %add3A_405, %add3A_409 : vector<640x128xf32>
      %max3A_411 = arith.constant 0.000000e+00 : f32
      %max3A_412 = vector.broadcast %max3A_411 : f32 to vector<640x128xf32>
      %max3A_413 = arith.maximumf %add3A_410, %max3A_412 : vector<640x128xf32>
      %convert_element_type3A_414 = arith.truncf %max3A_413 : vector<640x128xf32> to vector<640x128xbf16>
      %get3A_415 = arith.constant 0 : index
      %get3A_416 = arith.constant 0 : index
      %get3A_417 = vector.load %arg15[%get3A_415, %get3A_416] : memref<128x128xbf16, #tpu.memory_space<vmem>>, vector<128x128xbf16>
      %dot_general3A_418 = arith.constant dense<0.000000e+00> : vector<640x128xf32>
      %dot_general3A_419 = tpu.matmul %convert_element_type3A_414, %get3A_417, %dot_general3A_418 {dimension_numbers = #tpu.dot_dimension_numbers<[1], [0], [0], [1], [0, 0, 1, 1], [], []>, transpose_lhs_hint = false} : vector<640x128xbf16>, vector<128x128xbf16>, vector<640x128xf32> -> vector<640x128xf32>
      %get3A_420 = arith.constant 0 : index
      %get3A_421 = arith.constant 0 : index
      %get3A_422 = vector.load %arg16[%get3A_420, %get3A_421] : memref<1x128xf32, #tpu.memory_space<vmem>>, vector<1x128xf32>
      %add3A_423 = vector.broadcast %get3A_422 : vector<1x128xf32> to vector<640x128xf32>
      %add3A_424 = arith.addf %dot_general3A_419, %add3A_423 : vector<640x128xf32>
      %max3A_425 = arith.constant 0.000000e+00 : f32
      %max3A_426 = vector.broadcast %max3A_425 : f32 to vector<640x128xf32>
      %max3A_427 = arith.maximumf %add3A_424, %max3A_426 : vector<640x128xf32>
      %convert_element_type3A_428 = arith.truncf %max3A_427 : vector<640x128xf32> to vector<640x128xbf16>
      %get3A_429 = arith.constant 0 : index
      %get3A_430 = arith.constant 0 : index
      %get3A_431 = vector.load %arg17[%get3A_429, %get3A_430] : memref<128x128xbf16, #tpu.memory_space<vmem>>, vector<128x128xbf16>
      %dot_general3A_432 = arith.constant dense<0.000000e+00> : vector<640x128xf32>
      %dot_general3A_433 = tpu.matmul %convert_element_type3A_428, %get3A_431, %dot_general3A_432 {dimension_numbers = #tpu.dot_dimension_numbers<[1], [0], [0], [1], [0, 0, 1, 1], [], []>, transpose_lhs_hint = false} : vector<640x128xbf16>, vector<128x128xbf16>, vector<640x128xf32> -> vector<640x128xf32>
      %get3A_434 = arith.constant 0 : index
      %get3A_435 = arith.constant 0 : index
      %get3A_436 = vector.load %arg18[%get3A_434, %get3A_435] : memref<1x128xf32, #tpu.memory_space<vmem>>, vector<1x128xf32>
      %add3A_437 = vector.broadcast %get3A_436 : vector<1x128xf32> to vector<640x128xf32>
      %add3A_438 = arith.addf %dot_general3A_433, %add3A_437 : vector<640x128xf32>
      %max3A_439 = arith.constant 0.000000e+00 : f32
      %max3A_440 = vector.broadcast %max3A_439 : f32 to vector<640x128xf32>
      %max3A_441 = arith.maximumf %add3A_438, %max3A_440 : vector<640x128xf32>
      %convert_element_type3A_442 = arith.truncf %max3A_441 : vector<640x128xf32> to vector<640x128xbf16>
      %get3A_443 = arith.constant 0 : index
      %get3A_444 = arith.constant 0 : index
      %get3A_445 = vector.load %arg19[%get3A_443, %get3A_444] : memref<128x2xbf16, #tpu.memory_space<vmem>>, vector<128x2xbf16>
      %dot_general3A_446 = arith.constant dense<0.000000e+00> : vector<640x2xf32>
      %dot_general3A_447 = tpu.matmul %convert_element_type3A_442, %get3A_445, %dot_general3A_446 {dimension_numbers = #tpu.dot_dimension_numbers<[1], [0], [0], [1], [0, 0, 1, 1], [], []>, transpose_lhs_hint = false} : vector<640x128xbf16>, vector<128x2xbf16>, vector<640x2xf32> -> vector<640x2xf32>
      %get3A_448 = arith.constant 0 : index
      %get3A_449 = arith.constant 0 : index
      %get3A_450 = vector.load %arg20[%get3A_448, %get3A_449] : memref<1x2xf32, #tpu.memory_space<vmem>>, vector<1x2xf32>
      %add3A_451 = vector.broadcast %get3A_450 : vector<1x2xf32> to vector<640x2xf32>
      %add3A_452 = arith.addf %dot_general3A_447, %add3A_451 : vector<640x2xf32>
      %get3A_453 = arith.index_cast %multiple_of3A : i32 to index
      %get3A_454 = vector.load %arg1[%get3A_453] : memref<5120xf32, #tpu.memory_space<vmem>>, vector<640xf32>
      %broadcast_in_dim3A_455 = vector.shape_cast %get3A_454 : vector<640xf32> to vector<640x1xf32>
      %get3A_456 = arith.index_cast %multiple_of3A : i32 to index
      %get3A_457 = vector.load %arg2[%get3A_456] : memref<5120xf32, #tpu.memory_space<vmem>>, vector<640xf32>
      %broadcast_in_dim3A_458 = vector.shape_cast %get3A_457 : vector<640xf32> to vector<640x1xf32>
      %concatenate3A_459 = tpu.concatenate %broadcast_in_dim3A_455, %broadcast_in_dim3A_458 in 1 : vector<640x1xf32>, vector<640x1xf32> -> vector<640x2xf32>
      %jit3A_460 = arith.constant -1.600000e+01 : f32
      %jit3A_461 = arith.constant 1.600000e+01 : f32
      %max3A_462 = vector.broadcast %jit3A_460 : f32 to vector<640x2xf32>
      %max3A_463 = arith.maximumf %max3A_462, %add3A_452 : vector<640x2xf32>
      %min3A = vector.broadcast %jit3A_461 : f32 to vector<640x2xf32>
      %min3A_464 = arith.minimumf %min3A, %max3A_463 : vector<640x2xf32>
      %add3A_465 = arith.addf %concatenate3A_459, %min3A_464 : vector<640x2xf32>
      %jit3A_466 = arith.constant 0.000000e+00 : f32
      %jit3A_467 = arith.constant 2.550000e+02 : f32
      %max3A_468 = vector.broadcast %jit3A_466 : f32 to vector<640x2xf32>
      %max3A_469 = arith.maximumf %max3A_468, %add3A_465 : vector<640x2xf32>
      %min3A_470 = vector.broadcast %jit3A_467 : f32 to vector<640x2xf32>
      %min3A_471 = arith.minimumf %min3A_470, %max3A_469 : vector<640x2xf32>
      %reshape3A = vector.shape_cast %min3A_471 : vector<640x2xf32> to vector<32x20x2xf32>
      %jit3A_472 = arith.constant 20 : i32
      %div3A = arith.divsi %multiple_of3A, %jit3A_472 : i32
      %sign3A = arith.constant 0 : i32
      %sign3A_473 = arith.cmpi sgt, %multiple_of3A, %sign3A : i32
      %sign3A_474 = arith.extui %sign3A_473 : i1 to i32
      %sign3A_475 = arith.constant 0 : i32
      %sign3A_476 = arith.cmpi slt, %multiple_of3A, %sign3A_475 : i32
      %sign3A_477 = arith.extui %sign3A_476 : i1 to i32
      %sign3A_478 = arith.subi %sign3A_474, %sign3A_477 : i32
      %sign3A_479 = arith.constant 0 : i32
      %sign3A_480 = arith.cmpi sgt, %jit3A_472, %sign3A_479 : i32
      %sign3A_481 = arith.extui %sign3A_480 : i1 to i32
      %sign3A_482 = arith.constant 0 : i32
      %sign3A_483 = arith.cmpi slt, %jit3A_472, %sign3A_482 : i32
      %sign3A_484 = arith.extui %sign3A_483 : i1 to i32
      %sign3A_485 = arith.subi %sign3A_481, %sign3A_484 : i32
      %ne3A_486 = arith.cmpi ne, %sign3A_478, %sign3A_485 : i32
      %rem3A_487 = arith.remsi %multiple_of3A, %jit3A_472 : i32
      %ne3A_488 = arith.constant 0 : i32
      %ne3A_489 = arith.cmpi ne, %rem3A_487, %ne3A_488 : i32
      %and3A_490 = arith.andi %ne3A_486, %ne3A_489 : i1
      %sub3A_491 = arith.constant 1 : i32
      %sub3A_492 = arith.subi %div3A, %sub3A_491 : i32
      %select_n3A_493 = arith.select %and3A_490, %sub3A_492, %div3A : i32
      %swap3A_494 = arith.index_cast %select_n3A_493 : i32 to index
      %swap3A_495 = arith.constant 0 : index
      %swap3A_496 = arith.constant 0 : index
      %swap3A_497 = vector.load %arg21[%swap3A_494, %swap3A_495, %swap3A_496] : memref<256x20x2xf32, #tpu.memory_space<vmem>>, vector<32x20x2xf32>
      tpu.vector_store %arg21[%swap3A_494, %swap3A_495, %swap3A_496], %reshape3A {strides = array<i32>} : memref<256x20x2xf32, #tpu.memory_space<vmem>>, vector<32x20x2xf32>,
      %slice3A_498 = vector.extract_strided_slice %min3A_471 {offsets = [0, 0], sizes = [640, 1], strides = [1, 1]} : vector<640x2xf32> to vector<640x1xf32>
      %squeeze3A = vector.shape_cast %slice3A_498 : vector<640x1xf32> to vector<640xf32>
      %swap3A_499 = arith.index_cast %multiple_of3A : i32 to index
      %swap3A_500 = vector.load %arg22[%swap3A_499] : memref<5120xf32, #tpu.memory_space<vmem>>, vector<640xf32>
      tpu.vector_store %arg22[%swap3A_499], %squeeze3A {strides = array<i32>} : memref<5120xf32, #tpu.memory_space<vmem>>, vector<640xf32>,
      %slice3A_501 = vector.extract_strided_slice %min3A_471 {offsets = [0, 1], sizes = [640, 1], strides = [1, 1]} : vector<640x2xf32> to vector<640x1xf32>
      %squeeze3A_502 = vector.shape_cast %slice3A_501 : vector<640x1xf32> to vector<640xf32>
      %swap3A_503 = arith.index_cast %multiple_of3A : i32 to index
      %swap3A_504 = vector.load %arg23[%swap3A_503] : memref<5120xf32, #tpu.memory_space<vmem>>, vector<640xf32>
      tpu.vector_store %arg23[%swap3A_503], %squeeze3A_502 {strides = array<i32>} : memref<5120xf32, #tpu.memory_space<vmem>>, vector<640xf32>,
    }
    %scan3A_112 = arith.constant 8 : i32
    return
  }
}

</mosaic_0001>

<sc_bundles>
// kernel: kernel.11.cloned.1.call-start
scs
__scs_entry_jumppad:
0x0: {  	(pc) =	sbr.rel $0x88, $3  }
0x1: {  	(tag) =	ssettag $0x0;
	lr =	simm.s32 $0x1  }
0x2: {  	[smem:$0x3F75] =	sst lr;
	_ =	strace $0xD0000000  }
0x3: {  	_ = 	snop  }
0x4: {  	_ = 	snop  }
0x5: {  	_ = 	snop  }
0x6: {  	_ = 	snop  }
0x7: {  	_ = 	snop  }
__scs_overlays_trampoline_lowered:
0x8: {  	[smem:$0x3F84] =	sst s0  }
0x9: {  	[smem:$0x3F85] =	sst s1  }
0xa: {  	[smem:$0x3F86] =	sst s2  }
0xb: {  	[smem:$0x3F87] =	sst s3  }
0xc: {  	[smem:$0x3F88] =	sst s4  }
0xd: {  	[smem:$0x3F89] =	sst s5  }
0xe: {  	[smem:$0x3F8A] =	sst s6  }
0xf: {  	[smem:$0x3F8B] =	sst s7  }
0x10: {  	[smem:$0x3F8C] =	sst s8  }
0x11: {  	[smem:$0x3F8D] =	sst s9;
	s0 =	simm.s32 @!p0 $0x0  }
0x12: {  	s1 =	sld [smem:$0x3F73];
	s0 =	simm.s32 @p0 $0x1  }
0x13: {  	[smem:$0x3F8E] =	sst s0;
	s0 =	simm.s32 @!p1 $0x0  }
0x14: {  	s2 =	sld [smem:$0x3F72];
	s0 =	simm.s32 @p1 $0x1  }
0x15: {  	[smem:$0x3F8F] =	sst s0;
	s0 =	simm.s32 @!p2 $0x0  }
0x16: {  	s3 =	sld [smem:$0x3FDB];
	s0 =	simm.s32 @p2 $0x1  }
0x17: {  	s4 =	simm.s32 $0x1BF5;
	[smem:$0x3F91] =	sst s0  }
0x18: {  	s0 =	sld [smem:$0x3F74];
	_ =	swait.ge [sflag:s4], $0x0  }
0x19: {  	s7 =	sld [smem:$0x3F75]  }
0x1a: {  	s8 =	sadd.s32 $0xFFFFE003, lr  }
0x1b: {  	s9 =	sadd.s32 $0xFFFFFEF7, lr;
	s5 =	simm.s32 $0xFFFFFFFF;
	p2 =	slt.u32 s8, $0xFFFFF086  }
0x1c: {  	p1 =	slt.u32 s9, $0xF7A;
	s5 =	simm.s32 @!p2 $0x0  }
0x1d: {  	s5 =	simm.s32 @p1 $0x1;
	p0 =	seq.s32 s7, s2  }
0x1e: {  	s7 =	smul.u32 @!p0 $0xF7A, s2;
	p2 =	seq.s32 @!p0 s5, $0x0  }
0x1f: {  	s9 =	smul.u32 $0xF7A, s1;
	s8 =	simm.s32 @!p0 $0x1BF5;
	p2 =	por !p2, p0  }
0x20: {  	[sflag:s8] =	ssyncset.s32 @!p0 $0xFFFFF086;
	s6 =	sadd.s32 @!p0 s3, s7;
	s7 =	simm.s32 @!p0 $0x108  }
0x21: {  	s3 =	sadd.s32 s3, s9;
	s6 =	sadd.s32 @!p0 $0x88, s6;
	s7 =	simm.s32 @p2 $0x1082  }
0x22: {  	[simem:s7], [sflag:s8] =	dma.local @!p0 [hbm:s6], $0xF7A  }
0x23: {  	s9 =	sor.u32 $0xD0000000, s2;
	s6 =	simm.s32 $0x108;
	_ =	swait.ge @!p0 [sflag:s8], $0x0  }
0x24: {  	s3 =	sadd.s32 $0x88, s3;
	s6 =	simm.s32 @!p1 $0x1082;
	[sflag:s4] =	ssyncset.s32 $0xFFFFF086  }
0x25: {  	[simem:s6], [sflag:s4] =	dma.local [hbm:s3], $0xF7A  }
0x26: {  	[smem:$0x3F75] =	sst s1;
	(tag) =	ssettag s2;
	_ =	strace s9  }
0x27: {  	s1 =	sld [smem:$0x3F85]  }
0x28: {  	s2 =	sld [smem:$0x3F86]  }
0x29: {  	s4 =	sld [smem:$0x3F88]  }
0x2a: {  	p0 =	seq.s32 s5, $0x0;
	s5 =	sld [smem:$0x3F89]  }
0x2b: {  	s6 =	sld [smem:$0x3F8A]  }
0x2c: {  	s7 =	sld [smem:$0x3F8B]  }
0x2d: {  	s3 =	simm.s32 $0x108;
	s8 =	sld [smem:$0x3F8C]  }
0x2e: {  	s3 =	simm.s32 @!p0 $0x1082;
	s9 =	sld [smem:$0x3F8D]  }
0x2f: {  	lr =	sadd.s32 s0, s3;
	s0 =	sld [smem:$0x3F84]  }
0x30: {  	s3 =	sld [smem:$0x3F87]  }
0x31: {  	[smem:$0x3F90] =	sst s10  }
0x32: {  	s10 =	sld [smem:$0x3F8E];
	_ =	sdelay $0x3  }
0x33: {  	p0 =	seq.s32 s10, $0x1;
	s10 =	sld [smem:$0x3F90];
	_ =	sdelay $0x3  }
0x34: {  	[smem:$0x3F90] =	sst s10  }
0x35: {  	s10 =	sld [smem:$0x3F8F];
	_ =	sdelay $0x3  }
0x36: {  	p1 =	seq.s32 s10, $0x1;
	s10 =	sld [smem:$0x3F90];
	_ =	sdelay $0x3  }
0x37: {  	[smem:$0x3F90] =	sst s10  }
0x38: {  	s10 =	sld [smem:$0x3F91]  }
0x39: {  	_ = 	snop;
	(pc) =	sbr.ind lr, $3  }
0x3a: {  	_ = 	snop  }
0x3b: {  	_ = 	snop  }
0x3c: {  	p2 =	seq.s32 s10, $0x1;
	s10 =	sld [smem:$0x3F90]  }
0x3d: {  	_ =	shalt  }
0x3e: {  	_ =	shalt  }
0x3f: {  	_ =	shalt  }
0x40: {  	_ =	shalt  }
0x41: {  	_ =	shalt  }
0x42: {  	_ =	shalt  }
0x43: {  	_ =	shalt  }
0x44: {  	_ =	shalt  }
0x45: {  	_ =	shalt  }
0x46: {  	_ =	shalt  }
0x47: {  	_ =	shalt  }
0x48: {  	_ =	shalt  }
0x49: {  	_ =	shalt  }
0x4a: {  	_ =	shalt  }
0x4b: {  	_ =	shalt  }
0x4c: {  	_ =	shalt  }
0x4d: {  	_ =	shalt  }
0x4e: {  	_ =	shalt  }
0x4f: {  	_ =	shalt  }
0x50: {  	_ =	shalt  }
0x51: {  	_ =	shalt  }
0x52: {  	_ =	shalt  }
0x53: {  	_ =	shalt  }
0x54: {  	_ =	shalt  }
0x55: {  	_ =	shalt  }
0x56: {  	_ =	shalt  }
0x57: {  	_ =	shalt  }
0x58: {  	_ =	shalt  }
0x59: {  	_ =	shalt  }
0x5a: {  	_ =	shalt  }
0x5b: {  	_ =	shalt  }
0x5c: {  	_ =	shalt  }
0x5d: {  	_ =	shalt  }
0x5e: {  	_ =	shalt  }
0x5f: {  	_ =	shalt  }
0x60: {  	_ =	shalt  }
0x61: {  	_ =	shalt  }
0x62: {  	_ =	shalt  }
0x63: {  	_ =	shalt  }
0x64: {  	_ =	shalt  }
0x65: {  	_ =	shalt  }
0x66: {  	_ =	shalt  }
0x67: {  	_ =	shalt  }
0x68: {  	_ =	shalt  }
0x69: {  	_ =	shalt  }
0x6a: {  	_ =	shalt  }
0x6b: {  	_ =	shalt  }
0x6c: {  	_ =	shalt  }
0x6d: {  	_ =	shalt  }
0x6e: {  	_ =	shalt  }
0x6f: {  	_ =	shalt  }
0x70: {  	_ =	shalt  }
0x71: {  	_ =	shalt  }
0x72: {  	_ =	shalt  }
0x73: {  	_ =	shalt  }
0x74: {  	_ =	shalt  }
0x75: {  	_ =	shalt  }
0x76: {  	_ =	shalt  }
0x77: {  	_ =	shalt  }
0x78: {  	_ =	shalt  }
0x79: {  	_ =	shalt  }
0x7a: {  	_ =	shalt  }
0x7b: {  	_ =	shalt  }
0x7c: {  	_ =	shalt  }
0x7d: {  	_ =	shalt  }
0x7e: {  	_ =	shalt  }
0x7f: {  	_ =	shalt  }
0x80: {  	_ =	shalt  }
0x81: {  	_ =	shalt  }
0x82: {  	_ =	shalt  }
0x83: {  	_ =	shalt  }
0x84: {  	_ =	shalt  }
0x85: {  	_ =	shalt  }
0x86: {  	_ =	shalt  }
0x87: {  	_ =	shalt  }
.Lfunc_end0:
.L_simem_size_0:
called_computation.2_lowered:
.L_overlay_start_0:
0x88: {  	s2 =	sld [smem:$0x3FD9]  }
0x89: {  	s3 =	sld [smem:$0x3FFE];
	_ =	sdelay $0x1  }
0x8a: {  	s1 =	srdreg.scid  }
0x8b: {  	s0 =	sand.u32 $0x1, s1  }
0x8c: {  	s14 =	sshll.u32 s0, $0xA;
	s2 =	sadd.s32 s3, s2  }
0x8d: {  	s2 =	sadd.s32 s2, s14  }
0x8e: {  	[smem:$0x3F9C] =	sst s2  }
0x8f: {  	_ = 	snop  }
0x90: {  	s2 =	sld [smem:$0x3FD0];
	_ =	sdelay $0x2  }
0x91: {  	s15 =	simm.s32 $0xA;
	s4 =	simm.s32 $0x10  }
0x92: {  	[smem:s4], [sflag:s15] =	dma.local [hbm:s2], $0x1  }
0x93: {  	_ =	swait.eq [sflag:s15], $0x1  }
0x94: {  	[sflag:s15] =	ssyncset.done $0x0  }
0x95: {  	s16 =	sld [smem:$0x12];
	[sflag:s15] =	ssyncadd.s32 $0xFFFFFFFF  }
0x96: {  	s17 =	sld [smem:$0x13];
	(tm) =	ssettm $0x1  }
0x97: {  	s18 =	sld [smem:$0x3FFB];
	_ =	sdelay $0x3  }
0x98: {  	_ =	strace s18  }
0x99: {  	s4 =	sld [smem:$0x3FFC];
	_ =	sdelay $0x3  }
0x9a: {  	_ =	strace s4  }
0x9b: {  	s4 =	sld [smem:$0x3FFD];
	_ =	sdelay $0x3  }
0x9c: {  	_ =	strace s4  }
0x9d: {  	_ =	strace $0x8FFFFFFF  }
0x9e: {  	s19 =	sld [smem:$0x3FDB];
	_ =	sdelay $0x1  }
0x9f: {  	s5 =	simm.s32 $_scs_section_size  }
0xa0: {  	s6 =	simm.s32 $_size__tile_overlayer_lowered;
	s7 =	simm.s32 $_tile_overlayer_lowered  }
0xa1: {  	s22 =	simm.s32 $0x1BFF;
	s21 =	sshll.u32 s7, $0x1;
	s4 =	sadd.s32 s5, s19  }
0xa2: {  	s8 =	simm.s32 $0x0;
	s20 =	sshll.u32 s6, $0x1;
	s6 =	sadd.s32 s21, s4  }
0xa3: {  	[timem:s8], [sflag:s22] =	dma.local [hbm:s6], s20  }
0xa4: {  	_ =	swait.ge [sflag:s22], s20  }
0xa5: {  	s5 =	ssub.s32 $0x0, s20;
	[sflag:s22] =	ssyncset.done $0x0  }
0xa6: {  	[sflag:s22] =	ssyncadd.s32 s5;
	_ =	sdelay $0x1  }
0xa7: {  	s23 =	simm.s32 $0x1B8B  }
0xa8: {  	_ =	swait.ge [sflag:s23], $0x1  }
0xa9: {  	[sflag:s23] =	ssyncset.done $0x0  }
0xaa: {  	s25 =	simm.s32 $0x1B8E;
	s24 =	sld [smem:$0x3FFE];
	[sflag:s23] =	ssyncadd.s32 $0xFFFFFFFF  }
0xab: {  	s26 =	simm.s32 $execute0_lowered;
	[smem:$0x3FD2] =	sst s25  }
0xac: {  	s6 =	sshll.u32 s26, $0x1;
	_ =	strace $0x8000004C;
	[dreg:$0x1] =	wrdreg $0xFFFFFFFF  }
0xad: {  	s28 =	simm.s32 $_size_execute0_lowered;
	s4 =	sadd.s32 s4, s6;
	[dreg:$0x0] =	wrdreg $0x0  }
0xae: {  	s6 =	sshll.u32 s28, $0x1;
	[dreg:$0x2] =	wrdreg s4  }
0xaf: {  	[dreg:$0x3] =	wrdreg s6  }
0xb0: {  	[dreg:$0x4] =	wrdreg $0xC0  }
0xb1: {  	_ =	task [dreg:s8], $0x5FFFF  }
0xb2: {  	[dreg:$0x1] =	wrdreg $0xFFFFFFFF  }
0xb3: {  	[dreg:$0x0] =	wrdreg $0x60  }
0xb4: {  	[dreg:$0x2] =	wrdreg s17  }
0xb5: {  	[dreg:$0x3] =	wrdreg s16  }
0xb6: {  	[dreg:$0x4] =	wrdreg s24  }
0xb7: {  	[dreg:$0x5] =	wrdreg $0x9  }
0xb8: {  	_ =	task.clear_ibuf [dreg:s8], $0x6FFFF;
	_ =	strace $0x9000004C  }
0xb9: {  	s29 =	simm.s32 $0x9;
	_ =	strace $0x8000004E  }
0xba: {  	_ =	swait.ge [sflag:s29], $0x1  }
0xbb: {  	[sflag:s29] =	ssyncadd.s32 $0xFFFFFFFF  }
0xbc: {  	_ =	strace $0x9000004E  }
0xbd: {  	_ =	sfence  }
0xbe: {  	s30 =	sld [smem:$0x0];
	_ =	sdelay $0x2  }
0xbf: {  	s31 =	sshll.u32 s1, $0xD;
	s1 =	sshrl.u32 s1, $0x2  }
0xc0: {  	s3 =	sand.u32 $0x4000, s31;
	s1 =	sadd.s32 s1, s30  }
0xc1: {  	s0 =	sor.u32 s3, s0;
	s1 =	sshll.u32 s1, $0x11  }
0xc2: {  	s0 =	sor.u32 s1, s0  }
0xc3: {  	s0 =	sadd.s32 $0x8F2B, s0  }
0xc4: {  	[sflag:s0] =	ssyncadd.remote.s32 $0x1  }
0xc5: {  	_ =	sfence.sel $0xFFFF  }
0xc6: {  	[dreg:$0x0] =	wrdreg $0xFFFFFFFF;
	(pc) =	sbr.abs _section_cstart, $3  }
0xc7: {  	[dreg:$0x1] =	wrdreg $0xFFFFFFFF  }
0xc8: {  	_ =	task.clear_ibuf [dreg:s8], $0x2FFFF;
	_ =	strace $0x9FFFFFFF  }
0xc9: {  	(tm) =	ssettm $0x7FFFFFFF  }
tec
execute0_lowered:
.L_overlay_start_1:
0x0: {  	(tag) =	ssettag $0x1  }
0x1: {  	s4 =	rddreg [dreg:$0x0]  }
0x2: {  	s7 =	rddreg [dreg:$0x1]  }
0x3: {  	s1 =	srdreg.scid;
	s0 =	stileid.u32  }
0x4: {  	s5 =	rddreg [dreg:$0x2];
	s2 =	simm.s32 $0x0;
	s12 =	simm.s32 $0xA0  }
0x5: {  	s13 =	simm.s32 $0x80;
	s14 =	simm.s32 $0x140;
	s15 =	simm.s32 $0x3C0  }
0x6: {  	s16 =	simm.s32 $0x1C0;
	s17 =	simm.s32 $0x13C0;
	s18 =	simm.s32 $0x240  }
0x7: {  	s19 =	simm.s32 $0x23C0;
	s20 =	simm.s32 $0x2C0;
	s21 =	simm.s32 $0x33C0  }
0x8: {  	s23 =	simm.s32 $0x43C0;
	s24 =	simm.s32 $0x1;
	s25 =	simm.s32 $0x17C0  }
0x9: {  	s26 =	simm.s32 $0x2BC0;
	s6 =	sand.u32 $0x1, s1;
	s1 =	rddreg [dreg:$0x3]  }
0xa: {  	s28 =	simm.s32 $0x3FC0;
	s3 =	sshll.u32 s0, $0x1;
	[smem:$0x7FF] =	sst s2  }
0xb: {  	s11 =	sshll.u32 s0, $0xE;
	s8 =	sor.u32 s6, s3;
	_ =	strace $0x8000004D  }
0xc: {  	s3 =	sadd.s32 $0x9800, s5;
	s6 =	ssub.s32 $0x2, s6;
	s9 =	smul.u32 $0x2800, s8  }
0xd: {  	s22 =	sand.u32 $0x30000, s11;
	s11 =	simm.s32 $0x2;
	s8 =	smul.u32 $0x14, s8  }
0xe: {  	s10 =	sshrl.u32 s6, $0x1;
	v0 =	vmov s22;
	s22 =	simm.s32 $0x340;
	s9 =	sshrl.u32 s9, $0x4  }
0xf: {  	s10 =	ssub.s32 s6, s10;
	s4 =	sadd.s32 s4, s8;
	s9 =	sadd.s32 s9, s5  }
0x10: {  	s7 =	sadd.s32 s7, s8;
	s5 =	sadd.s32 $0x109800, s9;
	s6 =	sadd.s32 $0x10E800, s9  }
0x11: {  	v1 =	vor.u32 $0x100, v0;
	s10 =	smax.u32 s10, $0x1;
	s8 =	sadd.s32 $0x113800, s9;
	s9 =	sadd.s32 $0x118800, s9  }
.LBB2_1:
0x12: {  	[tilespmem:s2], [sflag:$0x2] =	stream.linear.gather [hbm4b:s4+s2], $0xA0, $0x38;
	[tilespmem:$0x53C0] =	vst v63  }
0x13: {  	_ =	swait.ge [sflag:s11], $0xA0  }
0x14: {  	[sflag:s11] =	ssyncset.done $0x0  }
0x15: {  	[sflag:s11] =	ssyncadd.s32 $0xFFFFFF60  }
0x16: {  	[tilespmem:s12], [sflag:$0x2] =	stream.linear.gather [hbm4b:s7+s2], $0xA0, $0x38;
	[tilespmem:$0x53C0] =	vst v63  }
0x17: {  	_ =	swait.ge [sflag:s11], $0xA0  }
0x18: {  	[sflag:s11] =	ssyncset.done $0x0  }
0x19: {  	[sflag:s11] =	ssyncadd.s32 $0xFFFFFF60  }
0x1a: {  	v2 =	vld [tilespmem:$0x0]  }
0x1b: {  	v3 =	vld [tilespmem:$0xA0]  }
0x1c: {  	v4 =	vld [tilespmem:$0x10]  }
0x1d: {  	v5 =	vld [tilespmem:$0xB0]  }
0x1e: {  	v9 =	vld [tilespmem:$0xC0]  }
0x1f: {  	v17 =	vld [tilespmem:$0xE0]  }
0x20: {  	v19 =	vld [tilespmem:$0x50]  }
0x21: {  	v21 =	vld [tilespmem:$0xF0]  }
0x22: {  	v24 =	vld [tilespmem:$0x60];
	v2 =	vmul.f32 $7.812500000e-03, v2  }
0x23: {  	v25 =	vld [tilespmem:$0x100];
	v3 =	vmul.f32 $7.812500000e-03, v3;
	v4 =	vmul.f32 $7.812500000e-03, v4  }
0x24: {  	v5 =	vmul.f32 $7.812500000e-03, v5;
	v9 =	vmul.f32 $7.812500000e-03, v9  }
0x25: {  	v17 =	vmul.f32 $7.812500000e-03, v17;
	v19 =	vmul.f32 $7.812500000e-03, v19;
	v2 =	vadd.f32 $-1.000000000e+00, v2  }
0x26: {  	v8 =	vld [tilespmem:$0x20];
	v21 =	vmul.f32 $7.812500000e-03, v21;
	v3 =	vadd.f32 $-1.000000000e+00, v3;
	v4 =	vadd.f32 $-1.000000000e+00, v4  }
0x27: {  	v28 =	vld [tilespmem:$0x70];
	v24 =	vmul.f32 $7.812500000e-03, v24;
	v5 =	vadd.f32 $-1.000000000e+00, v5;
	v9 =	vadd.f32 $-1.000000000e+00, v9  }
0x28: {  	v29 =	vld [tilespmem:$0x110];
	v25 =	vmul.f32 $7.812500000e-03, v25;
	v17 =	vadd.f32 $-1.000000000e+00, v17;
	v19 =	vadd.f32 $-1.000000000e+00, v19  }
0x29: {  	v21 =	vadd.f32 $-1.000000000e+00, v21;
	v24 =	vadd.f32 $-1.000000000e+00, v24  }
0x2a: {  	v55 =	vadd.f32 $-1.000000000e+00, v25;
	v2 =	vadd.f32 $1.000000000e+00, v2  }
0x2b: {  	v34 =	vmul.f32 $7.812500000e-03, v8;
	v3 =	vadd.f32 $1.000000000e+00, v3;
	v4 =	vadd.f32 $1.000000000e+00, v4  }
0x2c: {  	v59 =	vmul.f32 $7.812500000e-03, v28;
	v5 =	vadd.f32 $1.000000000e+00, v5;
	v41 =	vadd.f32 $1.000000000e+00, v9  }
0x2d: {  	v60 =	vmul.f32 $7.812500000e-03, v29;
	v17 =	vadd.f32 $1.000000000e+00, v17;
	v19 =	vadd.f32 $1.000000000e+00, v19  }
0x2e: {  	v21 =	vadd.f32 $1.000000000e+00, v21;
	v2 =	vmul.f32 $1.275000000e+02, v2;
	v3 =	vmul.f32 $1.275000000e+02, v3  }
0x2f: {  	v39 =	vld [tilespmem:$0x30];
	v54 =	vadd.f32 $1.000000000e+00, v24;
	v4 =	vmul.f32 $1.275000000e+02, v4;
	v11 =	vmul.f32 $1.275000000e+02, v5  }
0x30: {  	v49 =	vld [tilespmem:$0x40];
	v24 =	vadd.f32 $1.000000000e+00, v55;
	v15 =	vmul.f32 $1.275000000e+02, v41;
	v17 =	vmul.f32 $1.275000000e+02, v17  }
0x31: {  	v19 =	vmul.f32 $1.275000000e+02, v19;
	v21 =	vmul.f32 $1.275000000e+02, v21  }
0x32: {  	v24 =	vmul.f32 $1.275000000e+02, v24;
	v2 =	vtrunc.f32 v2  }
0x33: {  	v3 =	vtrunc.f32 v3;
	v4 =	vtrunc.f32 v4  }
0x34: {  	v62 =	vadd.f32 $-1.000000000e+00, v59;
	v33 =	vtrunc.f32 v11;
	v11 =	vmul.f32 $7.812500000e-03, v39  }
0x35: {  	v47 =	vtrunc.f32 v15;
	v15 =	vmul.f32 $7.812500000e-03, v49  }
0x36: {  	v5 =	vadd.f32 $1.000000000e+00, v62;
	v17 =	vtrunc.f32 v17;
	v19 =	vtrunc.f32 v19  }
0x37: {  	v21 =	vtrunc.f32 v21;
	v24 =	vtrunc.f32 v24  }
0x38: {  	v5 =	vmul.f32 $1.275000000e+02, v5;
	v2 =	vcvt.f32.s32 v2  }
0x39: {  	v3 =	vcvt.f32.s32 v3;
	v12 =	vcvt.f32.s32 v4  }
0x3a: {  	v35 =	vcvt.f32.s32 v33;
	v17 =	vcvt.f32.s32 v17  }
0x3b: {  	v19 =	vcvt.f32.s32 v19;
	v21 =	vcvt.f32.s32 v21  }
0x3c: {  	v43 =	vld [tilespmem:$0xD0];
	v24 =	vcvt.f32.s32 v24;
	v11 =	vadd.f32 $-1.000000000e+00, v11;
	v15 =	vadd.f32 $-1.000000000e+00, v15  }
0x3d: {  	v5 =	vtrunc.f32 v5;
	vm0 =	vgt.s32 v2, $0x0;
	vm9 =	vgt.s32 v3, $0x0  }
0x3e: {  	vm10 =	vgt.s32 v12, $0x0;
	vm11 =	vgt.s32 v35, $0x0;
	vm5 =	vgt.s32 v17, $0x0  }
0x3f: {  	vm6 =	vgt.s32 v19, $0x0;
	vm7 =	vgt.s32 v21, $0x0;
	v5 =	vcvt.f32.s32 v5  }
0x40: {  	v2 =	vnsel vm0, $0x0, v2;
	v3 =	vnsel vm9, $0x0, v3;
	v37 =	vnsel vm10, $0x0, v12  }
0x41: {  	v8 =	vnsel vm11, $0x0, v35;
	v12 =	vmul.f32 $7.812500000e-03, v43;
	v11 =	vadd.f32 $1.000000000e+00, v11  }
0x42: {  	v15 =	vadd.f32 $1.000000000e+00, v15;
	v17 =	vnsel vm5, $0x0, v17;
	v52 =	vnsel vm6, $0x0, v19  }
0x43: {  	v53 =	vnsel vm7, $0x0, v21;
	v21 =	vmul.f32 $1.275000000e+02, v54;
	vm9 =	vgt.s32 v24, $0x0  }
0x44: {  	v6 =	vmin.u32 v2, $0xFF;
	v7 =	vmin.u32 v3, $0xFF;
	v2 =	vmin.u32 v2, $0xFE  }
0x45: {  	v3 =	vmin.u32 v3, $0xFE;
	v38 =	vmin.u32 v37, $0xFF;
	v40 =	vmin.u32 v8, $0xFF  }
0x46: {  	v8 =	vmin.u32 v8, $0xFE;
	v23 =	vmin.u32 v17, $0xFF;
	v17 =	vmin.u32 v17, $0xFE  }
0x47: {  	v56 =	vmin.u32 v52, $0xFF;
	v27 =	vmin.u32 v53, $0xFF;
	v19 =	vmin.u32 v53, $0xFE  }
0x48: {  	v28 =	vnsel vm9, $0x0, v24;
	vm10 =	vgt.s32 v5, $0x0;
	v7 =	vshll.u32 v7, $0x8  }
0x49: {  	v10 =	vadd.s32 $0x1, v2;
	v3 =	vshll.u32 v3, $0x8;
	v42 =	vshll.u32 v40, $0x8  }
0x4a: {  	v8 =	vshll.u32 v8, $0x8;
	v12 =	vadd.f32 $-1.000000000e+00, v12;
	v11 =	vmul.f32 $1.275000000e+02, v11  }
0x4b: {  	v15 =	vmul.f32 $1.275000000e+02, v15;
	v23 =	vshll.u32 v23, $0x8;
	v17 =	vshll.u32 v17, $0x8  }
0x4c: {  	v27 =	vshll.u32 v27, $0x8;
	v19 =	vshll.u32 v19, $0x8;
	v21 =	vtrunc.f32 v21  }
0x4d: {  	v29 =	vmin.u32 v28, $0xFF;
	v5 =	vnsel vm10, $0x0, v5;
	v2 =	vor.u32 v0, v7  }
0x4e: {  	v31 =	vadd.s32 v3, v1;
	v7 =	vmin.u32 v37, $0xFE;
	v14 =	vor.u32 v0, v42  }
0x4f: {  	v8 =	vadd.s32 v8, v1;
	v23 =	vor.u32 v0, v23;
	v17 =	vadd.s32 v17, v1  }
0x50: {  	v27 =	vor.u32 v0, v27;
	v57 =	vadd.s32 v19, v1;
	v21 =	vcvt.f32.s32 v21  }
0x51: {  	v32 =	vor.u32 v6, v2;
	v3 =	vadd.s32 v10, v2;
	v2 =	vor.u32 v6, v31  }
0x52: {  	v36 =	vadd.s32 v10, v31;
	v6 =	vadd.f32 $-1.000000000e+00, v34;
	v13 =	vadd.s32 $0x1, v7  }
0x53: {  	v9 =	vor.u32 v38, v14;
	v46 =	vor.u32 v38, v8;
	v10 =	vcvt.f32.s32 v47  }
0x54: {  	v12 =	vadd.f32 $1.000000000e+00, v12;
	v11 =	vtrunc.f32 v11;
	v15 =	vtrunc.f32 v15  }
0x55: {  	v58 =	vor.u32 v56, v27;
	v7 =	vmin.u32 v28, $0xFE;
	v38 =	vmin.u32 v5, $0xFF  }
0x56: {  	v5 =	vmin.u32 v5, $0xFE;
	v44 =	vadd.s32 v13, v14;
	v8 =	vadd.s32 v13, v8  }
0x57: {  	v11 =	vcvt.f32.s32 v11;
	v15 =	vcvt.f32.s32 v15;
	[tilespmem:$0x280] =	vst v2;
	v2 =	vor.u32 v56, v57  }
0x58: {  	vm8 =	vgt.s32 v21, $0x0;
	v7 =	vshll.u32 v7, $0x8;
	v6 =	vadd.f32 $1.000000000e+00, v6  }
0x59: {  	vm13 =	vgt.s32 v10, $0x0;
	v12 =	vmul.f32 $1.275000000e+02, v12;
	v63 =	vnsel vm8, $0x0, v21  }
0x5a: {  	v7 =	vadd.s32 v7, v1;
	v10 =	vnsel vm13, $0x0, v10;
	vm14 =	vgt.s32 v11, $0x0  }
0x5b: {  	[tilespmem:$0x150] =	vst v9;
	vm4 =	vgt.s32 v15, $0x0;
	v21 =	vmin.u32 v63, $0xFF;
	v9 =	vmin.u32 v63, $0xFE  }
0x5c: {  	v31 =	vld [tilespmem:$0x80];
	v6 =	vmul.f32 $1.275000000e+02, v6;
	v16 =	vmin.u32 v10, $0xFF;
	v10 =	vmin.u32 v10, $0xFE  }
0x5d: {  	v12 =	vtrunc.f32 v12;
	v11 =	vnsel vm14, $0x0, v11;
	v15 =	vnsel vm4, $0x0, v15  }
0x5e: {  	v30 =	vadd.s32 $0x1, v9;
	v35 =	vor.u32 v21, v7;
	v16 =	vshll.u32 v16, $0x8  }
0x5f: {  	v10 =	vshll.u32 v10, $0x8;
	v12 =	vcvt.f32.s32 v12;
	v50 =	vmin.u32 v11, $0xFF  }
0x60: {  	v11 =	vmin.u32 v11, $0xFE;
	v51 =	vmin.u32 v15, $0xFF;
	v15 =	vmin.u32 v15, $0xFE  }
0x61: {  	[tilespmem:$0x320] =	vst v36;
	v36 =	vmul.f32 $7.812500000e-03, v31;
	v6 =	vtrunc.f32 v6;
	v16 =	vor.u32 v0, v16  }
0x62: {  	v10 =	vadd.s32 v10, v1;
	v11 =	vadd.s32 $0x1, v11;
	v15 =	vadd.s32 $0x1, v15  }
0x63: {  	v26 =	vor.u32 v51, v23;
	v45 =	vcvt.f32.s32 v6;
	vm15 =	vgt.s32 v12, $0x0  }
0x64: {  	v23 =	vadd.s32 v15, v23;
	v15 =	vadd.s32 v15, v17;
	v12 =	vnsel vm15, $0x0, v12  }
0x65: {  	vm12 =	vgt.s32 v45, $0x0;
	v20 =	vmin.u32 v12, $0xFF;
	v12 =	vmin.u32 v12, $0xFE  }
0x66: {  	[tilespmem:$0x140] =	vst v32;
	v48 =	vnsel vm12, $0x0, v45;
	v20 =	vshll.u32 v20, $0x8;
	v12 =	vshll.u32 v12, $0x8  }
0x67: {  	[tilespmem:$0x1E0] =	vst v3;
	v32 =	vld [tilespmem:$0x120];
	v14 =	vmin.u32 v48, $0xFF;
	v13 =	vmin.u32 v48, $0xFE;
	v20 =	vor.u32 v0, v20  }
0x68: {  	[tilespmem:$0x290] =	vst v46;
	v12 =	vadd.s32 v12, v1;
	v13 =	vadd.s32 $0x1, v13;
	v18 =	vor.u32 v14, v16  }
0x69: {  	v39 =	vld [tilespmem:$0x130];
	[tilespmem:$0x190] =	vst v58;
	v14 =	vor.u32 v14, v10;
	v22 =	vor.u32 v50, v20;
	v20 =	vadd.s32 v11, v20  }
0x6a: {  	[tilespmem:$0x1F0] =	vst v44;
	v11 =	vadd.s32 v11, v12;
	v16 =	vadd.s32 v13, v16;
	v10 =	vadd.s32 v13, v10  }
0x6b: {  	v41 =	vld [tilespmem:$0x90];
	[tilespmem:$0x330] =	vst v8;
	v13 =	vor.u32 v50, v12;
	v12 =	vor.u32 v51, v17;
	v17 =	vmin.u32 v52, $0xFE  }
0x6c: {  	[tilespmem:$0x2D0] =	vst v2;
	v7 =	vadd.s32 v30, v7;
	v37 =	vmul.f32 $7.812500000e-03, v32;
	v17 =	vadd.s32 $0x1, v17  }
0x6d: {  	[tilespmem:$0x2E0] =	vst v35;
	v8 =	vadd.f32 $-1.000000000e+00, v36;
	v3 =	vadd.s32 v17, v27;
	v27 =	vadd.f32 $-1.000000000e+00, v60  }
0x6e: {  	v44 =	vmul.f32 $7.812500000e-03, v39;
	[tilespmem:$0x380] =	vst v7;
	v6 =	vshll.u32 v29, $0x8;
	v9 =	vadd.f32 $-1.000000000e+00, v37  }
0x6f: {  	[tilespmem:$0x180] =	vst v26;
	v8 =	vadd.f32 $1.000000000e+00, v8;
	v61 =	vadd.s32 v17, v57;
	v17 =	vadd.f32 $1.000000000e+00, v27  }
0x70: {  	v6 =	vor.u32 v0, v6;
	[tilespmem:$0x220] =	vst v23;
	v9 =	vadd.f32 $1.000000000e+00, v9;
	v45 =	vmul.f32 $7.812500000e-03, v41  }
0x71: {  	[tilespmem:$0x360] =	vst v15;
	v33 =	vor.u32 v21, v6;
	v8 =	vmul.f32 $1.275000000e+02, v8;
	v17 =	vmul.f32 $1.275000000e+02, v17  }
0x72: {  	v6 =	vadd.s32 v30, v6;
	[tilespmem:$0x1A0] =	vst v33;
	v9 =	vmul.f32 $1.275000000e+02, v9;
	v48 =	vadd.f32 $-1.000000000e+00, v45  }
0x73: {  	v47 =	vadd.f32 $-1.000000000e+00, v44;
	[tilespmem:$0x240] =	vst v6;
	v8 =	vtrunc.f32 v8;
	v34 =	vtrunc.f32 v17  }
0x74: {  	[tilespmem:$0x200] =	vst v16;
	v46 =	vtrunc.f32 v9;
	v51 =	vadd.f32 $1.000000000e+00, v48;
	v16 =	vcvt.f32.s32 v34  }
0x75: {  	v5 =	vadd.s32 $0x1, v5;
	[tilespmem:$0x230] =	vst v3;
	v3 =	vcvt.f32.s32 v8;
	v8 =	vcvt.f32.s32 v46  }
0x76: {  	[tilespmem:$0x160] =	vst v18;
	v50 =	vadd.f32 $1.000000000e+00, v47;
	v9 =	vmul.f32 $1.275000000e+02, v51;
	vm11 =	vgt.s32 v16, $0x0  }
0x77: {  	[tilespmem:$0x2A0] =	vst v14;
	vm12 =	vgt.s32 v3, $0x0;
	vm13 =	vgt.s32 v8, $0x0;
	v16 =	vnsel vm11, $0x0, v16  }
0x78: {  	[tilespmem:$0x170] =	vst v22;
	v9 =	vtrunc.f32 v9;
	v3 =	vnsel vm12, $0x0, v3;
	v40 =	vmin.u32 v16, $0xFF  }
0x79: {  	[tilespmem:$0x350] =	vst v11;
	v52 =	vnsel vm13, $0x0, v8;
	v16 =	vmin.u32 v16, $0xFE;
	v11 =	vshll.u32 v40, $0x8  }
0x7a: {  	[tilespmem:$0x210] =	vst v20;
	v54 =	vmin.u32 v52, $0xFF;
	v16 =	vshll.u32 v16, $0x8;
	v11 =	vor.u32 v0, v11  }
0x7b: {  	[tilespmem:$0x340] =	vst v10;
	v55 =	vshll.u32 v54, $0x8;
	v42 =	vadd.s32 v16, v1;
	v43 =	vor.u32 v38, v11  }
0x7c: {  	[tilespmem:$0x2B0] =	vst v13;
	v11 =	vadd.s32 v5, v11;
	v49 =	vadd.s32 v5, v42;
	v5 =	vmul.f32 $1.275000000e+02, v50  }
0x7d: {  	[tilespmem:$0x2C0] =	vst v12;
	v53 =	vmin.u32 v3, $0xFF;
	v3 =	vmin.u32 v3, $0xFE;
	v7 =	vor.u32 v0, v55  }
0x7e: {  	[tilespmem:$0x370] =	vst v61;
	v3 =	vadd.s32 $0x1, v3;
	v56 =	vor.u32 v53, v7;
	v5 =	vtrunc.f32 v5  }
0x7f: {  	v9 =	vcvt.f32.s32 v9;
	v57 =	vadd.s32 v3, v7;
	[tilespmem:$0x1C0] =	vst v56;
	v5 =	vcvt.f32.s32 v5  }
0x80: {  	v6 =	vmin.u32 v52, $0xFE;
	[tilespmem:$0x260] =	vst v57  }
0x81: {  	v6 =	vshll.u32 v6, $0x8;
	vm15 =	vgt.s32 v9, $0x0;
	[tilespmem:$0x1B0] =	vst v43;
	vm14 =	vgt.s32 v5, $0x0  }
0x82: {  	v59 =	vnsel vm15, $0x0, v9;
	v2 =	vor.u32 v38, v42;
	[tilespmem:$0x250] =	vst v11;
	v5 =	vnsel vm14, $0x0, v5  }
0x83: {  	v62 =	vmin.u32 v59, $0xFE;
	[tilespmem:$0x2F0] =	vst v2;
	v2 =	vadd.s32 v6, v1;
	v60 =	vmin.u32 v5, $0xFF  }
0x84: {  	[tilespmem:$0x390] =	vst v49;
	v58 =	vor.u32 v53, v2;
	v2 =	vadd.s32 v3, v2;
	v61 =	vshll.u32 v60, $0x8  }
0x85: {  	v3 =	vmin.u32 v59, $0xFF;
	[tilespmem:$0x300] =	vst v58;
	v5 =	vmin.u32 v5, $0xFE;
	v4 =	vor.u32 v0, v61  }
0x86: {  	[tilespmem:$0x3A0] =	vst v2;
	v2 =	vadd.s32 $0x1, v62;
	v5 =	vshll.u32 v5, $0x8;
	v63 =	vor.u32 v3, v4  }
0x87: {  	v5 =	vadd.s32 v5, v1;
	v4 =	vadd.s32 v2, v4;
	[tilespmem:$0x1D0] =	vst v63  }
0x88: {  	v3 =	vor.u32 v3, v5;
	[tilespmem:$0x270] =	vst v4  }
0x89: {  	v2 =	vadd.s32 v2, v5;
	[tilespmem:$0x310] =	vst v3  }
0x8a: {  	[tilespmem:$0x3B0] =	vst v2  }
0x8b: {  	[tilespmem:s15], [sflag:$0x1] =	stream.indirect.gather [hbm4b:s3+s13], $0x20, s14, s13, $0xb8;
	[tilespmem:$0x53C0] =	vst v63  }
0x8c: {  	_ = 	snop  }
0x8d: {  	[tilespmem:s17], [sflag:$0x1] =	stream.indirect.gather [hbm4b:s3+s13], $0x20, s16, s13, $0xb8;
	[tilespmem:$0x53C0] =	vst v63  }
0x8e: {  	_ = 	snop  }
0x8f: {  	[tilespmem:s19], [sflag:$0x1] =	stream.indirect.gather [hbm4b:s3+s13], $0x20, s18, s13, $0xb8;
	[tilespmem:$0x53C0] =	vst v63  }
0x90: {  	_ = 	snop  }
0x91: {  	[tilespmem:s21], [sflag:$0x1] =	stream.indirect.gather [hbm4b:s3+s13], $0x20, s20, s13, $0xb8;
	[tilespmem:$0x53C0] =	vst v63  }
0x92: {  	_ = 	snop  }
0x93: {  	[tilespmem:s23], [sflag:$0x1] =	stream.indirect.gather [hbm4b:s3+s13], $0x20, s22, s13, $0xb8;
	[tilespmem:$0x53C0] =	vst v63  }
0x94: {  	_ =	swait.ge [sflag:s24], $0x1000  }
0x95: {  	[sflag:s24] =	ssyncset.done $0x0  }
0x96: {  	[sflag:s24] =	ssyncadd.s32 $0xFFFFF000  }
0x97: {  	_ =	swait.ge [sflag:s24], $0x1000  }
0x98: {  	[sflag:s24] =	ssyncset.done $0x0  }
0x99: {  	[sflag:s24] =	ssyncadd.s32 $0xFFFFF000  }
0x9a: {  	_ =	swait.ge [sflag:s24], $0x1000  }
0x9b: {  	[sflag:s24] =	ssyncset.done $0x0  }
0x9c: {  	[sflag:s24] =	ssyncadd.s32 $0xFFFFF000  }
0x9d: {  	_ =	swait.ge [sflag:s24], $0x1000  }
0x9e: {  	[sflag:s24] =	ssyncset.done $0x0  }
0x9f: {  	[sflag:s24] =	ssyncadd.s32 $0xFFFFF000  }
0xa0: {  	_ =	swait.ge [sflag:s24], $0x1000  }
0xa1: {  	[sflag:s24] =	ssyncset.done $0x0  }
0xa2: {  	[sflag:s24] =	ssyncadd.s32 $0xFFFFF000  }
0xa3: {  	[hbm4b:s5+s2] =	stream.linear.scatter [tilespmem:s15], [sflag:$0x2], $0x1400, $0x38;
	[tilespmem:$0x53C0] =	vst v63  }
0xa4: {  	_ =	swait.ge [sflag:s11], $0x1400  }
0xa5: {  	[sflag:s11] =	ssyncset.done $0x0  }
0xa6: {  	[sflag:s11] =	ssyncadd.s32 $0xFFFFEC00  }
0xa7: {  	[hbm4b:s6+s2] =	stream.linear.scatter [tilespmem:s25], [sflag:$0x2], $0x1400, $0x38;
	[tilespmem:$0x53C0] =	vst v63  }
0xa8: {  	_ =	swait.ge [sflag:s11], $0x1400  }
0xa9: {  	[sflag:s11] =	ssyncset.done $0x0  }
0xaa: {  	[sflag:s11] =	ssyncadd.s32 $0xFFFFEC00  }
0xab: {  	[hbm4b:s8+s2] =	stream.linear.scatter [tilespmem:s26], [sflag:$0x2], $0x1400, $0x38;
	[tilespmem:$0x53C0] =	vst v63  }
0xac: {  	_ =	swait.ge [sflag:s11], $0x1400  }
0xad: {  	p0 =	sne.s32 s10, $0x1;
	[sflag:s11] =	ssyncset.done $0x0  }
.Ltmp0:
0xae: {  	[sflag:s11] =	ssyncadd.s32 $0xFFFFEC00;
	(pc) =	sbr.rel @p0 .LBB2_1-.Ltmp0, $4  }
0xaf: {  	[hbm4b:s9+s2] =	stream.linear.scatter [tilespmem:s28], [sflag:$0x2], $0x1400, $0x38;
	[tilespmem:$0x53C0] =	vst v63  }
0xb0: {  	_ =	swait.ge [sflag:s11], $0x1400  }
0xb1: {  	[sflag:s11] =	ssyncset.done $0x0  }
0xb2: {  	s10 =	sadd.s32 $0xFFFFFFFF, s10;
	[sflag:s11] =	ssyncadd.s32 $0xFFFFEC00  }
0xb3: {  	_ =	sfence.sel $0x180000  }
0xb4: {  	[bflag:$0x0] =	sbarrier.arrive $0xFFFF  }
0xb5: {  	p0 =	sne.s32 s0, $0x0;
	_ =	strace $0x9000004D  }
0xb6: {  	s0 =	sadd.s32 @!p0 $0x100000, s1;
	[bflag:$0x2] =	sbarrier.arrive $0xFFFF  }
0xb7: {  	[sflag:s0] =	ssyncadd.tile.s32 @!p0 $0x1;
	_ =	shalt  }
.Lfunc_end2:
_tile_overlayer_lowered:
.L_overlay_start_2:
0xb8: {  	(tag) =	ssettag $0x2  }
0xb9: {  	s0 =	rddreg [dreg:$0x0];
	s2 =	stileid.u32  }
0xba: {  	s1 =	rddreg [dreg:$0x1];
	p0 =	sne.s32 s2, $0x0  }
0xbb: {  	s3 =	rddreg [dreg:$0x2];
	[bflag:$0x3] =	sbarrier.arrive $0xFFFF;
	s2 =	simm.s32 @!p0 $0x1C02  }
0xbc: {  	[timem:s3], [sflag:s2] =	dma.local @!p0 [hbm:s0], s1  }
0xbd: {  	s0 =	simm.s32 @!p0 $0x2  }
0xbe: {  	_ =	swait.ge @!p0 [sflag:s0], s1  }
0xbf: {  	s1 =	ssub.s32 @!p0 $0x0, s1;
	[sflag:s0] =	ssyncset.done @!p0 $0x0  }
0xc0: {  	[sflag:s0] =	ssyncadd.s32 @!p0 s1  }
0xc1: {  	[bflag:$0x3] =	sbarrier.arrive $0xFFFF  }
0xc2: {  	_ =	shalt  }

// kernel: kernel.14.cloned.1.call-start
scs
__scs_entry_jumppad:
0x0: {  	(pc) =	sbr.rel $0x88, $3  }
0x1: {  	(tag) =	ssettag $0x0;
	lr =	simm.s32 $0x1  }
0x2: {  	[smem:$0x3F75] =	sst lr;
	_ =	strace $0xD0000000  }
0x3: {  	_ = 	snop  }
0x4: {  	_ = 	snop  }
0x5: {  	_ = 	snop  }
0x6: {  	_ = 	snop  }
0x7: {  	_ = 	snop  }
__scs_overlays_trampoline_lowered:
0x8: {  	[smem:$0x3F84] =	sst s0  }
0x9: {  	[smem:$0x3F85] =	sst s1  }
0xa: {  	[smem:$0x3F86] =	sst s2  }
0xb: {  	[smem:$0x3F87] =	sst s3  }
0xc: {  	[smem:$0x3F88] =	sst s4  }
0xd: {  	[smem:$0x3F89] =	sst s5  }
0xe: {  	[smem:$0x3F8A] =	sst s6  }
0xf: {  	[smem:$0x3F8B] =	sst s7  }
0x10: {  	[smem:$0x3F8C] =	sst s8  }
0x11: {  	[smem:$0x3F8D] =	sst s9;
	s0 =	simm.s32 @!p0 $0x0  }
0x12: {  	s1 =	sld [smem:$0x3F73];
	s0 =	simm.s32 @p0 $0x1  }
0x13: {  	[smem:$0x3F8E] =	sst s0;
	s0 =	simm.s32 @!p1 $0x0  }
0x14: {  	s2 =	sld [smem:$0x3F72];
	s0 =	simm.s32 @p1 $0x1  }
0x15: {  	[smem:$0x3F8F] =	sst s0;
	s0 =	simm.s32 @!p2 $0x0  }
0x16: {  	s3 =	sld [smem:$0x3FDB];
	s0 =	simm.s32 @p2 $0x1  }
0x17: {  	s4 =	simm.s32 $0x1BF5;
	[smem:$0x3F91] =	sst s0  }
0x18: {  	s0 =	sld [smem:$0x3F74];
	_ =	swait.ge [sflag:s4], $0x0  }
0x19: {  	s7 =	sld [smem:$0x3F75]  }
0x1a: {  	s8 =	sadd.s32 $0xFFFFE003, lr  }
0x1b: {  	s9 =	sadd.s32 $0xFFFFFEF7, lr;
	s5 =	simm.s32 $0xFFFFFFFF;
	p2 =	slt.u32 s8, $0xFFFFF086  }
0x1c: {  	p1 =	slt.u32 s9, $0xF7A;
	s5 =	simm.s32 @!p2 $0x0  }
0x1d: {  	s5 =	simm.s32 @p1 $0x1;
	p0 =	seq.s32 s7, s2  }
0x1e: {  	s7 =	smul.u32 @!p0 $0xF7A, s2;
	p2 =	seq.s32 @!p0 s5, $0x0  }
0x1f: {  	s9 =	smul.u32 $0xF7A, s1;
	s8 =	simm.s32 @!p0 $0x1BF5;
	p2 =	por !p2, p0  }
0x20: {  	[sflag:s8] =	ssyncset.s32 @!p0 $0xFFFFF086;
	s6 =	sadd.s32 @!p0 s3, s7;
	s7 =	simm.s32 @!p0 $0x108  }
0x21: {  	s3 =	sadd.s32 s3, s9;
	s6 =	sadd.s32 @!p0 $0x88, s6;
	s7 =	simm.s32 @p2 $0x1082  }
0x22: {  	[simem:s7], [sflag:s8] =	dma.local @!p0 [hbm:s6], $0xF7A  }
0x23: {  	s9 =	sor.u32 $0xD0000000, s2;
	s6 =	simm.s32 $0x108;
	_ =	swait.ge @!p0 [sflag:s8], $0x0  }
0x24: {  	s3 =	sadd.s32 $0x88, s3;
	s6 =	simm.s32 @!p1 $0x1082;
	[sflag:s4] =	ssyncset.s32 $0xFFFFF086  }
0x25: {  	[simem:s6], [sflag:s4] =	dma.local [hbm:s3], $0xF7A  }
0x26: {  	[smem:$0x3F75] =	sst s1;
	(tag) =	ssettag s2;
	_ =	strace s9  }
0x27: {  	s1 =	sld [smem:$0x3F85]  }
0x28: {  	s2 =	sld [smem:$0x3F86]  }
0x29: {  	s4 =	sld [smem:$0x3F88]  }
0x2a: {  	p0 =	seq.s32 s5, $0x0;
	s5 =	sld [smem:$0x3F89]  }
0x2b: {  	s6 =	sld [smem:$0x3F8A]  }
0x2c: {  	s7 =	sld [smem:$0x3F8B]  }
0x2d: {  	s3 =	simm.s32 $0x108;
	s8 =	sld [smem:$0x3F8C]  }
0x2e: {  	s3 =	simm.s32 @!p0 $0x1082;
	s9 =	sld [smem:$0x3F8D]  }
0x2f: {  	lr =	sadd.s32 s0, s3;
	s0 =	sld [smem:$0x3F84]  }
0x30: {  	s3 =	sld [smem:$0x3F87]  }
0x31: {  	[smem:$0x3F90] =	sst s10  }
0x32: {  	s10 =	sld [smem:$0x3F8E];
	_ =	sdelay $0x3  }
0x33: {  	p0 =	seq.s32 s10, $0x1;
	s10 =	sld [smem:$0x3F90];
	_ =	sdelay $0x3  }
0x34: {  	[smem:$0x3F90] =	sst s10  }
0x35: {  	s10 =	sld [smem:$0x3F8F];
	_ =	sdelay $0x3  }
0x36: {  	p1 =	seq.s32 s10, $0x1;
	s10 =	sld [smem:$0x3F90];
	_ =	sdelay $0x3  }
0x37: {  	[smem:$0x3F90] =	sst s10  }
0x38: {  	s10 =	sld [smem:$0x3F91]  }
0x39: {  	_ = 	snop;
	(pc) =	sbr.ind lr, $3  }
0x3a: {  	_ = 	snop  }
0x3b: {  	_ = 	snop  }
0x3c: {  	p2 =	seq.s32 s10, $0x1;
	s10 =	sld [smem:$0x3F90]  }
0x3d: {  	_ =	shalt  }
0x3e: {  	_ =	shalt  }
0x3f: {  	_ =	shalt  }
0x40: {  	_ =	shalt  }
0x41: {  	_ =	shalt  }
0x42: {  	_ =	shalt  }
0x43: {  	_ =	shalt  }
0x44: {  	_ =	shalt  }
0x45: {  	_ =	shalt  }
0x46: {  	_ =	shalt  }
0x47: {  	_ =	shalt  }
0x48: {  	_ =	shalt  }
0x49: {  	_ =	shalt  }
0x4a: {  	_ =	shalt  }
0x4b: {  	_ =	shalt  }
0x4c: {  	_ =	shalt  }
0x4d: {  	_ =	shalt  }
0x4e: {  	_ =	shalt  }
0x4f: {  	_ =	shalt  }
0x50: {  	_ =	shalt  }
0x51: {  	_ =	shalt  }
0x52: {  	_ =	shalt  }
0x53: {  	_ =	shalt  }
0x54: {  	_ =	shalt  }
0x55: {  	_ =	shalt  }
0x56: {  	_ =	shalt  }
0x57: {  	_ =	shalt  }
0x58: {  	_ =	shalt  }
0x59: {  	_ =	shalt  }
0x5a: {  	_ =	shalt  }
0x5b: {  	_ =	shalt  }
0x5c: {  	_ =	shalt  }
0x5d: {  	_ =	shalt  }
0x5e: {  	_ =	shalt  }
0x5f: {  	_ =	shalt  }
0x60: {  	_ =	shalt  }
0x61: {  	_ =	shalt  }
0x62: {  	_ =	shalt  }
0x63: {  	_ =	shalt  }
0x64: {  	_ =	shalt  }
0x65: {  	_ =	shalt  }
0x66: {  	_ =	shalt  }
0x67: {  	_ =	shalt  }
0x68: {  	_ =	shalt  }
0x69: {  	_ =	shalt  }
0x6a: {  	_ =	shalt  }
0x6b: {  	_ =	shalt  }
0x6c: {  	_ =	shalt  }
0x6d: {  	_ =	shalt  }
0x6e: {  	_ =	shalt  }
0x6f: {  	_ =	shalt  }
0x70: {  	_ =	shalt  }
0x71: {  	_ =	shalt  }
0x72: {  	_ =	shalt  }
0x73: {  	_ =	shalt  }
0x74: {  	_ =	shalt  }
0x75: {  	_ =	shalt  }
0x76: {  	_ =	shalt  }
0x77: {  	_ =	shalt  }
0x78: {  	_ =	shalt  }
0x79: {  	_ =	shalt  }
0x7a: {  	_ =	shalt  }
0x7b: {  	_ =	shalt  }
0x7c: {  	_ =	shalt  }
0x7d: {  	_ =	shalt  }
0x7e: {  	_ =	shalt  }
0x7f: {  	_ =	shalt  }
0x80: {  	_ =	shalt  }
0x81: {  	_ =	shalt  }
0x82: {  	_ =	shalt  }
0x83: {  	_ =	shalt  }
0x84: {  	_ =	shalt  }
0x85: {  	_ =	shalt  }
0x86: {  	_ =	shalt  }
0x87: {  	_ =	shalt  }
.Lfunc_end0:
.L_simem_size_0:
called_computation.3_lowered:
.L_overlay_start_0:
0x88: {  	s2 =	sld [smem:$0x3FD9]  }
0x89: {  	s3 =	sld [smem:$0x3FFE];
	_ =	sdelay $0x1  }
0x8a: {  	s1 =	srdreg.scid  }
0x8b: {  	s0 =	sand.u32 $0x1, s1  }
0x8c: {  	s14 =	sshll.u32 s0, $0xA;
	s2 =	sadd.s32 s3, s2  }
0x8d: {  	s2 =	sadd.s32 s2, s14  }
0x8e: {  	[smem:$0x3F9C] =	sst s2  }
0x8f: {  	_ = 	snop  }
0x90: {  	s2 =	sld [smem:$0x3FD0];
	_ =	sdelay $0x2  }
0x91: {  	s15 =	simm.s32 $0xA;
	s4 =	simm.s32 $0x10  }
0x92: {  	[smem:s4], [sflag:s15] =	dma.local [hbm:s2], $0x1  }
0x93: {  	_ =	swait.eq [sflag:s15], $0x1  }
0x94: {  	[sflag:s15] =	ssyncset.done $0x0  }
0x95: {  	[sflag:s15] =	ssyncadd.s32 $0xFFFFFFFF  }
0x96: {  	s16 =	sld [smem:$0x13];
	(tm) =	ssettm $0x1  }
0x97: {  	s17 =	sld [smem:$0x3FFB];
	_ =	sdelay $0x3  }
0x98: {  	_ =	strace s17  }
0x99: {  	s3 =	sld [smem:$0x3FFC];
	_ =	sdelay $0x3  }
0x9a: {  	_ =	strace s3  }
0x9b: {  	s3 =	sld [smem:$0x3FFD];
	_ =	sdelay $0x3  }
0x9c: {  	_ =	strace s3  }
0x9d: {  	_ =	strace $0x8FFFFFFF  }
0x9e: {  	s18 =	sld [smem:$0x3FDB];
	_ =	sdelay $0x1  }
0x9f: {  	s19 =	simm.s32 $_scs_section_size  }
0xa0: {  	s5 =	simm.s32 $_size__tile_overlayer_lowered;
	s6 =	simm.s32 $_tile_overlayer_lowered  }
0xa1: {  	s22 =	simm.s32 $0x1BFF;
	s21 =	sshll.u32 s6, $0x1;
	s3 =	sadd.s32 s19, s18  }
0xa2: {  	s7 =	simm.s32 $0x0;
	s20 =	sshll.u32 s5, $0x1;
	s5 =	sadd.s32 s21, s3  }
0xa3: {  	[timem:s7], [sflag:s22] =	dma.local [hbm:s5], s20  }
0xa4: {  	_ =	swait.ge [sflag:s22], s20  }
0xa5: {  	s4 =	ssub.s32 $0x0, s20;
	[sflag:s22] =	ssyncset.done $0x0  }
0xa6: {  	[sflag:s22] =	ssyncadd.s32 s4;
	_ =	sdelay $0x1  }
0xa7: {  	s23 =	simm.s32 $0x1B8B  }
0xa8: {  	_ =	swait.ge [sflag:s23], $0x1  }
0xa9: {  	[sflag:s23] =	ssyncset.done $0x0  }
0xaa: {  	s25 =	simm.s32 $0x1B8E;
	s24 =	sld [smem:$0x3FFE];
	[sflag:s23] =	ssyncadd.s32 $0xFFFFFFFF  }
0xab: {  	s26 =	simm.s32 $execute0_lowered;
	[smem:$0x3FD2] =	sst s25  }
0xac: {  	s5 =	sshll.u32 s26, $0x1;
	_ =	strace $0x8000004F;
	[dreg:$0x1] =	wrdreg $0xFFFFFFFF  }
0xad: {  	s28 =	simm.s32 $_size_execute0_lowered;
	s3 =	sadd.s32 s3, s5;
	[dreg:$0x0] =	wrdreg $0x0  }
0xae: {  	s5 =	sshll.u32 s28, $0x1;
	[dreg:$0x2] =	wrdreg s3  }
0xaf: {  	[dreg:$0x3] =	wrdreg s5  }
0xb0: {  	[dreg:$0x4] =	wrdreg $0xC0  }
0xb1: {  	_ =	task [dreg:s7], $0x5FFFF  }
0xb2: {  	[dreg:$0x1] =	wrdreg $0xFFFFFFFF  }
0xb3: {  	[dreg:$0x0] =	wrdreg $0x60  }
0xb4: {  	[dreg:$0x2] =	wrdreg s16  }
0xb5: {  	[dreg:$0x3] =	wrdreg s24  }
0xb6: {  	[dreg:$0x4] =	wrdreg $0x9  }
0xb7: {  	_ =	task.clear_ibuf [dreg:s7], $0x5FFFF;
	_ =	strace $0x9000004F  }
0xb8: {  	s29 =	simm.s32 $0x9;
	_ =	strace $0x80000051  }
0xb9: {  	_ =	swait.ge [sflag:s29], $0x1  }
0xba: {  	[sflag:s29] =	ssyncadd.s32 $0xFFFFFFFF  }
0xbb: {  	_ =	strace $0x90000051  }
0xbc: {  	_ =	sfence  }
0xbd: {  	s30 =	sld [smem:$0x0];
	_ =	sdelay $0x2  }
0xbe: {  	s31 =	sshll.u32 s1, $0xD;
	s1 =	sshrl.u32 s1, $0x2  }
0xbf: {  	s3 =	sand.u32 $0x4000, s31;
	s1 =	sadd.s32 s1, s30  }
0xc0: {  	s0 =	sor.u32 s3, s0;
	s1 =	sshll.u32 s1, $0x11  }
0xc1: {  	s0 =	sor.u32 s1, s0  }
0xc2: {  	s0 =	sadd.s32 $0x8F2B, s0  }
0xc3: {  	[sflag:s0] =	ssyncadd.remote.s32 $0x1  }
0xc4: {  	_ =	sfence.sel $0xFFFF  }
0xc5: {  	[dreg:$0x0] =	wrdreg $0xFFFFFFFF;
	(pc) =	sbr.abs _section_cstart, $3  }
0xc6: {  	[dreg:$0x1] =	wrdreg $0xFFFFFFFF  }
0xc7: {  	_ =	task.clear_ibuf [dreg:s7], $0x2FFFF;
	_ =	strace $0x9FFFFFFF  }
0xc8: {  	(tm) =	ssettm $0x7FFFFFFF  }
0xc9: {  	_ =	shalt  }
tec
execute0_lowered:
.L_overlay_start_1:
0x0: {  	(tag) =	ssettag $0x1  }
0x1: {  	s1 =	srdreg.scid;
	s7 =	rddreg [dreg:$0x0]  }
0x2: {  	s0 =	stileid.u32;
	s5 =	rddreg [dreg:$0x1]  }
0x3: {  	s2 =	simm.s32 $0x0;
	s12 =	simm.s32 $0xA0;
	s13 =	simm.s32 $0x80  }
0x4: {  	s14 =	simm.s32 $0x140;
	s15 =	simm.s32 $0x3C0;
	s16 =	simm.s32 $0x1C0  }
0x5: {  	s17 =	simm.s32 $0x13C0;
	s18 =	simm.s32 $0x240;
	s19 =	simm.s32 $0x23C0  }
0x6: {  	s20 =	simm.s32 $0x2C0;
	s21 =	simm.s32 $0x33C0;
	s23 =	simm.s32 $0x43C0  }
0x7: {  	s24 =	simm.s32 $0x1;
	s25 =	simm.s32 $0x17C0;
	s26 =	simm.s32 $0x2BC0  }
0x8: {  	s4 =	sand.u32 $0x1, s1;
	s29 =	sshll.u32 s0, $0x1;
	s1 =	rddreg [dreg:$0x2]  }
0x9: {  	s28 =	simm.s32 $0x3FC0;
	[smem:$0x7FF] =	sst s2;
	s3 =	sor.u32 s4, s29  }
0xa: {  	s31 =	sshll.u32 s0, $0xE;
	_ =	strace $0x80000050;
	s6 =	smul.u32 $0x2800, s3  }
0xb: {  	s30 =	ssub.s32 $0x2, s4;
	s22 =	sand.u32 $0x30000, s31;
	s8 =	smul.u32 $0x14, s3  }
0xc: {  	s3 =	sadd.s32 $0x9800, s5;
	s11 =	sshrl.u32 s30, $0x1;
	s6 =	sshrl.u32 s6, $0x4  }
0xd: {  	v0 =	vmov s22;
	s22 =	simm.s32 $0x340;
	s9 =	sadd.s32 s8, s5;
	s10 =	sadd.s32 s6, s5  }
0xe: {  	s11 =	ssub.s32 s30, s11;
	s4 =	sadd.s32 $0x109800, s9;
	s5 =	sadd.s32 $0x109C00, s10  }
0xf: {  	s7 =	sadd.s32 s7, s8;
	s6 =	sadd.s32 $0x10EC00, s10;
	s8 =	sadd.s32 $0x113C00, s10  }
0x10: {  	v1 =	vor.u32 $0x100, v0;
	s9 =	sadd.s32 $0x118C00, s10;
	s10 =	smax.u32 s11, $0x1;
	s11 =	simm.s32 $0x2  }
.LBB2_1:
0x11: {  	[tilespmem:s2], [sflag:$0x2] =	stream.linear.gather [hbm4b:s7+s2], $0xA0, $0x38;
	[tilespmem:$0x53C0] =	vst v63  }
0x12: {  	_ =	swait.ge [sflag:s11], $0xA0  }
0x13: {  	[sflag:s11] =	ssyncset.done $0x0  }
0x14: {  	[sflag:s11] =	ssyncadd.s32 $0xFFFFFF60  }
0x15: {  	[tilespmem:s12], [sflag:$0x2] =	stream.linear.gather [hbm4b:s4+s2], $0xA0, $0x38;
	[tilespmem:$0x53C0] =	vst v63  }
0x16: {  	_ =	swait.ge [sflag:s11], $0xA0  }
0x17: {  	[sflag:s11] =	ssyncset.done $0x0  }
0x18: {  	[sflag:s11] =	ssyncadd.s32 $0xFFFFFF60  }
0x19: {  	v2 =	vld [tilespmem:$0x0]  }
0x1a: {  	v3 =	vld [tilespmem:$0xA0]  }
0x1b: {  	v4 =	vld [tilespmem:$0x10]  }
0x1c: {  	v5 =	vld [tilespmem:$0xB0]  }
0x1d: {  	v9 =	vld [tilespmem:$0xC0]  }
0x1e: {  	v17 =	vld [tilespmem:$0xE0]  }
0x1f: {  	v19 =	vld [tilespmem:$0x50]  }
0x20: {  	v21 =	vld [tilespmem:$0xF0]  }
0x21: {  	v24 =	vld [tilespmem:$0x60];
	v2 =	vmul.f32 $7.812500000e-03, v2  }
0x22: {  	v25 =	vld [tilespmem:$0x100];
	v3 =	vmul.f32 $7.812500000e-03, v3;
	v4 =	vmul.f32 $7.812500000e-03, v4  }
0x23: {  	v5 =	vmul.f32 $7.812500000e-03, v5;
	v9 =	vmul.f32 $7.812500000e-03, v9  }
0x24: {  	v17 =	vmul.f32 $7.812500000e-03, v17;
	v19 =	vmul.f32 $7.812500000e-03, v19;
	v2 =	vadd.f32 $-1.000000000e+00, v2  }
0x25: {  	v8 =	vld [tilespmem:$0x20];
	v21 =	vmul.f32 $7.812500000e-03, v21;
	v3 =	vadd.f32 $-1.000000000e+00, v3;
	v4 =	vadd.f32 $-1.000000000e+00, v4  }
0x26: {  	v28 =	vld [tilespmem:$0x70];
	v24 =	vmul.f32 $7.812500000e-03, v24;
	v5 =	vadd.f32 $-1.000000000e+00, v5;
	v9 =	vadd.f32 $-1.000000000e+00, v9  }
0x27: {  	v29 =	vld [tilespmem:$0x110];
	v25 =	vmul.f32 $7.812500000e-03, v25;
	v17 =	vadd.f32 $-1.000000000e+00, v17;
	v19 =	vadd.f32 $-1.000000000e+00, v19  }
0x28: {  	v21 =	vadd.f32 $-1.000000000e+00, v21;
	v24 =	vadd.f32 $-1.000000000e+00, v24  }
0x29: {  	v55 =	vadd.f32 $-1.000000000e+00, v25;
	v2 =	vadd.f32 $1.000000000e+00, v2  }
0x2a: {  	v34 =	vmul.f32 $7.812500000e-03, v8;
	v3 =	vadd.f32 $1.000000000e+00, v3;
	v4 =	vadd.f32 $1.000000000e+00, v4  }
0x2b: {  	v59 =	vmul.f32 $7.812500000e-03, v28;
	v5 =	vadd.f32 $1.000000000e+00, v5;
	v41 =	vadd.f32 $1.000000000e+00, v9  }
0x2c: {  	v60 =	vmul.f32 $7.812500000e-03, v29;
	v17 =	vadd.f32 $1.000000000e+00, v17;
	v19 =	vadd.f32 $1.000000000e+00, v19  }
0x2d: {  	v21 =	vadd.f32 $1.000000000e+00, v21;
	v2 =	vmul.f32 $1.275000000e+02, v2;
	v3 =	vmul.f32 $1.275000000e+02, v3  }
0x2e: {  	v39 =	vld [tilespmem:$0x30];
	v54 =	vadd.f32 $1.000000000e+00, v24;
	v4 =	vmul.f32 $1.275000000e+02, v4;
	v11 =	vmul.f32 $1.275000000e+02, v5  }
0x2f: {  	v49 =	vld [tilespmem:$0x40];
	v24 =	vadd.f32 $1.000000000e+00, v55;
	v15 =	vmul.f32 $1.275000000e+02, v41;
	v17 =	vmul.f32 $1.275000000e+02, v17  }
0x30: {  	v19 =	vmul.f32 $1.275000000e+02, v19;
	v21 =	vmul.f32 $1.275000000e+02, v21  }
0x31: {  	v24 =	vmul.f32 $1.275000000e+02, v24;
	v2 =	vtrunc.f32 v2  }
0x32: {  	v3 =	vtrunc.f32 v3;
	v4 =	vtrunc.f32 v4  }
0x33: {  	v62 =	vadd.f32 $-1.000000000e+00, v59;
	v33 =	vtrunc.f32 v11;
	v11 =	vmul.f32 $7.812500000e-03, v39  }
0x34: {  	v47 =	vtrunc.f32 v15;
	v15 =	vmul.f32 $7.812500000e-03, v49  }
0x35: {  	v5 =	vadd.f32 $1.000000000e+00, v62;
	v17 =	vtrunc.f32 v17;
	v19 =	vtrunc.f32 v19  }
0x36: {  	v21 =	vtrunc.f32 v21;
	v24 =	vtrunc.f32 v24  }
0x37: {  	v5 =	vmul.f32 $1.275000000e+02, v5;
	v2 =	vcvt.f32.s32 v2  }
0x38: {  	v3 =	vcvt.f32.s32 v3;
	v12 =	vcvt.f32.s32 v4  }
0x39: {  	v35 =	vcvt.f32.s32 v33;
	v17 =	vcvt.f32.s32 v17  }
0x3a: {  	v19 =	vcvt.f32.s32 v19;
	v21 =	vcvt.f32.s32 v21  }
0x3b: {  	v43 =	vld [tilespmem:$0xD0];
	v24 =	vcvt.f32.s32 v24;
	v11 =	vadd.f32 $-1.000000000e+00, v11;
	v15 =	vadd.f32 $-1.000000000e+00, v15  }
0x3c: {  	v5 =	vtrunc.f32 v5;
	vm0 =	vgt.s32 v2, $0x0;
	vm9 =	vgt.s32 v3, $0x0  }
0x3d: {  	vm10 =	vgt.s32 v12, $0x0;
	vm11 =	vgt.s32 v35, $0x0;
	vm5 =	vgt.s32 v17, $0x0  }
0x3e: {  	vm6 =	vgt.s32 v19, $0x0;
	vm7 =	vgt.s32 v21, $0x0;
	v5 =	vcvt.f32.s32 v5  }
0x3f: {  	v2 =	vnsel vm0, $0x0, v2;
	v3 =	vnsel vm9, $0x0, v3;
	v37 =	vnsel vm10, $0x0, v12  }
0x40: {  	v8 =	vnsel vm11, $0x0, v35;
	v12 =	vmul.f32 $7.812500000e-03, v43;
	v11 =	vadd.f32 $1.000000000e+00, v11  }
0x41: {  	v15 =	vadd.f32 $1.000000000e+00, v15;
	v17 =	vnsel vm5, $0x0, v17;
	v52 =	vnsel vm6, $0x0, v19  }
0x42: {  	v53 =	vnsel vm7, $0x0, v21;
	v21 =	vmul.f32 $1.275000000e+02, v54;
	vm9 =	vgt.s32 v24, $0x0  }
0x43: {  	v6 =	vmin.u32 v2, $0xFF;
	v7 =	vmin.u32 v3, $0xFF;
	v2 =	vmin.u32 v2, $0xFE  }
0x44: {  	v3 =	vmin.u32 v3, $0xFE;
	v38 =	vmin.u32 v37, $0xFF;
	v40 =	vmin.u32 v8, $0xFF  }
0x45: {  	v8 =	vmin.u32 v8, $0xFE;
	v23 =	vmin.u32 v17, $0xFF;
	v17 =	vmin.u32 v17, $0xFE  }
0x46: {  	v56 =	vmin.u32 v52, $0xFF;
	v27 =	vmin.u32 v53, $0xFF;
	v19 =	vmin.u32 v53, $0xFE  }
0x47: {  	v28 =	vnsel vm9, $0x0, v24;
	vm10 =	vgt.s32 v5, $0x0;
	v7 =	vshll.u32 v7, $0x8  }
0x48: {  	v10 =	vadd.s32 $0x1, v2;
	v3 =	vshll.u32 v3, $0x8;
	v42 =	vshll.u32 v40, $0x8  }
0x49: {  	v8 =	vshll.u32 v8, $0x8;
	v12 =	vadd.f32 $-1.000000000e+00, v12;
	v11 =	vmul.f32 $1.275000000e+02, v11  }
0x4a: {  	v15 =	vmul.f32 $1.275000000e+02, v15;
	v23 =	vshll.u32 v23, $0x8;
	v17 =	vshll.u32 v17, $0x8  }
0x4b: {  	v27 =	vshll.u32 v27, $0x8;
	v19 =	vshll.u32 v19, $0x8;
	v21 =	vtrunc.f32 v21  }
0x4c: {  	v29 =	vmin.u32 v28, $0xFF;
	v5 =	vnsel vm10, $0x0, v5;
	v2 =	vor.u32 v0, v7  }
0x4d: {  	v31 =	vadd.s32 v3, v1;
	v7 =	vmin.u32 v37, $0xFE;
	v14 =	vor.u32 v0, v42  }
0x4e: {  	v8 =	vadd.s32 v8, v1;
	v23 =	vor.u32 v0, v23;
	v17 =	vadd.s32 v17, v1  }
0x4f: {  	v27 =	vor.u32 v0, v27;
	v57 =	vadd.s32 v19, v1;
	v21 =	vcvt.f32.s32 v21  }
0x50: {  	v32 =	vor.u32 v6, v2;
	v3 =	vadd.s32 v10, v2;
	v2 =	vor.u32 v6, v31  }
0x51: {  	v36 =	vadd.s32 v10, v31;
	v6 =	vadd.f32 $-1.000000000e+00, v34;
	v13 =	vadd.s32 $0x1, v7  }
0x52: {  	v9 =	vor.u32 v38, v14;
	v46 =	vor.u32 v38, v8;
	v10 =	vcvt.f32.s32 v47  }
0x53: {  	v12 =	vadd.f32 $1.000000000e+00, v12;
	v11 =	vtrunc.f32 v11;
	v15 =	vtrunc.f32 v15  }
0x54: {  	v58 =	vor.u32 v56, v27;
	v7 =	vmin.u32 v28, $0xFE;
	v38 =	vmin.u32 v5, $0xFF  }
0x55: {  	v5 =	vmin.u32 v5, $0xFE;
	v44 =	vadd.s32 v13, v14;
	v8 =	vadd.s32 v13, v8  }
0x56: {  	v11 =	vcvt.f32.s32 v11;
	v15 =	vcvt.f32.s32 v15;
	[tilespmem:$0x280] =	vst v2;
	v2 =	vor.u32 v56, v57  }
0x57: {  	vm8 =	vgt.s32 v21, $0x0;
	v7 =	vshll.u32 v7, $0x8;
	v6 =	vadd.f32 $1.000000000e+00, v6  }
0x58: {  	vm13 =	vgt.s32 v10, $0x0;
	v12 =	vmul.f32 $1.275000000e+02, v12;
	v63 =	vnsel vm8, $0x0, v21  }
0x59: {  	v7 =	vadd.s32 v7, v1;
	v10 =	vnsel vm13, $0x0, v10;
	vm14 =	vgt.s32 v11, $0x0  }
0x5a: {  	[tilespmem:$0x150] =	vst v9;
	vm4 =	vgt.s32 v15, $0x0;
	v21 =	vmin.u32 v63, $0xFF;
	v9 =	vmin.u32 v63, $0xFE  }
0x5b: {  	v31 =	vld [tilespmem:$0x80];
	v6 =	vmul.f32 $1.275000000e+02, v6;
	v16 =	vmin.u32 v10, $0xFF;
	v10 =	vmin.u32 v10, $0xFE  }
0x5c: {  	v12 =	vtrunc.f32 v12;
	v11 =	vnsel vm14, $0x0, v11;
	v15 =	vnsel vm4, $0x0, v15  }
0x5d: {  	v30 =	vadd.s32 $0x1, v9;
	v35 =	vor.u32 v21, v7;
	v16 =	vshll.u32 v16, $0x8  }
0x5e: {  	v10 =	vshll.u32 v10, $0x8;
	v12 =	vcvt.f32.s32 v12;
	v50 =	vmin.u32 v11, $0xFF  }
0x5f: {  	v11 =	vmin.u32 v11, $0xFE;
	v51 =	vmin.u32 v15, $0xFF;
	v15 =	vmin.u32 v15, $0xFE  }
0x60: {  	[tilespmem:$0x320] =	vst v36;
	v36 =	vmul.f32 $7.812500000e-03, v31;
	v6 =	vtrunc.f32 v6;
	v16 =	vor.u32 v0, v16  }
0x61: {  	v10 =	vadd.s32 v10, v1;
	v11 =	vadd.s32 $0x1, v11;
	v15 =	vadd.s32 $0x1, v15  }
0x62: {  	v26 =	vor.u32 v51, v23;
	v45 =	vcvt.f32.s32 v6;
	vm15 =	vgt.s32 v12, $0x0  }
0x63: {  	v23 =	vadd.s32 v15, v23;
	v15 =	vadd.s32 v15, v17;
	v12 =	vnsel vm15, $0x0, v12  }
0x64: {  	vm12 =	vgt.s32 v45, $0x0;
	v20 =	vmin.u32 v12, $0xFF;
	v12 =	vmin.u32 v12, $0xFE  }
0x65: {  	[tilespmem:$0x140] =	vst v32;
	v48 =	vnsel vm12, $0x0, v45;
	v20 =	vshll.u32 v20, $0x8;
	v12 =	vshll.u32 v12, $0x8  }
0x66: {  	[tilespmem:$0x1E0] =	vst v3;
	v32 =	vld [tilespmem:$0x120];
	v14 =	vmin.u32 v48, $0xFF;
	v13 =	vmin.u32 v48, $0xFE;
	v20 =	vor.u32 v0, v20  }
0x67: {  	[tilespmem:$0x290] =	vst v46;
	v12 =	vadd.s32 v12, v1;
	v13 =	vadd.s32 $0x1, v13;
	v18 =	vor.u32 v14, v16  }
0x68: {  	v39 =	vld [tilespmem:$0x130];
	[tilespmem:$0x190] =	vst v58;
	v14 =	vor.u32 v14, v10;
	v22 =	vor.u32 v50, v20;
	v20 =	vadd.s32 v11, v20  }
0x69: {  	[tilespmem:$0x1F0] =	vst v44;
	v11 =	vadd.s32 v11, v12;
	v16 =	vadd.s32 v13, v16;
	v10 =	vadd.s32 v13, v10  }
0x6a: {  	v41 =	vld [tilespmem:$0x90];
	[tilespmem:$0x330] =	vst v8;
	v13 =	vor.u32 v50, v12;
	v12 =	vor.u32 v51, v17;
	v17 =	vmin.u32 v52, $0xFE  }
0x6b: {  	[tilespmem:$0x2D0] =	vst v2;
	v7 =	vadd.s32 v30, v7;
	v37 =	vmul.f32 $7.812500000e-03, v32;
	v17 =	vadd.s32 $0x1, v17  }
0x6c: {  	[tilespmem:$0x2E0] =	vst v35;
	v8 =	vadd.f32 $-1.000000000e+00, v36;
	v3 =	vadd.s32 v17, v27;
	v27 =	vadd.f32 $-1.000000000e+00, v60  }
0x6d: {  	v44 =	vmul.f32 $7.812500000e-03, v39;
	[tilespmem:$0x380] =	vst v7;
	v6 =	vshll.u32 v29, $0x8;
	v9 =	vadd.f32 $-1.000000000e+00, v37  }
0x6e: {  	[tilespmem:$0x180] =	vst v26;
	v8 =	vadd.f32 $1.000000000e+00, v8;
	v61 =	vadd.s32 v17, v57;
	v17 =	vadd.f32 $1.000000000e+00, v27  }
0x6f: {  	v6 =	vor.u32 v0, v6;
	[tilespmem:$0x220] =	vst v23;
	v9 =	vadd.f32 $1.000000000e+00, v9;
	v45 =	vmul.f32 $7.812500000e-03, v41  }
0x70: {  	[tilespmem:$0x360] =	vst v15;
	v33 =	vor.u32 v21, v6;
	v8 =	vmul.f32 $1.275000000e+02, v8;
	v17 =	vmul.f32 $1.275000000e+02, v17  }
0x71: {  	v6 =	vadd.s32 v30, v6;
	[tilespmem:$0x1A0] =	vst v33;
	v9 =	vmul.f32 $1.275000000e+02, v9;
	v48 =	vadd.f32 $-1.000000000e+00, v45  }
0x72: {  	v47 =	vadd.f32 $-1.000000000e+00, v44;
	[tilespmem:$0x240] =	vst v6;
	v8 =	vtrunc.f32 v8;
	v34 =	vtrunc.f32 v17  }
0x73: {  	[tilespmem:$0x200] =	vst v16;
	v46 =	vtrunc.f32 v9;
	v51 =	vadd.f32 $1.000000000e+00, v48;
	v16 =	vcvt.f32.s32 v34  }
0x74: {  	v5 =	vadd.s32 $0x1, v5;
	[tilespmem:$0x230] =	vst v3;
	v3 =	vcvt.f32.s32 v8;
	v8 =	vcvt.f32.s32 v46  }
0x75: {  	[tilespmem:$0x160] =	vst v18;
	v50 =	vadd.f32 $1.000000000e+00, v47;
	v9 =	vmul.f32 $1.275000000e+02, v51;
	vm11 =	vgt.s32 v16, $0x0  }
0x76: {  	[tilespmem:$0x2A0] =	vst v14;
	vm12 =	vgt.s32 v3, $0x0;
	vm13 =	vgt.s32 v8, $0x0;
	v16 =	vnsel vm11, $0x0, v16  }
0x77: {  	[tilespmem:$0x170] =	vst v22;
	v9 =	vtrunc.f32 v9;
	v3 =	vnsel vm12, $0x0, v3;
	v40 =	vmin.u32 v16, $0xFF  }
0x78: {  	[tilespmem:$0x350] =	vst v11;
	v52 =	vnsel vm13, $0x0, v8;
	v16 =	vmin.u32 v16, $0xFE;
	v11 =	vshll.u32 v40, $0x8  }
0x79: {  	[tilespmem:$0x210] =	vst v20;
	v54 =	vmin.u32 v52, $0xFF;
	v16 =	vshll.u32 v16, $0x8;
	v11 =	vor.u32 v0, v11  }
0x7a: {  	[tilespmem:$0x340] =	vst v10;
	v55 =	vshll.u32 v54, $0x8;
	v42 =	vadd.s32 v16, v1;
	v43 =	vor.u32 v38, v11  }
0x7b: {  	[tilespmem:$0x2B0] =	vst v13;
	v11 =	vadd.s32 v5, v11;
	v49 =	vadd.s32 v5, v42;
	v5 =	vmul.f32 $1.275000000e+02, v50  }
0x7c: {  	[tilespmem:$0x2C0] =	vst v12;
	v53 =	vmin.u32 v3, $0xFF;
	v3 =	vmin.u32 v3, $0xFE;
	v7 =	vor.u32 v0, v55  }
0x7d: {  	[tilespmem:$0x370] =	vst v61;
	v3 =	vadd.s32 $0x1, v3;
	v56 =	vor.u32 v53, v7;
	v5 =	vtrunc.f32 v5  }
0x7e: {  	v9 =	vcvt.f32.s32 v9;
	v57 =	vadd.s32 v3, v7;
	[tilespmem:$0x1C0] =	vst v56;
	v5 =	vcvt.f32.s32 v5  }
0x7f: {  	v6 =	vmin.u32 v52, $0xFE;
	[tilespmem:$0x260] =	vst v57  }
0x80: {  	v6 =	vshll.u32 v6, $0x8;
	vm15 =	vgt.s32 v9, $0x0;
	[tilespmem:$0x1B0] =	vst v43;
	vm14 =	vgt.s32 v5, $0x0  }
0x81: {  	v59 =	vnsel vm15, $0x0, v9;
	v2 =	vor.u32 v38, v42;
	[tilespmem:$0x250] =	vst v11;
	v5 =	vnsel vm14, $0x0, v5  }
0x82: {  	v62 =	vmin.u32 v59, $0xFE;
	[tilespmem:$0x2F0] =	vst v2;
	v2 =	vadd.s32 v6, v1;
	v60 =	vmin.u32 v5, $0xFF  }
0x83: {  	[tilespmem:$0x390] =	vst v49;
	v58 =	vor.u32 v53, v2;
	v2 =	vadd.s32 v3, v2;
	v61 =	vshll.u32 v60, $0x8  }
0x84: {  	v3 =	vmin.u32 v59, $0xFF;
	[tilespmem:$0x300] =	vst v58;
	v5 =	vmin.u32 v5, $0xFE;
	v4 =	vor.u32 v0, v61  }
0x85: {  	[tilespmem:$0x3A0] =	vst v2;
	v2 =	vadd.s32 $0x1, v62;
	v5 =	vshll.u32 v5, $0x8;
	v63 =	vor.u32 v3, v4  }
0x86: {  	v5 =	vadd.s32 v5, v1;
	v4 =	vadd.s32 v2, v4;
	[tilespmem:$0x1D0] =	vst v63  }
0x87: {  	v3 =	vor.u32 v3, v5;
	[tilespmem:$0x270] =	vst v4  }
0x88: {  	v2 =	vadd.s32 v2, v5;
	[tilespmem:$0x310] =	vst v3  }
0x89: {  	[tilespmem:$0x3B0] =	vst v2  }
0x8a: {  	[tilespmem:s15], [sflag:$0x1] =	stream.indirect.gather [hbm4b:s3+s13], $0x20, s14, s13, $0xb8;
	[tilespmem:$0x53C0] =	vst v63  }
0x8b: {  	_ = 	snop  }
0x8c: {  	[tilespmem:s17], [sflag:$0x1] =	stream.indirect.gather [hbm4b:s3+s13], $0x20, s16, s13, $0xb8;
	[tilespmem:$0x53C0] =	vst v63  }
0x8d: {  	_ = 	snop  }
0x8e: {  	[tilespmem:s19], [sflag:$0x1] =	stream.indirect.gather [hbm4b:s3+s13], $0x20, s18, s13, $0xb8;
	[tilespmem:$0x53C0] =	vst v63  }
0x8f: {  	_ = 	snop  }
0x90: {  	[tilespmem:s21], [sflag:$0x1] =	stream.indirect.gather [hbm4b:s3+s13], $0x20, s20, s13, $0xb8;
	[tilespmem:$0x53C0] =	vst v63  }
0x91: {  	_ = 	snop  }
0x92: {  	[tilespmem:s23], [sflag:$0x1] =	stream.indirect.gather [hbm4b:s3+s13], $0x20, s22, s13, $0xb8;
	[tilespmem:$0x53C0] =	vst v63  }
0x93: {  	_ =	swait.ge [sflag:s24], $0x1000  }
0x94: {  	[sflag:s24] =	ssyncset.done $0x0  }
0x95: {  	[sflag:s24] =	ssyncadd.s32 $0xFFFFF000  }
0x96: {  	_ =	swait.ge [sflag:s24], $0x1000  }
0x97: {  	[sflag:s24] =	ssyncset.done $0x0  }
0x98: {  	[sflag:s24] =	ssyncadd.s32 $0xFFFFF000  }
0x99: {  	_ =	swait.ge [sflag:s24], $0x1000  }
0x9a: {  	[sflag:s24] =	ssyncset.done $0x0  }
0x9b: {  	[sflag:s24] =	ssyncadd.s32 $0xFFFFF000  }
0x9c: {  	_ =	swait.ge [sflag:s24], $0x1000  }
0x9d: {  	[sflag:s24] =	ssyncset.done $0x0  }
0x9e: {  	[sflag:s24] =	ssyncadd.s32 $0xFFFFF000  }
0x9f: {  	_ =	swait.ge [sflag:s24], $0x1000  }
0xa0: {  	[sflag:s24] =	ssyncset.done $0x0  }
0xa1: {  	[sflag:s24] =	ssyncadd.s32 $0xFFFFF000  }
0xa2: {  	[hbm4b:s5+s2] =	stream.linear.scatter [tilespmem:s15], [sflag:$0x2], $0x1400, $0x38;
	[tilespmem:$0x53C0] =	vst v63  }
0xa3: {  	_ =	swait.ge [sflag:s11], $0x1400  }
0xa4: {  	[sflag:s11] =	ssyncset.done $0x0  }
0xa5: {  	[sflag:s11] =	ssyncadd.s32 $0xFFFFEC00  }
0xa6: {  	[hbm4b:s6+s2] =	stream.linear.scatter [tilespmem:s25], [sflag:$0x2], $0x1400, $0x38;
	[tilespmem:$0x53C0] =	vst v63  }
0xa7: {  	_ =	swait.ge [sflag:s11], $0x1400  }
0xa8: {  	[sflag:s11] =	ssyncset.done $0x0  }
0xa9: {  	[sflag:s11] =	ssyncadd.s32 $0xFFFFEC00  }
0xaa: {  	[hbm4b:s8+s2] =	stream.linear.scatter [tilespmem:s26], [sflag:$0x2], $0x1400, $0x38;
	[tilespmem:$0x53C0] =	vst v63  }
0xab: {  	_ =	swait.ge [sflag:s11], $0x1400  }
0xac: {  	p0 =	sne.s32 s10, $0x1;
	[sflag:s11] =	ssyncset.done $0x0  }
.Ltmp0:
0xad: {  	[sflag:s11] =	ssyncadd.s32 $0xFFFFEC00;
	(pc) =	sbr.rel @p0 .LBB2_1-.Ltmp0, $4  }
0xae: {  	[hbm4b:s9+s2] =	stream.linear.scatter [tilespmem:s28], [sflag:$0x2], $0x1400, $0x38;
	[tilespmem:$0x53C0] =	vst v63  }
0xaf: {  	_ =	swait.ge [sflag:s11], $0x1400  }
0xb0: {  	[sflag:s11] =	ssyncset.done $0x0  }
0xb1: {  	s10 =	sadd.s32 $0xFFFFFFFF, s10;
	[sflag:s11] =	ssyncadd.s32 $0xFFFFEC00  }
0xb2: {  	_ =	sfence.sel $0x180000  }
0xb3: {  	[bflag:$0x0] =	sbarrier.arrive $0xFFFF  }
0xb4: {  	p0 =	sne.s32 s0, $0x0;
	_ =	strace $0x90000050  }
0xb5: {  	s0 =	sadd.s32 @!p0 $0x100000, s1;
	[bflag:$0x2] =	sbarrier.arrive $0xFFFF  }
0xb6: {  	[sflag:s0] =	ssyncadd.tile.s32 @!p0 $0x1;
	_ =	shalt  }
.Lfunc_end2:
_tile_overlayer_lowered:
.L_overlay_start_2:
0xb7: {  	(tag) =	ssettag $0x2  }
0xb8: {  	s0 =	rddreg [dreg:$0x0];
	s2 =	stileid.u32  }
0xb9: {  	s1 =	rddreg [dreg:$0x1];
	p0 =	sne.s32 s2, $0x0  }
0xba: {  	s3 =	rddreg [dreg:$0x2];
	[bflag:$0x3] =	sbarrier.arrive $0xFFFF;
	s2 =	simm.s32 @!p0 $0x1C02  }
0xbb: {  	[timem:s3], [sflag:s2] =	dma.local @!p0 [hbm:s0], s1  }
0xbc: {  	s0 =	simm.s32 @!p0 $0x2  }
0xbd: {  	_ =	swait.ge @!p0 [sflag:s0], s1  }
0xbe: {  	s1 =	ssub.s32 @!p0 $0x0, s1;
	[sflag:s0] =	ssyncset.done @!p0 $0x0  }
0xbf: {  	[sflag:s0] =	ssyncadd.s32 @!p0 s1  }
0xc0: {  	[bflag:$0x3] =	sbarrier.arrive $0xFFFF  }
0xc1: {  	_ =	shalt  }

// kernel: kernel.8.cloned.1.call-start
scs
__scs_entry_jumppad:
0x0: {  	(pc) =	sbr.rel $0x88, $3  }
0x1: {  	(tag) =	ssettag $0x0;
	lr =	simm.s32 $0x1  }
0x2: {  	[smem:$0x3F75] =	sst lr;
	_ =	strace $0xD0000000  }
0x3: {  	_ = 	snop  }
0x4: {  	_ = 	snop  }
0x5: {  	_ = 	snop  }
0x6: {  	_ = 	snop  }
0x7: {  	_ = 	snop  }
__scs_overlays_trampoline_lowered:
0x8: {  	[smem:$0x3F84] =	sst s0  }
0x9: {  	[smem:$0x3F85] =	sst s1  }
0xa: {  	[smem:$0x3F86] =	sst s2  }
0xb: {  	[smem:$0x3F87] =	sst s3  }
0xc: {  	[smem:$0x3F88] =	sst s4  }
0xd: {  	[smem:$0x3F89] =	sst s5  }
0xe: {  	[smem:$0x3F8A] =	sst s6  }
0xf: {  	[smem:$0x3F8B] =	sst s7  }
0x10: {  	[smem:$0x3F8C] =	sst s8  }
0x11: {  	[smem:$0x3F8D] =	sst s9;
	s0 =	simm.s32 @!p0 $0x0  }
0x12: {  	s1 =	sld [smem:$0x3F73];
	s0 =	simm.s32 @p0 $0x1  }
0x13: {  	[smem:$0x3F8E] =	sst s0;
	s0 =	simm.s32 @!p1 $0x0  }
0x14: {  	s2 =	sld [smem:$0x3F72];
	s0 =	simm.s32 @p1 $0x1  }
0x15: {  	[smem:$0x3F8F] =	sst s0;
	s0 =	simm.s32 @!p2 $0x0  }
0x16: {  	s3 =	sld [smem:$0x3FDB];
	s0 =	simm.s32 @p2 $0x1  }
0x17: {  	s4 =	simm.s32 $0x1BF5;
	[smem:$0x3F91] =	sst s0  }
0x18: {  	s0 =	sld [smem:$0x3F74];
	_ =	swait.ge [sflag:s4], $0x0  }
0x19: {  	s7 =	sld [smem:$0x3F75]  }
0x1a: {  	s8 =	sadd.s32 $0xFFFFE003, lr  }
0x1b: {  	s9 =	sadd.s32 $0xFFFFFEF7, lr;
	s5 =	simm.s32 $0xFFFFFFFF;
	p2 =	slt.u32 s8, $0xFFFFF086  }
0x1c: {  	p1 =	slt.u32 s9, $0xF7A;
	s5 =	simm.s32 @!p2 $0x0  }
0x1d: {  	s5 =	simm.s32 @p1 $0x1;
	p0 =	seq.s32 s7, s2  }
0x1e: {  	s7 =	smul.u32 @!p0 $0xF7A, s2;
	p2 =	seq.s32 @!p0 s5, $0x0  }
0x1f: {  	s9 =	smul.u32 $0xF7A, s1;
	s8 =	simm.s32 @!p0 $0x1BF5;
	p2 =	por !p2, p0  }
0x20: {  	[sflag:s8] =	ssyncset.s32 @!p0 $0xFFFFF086;
	s6 =	sadd.s32 @!p0 s3, s7;
	s7 =	simm.s32 @!p0 $0x108  }
0x21: {  	s3 =	sadd.s32 s3, s9;
	s6 =	sadd.s32 @!p0 $0x88, s6;
	s7 =	simm.s32 @p2 $0x1082  }
0x22: {  	[simem:s7], [sflag:s8] =	dma.local @!p0 [hbm:s6], $0xF7A  }
0x23: {  	s9 =	sor.u32 $0xD0000000, s2;
	s6 =	simm.s32 $0x108;
	_ =	swait.ge @!p0 [sflag:s8], $0x0  }
0x24: {  	s3 =	sadd.s32 $0x88, s3;
	s6 =	simm.s32 @!p1 $0x1082;
	[sflag:s4] =	ssyncset.s32 $0xFFFFF086  }
0x25: {  	[simem:s6], [sflag:s4] =	dma.local [hbm:s3], $0xF7A  }
0x26: {  	[smem:$0x3F75] =	sst s1;
	(tag) =	ssettag s2;
	_ =	strace s9  }
0x27: {  	s1 =	sld [smem:$0x3F85]  }
0x28: {  	s2 =	sld [smem:$0x3F86]  }
0x29: {  	s4 =	sld [smem:$0x3F88]  }
0x2a: {  	p0 =	seq.s32 s5, $0x0;
	s5 =	sld [smem:$0x3F89]  }
0x2b: {  	s6 =	sld [smem:$0x3F8A]  }
0x2c: {  	s7 =	sld [smem:$0x3F8B]  }
0x2d: {  	s3 =	simm.s32 $0x108;
	s8 =	sld [smem:$0x3F8C]  }
0x2e: {  	s3 =	simm.s32 @!p0 $0x1082;
	s9 =	sld [smem:$0x3F8D]  }
0x2f: {  	lr =	sadd.s32 s0, s3;
	s0 =	sld [smem:$0x3F84]  }
0x30: {  	s3 =	sld [smem:$0x3F87]  }
0x31: {  	[smem:$0x3F90] =	sst s10  }
0x32: {  	s10 =	sld [smem:$0x3F8E];
	_ =	sdelay $0x3  }
0x33: {  	p0 =	seq.s32 s10, $0x1;
	s10 =	sld [smem:$0x3F90];
	_ =	sdelay $0x3  }
0x34: {  	[smem:$0x3F90] =	sst s10  }
0x35: {  	s10 =	sld [smem:$0x3F8F];
	_ =	sdelay $0x3  }
0x36: {  	p1 =	seq.s32 s10, $0x1;
	s10 =	sld [smem:$0x3F90];
	_ =	sdelay $0x3  }
0x37: {  	[smem:$0x3F90] =	sst s10  }
0x38: {  	s10 =	sld [smem:$0x3F91]  }
0x39: {  	_ = 	snop;
	(pc) =	sbr.ind lr, $3  }
0x3a: {  	_ = 	snop  }
0x3b: {  	_ = 	snop  }
0x3c: {  	p2 =	seq.s32 s10, $0x1;
	s10 =	sld [smem:$0x3F90]  }
0x3d: {  	_ =	shalt  }
0x3e: {  	_ =	shalt  }
0x3f: {  	_ =	shalt  }
0x40: {  	_ =	shalt  }
0x41: {  	_ =	shalt  }
0x42: {  	_ =	shalt  }
0x43: {  	_ =	shalt  }
0x44: {  	_ =	shalt  }
0x45: {  	_ =	shalt  }
0x46: {  	_ =	shalt  }
0x47: {  	_ =	shalt  }
0x48: {  	_ =	shalt  }
0x49: {  	_ =	shalt  }
0x4a: {  	_ =	shalt  }
0x4b: {  	_ =	shalt  }
0x4c: {  	_ =	shalt  }
0x4d: {  	_ =	shalt  }
0x4e: {  	_ =	shalt  }
0x4f: {  	_ =	shalt  }
0x50: {  	_ =	shalt  }
0x51: {  	_ =	shalt  }
0x52: {  	_ =	shalt  }
0x53: {  	_ =	shalt  }
0x54: {  	_ =	shalt  }
0x55: {  	_ =	shalt  }
0x56: {  	_ =	shalt  }
0x57: {  	_ =	shalt  }
0x58: {  	_ =	shalt  }
0x59: {  	_ =	shalt  }
0x5a: {  	_ =	shalt  }
0x5b: {  	_ =	shalt  }
0x5c: {  	_ =	shalt  }
0x5d: {  	_ =	shalt  }
0x5e: {  	_ =	shalt  }
0x5f: {  	_ =	shalt  }
0x60: {  	_ =	shalt  }
0x61: {  	_ =	shalt  }
0x62: {  	_ =	shalt  }
0x63: {  	_ =	shalt  }
0x64: {  	_ =	shalt  }
0x65: {  	_ =	shalt  }
0x66: {  	_ =	shalt  }
0x67: {  	_ =	shalt  }
0x68: {  	_ =	shalt  }
0x69: {  	_ =	shalt  }
0x6a: {  	_ =	shalt  }
0x6b: {  	_ =	shalt  }
0x6c: {  	_ =	shalt  }
0x6d: {  	_ =	shalt  }
0x6e: {  	_ =	shalt  }
0x6f: {  	_ =	shalt  }
0x70: {  	_ =	shalt  }
0x71: {  	_ =	shalt  }
0x72: {  	_ =	shalt  }
0x73: {  	_ =	shalt  }
0x74: {  	_ =	shalt  }
0x75: {  	_ =	shalt  }
0x76: {  	_ =	shalt  }
0x77: {  	_ =	shalt  }
0x78: {  	_ =	shalt  }
0x79: {  	_ =	shalt  }
0x7a: {  	_ =	shalt  }
0x7b: {  	_ =	shalt  }
0x7c: {  	_ =	shalt  }
0x7d: {  	_ =	shalt  }
0x7e: {  	_ =	shalt  }
0x7f: {  	_ =	shalt  }
0x80: {  	_ =	shalt  }
0x81: {  	_ =	shalt  }
0x82: {  	_ =	shalt  }
0x83: {  	_ =	shalt  }
0x84: {  	_ =	shalt  }
0x85: {  	_ =	shalt  }
0x86: {  	_ =	shalt  }
0x87: {  	_ =	shalt  }
.Lfunc_end0:
.L_simem_size_0:
called_computation.1_lowered:
.L_overlay_start_0:
0x88: {  	s2 =	sld [smem:$0x3FD9]  }
0x89: {  	s3 =	sld [smem:$0x3FFE];
	_ =	sdelay $0x1  }
0x8a: {  	s1 =	srdreg.scid  }
0x8b: {  	s0 =	sand.u32 $0x1, s1  }
0x8c: {  	s14 =	sshll.u32 s0, $0xA;
	s2 =	sadd.s32 s3, s2  }
0x8d: {  	s2 =	sadd.s32 s2, s14  }
0x8e: {  	[smem:$0x3F9C] =	sst s2  }
0x8f: {  	_ = 	snop  }
0x90: {  	s2 =	sld [smem:$0x3FD0];
	_ =	sdelay $0x2  }
0x91: {  	s15 =	simm.s32 $0xA;
	s4 =	simm.s32 $0x10  }
0x92: {  	[smem:s4], [sflag:s15] =	dma.local [hbm:s2], $0x1  }
0x93: {  	_ =	swait.eq [sflag:s15], $0x1  }
0x94: {  	[sflag:s15] =	ssyncset.done $0x0  }
0x95: {  	s16 =	sld [smem:$0x12];
	[sflag:s15] =	ssyncadd.s32 $0xFFFFFFFF  }
0x96: {  	s17 =	sld [smem:$0x13];
	(tm) =	ssettm $0x1  }
0x97: {  	s18 =	sld [smem:$0x3FFB];
	_ =	sdelay $0x3  }
0x98: {  	_ =	strace s18  }
0x99: {  	s4 =	sld [smem:$0x3FFC];
	_ =	sdelay $0x3  }
0x9a: {  	_ =	strace s4  }
0x9b: {  	s4 =	sld [smem:$0x3FFD];
	_ =	sdelay $0x3  }
0x9c: {  	_ =	strace s4  }
0x9d: {  	_ =	strace $0x8FFFFFFF  }
0x9e: {  	s19 =	sld [smem:$0x3FDB];
	_ =	sdelay $0x1  }
0x9f: {  	s5 =	simm.s32 $_scs_section_size  }
0xa0: {  	s6 =	simm.s32 $_size__tile_overlayer_lowered;
	s7 =	simm.s32 $_tile_overlayer_lowered  }
0xa1: {  	s22 =	simm.s32 $0x1BFF;
	s21 =	sshll.u32 s7, $0x1;
	s4 =	sadd.s32 s5, s19  }
0xa2: {  	s8 =	simm.s32 $0x0;
	s20 =	sshll.u32 s6, $0x1;
	s6 =	sadd.s32 s21, s4  }
0xa3: {  	[timem:s8], [sflag:s22] =	dma.local [hbm:s6], s20  }
0xa4: {  	_ =	swait.ge [sflag:s22], s20  }
0xa5: {  	s5 =	ssub.s32 $0x0, s20;
	[sflag:s22] =	ssyncset.done $0x0  }
0xa6: {  	[sflag:s22] =	ssyncadd.s32 s5;
	_ =	sdelay $0x1  }
0xa7: {  	s23 =	simm.s32 $0x1B8B  }
0xa8: {  	_ =	swait.ge [sflag:s23], $0x1  }
0xa9: {  	[sflag:s23] =	ssyncset.done $0x0  }
0xaa: {  	s25 =	simm.s32 $0x1B8E;
	s24 =	sld [smem:$0x3FFE];
	[sflag:s23] =	ssyncadd.s32 $0xFFFFFFFF  }
0xab: {  	s26 =	simm.s32 $execute0_lowered;
	[smem:$0x3FD2] =	sst s25  }
0xac: {  	s6 =	sshll.u32 s26, $0x1;
	_ =	strace $0x80000049;
	[dreg:$0x1] =	wrdreg $0xFFFFFFFF  }
0xad: {  	s28 =	simm.s32 $_size_execute0_lowered;
	s4 =	sadd.s32 s4, s6;
	[dreg:$0x0] =	wrdreg $0x0  }
0xae: {  	s6 =	sshll.u32 s28, $0x1;
	[dreg:$0x2] =	wrdreg s4  }
0xaf: {  	[dreg:$0x3] =	wrdreg s6  }
0xb0: {  	[dreg:$0x4] =	wrdreg $0xC0  }
0xb1: {  	_ =	task [dreg:s8], $0x5FFFF  }
0xb2: {  	[dreg:$0x1] =	wrdreg $0xFFFFFFFF  }
0xb3: {  	[dreg:$0x0] =	wrdreg $0x60  }
0xb4: {  	[dreg:$0x2] =	wrdreg s16  }
0xb5: {  	[dreg:$0x3] =	wrdreg s17  }
0xb6: {  	[dreg:$0x4] =	wrdreg s24  }
0xb7: {  	[dreg:$0x5] =	wrdreg $0x9  }
0xb8: {  	_ =	task.clear_ibuf [dreg:s8], $0x6FFFF;
	_ =	strace $0x90000049  }
0xb9: {  	s29 =	simm.s32 $0x9;
	_ =	strace $0x8000004B  }
0xba: {  	_ =	swait.ge [sflag:s29], $0x1  }
0xbb: {  	[sflag:s29] =	ssyncadd.s32 $0xFFFFFFFF  }
0xbc: {  	_ =	strace $0x9000004B  }
0xbd: {  	_ =	sfence  }
0xbe: {  	s30 =	sld [smem:$0x0];
	_ =	sdelay $0x2  }
0xbf: {  	s31 =	sshll.u32 s1, $0xD;
	s1 =	sshrl.u32 s1, $0x2  }
0xc0: {  	s3 =	sand.u32 $0x4000, s31;
	s1 =	sadd.s32 s1, s30  }
0xc1: {  	s0 =	sor.u32 s3, s0;
	s1 =	sshll.u32 s1, $0x11  }
0xc2: {  	s0 =	sor.u32 s1, s0  }
0xc3: {  	s0 =	sadd.s32 $0x8F2B, s0  }
0xc4: {  	[sflag:s0] =	ssyncadd.remote.s32 $0x1  }
0xc5: {  	_ =	sfence.sel $0xFFFF  }
0xc6: {  	[dreg:$0x0] =	wrdreg $0xFFFFFFFF;
	(pc) =	sbr.abs _section_cstart, $3  }
0xc7: {  	[dreg:$0x1] =	wrdreg $0xFFFFFFFF  }
0xc8: {  	_ =	task.clear_ibuf [dreg:s8], $0x2FFFF;
	_ =	strace $0x9FFFFFFF  }
0xc9: {  	(tm) =	ssettm $0x7FFFFFFF  }
tec
execute0_lowered:
.L_overlay_start_1:
0x0: {  	(tag) =	ssettag $0x1  }
0x1: {  	s4 =	rddreg [dreg:$0x0]  }
0x2: {  	s7 =	rddreg [dreg:$0x1]  }
0x3: {  	s1 =	srdreg.scid;
	s0 =	stileid.u32  }
0x4: {  	s5 =	rddreg [dreg:$0x2];
	s2 =	simm.s32 $0x0;
	s12 =	simm.s32 $0xA0  }
0x5: {  	s13 =	simm.s32 $0x80;
	s14 =	simm.s32 $0x140;
	s15 =	simm.s32 $0x3C0  }
0x6: {  	s16 =	simm.s32 $0x1C0;
	s17 =	simm.s32 $0x13C0;
	s18 =	simm.s32 $0x240  }
0x7: {  	s19 =	simm.s32 $0x23C0;
	s20 =	simm.s32 $0x2C0;
	s21 =	simm.s32 $0x33C0  }
0x8: {  	s23 =	simm.s32 $0x43C0;
	s24 =	simm.s32 $0x1;
	s25 =	simm.s32 $0x17C0  }
0x9: {  	s26 =	simm.s32 $0x2BC0;
	s6 =	sand.u32 $0x1, s1;
	s1 =	rddreg [dreg:$0x3]  }
0xa: {  	s28 =	simm.s32 $0x3FC0;
	s3 =	sshll.u32 s0, $0x1;
	[smem:$0x7FF] =	sst s2  }
0xb: {  	s11 =	sshll.u32 s0, $0xE;
	s8 =	sor.u32 s6, s3;
	_ =	strace $0x8000004A  }
0xc: {  	s3 =	sadd.s32 $0x9800, s5;
	s6 =	ssub.s32 $0x2, s6;
	s9 =	smul.u32 $0x2800, s8  }
0xd: {  	s22 =	sand.u32 $0x30000, s11;
	s11 =	simm.s32 $0x2;
	s8 =	smul.u32 $0x14, s8  }
0xe: {  	s10 =	sshrl.u32 s6, $0x1;
	v0 =	vmov s22;
	s22 =	simm.s32 $0x340;
	s9 =	sshrl.u32 s9, $0x4  }
0xf: {  	s10 =	ssub.s32 s6, s10;
	s4 =	sadd.s32 s4, s8;
	s9 =	sadd.s32 s9, s5  }
0x10: {  	s7 =	sadd.s32 s7, s8;
	s5 =	sadd.s32 $0x109800, s9;
	s6 =	sadd.s32 $0x10E800, s9  }
0x11: {  	v1 =	vor.u32 $0x100, v0;
	s10 =	smax.u32 s10, $0x1;
	s8 =	sadd.s32 $0x113800, s9;
	s9 =	sadd.s32 $0x118800, s9  }
.LBB2_1:
0x12: {  	[tilespmem:s2], [sflag:$0x2] =	stream.linear.gather [hbm4b:s4+s2], $0xA0, $0x38;
	[tilespmem:$0x53C0] =	vst v63  }
0x13: {  	_ =	swait.ge [sflag:s11], $0xA0  }
0x14: {  	[sflag:s11] =	ssyncset.done $0x0  }
0x15: {  	[sflag:s11] =	ssyncadd.s32 $0xFFFFFF60  }
0x16: {  	[tilespmem:s12], [sflag:$0x2] =	stream.linear.gather [hbm4b:s7+s2], $0xA0, $0x38;
	[tilespmem:$0x53C0] =	vst v63  }
0x17: {  	_ =	swait.ge [sflag:s11], $0xA0  }
0x18: {  	[sflag:s11] =	ssyncset.done $0x0  }
0x19: {  	[sflag:s11] =	ssyncadd.s32 $0xFFFFFF60  }
0x1a: {  	v2 =	vld [tilespmem:$0x0]  }
0x1b: {  	v3 =	vld [tilespmem:$0xA0]  }
0x1c: {  	v4 =	vld [tilespmem:$0x10]  }
0x1d: {  	v5 =	vld [tilespmem:$0xB0]  }
0x1e: {  	v9 =	vld [tilespmem:$0xC0]  }
0x1f: {  	v17 =	vld [tilespmem:$0xE0]  }
0x20: {  	v19 =	vld [tilespmem:$0x50]  }
0x21: {  	v21 =	vld [tilespmem:$0xF0]  }
0x22: {  	v24 =	vld [tilespmem:$0x60];
	v2 =	vmul.f32 $7.812500000e-03, v2  }
0x23: {  	v25 =	vld [tilespmem:$0x100];
	v3 =	vmul.f32 $7.812500000e-03, v3;
	v4 =	vmul.f32 $7.812500000e-03, v4  }
0x24: {  	v5 =	vmul.f32 $7.812500000e-03, v5;
	v9 =	vmul.f32 $7.812500000e-03, v9  }
0x25: {  	v17 =	vmul.f32 $7.812500000e-03, v17;
	v19 =	vmul.f32 $7.812500000e-03, v19;
	v2 =	vadd.f32 $-1.000000000e+00, v2  }
0x26: {  	v8 =	vld [tilespmem:$0x20];
	v21 =	vmul.f32 $7.812500000e-03, v21;
	v3 =	vadd.f32 $-1.000000000e+00, v3;
	v4 =	vadd.f32 $-1.000000000e+00, v4  }
0x27: {  	v28 =	vld [tilespmem:$0x70];
	v24 =	vmul.f32 $7.812500000e-03, v24;
	v5 =	vadd.f32 $-1.000000000e+00, v5;
	v9 =	vadd.f32 $-1.000000000e+00, v9  }
0x28: {  	v29 =	vld [tilespmem:$0x110];
	v25 =	vmul.f32 $7.812500000e-03, v25;
	v17 =	vadd.f32 $-1.000000000e+00, v17;
	v19 =	vadd.f32 $-1.000000000e+00, v19  }
0x29: {  	v21 =	vadd.f32 $-1.000000000e+00, v21;
	v24 =	vadd.f32 $-1.000000000e+00, v24  }
0x2a: {  	v55 =	vadd.f32 $-1.000000000e+00, v25;
	v2 =	vadd.f32 $1.000000000e+00, v2  }
0x2b: {  	v34 =	vmul.f32 $7.812500000e-03, v8;
	v3 =	vadd.f32 $1.000000000e+00, v3;
	v4 =	vadd.f32 $1.000000000e+00, v4  }
0x2c: {  	v59 =	vmul.f32 $7.812500000e-03, v28;
	v5 =	vadd.f32 $1.000000000e+00, v5;
	v41 =	vadd.f32 $1.000000000e+00, v9  }
0x2d: {  	v60 =	vmul.f32 $7.812500000e-03, v29;
	v17 =	vadd.f32 $1.000000000e+00, v17;
	v19 =	vadd.f32 $1.000000000e+00, v19  }
0x2e: {  	v21 =	vadd.f32 $1.000000000e+00, v21;
	v2 =	vmul.f32 $1.275000000e+02, v2;
	v3 =	vmul.f32 $1.275000000e+02, v3  }
0x2f: {  	v39 =	vld [tilespmem:$0x30];
	v54 =	vadd.f32 $1.000000000e+00, v24;
	v4 =	vmul.f32 $1.275000000e+02, v4;
	v11 =	vmul.f32 $1.275000000e+02, v5  }
0x30: {  	v49 =	vld [tilespmem:$0x40];
	v24 =	vadd.f32 $1.000000000e+00, v55;
	v15 =	vmul.f32 $1.275000000e+02, v41;
	v17 =	vmul.f32 $1.275000000e+02, v17  }
0x31: {  	v19 =	vmul.f32 $1.275000000e+02, v19;
	v21 =	vmul.f32 $1.275000000e+02, v21  }
0x32: {  	v24 =	vmul.f32 $1.275000000e+02, v24;
	v2 =	vtrunc.f32 v2  }
0x33: {  	v3 =	vtrunc.f32 v3;
	v4 =	vtrunc.f32 v4  }
0x34: {  	v62 =	vadd.f32 $-1.000000000e+00, v59;
	v33 =	vtrunc.f32 v11;
	v11 =	vmul.f32 $7.812500000e-03, v39  }
0x35: {  	v47 =	vtrunc.f32 v15;
	v15 =	vmul.f32 $7.812500000e-03, v49  }
0x36: {  	v5 =	vadd.f32 $1.000000000e+00, v62;
	v17 =	vtrunc.f32 v17;
	v19 =	vtrunc.f32 v19  }
0x37: {  	v21 =	vtrunc.f32 v21;
	v24 =	vtrunc.f32 v24  }
0x38: {  	v5 =	vmul.f32 $1.275000000e+02, v5;
	v2 =	vcvt.f32.s32 v2  }
0x39: {  	v3 =	vcvt.f32.s32 v3;
	v12 =	vcvt.f32.s32 v4  }
0x3a: {  	v35 =	vcvt.f32.s32 v33;
	v17 =	vcvt.f32.s32 v17  }
0x3b: {  	v19 =	vcvt.f32.s32 v19;
	v21 =	vcvt.f32.s32 v21  }
0x3c: {  	v43 =	vld [tilespmem:$0xD0];
	v24 =	vcvt.f32.s32 v24;
	v11 =	vadd.f32 $-1.000000000e+00, v11;
	v15 =	vadd.f32 $-1.000000000e+00, v15  }
0x3d: {  	v5 =	vtrunc.f32 v5;
	vm0 =	vgt.s32 v2, $0x0;
	vm9 =	vgt.s32 v3, $0x0  }
0x3e: {  	vm10 =	vgt.s32 v12, $0x0;
	vm11 =	vgt.s32 v35, $0x0;
	vm5 =	vgt.s32 v17, $0x0  }
0x3f: {  	vm6 =	vgt.s32 v19, $0x0;
	vm7 =	vgt.s32 v21, $0x0;
	v5 =	vcvt.f32.s32 v5  }
0x40: {  	v2 =	vnsel vm0, $0x0, v2;
	v3 =	vnsel vm9, $0x0, v3;
	v37 =	vnsel vm10, $0x0, v12  }
0x41: {  	v8 =	vnsel vm11, $0x0, v35;
	v12 =	vmul.f32 $7.812500000e-03, v43;
	v11 =	vadd.f32 $1.000000000e+00, v11  }
0x42: {  	v15 =	vadd.f32 $1.000000000e+00, v15;
	v17 =	vnsel vm5, $0x0, v17;
	v52 =	vnsel vm6, $0x0, v19  }
0x43: {  	v53 =	vnsel vm7, $0x0, v21;
	v21 =	vmul.f32 $1.275000000e+02, v54;
	vm9 =	vgt.s32 v24, $0x0  }
0x44: {  	v6 =	vmin.u32 v2, $0xFF;
	v7 =	vmin.u32 v3, $0xFF;
	v2 =	vmin.u32 v2, $0xFE  }
0x45: {  	v3 =	vmin.u32 v3, $0xFE;
	v38 =	vmin.u32 v37, $0xFF;
	v40 =	vmin.u32 v8, $0xFF  }
0x46: {  	v8 =	vmin.u32 v8, $0xFE;
	v23 =	vmin.u32 v17, $0xFF;
	v17 =	vmin.u32 v17, $0xFE  }
0x47: {  	v56 =	vmin.u32 v52, $0xFF;
	v27 =	vmin.u32 v53, $0xFF;
	v19 =	vmin.u32 v53, $0xFE  }
0x48: {  	v28 =	vnsel vm9, $0x0, v24;
	vm10 =	vgt.s32 v5, $0x0;
	v7 =	vshll.u32 v7, $0x8  }
0x49: {  	v10 =	vadd.s32 $0x1, v2;
	v3 =	vshll.u32 v3, $0x8;
	v42 =	vshll.u32 v40, $0x8  }
0x4a: {  	v8 =	vshll.u32 v8, $0x8;
	v12 =	vadd.f32 $-1.000000000e+00, v12;
	v11 =	vmul.f32 $1.275000000e+02, v11  }
0x4b: {  	v15 =	vmul.f32 $1.275000000e+02, v15;
	v23 =	vshll.u32 v23, $0x8;
	v17 =	vshll.u32 v17, $0x8  }
0x4c: {  	v27 =	vshll.u32 v27, $0x8;
	v19 =	vshll.u32 v19, $0x8;
	v21 =	vtrunc.f32 v21  }
0x4d: {  	v29 =	vmin.u32 v28, $0xFF;
	v5 =	vnsel vm10, $0x0, v5;
	v2 =	vor.u32 v0, v7  }
0x4e: {  	v31 =	vadd.s32 v3, v1;
	v7 =	vmin.u32 v37, $0xFE;
	v14 =	vor.u32 v0, v42  }
0x4f: {  	v8 =	vadd.s32 v8, v1;
	v23 =	vor.u32 v0, v23;
	v17 =	vadd.s32 v17, v1  }
0x50: {  	v27 =	vor.u32 v0, v27;
	v57 =	vadd.s32 v19, v1;
	v21 =	vcvt.f32.s32 v21  }
0x51: {  	v32 =	vor.u32 v6, v2;
	v3 =	vadd.s32 v10, v2;
	v2 =	vor.u32 v6, v31  }
0x52: {  	v36 =	vadd.s32 v10, v31;
	v6 =	vadd.f32 $-1.000000000e+00, v34;
	v13 =	vadd.s32 $0x1, v7  }
0x53: {  	v9 =	vor.u32 v38, v14;
	v46 =	vor.u32 v38, v8;
	v10 =	vcvt.f32.s32 v47  }
0x54: {  	v12 =	vadd.f32 $1.000000000e+00, v12;
	v11 =	vtrunc.f32 v11;
	v15 =	vtrunc.f32 v15  }
0x55: {  	v58 =	vor.u32 v56, v27;
	v7 =	vmin.u32 v28, $0xFE;
	v38 =	vmin.u32 v5, $0xFF  }
0x56: {  	v5 =	vmin.u32 v5, $0xFE;
	v44 =	vadd.s32 v13, v14;
	v8 =	vadd.s32 v13, v8  }
0x57: {  	v11 =	vcvt.f32.s32 v11;
	v15 =	vcvt.f32.s32 v15;
	[tilespmem:$0x280] =	vst v2;
	v2 =	vor.u32 v56, v57  }
0x58: {  	vm8 =	vgt.s32 v21, $0x0;
	v7 =	vshll.u32 v7, $0x8;
	v6 =	vadd.f32 $1.000000000e+00, v6  }
0x59: {  	vm13 =	vgt.s32 v10, $0x0;
	v12 =	vmul.f32 $1.275000000e+02, v12;
	v63 =	vnsel vm8, $0x0, v21  }
0x5a: {  	v7 =	vadd.s32 v7, v1;
	v10 =	vnsel vm13, $0x0, v10;
	vm14 =	vgt.s32 v11, $0x0  }
0x5b: {  	[tilespmem:$0x150] =	vst v9;
	vm4 =	vgt.s32 v15, $0x0;
	v21 =	vmin.u32 v63, $0xFF;
	v9 =	vmin.u32 v63, $0xFE  }
0x5c: {  	v31 =	vld [tilespmem:$0x80];
	v6 =	vmul.f32 $1.275000000e+02, v6;
	v16 =	vmin.u32 v10, $0xFF;
	v10 =	vmin.u32 v10, $0xFE  }
0x5d: {  	v12 =	vtrunc.f32 v12;
	v11 =	vnsel vm14, $0x0, v11;
	v15 =	vnsel vm4, $0x0, v15  }
0x5e: {  	v30 =	vadd.s32 $0x1, v9;
	v35 =	vor.u32 v21, v7;
	v16 =	vshll.u32 v16, $0x8  }
0x5f: {  	v10 =	vshll.u32 v10, $0x8;
	v12 =	vcvt.f32.s32 v12;
	v50 =	vmin.u32 v11, $0xFF  }
0x60: {  	v11 =	vmin.u32 v11, $0xFE;
	v51 =	vmin.u32 v15, $0xFF;
	v15 =	vmin.u32 v15, $0xFE  }
0x61: {  	[tilespmem:$0x320] =	vst v36;
	v36 =	vmul.f32 $7.812500000e-03, v31;
	v6 =	vtrunc.f32 v6;
	v16 =	vor.u32 v0, v16  }
0x62: {  	v10 =	vadd.s32 v10, v1;
	v11 =	vadd.s32 $0x1, v11;
	v15 =	vadd.s32 $0x1, v15  }
0x63: {  	v26 =	vor.u32 v51, v23;
	v45 =	vcvt.f32.s32 v6;
	vm15 =	vgt.s32 v12, $0x0  }
0x64: {  	v23 =	vadd.s32 v15, v23;
	v15 =	vadd.s32 v15, v17;
	v12 =	vnsel vm15, $0x0, v12  }
0x65: {  	vm12 =	vgt.s32 v45, $0x0;
	v20 =	vmin.u32 v12, $0xFF;
	v12 =	vmin.u32 v12, $0xFE  }
0x66: {  	[tilespmem:$0x140] =	vst v32;
	v48 =	vnsel vm12, $0x0, v45;
	v20 =	vshll.u32 v20, $0x8;
	v12 =	vshll.u32 v12, $0x8  }
0x67: {  	[tilespmem:$0x1E0] =	vst v3;
	v32 =	vld [tilespmem:$0x120];
	v14 =	vmin.u32 v48, $0xFF;
	v13 =	vmin.u32 v48, $0xFE;
	v20 =	vor.u32 v0, v20  }
0x68: {  	[tilespmem:$0x290] =	vst v46;
	v12 =	vadd.s32 v12, v1;
	v13 =	vadd.s32 $0x1, v13;
	v18 =	vor.u32 v14, v16  }
0x69: {  	v39 =	vld [tilespmem:$0x130];
	[tilespmem:$0x190] =	vst v58;
	v14 =	vor.u32 v14, v10;
	v22 =	vor.u32 v50, v20;
	v20 =	vadd.s32 v11, v20  }
0x6a: {  	[tilespmem:$0x1F0] =	vst v44;
	v11 =	vadd.s32 v11, v12;
	v16 =	vadd.s32 v13, v16;
	v10 =	vadd.s32 v13, v10  }
0x6b: {  	v41 =	vld [tilespmem:$0x90];
	[tilespmem:$0x330] =	vst v8;
	v13 =	vor.u32 v50, v12;
	v12 =	vor.u32 v51, v17;
	v17 =	vmin.u32 v52, $0xFE  }
0x6c: {  	[tilespmem:$0x2D0] =	vst v2;
	v7 =	vadd.s32 v30, v7;
	v37 =	vmul.f32 $7.812500000e-03, v32;
	v17 =	vadd.s32 $0x1, v17  }
0x6d: {  	[tilespmem:$0x2E0] =	vst v35;
	v8 =	vadd.f32 $-1.000000000e+00, v36;
	v3 =	vadd.s32 v17, v27;
	v27 =	vadd.f32 $-1.000000000e+00, v60  }
0x6e: {  	v44 =	vmul.f32 $7.812500000e-03, v39;
	[tilespmem:$0x380] =	vst v7;
	v6 =	vshll.u32 v29, $0x8;
	v9 =	vadd.f32 $-1.000000000e+00, v37  }
0x6f: {  	[tilespmem:$0x180] =	vst v26;
	v8 =	vadd.f32 $1.000000000e+00, v8;
	v61 =	vadd.s32 v17, v57;
	v17 =	vadd.f32 $1.000000000e+00, v27  }
0x70: {  	v6 =	vor.u32 v0, v6;
	[tilespmem:$0x220] =	vst v23;
	v9 =	vadd.f32 $1.000000000e+00, v9;
	v45 =	vmul.f32 $7.812500000e-03, v41  }
0x71: {  	[tilespmem:$0x360] =	vst v15;
	v33 =	vor.u32 v21, v6;
	v8 =	vmul.f32 $1.275000000e+02, v8;
	v17 =	vmul.f32 $1.275000000e+02, v17  }
0x72: {  	v6 =	vadd.s32 v30, v6;
	[tilespmem:$0x1A0] =	vst v33;
	v9 =	vmul.f32 $1.275000000e+02, v9;
	v48 =	vadd.f32 $-1.000000000e+00, v45  }
0x73: {  	v47 =	vadd.f32 $-1.000000000e+00, v44;
	[tilespmem:$0x240] =	vst v6;
	v8 =	vtrunc.f32 v8;
	v34 =	vtrunc.f32 v17  }
0x74: {  	[tilespmem:$0x200] =	vst v16;
	v46 =	vtrunc.f32 v9;
	v51 =	vadd.f32 $1.000000000e+00, v48;
	v16 =	vcvt.f32.s32 v34  }
0x75: {  	v5 =	vadd.s32 $0x1, v5;
	[tilespmem:$0x230] =	vst v3;
	v3 =	vcvt.f32.s32 v8;
	v8 =	vcvt.f32.s32 v46  }
0x76: {  	[tilespmem:$0x160] =	vst v18;
	v50 =	vadd.f32 $1.000000000e+00, v47;
	v9 =	vmul.f32 $1.275000000e+02, v51;
	vm11 =	vgt.s32 v16, $0x0  }
0x77: {  	[tilespmem:$0x2A0] =	vst v14;
	vm12 =	vgt.s32 v3, $0x0;
	vm13 =	vgt.s32 v8, $0x0;
	v16 =	vnsel vm11, $0x0, v16  }
0x78: {  	[tilespmem:$0x170] =	vst v22;
	v9 =	vtrunc.f32 v9;
	v3 =	vnsel vm12, $0x0, v3;
	v40 =	vmin.u32 v16, $0xFF  }
0x79: {  	[tilespmem:$0x350] =	vst v11;
	v52 =	vnsel vm13, $0x0, v8;
	v16 =	vmin.u32 v16, $0xFE;
	v11 =	vshll.u32 v40, $0x8  }
0x7a: {  	[tilespmem:$0x210] =	vst v20;
	v54 =	vmin.u32 v52, $0xFF;
	v16 =	vshll.u32 v16, $0x8;
	v11 =	vor.u32 v0, v11  }
0x7b: {  	[tilespmem:$0x340] =	vst v10;
	v55 =	vshll.u32 v54, $0x8;
	v42 =	vadd.s32 v16, v1;
	v43 =	vor.u32 v38, v11  }
0x7c: {  	[tilespmem:$0x2B0] =	vst v13;
	v11 =	vadd.s32 v5, v11;
	v49 =	vadd.s32 v5, v42;
	v5 =	vmul.f32 $1.275000000e+02, v50  }
0x7d: {  	[tilespmem:$0x2C0] =	vst v12;
	v53 =	vmin.u32 v3, $0xFF;
	v3 =	vmin.u32 v3, $0xFE;
	v7 =	vor.u32 v0, v55  }
0x7e: {  	[tilespmem:$0x370] =	vst v61;
	v3 =	vadd.s32 $0x1, v3;
	v56 =	vor.u32 v53, v7;
	v5 =	vtrunc.f32 v5  }
0x7f: {  	v9 =	vcvt.f32.s32 v9;
	v57 =	vadd.s32 v3, v7;
	[tilespmem:$0x1C0] =	vst v56;
	v5 =	vcvt.f32.s32 v5  }
0x80: {  	v6 =	vmin.u32 v52, $0xFE;
	[tilespmem:$0x260] =	vst v57  }
0x81: {  	v6 =	vshll.u32 v6, $0x8;
	vm15 =	vgt.s32 v9, $0x0;
	[tilespmem:$0x1B0] =	vst v43;
	vm14 =	vgt.s32 v5, $0x0  }
0x82: {  	v59 =	vnsel vm15, $0x0, v9;
	v2 =	vor.u32 v38, v42;
	[tilespmem:$0x250] =	vst v11;
	v5 =	vnsel vm14, $0x0, v5  }
0x83: {  	v62 =	vmin.u32 v59, $0xFE;
	[tilespmem:$0x2F0] =	vst v2;
	v2 =	vadd.s32 v6, v1;
	v60 =	vmin.u32 v5, $0xFF  }
0x84: {  	[tilespmem:$0x390] =	vst v49;
	v58 =	vor.u32 v53, v2;
	v2 =	vadd.s32 v3, v2;
	v61 =	vshll.u32 v60, $0x8  }
0x85: {  	v3 =	vmin.u32 v59, $0xFF;
	[tilespmem:$0x300] =	vst v58;
	v5 =	vmin.u32 v5, $0xFE;
	v4 =	vor.u32 v0, v61  }
0x86: {  	[tilespmem:$0x3A0] =	vst v2;
	v2 =	vadd.s32 $0x1, v62;
	v5 =	vshll.u32 v5, $0x8;
	v63 =	vor.u32 v3, v4  }
0x87: {  	v5 =	vadd.s32 v5, v1;
	v4 =	vadd.s32 v2, v4;
	[tilespmem:$0x1D0] =	vst v63  }
0x88: {  	v3 =	vor.u32 v3, v5;
	[tilespmem:$0x270] =	vst v4  }
0x89: {  	v2 =	vadd.s32 v2, v5;
	[tilespmem:$0x310] =	vst v3  }
0x8a: {  	[tilespmem:$0x3B0] =	vst v2  }
0x8b: {  	[tilespmem:s15], [sflag:$0x1] =	stream.indirect.gather [hbm4b:s3+s13], $0x20, s14, s13, $0xb8;
	[tilespmem:$0x53C0] =	vst v63  }
0x8c: {  	_ = 	snop  }
0x8d: {  	[tilespmem:s17], [sflag:$0x1] =	stream.indirect.gather [hbm4b:s3+s13], $0x20, s16, s13, $0xb8;
	[tilespmem:$0x53C0] =	vst v63  }
0x8e: {  	_ = 	snop  }
0x8f: {  	[tilespmem:s19], [sflag:$0x1] =	stream.indirect.gather [hbm4b:s3+s13], $0x20, s18, s13, $0xb8;
	[tilespmem:$0x53C0] =	vst v63  }
0x90: {  	_ = 	snop  }
0x91: {  	[tilespmem:s21], [sflag:$0x1] =	stream.indirect.gather [hbm4b:s3+s13], $0x20, s20, s13, $0xb8;
	[tilespmem:$0x53C0] =	vst v63  }
0x92: {  	_ = 	snop  }
0x93: {  	[tilespmem:s23], [sflag:$0x1] =	stream.indirect.gather [hbm4b:s3+s13], $0x20, s22, s13, $0xb8;
	[tilespmem:$0x53C0] =	vst v63  }
0x94: {  	_ =	swait.ge [sflag:s24], $0x1000  }
0x95: {  	[sflag:s24] =	ssyncset.done $0x0  }
0x96: {  	[sflag:s24] =	ssyncadd.s32 $0xFFFFF000  }
0x97: {  	_ =	swait.ge [sflag:s24], $0x1000  }
0x98: {  	[sflag:s24] =	ssyncset.done $0x0  }
0x99: {  	[sflag:s24] =	ssyncadd.s32 $0xFFFFF000  }
0x9a: {  	_ =	swait.ge [sflag:s24], $0x1000  }
0x9b: {  	[sflag:s24] =	ssyncset.done $0x0  }
0x9c: {  	[sflag:s24] =	ssyncadd.s32 $0xFFFFF000  }
0x9d: {  	_ =	swait.ge [sflag:s24], $0x1000  }
0x9e: {  	[sflag:s24] =	ssyncset.done $0x0  }
0x9f: {  	[sflag:s24] =	ssyncadd.s32 $0xFFFFF000  }
0xa0: {  	_ =	swait.ge [sflag:s24], $0x1000  }
0xa1: {  	[sflag:s24] =	ssyncset.done $0x0  }
0xa2: {  	[sflag:s24] =	ssyncadd.s32 $0xFFFFF000  }
0xa3: {  	[hbm4b:s5+s2] =	stream.linear.scatter [tilespmem:s15], [sflag:$0x2], $0x1400, $0x38;
	[tilespmem:$0x53C0] =	vst v63  }
0xa4: {  	_ =	swait.ge [sflag:s11], $0x1400  }
0xa5: {  	[sflag:s11] =	ssyncset.done $0x0  }
0xa6: {  	[sflag:s11] =	ssyncadd.s32 $0xFFFFEC00  }
0xa7: {  	[hbm4b:s6+s2] =	stream.linear.scatter [tilespmem:s25], [sflag:$0x2], $0x1400, $0x38;
	[tilespmem:$0x53C0] =	vst v63  }
0xa8: {  	_ =	swait.ge [sflag:s11], $0x1400  }
0xa9: {  	[sflag:s11] =	ssyncset.done $0x0  }
0xaa: {  	[sflag:s11] =	ssyncadd.s32 $0xFFFFEC00  }
0xab: {  	[hbm4b:s8+s2] =	stream.linear.scatter [tilespmem:s26], [sflag:$0x2], $0x1400, $0x38;
	[tilespmem:$0x53C0] =	vst v63  }
0xac: {  	_ =	swait.ge [sflag:s11], $0x1400  }
0xad: {  	p0 =	sne.s32 s10, $0x1;
	[sflag:s11] =	ssyncset.done $0x0  }
.Ltmp0:
0xae: {  	[sflag:s11] =	ssyncadd.s32 $0xFFFFEC00;
	(pc) =	sbr.rel @p0 .LBB2_1-.Ltmp0, $4  }
0xaf: {  	[hbm4b:s9+s2] =	stream.linear.scatter [tilespmem:s28], [sflag:$0x2], $0x1400, $0x38;
	[tilespmem:$0x53C0] =	vst v63  }
0xb0: {  	_ =	swait.ge [sflag:s11], $0x1400  }
0xb1: {  	[sflag:s11] =	ssyncset.done $0x0  }
0xb2: {  	s10 =	sadd.s32 $0xFFFFFFFF, s10;
	[sflag:s11] =	ssyncadd.s32 $0xFFFFEC00  }
0xb3: {  	_ =	sfence.sel $0x180000  }
0xb4: {  	[bflag:$0x0] =	sbarrier.arrive $0xFFFF  }
0xb5: {  	p0 =	sne.s32 s0, $0x0;
	_ =	strace $0x9000004A  }
0xb6: {  	s0 =	sadd.s32 @!p0 $0x100000, s1;
	[bflag:$0x2] =	sbarrier.arrive $0xFFFF  }
0xb7: {  	[sflag:s0] =	ssyncadd.tile.s32 @!p0 $0x1;
	_ =	shalt  }
.Lfunc_end2:
_tile_overlayer_lowered:
.L_overlay_start_2:
0xb8: {  	(tag) =	ssettag $0x2  }
0xb9: {  	s0 =	rddreg [dreg:$0x0];
	s2 =	stileid.u32  }
0xba: {  	s1 =	rddreg [dreg:$0x1];
	p0 =	sne.s32 s2, $0x0  }
0xbb: {  	s3 =	rddreg [dreg:$0x2];
	[bflag:$0x3] =	sbarrier.arrive $0xFFFF;
	s2 =	simm.s32 @!p0 $0x1C02  }
0xbc: {  	[timem:s3], [sflag:s2] =	dma.local @!p0 [hbm:s0], s1  }
0xbd: {  	s0 =	simm.s32 @!p0 $0x2  }
0xbe: {  	_ =	swait.ge @!p0 [sflag:s0], s1  }
0xbf: {  	s1 =	ssub.s32 @!p0 $0x0, s1;
	[sflag:s0] =	ssyncset.done @!p0 $0x0  }
0xc0: {  	[sflag:s0] =	ssyncadd.s32 @!p0 s1  }
0xc1: {  	[bflag:$0x3] =	sbarrier.arrive $0xFFFF  }
0xc2: {  	_ =	shalt  }

// kernel: sparse-core-data-format-call.cloned.1.call-start
scs
called_computation_lowered:
.L_overlay_start_0:
0x0: {  	s1 =	sld [smem:$0x3FD9]  }
0x1: {  	s2 =	sld [smem:$0x3FFE];
	_ =	sdelay $0x1  }
0x2: {  	s3 =	srdreg.scid  }
0x3: {  	s0 =	sand.u32 $0x1, s3  }
0x4: {  	s17 =	sshll.u32 s0, $0xA;
	s1 =	sadd.s32 s2, s1  }
0x5: {  	s1 =	sadd.s32 s1, s17  }
0x6: {  	[smem:$0x3F9C] =	sst s1  }
0x7: {  	_ = 	snop  }
0x8: {  	(tm) =	ssettm $0x1  }
0x9: {  	s18 =	sld [smem:$0x3FFB];
	_ =	sdelay $0x3  }
0xa: {  	_ =	strace s18  }
0xb: {  	s1 =	sld [smem:$0x3FFC];
	_ =	sdelay $0x3  }
0xc: {  	_ =	strace s1  }
0xd: {  	s1 =	sld [smem:$0x3FFD];
	_ =	sdelay $0x3  }
0xe: {  	_ =	strace s1  }
0xf: {  	_ =	strace $0x8FFFFFFF  }
0x10: {  	s19 =	sld [smem:$0x3FDB];
	_ =	sdelay $0x1  }
0x11: {  	s20 =	simm.s32 $_scs_section_size  }
0x12: {  	s4 =	simm.s32 $_size__tile_overlayer_lowered;
	s5 =	simm.s32 $_tile_overlayer_lowered  }
0x13: {  	s23 =	simm.s32 $0x1BFF;
	s22 =	sshll.u32 s5, $0x1;
	s1 =	sadd.s32 s20, s19  }
0x14: {  	s6 =	simm.s32 $0x0;
	s21 =	sshll.u32 s4, $0x1;
	s4 =	sadd.s32 s22, s1  }
0x15: {  	[timem:s6], [sflag:s23] =	dma.local [hbm:s4], s21  }
0x16: {  	_ =	swait.ge [sflag:s23], s21  }
0x17: {  	s2 =	ssub.s32 $0x0, s21;
	[sflag:s23] =	ssyncset.done $0x0  }
0x18: {  	[sflag:s23] =	ssyncadd.s32 s2;
	_ =	sdelay $0x1  }
0x19: {  	s24 =	simm.s32 $0x1B8B  }
0x1a: {  	_ =	swait.ge [sflag:s24], $0x1  }
0x1b: {  	[sflag:s24] =	ssyncset.done $0x0  }
0x1c: {  	s26 =	simm.s32 $0x1B8E;
	s25 =	sld [smem:$0x3FFE];
	[sflag:s24] =	ssyncadd.s32 $0xFFFFFFFF  }
0x1d: {  	s27 =	simm.s32 $execute0_lowered;
	[smem:$0x3FD2] =	sst s26  }
0x1e: {  	s4 =	sshll.u32 s27, $0x1;
	_ =	strace $0x80000046;
	[dreg:$0x1] =	wrdreg $0xFFFFFFFF  }
0x1f: {  	s28 =	simm.s32 $_size_execute0_lowered;
	s1 =	sadd.s32 s1, s4;
	[dreg:$0x0] =	wrdreg $0x0  }
0x20: {  	s4 =	sshll.u32 s28, $0x1;
	[dreg:$0x2] =	wrdreg s1  }
0x21: {  	[dreg:$0x3] =	wrdreg s4  }
0x22: {  	[dreg:$0x4] =	wrdreg $0xC0  }
0x23: {  	_ =	task [dreg:s6], $0x5FFFF  }
0x24: {  	[dreg:$0x1] =	wrdreg $0xFFFFFFFF  }
0x25: {  	[dreg:$0x0] =	wrdreg $0x60  }
0x26: {  	[dreg:$0x2] =	wrdreg s25  }
0x27: {  	[dreg:$0x3] =	wrdreg $0x9  }
0x28: {  	_ =	task.clear_ibuf [dreg:s6], $0x4FFFF;
	_ =	strace $0x90000046  }
0x29: {  	s29 =	simm.s32 $0x9;
	_ =	strace $0x80000048  }
0x2a: {  	_ =	swait.ge [sflag:s29], $0x1  }
0x2b: {  	[sflag:s29] =	ssyncadd.s32 $0xFFFFFFFF  }
0x2c: {  	_ =	strace $0x90000048  }
0x2d: {  	_ =	sfence  }
0x2e: {  	s30 =	sld [smem:$0x0];
	_ =	sdelay $0x2  }
0x2f: {  	s31 =	sshll.u32 s3, $0xD;
	s3 =	sshrl.u32 s3, $0x2  }
0x30: {  	s2 =	sand.u32 $0x4000, s31;
	s1 =	sadd.s32 s3, s30  }
0x31: {  	s0 =	sor.u32 s2, s0;
	s1 =	sshll.u32 s1, $0x11  }
0x32: {  	s0 =	sor.u32 s1, s0  }
0x33: {  	s0 =	sadd.s32 $0x8F2B, s0  }
0x34: {  	[sflag:s0] =	ssyncadd.remote.s32 $0x1  }
0x35: {  	_ =	sfence.sel $0xFFFF  }
0x36: {  	[dreg:$0x0] =	wrdreg $0xFFFFFFFF;
	(pc) =	sbr.abs _section_cstart, $3  }
0x37: {  	[dreg:$0x1] =	wrdreg $0xFFFFFFFF  }
0x38: {  	_ =	task.clear_ibuf [dreg:s6], $0x2FFFF;
	_ =	strace $0x9FFFFFFF  }
0x39: {  	(tm) =	ssettm $0x7FFFFFFF  }
tec
execute0_lowered:
.L_overlay_start_1:
0x0: {  	(tag) =	ssettag $0x1  }
0x1: {  	s0 =	srdreg.scid  }
0x2: {  	s1 =	sshll.u32 s0, $0x4  }
0x3: {  	s4 =	rddreg [dreg:$0x0];
	s0 =	stileid.u32;
	s1 =	sand.u32 $0x10, s1  }
0x4: {  	s7 =	simm.s32 $0x1;
	s8 =	simm.s32 $0x2;
	s2 =	sor.u32 s0, s1  }
0x5: {  	s9 =	simm.s32 $0x0;
	s12 =	simm.s32 $0x0;
	s2 =	sshll.u32 s2, $0x4  }
0x6: {  	s11 =	simm.s32 $0x0;
	s3 =	sadd.s32 $0x109800, s4;
	s6 =	ssub.s32 $0x2000, s2  }
.Ltmp0:
0x7: {  	s4 =	sadd.s32 $0x9800, s4;
	s5 =	sand.u32 $0x1F0, s6;
	(pc) =	sbr.rel .LBB1_1-.Ltmp0, $4  }
0x8: {  	s1 =	rddreg [dreg:$0x1];
	_ =	strace $0x80000047;
	p0 =	sne.s32 s5, $0x0  }
0x9: {  	s6 =	sshrl.u32 s6, $0x9;
	s5 =	simm.s32 $0x1;
	s7 =	simm.s32 @!p0 $0x0  }
0xa: {  	s10 =	smov.u32 s2;
	[sflag:s5] =	ssyncpa.u1 $0x0;
	s6 =	sadd.s32 s7, s6  }
0xb: {  	[sflag:s8] =	ssyncpa.u1 $0x0;
	s8 =	simm.s32 $0x0;
	s7 =	sadd.s32 $0x1, s6  }
.LBB1_7:
0xc: {  	s14 =	sadd.s32 $0x200, s10  }
0xd: {  	p1 =	sgt.s32 s14, $0x1FFF  }
0xe: {  	s14 =	smov.u32 @p1 s2;
	p1 =	sne.s32 s11, s7  }
.Ltmp1:
0xf: {  	p0 =	slt.u32 s11, $0x2;
	(pc) =	sbr.rel @!p1 .LBB1_8-.Ltmp1, $4  }
0x10: {  	s13 =	simm.s32 @!p0 $0x2  }
0x11: {  	s15 =	sadd.s32 $0x1, s11;
	_ =	swait.ge @!p0 [sflag:s13], $0x4000  }
0x12: {  	s12 =	smov.u32 s10;
	s9 =	sadd.s32 $0x8000, s9;
	[sflag:s13] =	ssyncset.done @!p0 $0x0  }
0x13: {  	s11 =	smov.u32 s15;
	s10 =	smov.u32 s14;
	[sflag:s13] =	ssyncadd.s32 @!p0 $0xFFFFC000  }
.LBB1_1:
0x14: {  	p0 =	sge.u32 s11, s6  }
0x15: {  	s13 =	sxor.u32 @!p0 $0xFFFFFFFF, s11  }
0x16: {  	s31 =	sadd.s32 $0xFFFFFFFF, s11;
	s14 =	sshll.u32 @!p0 s10, $0x7;
	s13 =	sshll.u32 @!p0 s13, $0xE  }
0x17: {  	s15 =	simm.s32 @!p0 $0x0;
	s14 =	sadd.s32 @!p0 s3, s14;
	s13 =	sand.u32 @!p0 $0x4000, s13  }
0x18: {  	[tilespmem:s13], [sflag:$0x1] =	stream.linear.gather @!p0 [hbm4b:s14+s15], $0x4000, $0x38;
	[tilespmem:$0x10000] =	vst v63  }
0x19: {  	p0 =	sge.u32 s31, s6  }
.Ltmp2:
0x1a: {  	_ = 	snop;
	(pc) =	sbr.rel @p0 .LBB1_7-.Ltmp2, $1  }
0x1b: {  	_ =	sdelay $0x3  }
0x1c: {  	s13 =	sshrl.u32 s9, $0x1;
	_ =	swait.ge [sflag:s5], $0x4000  }
0x1d: {  	s15 =	sshll.u32 s11, $0xE;
	s16 =	simm.s32 $0x0;
	s14 =	sand.u32 $0x4000, s13  }
0x1e: {  	[sflag:s5] =	ssyncset.done $0x0;
	s15 =	sand.u32 $0x4000, s15;
	s13 =	sor.u32 $0x200, s14  }
0x1f: {  	s14 =	sor.u32 $0x8080, s14;
	[sflag:s5] =	ssyncadd.s32 $0xFFFFC000;
	s15 =	sor.u32 $0x8000, s15  }
.LBB1_3:
0x20: {  	v0 =	vld [tilespmem:s13+$0xFFFFFE70]  }
0x21: {  	v1 =	vld [tilespmem:s13+$0x70]  }
0x22: {  	v2 =	vld [tilespmem:s13+$0x0]  }
0x23: {  	v3 =	vld [tilespmem:s13+$0xFFFFFE10]  }
0x24: {  	v4 =	vld [tilespmem:s13+$0x10]  }
0x25: {  	v5 =	vld [tilespmem:s13+$0xFFFFFE20]  }
0x26: {  	v7 =	vld [tilespmem:s13+$0x20]  }
0x27: {  	v11 =	vld [tilespmem:s13+$0x30];
	v6 =	vunpack.i.l.s16.s32 v0;
	v8 =	vunpack.i.u.s16.s32 v0;
	v9 =	vunpack.i.u.s16.s32 v1  }
0x28: {  	v10 =	vunpack.i.l.s16.s32 v1;
	v0 =	vunpack.i.u.s16.s32 v2;
	v1 =	vunpack.i.l.s16.s32 v2;
	v2 =	vld [tilespmem:s13+$0xFFFFFE30]  }
0x29: {  	v8 =	vpack.i.b32.b16 v9, v8;
	v9 =	vunpack.i.u.s16.s32 v3;
	v3 =	vunpack.i.l.s16.s32 v3  }
0x2a: {  	v12 =	vld [tilespmem:s13+$0xFFFFFE40];
	v6 =	vpack.i.b32.b16 v10, v6;
	[tilespmem:s14+$0x70] =	vst v8;
	v8 =	vunpack.i.u.s16.s32 v4;
	v4 =	vunpack.i.l.s16.s32 v4  }
0x2b: {  	v13 =	vld [tilespmem:s13+$0x40];
	v10 =	vunpack.i.u.s16.s32 v5;
	v5 =	vunpack.i.l.s16.s32 v5;
	[tilespmem:s14+$0xFFFFFFF0] =	vst v6;
	v3 =	vpack.i.b32.b16 v4, v3  }
0x2c: {  	v6 =	vunpack.i.l.s16.s32 v7;
	v4 =	vld [tilespmem:s13+$0xFFFFFE50];
	[tilespmem:s14+$0xFFFFFF90] =	vst v3;
	v3 =	vpack.i.b32.b16 v8, v9;
	v8 =	vunpack.i.u.s16.s32 v7  }
0x2d: {  	v7 =	vunpack.i.l.s16.s32 v11;
	[tilespmem:s14+$0x10] =	vst v3;
	v3 =	vpack.i.b32.b16 v6, v5;
	v9 =	vunpack.i.u.s16.s32 v2;
	v6 =	vld [tilespmem:s13+$0x50]  }
0x2e: {  	v5 =	vunpack.i.l.s16.s32 v2;
	v2 =	vld [tilespmem:s13+$0xFFFFFE60];
	[tilespmem:s14+$0xFFFFFFA0] =	vst v3;
	v3 =	vpack.i.b32.b16 v8, v10;
	v10 =	vunpack.i.u.s16.s32 v11  }
0x2f: {  	s19 =	simm.s32 $0x0;
	v11 =	vpack.i.b32.b16 v7, v5;
	v7 =	vunpack.i.u.s16.s32 v12;
	v8 =	vunpack.i.l.s16.s32 v12;
	[tilespmem:s14+$0x20] =	vst v3;
	v3 =	vld [tilespmem:s13+$0x60]  }
0x30: {  	s20 =	sadd.s32 $0x80, s13;
	s18 =	smov.u32 s14;
	s17 =	smov.u32 s14;
	v5 =	vld [tilespmem:s13+$0xFFFFFE00];
	[tilespmem:s14+$0xFFFFFFB0] =	vst v11;
	v10 =	vpack.i.b32.b16 v10, v9;
	v9 =	vunpack.i.u.s16.s32 v13;
	v11 =	vunpack.i.l.s16.s32 v13  }
.LBB1_4:
0x31: {  	v12 =	vld [tilespmem:s20+$0xFFFFFE70];
	[tilespmem:s18+$0x30] =	vst v10;
	v8 =	vpack.i.b32.b16 v11, v8;
	v10 =	vunpack.i.u.s16.s32 v4;
	v4 =	vunpack.i.l.s16.s32 v4  }
0x32: {  	s19 =	sadd.s32 $0x2, s19;
	v7 =	vpack.i.b32.b16 v9, v7;
	v11 =	vld [tilespmem:s20+$0x70];
	[tilespmem:s18+$0xFFFFFFC0] =	vst v8;
	v8 =	vunpack.i.u.s16.s32 v6;
	v6 =	vunpack.i.l.s16.s32 v6  }
0x33: {  	p0 =	slt.u32 s19, $0x6;
	v9 =	vld [tilespmem:s20+$0x0];
	[tilespmem:s18+$0x40] =	vst v7;
	v4 =	vpack.i.b32.b16 v6, v4;
	v6 =	vunpack.i.u.s16.s32 v2;
	v2 =	vunpack.i.l.s16.s32 v2  }
0x34: {  	v7 =	vld [tilespmem:s20+$0xFFFFFE10];
	[tilespmem:s18+$0xFFFFFFD0] =	vst v4;
	v4 =	vpack.i.b32.b16 v8, v10;
	v8 =	vunpack.i.u.s16.s32 v3;
	v3 =	vunpack.i.l.s16.s32 v3  }
0x35: {  	v10 =	vld [tilespmem:s20+$0x10];
	v13 =	vunpack.i.u.s16.s32 v5;
	v5 =	vunpack.i.l.s16.s32 v5;
	[tilespmem:s18+$0x50] =	vst v4;
	v2 =	vpack.i.b32.b16 v3, v2  }
0x36: {  	v3 =	vld [tilespmem:s20+$0xFFFFFE20];
	v4 =	vunpack.i.l.s16.s32 v12;
	v1 =	vpack.i.b32.b16 v1, v5;
	v5 =	vpack.i.b32.b16 v0, v13;
	[tilespmem:s18+$0xFFFFFFE0] =	vst v2  }
0x37: {  	v12 =	vunpack.i.u.s16.s32 v12;
	v2 =	vld [tilespmem:s20+$0x20];
	v13 =	vunpack.i.u.s16.s32 v11;
	v11 =	vunpack.i.l.s16.s32 v11;
	[tilespmem:s18+$0xFFFFFF80] =	vst v1  }
0x38: {  	s18 =	sadd.s32 $0x100, s18;
	v0 =	vunpack.i.u.s16.s32 v9;
	v1 =	vunpack.i.l.s16.s32 v9;
	v9 =	vld [tilespmem:s20+$0xFFFFFE30];
	v12 =	vpack.i.b32.b16 v13, v12;
	[tilespmem:s17+$0x0] =	vst v5  }
0x39: {  	v6 =	vpack.i.b32.b16 v8, v6;
	v5 =	vunpack.i.u.s16.s32 v7;
	v7 =	vunpack.i.l.s16.s32 v7;
	v13 =	vld [tilespmem:s20+$0x30];
	[tilespmem:s18+$0x70] =	vst v12  }
0x3a: {  	v4 =	vpack.i.b32.b16 v11, v4;
	v8 =	vunpack.i.u.s16.s32 v10;
	v10 =	vunpack.i.l.s16.s32 v10;
	v12 =	vld [tilespmem:s20+$0xFFFFFE40];
	[tilespmem:s17+$0x60] =	vst v6;
	s17 =	smov.u32 s18  }
0x3b: {  	v6 =	vpack.i.b32.b16 v10, v7;
	v7 =	vunpack.i.u.s16.s32 v3;
	v3 =	vunpack.i.l.s16.s32 v3;
	v11 =	vld [tilespmem:s20+$0x40];
	[tilespmem:s18+$0xFFFFFFF0] =	vst v4  }
.Ltmp3:
0x3c: {  	v5 =	vpack.i.b32.b16 v8, v5;
	[tilespmem:s18+$0xFFFFFF90] =	vst v6;
	v8 =	vunpack.i.u.s16.s32 v2;
	v2 =	vunpack.i.l.s16.s32 v2;
	v4 =	vld [tilespmem:s20+$0xFFFFFE50];
	(pc) =	sbr.rel @p0 .LBB1_4-.Ltmp3, $4  }
0x3d: {  	[tilespmem:s18+$0x10] =	vst v5;
	v2 =	vpack.i.b32.b16 v2, v3;
	v10 =	vunpack.i.u.s16.s32 v9;
	v3 =	vunpack.i.l.s16.s32 v9;
	v6 =	vld [tilespmem:s20+$0x50]  }
0x3e: {  	v5 =	vpack.i.b32.b16 v8, v7;
	[tilespmem:s18+$0xFFFFFFA0] =	vst v2;
	v9 =	vunpack.i.u.s16.s32 v13;
	v7 =	vunpack.i.l.s16.s32 v13;
	v2 =	vld [tilespmem:s20+$0xFFFFFE60]  }
0x3f: {  	[tilespmem:s18+$0x20] =	vst v5;
	v13 =	vpack.i.b32.b16 v7, v3;
	v7 =	vunpack.i.u.s16.s32 v12;
	v8 =	vunpack.i.l.s16.s32 v12;
	v3 =	vld [tilespmem:s20+$0x60]  }
0x40: {  	v10 =	vpack.i.b32.b16 v9, v10;
	v5 =	vld [tilespmem:s20+$0xFFFFFE00];
	[tilespmem:s18+$0xFFFFFFB0] =	vst v13;
	v9 =	vunpack.i.u.s16.s32 v11;
	v11 =	vunpack.i.l.s16.s32 v11;
	s20 =	sadd.s32 $0x80, s20  }
0x41: {  	[tilespmem:s18+$0x30] =	vst v10;
	v8 =	vpack.i.b32.b16 v11, v8  }
0x42: {  	v51 =	vunpack.i.l.s16.s32 v4;
	v7 =	vpack.i.b32.b16 v9, v7;
	[tilespmem:s18+$0xFFFFFFC0] =	vst v8;
	v52 =	vunpack.i.l.s16.s32 v6  }
0x43: {  	v53 =	vunpack.i.u.s16.s32 v4;
	s16 =	sadd.s32 $0x1, s16;
	v54 =	vunpack.i.u.s16.s32 v6;
	[tilespmem:s18+$0x40] =	vst v7;
	v55 =	vpack.i.b32.b16 v52, v51  }
0x44: {  	p0 =	sne.s32 s16, $0x10;
	v56 =	vunpack.i.l.s16.s32 v2;
	v4 =	vpack.i.b32.b16 v54, v53;
	[tilespmem:s18+$0xFFFFFFD0] =	vst v55;
	v57 =	vunpack.i.l.s16.s32 v3  }
.Ltmp4:
0x45: {  	[tilespmem:s18+$0x50] =	vst v4;
	v58 =	vunpack.i.l.s16.s32 v5;
	v59 =	vpack.i.b32.b16 v57, v56;
	(pc) =	sbr.rel @p0 .LBB1_3-.Ltmp4, $4  }
0x46: {  	v61 =	vunpack.i.u.s16.s32 v2;
	v62 =	vunpack.i.u.s16.s32 v3;
	v1 =	vpack.i.b32.b16 v1, v58;
	[tilespmem:s18+$0xFFFFFFE0] =	vst v59  }
0x47: {  	v60 =	vunpack.i.u.s16.s32 v5;
	v63 =	vpack.i.b32.b16 v62, v61;
	[tilespmem:s18+$0xFFFFFF80] =	vst v1  }
0x48: {  	v0 =	vpack.i.b32.b16 v0, v60;
	[tilespmem:s17+$0x60] =	vst v63  }
0x49: {  	s13 =	sadd.s32 $0x400, s13;
	s14 =	sadd.s32 $0x400, s14;
	[tilespmem:s17+$0x0] =	vst v0  }
.Ltmp5:
0x4a: {  	(pc) =	sbr.rel .LBB1_7-.Ltmp5, $4  }
0x4b: {  	_ = 	snop  }
0x4c: {  	s12 =	sshll.u32 s12, $0x7  }
0x4d: {  	s12 =	sadd.s32 s4, s12  }
0x4e: {  	[hbm4b:s12+s8] =	stream.linear.scatter [tilespmem:s15], [sflag:$0x2], $0x4000, $0x38;
	[tilespmem:$0x10000] =	vst v63  }
.LBB1_8:
0x4f: {  	_ =	sfence.sel $0x180000  }
0x50: {  	s2 =	simm.s32 $0x1;
	[bflag:$0x0] =	sbarrier.arrive $0xFFFF  }
0x51: {  	s31 =	simm.s32 $0x2;
	[sflag:s2] =	ssyncpa.u1 $0x1  }
0x52: {  	[sflag:s31] =	ssyncpa.u1 $0x1  }
0x53: {  	p0 =	sne.s32 s0, $0x0;
	_ =	strace $0x90000047  }
0x54: {  	s0 =	sadd.s32 @!p0 $0x100000, s1;
	[bflag:$0x2] =	sbarrier.arrive $0xFFFF  }
0x55: {  	[sflag:s0] =	ssyncadd.tile.s32 @!p0 $0x1;
	_ =	shalt  }
.Lfunc_end1:
_tile_overlayer_lowered:
.L_overlay_start_2:
0x56: {  	(tag) =	ssettag $0x2  }
0x57: {  	s0 =	rddreg [dreg:$0x0];
	s2 =	stileid.u32  }
0x58: {  	s1 =	rddreg [dreg:$0x1];
	p0 =	sne.s32 s2, $0x0  }
0x59: {  	s3 =	rddreg [dreg:$0x2];
	[bflag:$0x3] =	sbarrier.arrive $0xFFFF;
	s2 =	simm.s32 @!p0 $0x1C01  }
0x5a: {  	[timem:s3], [sflag:s2] =	dma.local @!p0 [hbm:s0], s1  }
0x5b: {  	s0 =	simm.s32 @!p0 $0x1  }
0x5c: {  	_ =	swait.ge @!p0 [sflag:s0], s1  }
0x5d: {  	s1 =	ssub.s32 @!p0 $0x0, s1;
	[sflag:s0] =	ssyncset.done @!p0 $0x0  }
0x5e: {  	[sflag:s0] =	ssyncadd.s32 @!p0 s1  }
0x5f: {  	[bflag:$0x3] =	sbarrier.arrive $0xFFFF  }
0x60: {  	_ =	shalt  }

</sc_bundles>
